<compile_context>
chip_gen: v7x
topology: tpu7x:2x2x1
jax: 0.10.2.dev20260603
libtpu: 0.0.44.dev20260713+nightly
codegen_flags: <defaults>
</compile_context>

<pallas_src>
import functools
import math

import jax
import jax.numpy as jnp
from jax import lax
from jax.experimental import pallas as pl
from jax.experimental.pallas import tpu as pltpu
from jax.experimental.pallas import tpu_sc as plsc

N_ITEMS = 10000
N_PERSONS = 100000
N_GRADES = 5
N_RESP = 1000000
N_LEVELS = 10

_NC, _NS, _L = 2, 16, 16
_NW = _NC * _NS
_NPAD = 1 << 20
_W = _NPAD // _NW
_C = 4096
_NCHUNK = _W // _C

_LOG2PI = math.log(2.0 * math.pi)
_LN2 = math.log(2.0)


def _softplus(x):
    return jnp.maximum(x, 0.0) + jnp.log(1.0 + jnp.exp(-jnp.abs(x)))


def _tables_body(a_ref, bb_ref, d0_ref, d1_ref, d2_ref,
                 aw_ref, c0_ref, c1_ref, c2_ref, c3_ref):
    aw_ref[...] = _softplus(a_ref[...])
    c0 = bb_ref[...]
    c1 = c0 + _softplus(d0_ref[...])
    c2 = c1 + _softplus(d1_ref[...])
    c3 = c2 + _softplus(d2_ref[...])
    c0_ref[...] = c0
    c1_ref[...] = c1
    c2_ref[...] = c2
    c3_ref[...] = c3


def _make_tables(aw, bbw, d0, d1, d2):
    w = jax.ShapeDtypeStruct((80, 125), jnp.float32)
    return pl.pallas_call(
        _tables_body, out_shape=[w, w, w, w, w],
    )(aw, bbw, d0, d1, d2)


def _ln16(p):
    bits = plsc.bitcast(p, jnp.int32)
    e = lax.shift_right_logical(bits, 23) - 127
    m = plsc.bitcast((bits & 0x007FFFFF) | 0x3F800000, jnp.float32)
    s = (m - 1.0) / (m + 1.0)
    s2 = s * s
    atanh = s * (1.0 + s2 * (1.0 / 3.0 + s2 * (0.2 + s2 * (1.0 / 7.0))))
    return e.astype(jnp.float32) * _LN2 + 2.0 * atanh


def _sc_body(a_hbm, b6_hbm, t_hbm, item_hbm, person_hbm, resp_hbm, out_hbm,
             a_v, b6_v, t_sh, acc_v,
             i0, i1, pn0, pn1, r0, r1, t0, t1,
             si0, si1, st0, st1, so):
    cid = lax.axis_index("c")
    sid = lax.axis_index("s")
    wid = sid * _NC + cid
    base = wid * _W

    @pl.when(sid == 0)
    def _():
        pltpu.sync_copy(t_hbm, t_sh)

    pltpu.sync_copy(a_hbm, a_v)
    pltpu.sync_copy(b6_hbm, b6_v)
    plsc.subcore_barrier()

    ib = (i0, i1)
    pb = (pn0, pn1)
    rb = (r0, r1)
    tb = (t0, t1)
    isem = (si0, si1)
    tsem = (st0, st1)
    descs = {}

    def fire_idx(g):
        off = base + g * _C
        b = g % 2
        descs[("i", g)] = [
            pltpu.async_copy(item_hbm.at[pl.ds(off, _C)], ib[b], isem[b]),
            pltpu.async_copy(person_hbm.at[pl.ds(off, _C)], pb[b], isem[b]),
            pltpu.async_copy(resp_hbm.at[pl.ds(off, _C)], rb[b], isem[b]),
        ]

    def fire_t(g):
        b = g % 2
        descs[("t", g)] = pltpu.async_copy(t_sh.at[pb[b]], tb[b], tsem[b])

    lane = lax.iota(jnp.int32, _L)

    def compute(g, acc_in):
        b = g % 2
        off = base + g * _C

        @plsc.parallel_loop(0, _C, step=_L, unroll=4, carry=acc_in)
        def acc_out(i, acc):
            s = pl.ds(i, _L)
            it = ib[b][s]
            rs = rb[b][s]
            fhi = it * 6 + rs
            a16 = plsc.load_gather(a_v, [it])
            bl = plsc.load_gather(b6_v, [fhi - 1])
            bu = plsc.load_gather(b6_v, [fhi])
            tt = tb[b][s]
            zl = jnp.maximum(a16 * (tt - bl), -30.0)
            zu = jnp.maximum(a16 * (tt - bu), -30.0)
            x = jnp.exp(-zl)
            y = jnp.exp(-zu)
            p = (y - x) / ((1.0 + x) * (1.0 + y))
            lnp = _ln16(jnp.maximum(p, 1e-37))
            pos = off + i + lane
            return acc + jnp.where(pos < N_RESP, lnp, 0.0)

        return acc_out

    fire_idx(0)
    for d in descs[("i", 0)]:
        d.wait()
    fire_t(0)
    if _NCHUNK > 1:
        fire_idx(1)
    acc = jnp.zeros((_L,), jnp.float32)
    for g in range(_NCHUNK):
        descs[("t", g)].wait()
        if g + 1 < _NCHUNK:
            for d in descs[("i", g + 1)]:
                d.wait()
            fire_t(g + 1)
        acc = compute(g, acc)
        if g + 2 < _NCHUNK:
            fire_idx(g + 2)
    acc_v[...] = acc
    pltpu.async_copy(acc_v, out_hbm.at[wid], so).wait()


@functools.lru_cache(maxsize=1)
def _build_sc_gather():
    return pl.kernel(
        _sc_body,
        out_type=jax.ShapeDtypeStruct((_NW, _L), jnp.float32),
        mesh=plsc.VectorSubcoreMesh(
            core_axis_name="c", subcore_axis_name="s",
            num_cores=_NC, num_subcores=_NS),
        scratch_types=[
            pltpu.VMEM((N_ITEMS,), jnp.float32),
            pltpu.VMEM((6 * N_ITEMS,), jnp.float32),
            pltpu.VMEM_SHARED((N_PERSONS,), jnp.float32),
            pltpu.VMEM((_L,), jnp.float32),
            pltpu.VMEM((_C,), jnp.int32),
            pltpu.VMEM((_C,), jnp.int32),
            pltpu.VMEM((_C,), jnp.int32),
            pltpu.VMEM((_C,), jnp.int32),
            pltpu.VMEM((_C,), jnp.int32),
            pltpu.VMEM((_C,), jnp.int32),
            pltpu.VMEM((_C,), jnp.float32),
            pltpu.VMEM((_C,), jnp.float32),
            pltpu.SemaphoreType.DMA,
            pltpu.SemaphoreType.DMA,
            pltpu.SemaphoreType.DMA,
            pltpu.SemaphoreType.DMA,
            pltpu.SemaphoreType.DMA,
        ],
        compiler_params=pltpu.CompilerParams(needs_layout_passes=False),
    )


def _finish_body(ps_ref, aw_ref, c0_ref, c1_ref, c2_ref, c3_ref,
                 t_ref, bpm_ref, bps_ref, lvl_ref, out_ref):
    ll = jnp.sum(ps_ref[...])

    aw = aw_ref[...]
    lp = jnp.sum(-0.5 * aw * aw) - 0.5 * _LOG2PI * N_ITEMS

    lvl = lvl_ref[...]
    masks = [(lvl == l).astype(jnp.float32) for l in range(N_LEVELS)]
    cols = (c0_ref[...], c1_ref[...], c2_ref[...], c3_ref[...])
    for c in range(N_GRADES - 1):
        mw = jnp.zeros((80, 125), jnp.float32)
        ivw = jnp.zeros((80, 125), jnp.float32)
        lsw = jnp.zeros((80, 125), jnp.float32)
        for l in range(N_LEVELS):
            m11 = bpm_ref[l:l + 1, c:c + 1]
            s11 = _softplus(bps_ref[l:l + 1, c:c + 1])
            mw = mw + masks[l] * m11
            ivw = ivw + masks[l] * (1.0 / s11)
            lsw = lsw + masks[l] * jnp.log(s11)
        z = (cols[c] - mw) * ivw
        lp += jnp.sum(-0.5 * z * z - lsw)
    lp -= 0.5 * _LOG2PI * (N_ITEMS * (N_GRADES - 1))

    t = t_ref[...]
    lp += jnp.sum(-0.5 * t * t) - 0.5 * _LOG2PI * N_PERSONS
    bpm = bpm_ref[...]
    bps = _softplus(bps_ref[...])
    lp += jnp.sum(-0.5 * bpm * bpm) - 0.5 * _LOG2PI * (N_LEVELS * (N_GRADES - 1))
    lp += jnp.sum(-2.0 * jnp.log(bps) - 1.0 / bps)

    out_ref[...] = jnp.reshape(-(ll + lp), (1, 1))


def _finish(psums, aw, c0, c1, c2, c3, t2d, bpm, bps_, lvlw):
    return pl.pallas_call(
        _finish_body,
        out_shape=jax.ShapeDtypeStruct((1, 1), jnp.float32),
    )(psums, aw, c0, c1, c2, c3, t2d, bpm, bps_, lvlw)


def kernel(a_, b_base_, b_diff_, t, b_prior_mean, b_prior_std_, indices,
           level_index):
    aw, c0, c1, c2, c3 = _make_tables(
        a_.reshape(80, 125), b_base_.reshape(80, 125),
        b_diff_[:, 0].reshape(80, 125), b_diff_[:, 1].reshape(80, 125),
        b_diff_[:, 2].reshape(80, 125))

    blk = jnp.full((N_ITEMS,), 1000.0, jnp.float32)
    b6i = jnp.stack([-blk, c0.reshape(-1), c1.reshape(-1), c2.reshape(-1),
                     c3.reshape(-1), blk], axis=1).reshape(6 * N_ITEMS)

    npad = _NPAD - N_RESP
    zpad = jnp.zeros((npad,), jnp.int32)
    item = jnp.concatenate([indices[:, 0].astype(jnp.int32), zpad])
    person = jnp.concatenate([indices[:, 1].astype(jnp.int32), zpad])
    resp = jnp.concatenate([indices[:, 2].astype(jnp.int32),
                            jnp.ones((npad,), jnp.int32)])

    psums = _build_sc_gather()(aw.reshape(N_ITEMS), b6i,
                               t, item, person, resp)

    out = _finish(psums, aw, c0, c1, c2, c3,
                  t.reshape(800, 125), b_prior_mean, b_prior_std_,
                  level_index.reshape(80, 125).astype(jnp.int32))
    return out.reshape(())

# --- scband reference (transcript-rebuilt; emitter-appended) ---
"""Pipeline reference for scband-graded-response-model-35656818492216 (READ-ONLY COPY).

The authoritative reference and input builder live on the scoring server;
editing this copy changes nothing except your own understanding.
"""

import jax, jax.numpy as jnp
import numpy as np

N_ITEMS = 10000
N_PERSONS = 100000
N_GRADES = 5
N_RESPONSES = 1000000
N_LEVELS = 10


def setup_inputs(seed: int = 0) -> dict:
    key = jax.random.key(seed)
    ks = jax.random.split(key, 10)
    a_ = jax.random.normal(ks[0], (N_ITEMS,), dtype=jnp.float32) * 0.1
    b_base_ = jax.random.normal(ks[1], (N_ITEMS, 1), dtype=jnp.float32) * 0.1
    b_diff_ = jax.random.normal(ks[2], (N_ITEMS, N_GRADES - 2), dtype=jnp.float32) * 0.1
    t = jax.random.normal(ks[3], (N_PERSONS,), dtype=jnp.float32) * 0.1
    b_prior_mean = jax.random.normal(ks[4], (N_LEVELS, N_GRADES - 1), dtype=jnp.float32) * 0.1
    b_prior_std_ = jax.random.normal(ks[5], (N_LEVELS, N_GRADES - 1), dtype=jnp.float32) * 0.1
    item = jax.random.randint(ks[6], (N_RESPONSES,), 0, N_ITEMS)
    person = jax.random.randint(ks[7], (N_RESPONSES,), 0, N_PERSONS)
    resp = jax.random.randint(ks[8], (N_RESPONSES,), 1, N_GRADES + 1)
    indices = jnp.stack([item, person, resp], axis=1)
    level_index = jax.random.randint(ks[9], (N_ITEMS,), 0, N_LEVELS)
    return {
        "a_": a_, "b_base_": b_base_, "b_diff_": b_diff_, "t": t,
        "b_prior_mean": b_prior_mean, "b_prior_std_": b_prior_std_,
        "indices": indices, "level_index": level_index,
    }


def reference(a_, b_base_, b_diff_, t, b_prior_mean, b_prior_std_, indices, level_index):
    LOG2PI = jnp.log(2.0 * jnp.pi)

    def std_normal_logpdf(x):
        return jnp.sum(-0.5 * x ** 2 - 0.5 * LOG2PI)

    def normal_logpdf(x, mean, std):
        return jnp.sum(-0.5 * ((x - mean) / std) ** 2 - jnp.log(std) - 0.5 * LOG2PI)

    def inverse_gamma_logpdf(x):  # alpha=1, beta=1
        return jnp.sum(-2.0 * jnp.log(x) - 1.0 / x)

    a = jax.nn.softplus(a_)
    b = jnp.cumsum(jnp.concatenate([b_base_, jax.nn.softplus(b_diff_)], axis=1), axis=1)
    b_prior_std = jax.nn.softplus(b_prior_std_)

    # log prior
    log_prior = (std_normal_logpdf(a)
                 + normal_logpdf(b, b_prior_mean[level_index, :], b_prior_std[level_index, :])
                 + std_normal_logpdf(t)
                 + std_normal_logpdf(b_prior_mean)
                 + inverse_gamma_logpdf(b_prior_std))

    # log likelihood
    item_index = indices[:, 0]
    person_index = indices[:, 1]
    response_index = indices[:, 2]
    inf = 1000.0
    infs = jnp.full((N_ITEMS, 1), inf, dtype=b.dtype)
    b_ = jnp.concatenate([-infs, b, infs], axis=1)
    b_lower = b_[item_index, response_index - 1]
    b_upper = b_[item_index, response_index]
    a_i = a[item_index]
    t_p = t[person_index]
    p = jax.nn.sigmoid(a_i * (t_p - b_lower)) - jax.nn.sigmoid(a_i * (t_p - b_upper))
    log_likelihood = jnp.sum(jnp.log(p))

    log_posterior = log_likelihood + log_prior * (indices.shape[0] / N_RESPONSES)
    return -log_posterior

if __name__ == "__main__":
    import jax
    _d = setup_inputs()
    print(jax.jit(kernel)(*tuple(_d.values())))

</pallas_src>

<mosaic_0001>
#map = affine_map<(d0, d1) -> (0)>
#map1 = affine_map<(d0, d1) -> (0, 0)>
module attributes {stable_mosaic.version = 14 : i64} {
  func.func @_sc_body(%arg0: i32, %arg1: i32, %arg2: memref<10000xf32, #tpu.memory_space<hbm>>, %arg3: memref<60000xf32, #tpu.memory_space<hbm>>, %arg4: memref<100000xf32, #tpu.memory_space<hbm>>, %arg5: memref<1048576xi32, #tpu.memory_space<hbm>>, %arg6: memref<1048576xi32, #tpu.memory_space<hbm>>, %arg7: memref<1048576xi32, #tpu.memory_space<hbm>>, %arg8: memref<32x16xf32, #tpu.memory_space<hbm>>, %arg9: memref<10000xf32, #tpu.memory_space<vmem>>, %arg10: memref<60000xf32, #tpu.memory_space<vmem>>, %arg11: memref<100000xf32, #tpu.memory_space<vmem_shared>>, %arg12: memref<16xf32, #tpu.memory_space<vmem>>, %arg13: memref<4096xi32, #tpu.memory_space<vmem>>, %arg14: memref<4096xi32, #tpu.memory_space<vmem>>, %arg15: memref<4096xi32, #tpu.memory_space<vmem>>, %arg16: memref<4096xi32, #tpu.memory_space<vmem>>, %arg17: memref<4096xi32, #tpu.memory_space<vmem>>, %arg18: memref<4096xi32, #tpu.memory_space<vmem>>, %arg19: memref<4096xf32, #tpu.memory_space<vmem>>, %arg20: memref<4096xf32, #tpu.memory_space<vmem>>, %arg21: memref<!tpu.dma_semaphore, #tpu.memory_space<semaphore_mem>>, %arg22: memref<!tpu.dma_semaphore, #tpu.memory_space<semaphore_mem>>, %arg23: memref<!tpu.dma_semaphore, #tpu.memory_space<semaphore_mem>>, %arg24: memref<!tpu.dma_semaphore, #tpu.memory_space<semaphore_mem>>, %arg25: memref<!tpu.dma_semaphore, #tpu.memory_space<semaphore_mem>>) attributes {dimension_semantics = [#tpu.dimension_semantics<core_parallel>, #tpu.dimension_semantics<subcore_parallel>], iteration_bounds = array<i64: 2, 16>, scalar_prefetch = 0 : i64, scratch_operands = 17 : i64, tpu.core_type = #tpu.core_type<sc_vector_subcore>, window_params = [{transform_indices = #map}, {transform_indices = #map}, {transform_indices = #map}, {transform_indices = #map}, {transform_indices = #map}, {transform_indices = #map}, {transform_indices = #map1}]} {
    %mul3A = arith.constant 2 : i32
    %mul3A_0 = arith.muli %arg1, %mul3A : i32
    %add3A = arith.addi %mul3A_0, %arg0 : i32
    %mul3A_1 = arith.constant 32768 : i32
    %mul3A_2 = arith.muli %add3A, %mul3A_1 : i32
    %eq3A = arith.constant 0 : i32
    %eq3A_3 = arith.cmpi eq, %arg1, %eq3A : i32
    %convert_element_type3A = arith.extui %eq3A_3 : i1 to i32
    %cond3A = arith.constant 0 : i32
    %cond3A_4 = arith.cmpi ne, %convert_element_type3A, %cond3A : i32
    scf.if %cond3A_4 {
      "tpu.region"() ({
        %run_scoped3A = tpu.sem_alloc : memref<!tpu.dma_semaphore, #tpu.memory_space<semaphore_mem>>
        tpu.enqueue_dma source(%arg4 : memref<100000xf32, #tpu.memory_space<hbm>>) target(%arg11 : memref<100000xf32, #tpu.memory_space<vmem_shared>>) target_semaphore(%run_scoped3A : memref<!tpu.dma_semaphore, #tpu.memory_space<semaphore_mem>>)
        tpu.wait_dma2 semaphore(%run_scoped3A : memref<!tpu.dma_semaphore, #tpu.memory_space<semaphore_mem>>) src(%arg4 : memref<100000xf32, #tpu.memory_space<hbm>>) dst(%arg11 : memref<100000xf32, #tpu.memory_space<vmem_shared>>)
        tpu.yield
      }) : () -> ()
    } else {
    }
    "tpu.region"() ({
      %run_scoped3A = tpu.sem_alloc : memref<!tpu.dma_semaphore, #tpu.memory_space<semaphore_mem>>
      tpu.enqueue_dma source(%arg2 : memref<10000xf32, #tpu.memory_space<hbm>>) target(%arg9 : memref<10000xf32, #tpu.memory_space<vmem>>) target_semaphore(%run_scoped3A : memref<!tpu.dma_semaphore, #tpu.memory_space<semaphore_mem>>)
      tpu.wait_dma2 semaphore(%run_scoped3A : memref<!tpu.dma_semaphore, #tpu.memory_space<semaphore_mem>>) src(%arg2 : memref<10000xf32, #tpu.memory_space<hbm>>) dst(%arg9 : memref<10000xf32, #tpu.memory_space<vmem>>)
      tpu.yield
    }) : () -> ()
    "tpu.region"() ({
      %run_scoped3A = tpu.sem_alloc : memref<!tpu.dma_semaphore, #tpu.memory_space<semaphore_mem>>
      tpu.enqueue_dma source(%arg3 : memref<60000xf32, #tpu.memory_space<hbm>>) target(%arg10 : memref<60000xf32, #tpu.memory_space<vmem>>) target_semaphore(%run_scoped3A : memref<!tpu.dma_semaphore, #tpu.memory_space<semaphore_mem>>)
      tpu.wait_dma2 semaphore(%run_scoped3A : memref<!tpu.dma_semaphore, #tpu.memory_space<semaphore_mem>>) src(%arg3 : memref<60000xf32, #tpu.memory_space<hbm>>) dst(%arg10 : memref<60000xf32, #tpu.memory_space<vmem>>)
      tpu.yield
    }) : () -> ()
    %barrier3A = arith.constant 0 : index
    tpu.barrier barrier_id(%barrier3A)
    %iota3A = tpu.iota {dimensions = array<i32: 0>} : vector<16xi32>
    %add3A_5 = arith.constant 0 : i32
    %add3A_6 = arith.addi %mul3A_2, %add3A_5 : i32
    %dma_start3A = tpu.memref_slice %arg5[%add3A_6] : memref<1048576xi32, #tpu.memory_space<hbm>> -> memref<4096xi32, #tpu.memory_space<hbm>>
    %dma_start3A_7 = tpu.memref_slice %arg5[%add3A_6] : memref<1048576xi32, #tpu.memory_space<hbm>> -> memref<4096xi32, #tpu.memory_space<hbm>>
    tpu.enqueue_dma source(%dma_start3A_7 : memref<4096xi32, #tpu.memory_space<hbm>>) target(%arg13 : memref<4096xi32, #tpu.memory_space<vmem>>) target_semaphore(%arg21 : memref<!tpu.dma_semaphore, #tpu.memory_space<semaphore_mem>>)
    %dma_start3A_8 = tpu.memref_slice %arg6[%add3A_6] : memref<1048576xi32, #tpu.memory_space<hbm>> -> memref<4096xi32, #tpu.memory_space<hbm>>
    %dma_start3A_9 = tpu.memref_slice %arg6[%add3A_6] : memref<1048576xi32, #tpu.memory_space<hbm>> -> memref<4096xi32, #tpu.memory_space<hbm>>
    tpu.enqueue_dma source(%dma_start3A_9 : memref<4096xi32, #tpu.memory_space<hbm>>) target(%arg15 : memref<4096xi32, #tpu.memory_space<vmem>>) target_semaphore(%arg21 : memref<!tpu.dma_semaphore, #tpu.memory_space<semaphore_mem>>)
    %dma_start3A_10 = tpu.memref_slice %arg7[%add3A_6] : memref<1048576xi32, #tpu.memory_space<hbm>> -> memref<4096xi32, #tpu.memory_space<hbm>>
    %dma_start3A_11 = tpu.memref_slice %arg7[%add3A_6] : memref<1048576xi32, #tpu.memory_space<hbm>> -> memref<4096xi32, #tpu.memory_space<hbm>>
    tpu.enqueue_dma source(%dma_start3A_11 : memref<4096xi32, #tpu.memory_space<hbm>>) target(%arg17 : memref<4096xi32, #tpu.memory_space<vmem>>) target_semaphore(%arg21 : memref<!tpu.dma_semaphore, #tpu.memory_space<semaphore_mem>>)
    %dma_wait3A = tpu.memref_slice %arg5[%add3A_6] : memref<1048576xi32, #tpu.memory_space<hbm>> -> memref<4096xi32, #tpu.memory_space<hbm>>
    %dma_wait3A_12 = tpu.memref_slice %arg5[%add3A_6] : memref<1048576xi32, #tpu.memory_space<hbm>> -> memref<4096xi32, #tpu.memory_space<hbm>>
    tpu.wait_dma2 semaphore(%arg21 : memref<!tpu.dma_semaphore, #tpu.memory_space<semaphore_mem>>) src(%dma_wait3A_12 : memref<4096xi32, #tpu.memory_space<hbm>>) dst(%arg13 : memref<4096xi32, #tpu.memory_space<vmem>>)
    %dma_wait3A_13 = tpu.memref_slice %arg6[%add3A_6] : memref<1048576xi32, #tpu.memory_space<hbm>> -> memref<4096xi32, #tpu.memory_space<hbm>>
    %dma_wait3A_14 = tpu.memref_slice %arg6[%add3A_6] : memref<1048576xi32, #tpu.memory_space<hbm>> -> memref<4096xi32, #tpu.memory_space<hbm>>
    tpu.wait_dma2 semaphore(%arg21 : memref<!tpu.dma_semaphore, #tpu.memory_space<semaphore_mem>>) src(%dma_wait3A_14 : memref<4096xi32, #tpu.memory_space<hbm>>) dst(%arg15 : memref<4096xi32, #tpu.memory_space<vmem>>)
    %dma_wait3A_15 = tpu.memref_slice %arg7[%add3A_6] : memref<1048576xi32, #tpu.memory_space<hbm>> -> memref<4096xi32, #tpu.memory_space<hbm>>
    %dma_wait3A_16 = tpu.memref_slice %arg7[%add3A_6] : memref<1048576xi32, #tpu.memory_space<hbm>> -> memref<4096xi32, #tpu.memory_space<hbm>>
    tpu.wait_dma2 semaphore(%arg21 : memref<!tpu.dma_semaphore, #tpu.memory_space<semaphore_mem>>) src(%dma_wait3A_16 : memref<4096xi32, #tpu.memory_space<hbm>>) dst(%arg17 : memref<4096xi32, #tpu.memory_space<vmem>>)
    %dma_start3A_17 = arith.constant 0 : i32
    %dma_start3A_18 = tpu.memref_slice %arg11[%dma_start3A_17] : memref<100000xf32, #tpu.memory_space<vmem_shared>> -> memref<100000xf32, #tpu.memory_space<vmem_shared>>
    tpu.enqueue_indirect_dma source(%dma_start3A_18 : memref<100000xf32, #tpu.memory_space<vmem_shared>>) target(%arg19 : memref<4096xf32, #tpu.memory_space<vmem>>) offsets(%arg15 : memref<4096xi32, #tpu.memory_space<vmem>>) semaphore(%arg23 : memref<!tpu.dma_semaphore, #tpu.memory_space<semaphore_mem>>)
    %add3A_19 = arith.constant 4096 : i32
    %add3A_20 = arith.addi %mul3A_2, %add3A_19 : i32
    %dma_start3A_21 = tpu.memref_slice %arg5[%add3A_20] : memref<1048576xi32, #tpu.memory_space<hbm>> -> memref<4096xi32, #tpu.memory_space<hbm>>
    %dma_start3A_22 = tpu.memref_slice %arg5[%add3A_20] : memref<1048576xi32, #tpu.memory_space<hbm>> -> memref<4096xi32, #tpu.memory_space<hbm>>
    tpu.enqueue_dma source(%dma_start3A_22 : memref<4096xi32, #tpu.memory_space<hbm>>) target(%arg14 : memref<4096xi32, #tpu.memory_space<vmem>>) target_semaphore(%arg22 : memref<!tpu.dma_semaphore, #tpu.memory_space<semaphore_mem>>)
    %dma_start3A_23 = tpu.memref_slice %arg6[%add3A_20] : memref<1048576xi32, #tpu.memory_space<hbm>> -> memref<4096xi32, #tpu.memory_space<hbm>>
    %dma_start3A_24 = tpu.memref_slice %arg6[%add3A_20] : memref<1048576xi32, #tpu.memory_space<hbm>> -> memref<4096xi32, #tpu.memory_space<hbm>>
    tpu.enqueue_dma source(%dma_start3A_24 : memref<4096xi32, #tpu.memory_space<hbm>>) target(%arg16 : memref<4096xi32, #tpu.memory_space<vmem>>) target_semaphore(%arg22 : memref<!tpu.dma_semaphore, #tpu.memory_space<semaphore_mem>>)
    %dma_start3A_25 = tpu.memref_slice %arg7[%add3A_20] : memref<1048576xi32, #tpu.memory_space<hbm>> -> memref<4096xi32, #tpu.memory_space<hbm>>
    %dma_start3A_26 = tpu.memref_slice %arg7[%add3A_20] : memref<1048576xi32, #tpu.memory_space<hbm>> -> memref<4096xi32, #tpu.memory_space<hbm>>
    tpu.enqueue_dma source(%dma_start3A_26 : memref<4096xi32, #tpu.memory_space<hbm>>) target(%arg18 : memref<4096xi32, #tpu.memory_space<vmem>>) target_semaphore(%arg22 : memref<!tpu.dma_semaphore, #tpu.memory_space<semaphore_mem>>)
    %broadcast_in_dim3A = arith.constant 0.000000e+00 : f32
    %broadcast_in_dim3A_27 = vector.broadcast %broadcast_in_dim3A : f32 to vector<16xf32>
    %dma_wait3A_28 = arith.constant 0 : i32
    %dma_wait3A_29 = tpu.memref_slice %arg11[%dma_wait3A_28] : memref<100000xf32, #tpu.memory_space<vmem_shared>> -> memref<100000xf32, #tpu.memory_space<vmem_shared>>
    tpu.wait_indirect_dma semaphore(%arg23 : memref<!tpu.dma_semaphore, #tpu.memory_space<semaphore_mem>>) src(%dma_wait3A_29 : memref<100000xf32, #tpu.memory_space<vmem_shared>>) dst(%arg19 : memref<4096xf32, #tpu.memory_space<vmem>>)
    %dma_wait3A_30 = tpu.memref_slice %arg5[%add3A_20] : memref<1048576xi32, #tpu.memory_space<hbm>> -> memref<4096xi32, #tpu.memory_space<hbm>>
    %dma_wait3A_31 = tpu.memref_slice %arg5[%add3A_20] : memref<1048576xi32, #tpu.memory_space<hbm>> -> memref<4096xi32, #tpu.memory_space<hbm>>
    tpu.wait_dma2 semaphore(%arg22 : memref<!tpu.dma_semaphore, #tpu.memory_space<semaphore_mem>>) src(%dma_wait3A_31 : memref<4096xi32, #tpu.memory_space<hbm>>) dst(%arg14 : memref<4096xi32, #tpu.memory_space<vmem>>)
    %dma_wait3A_32 = tpu.memref_slice %arg6[%add3A_20] : memref<1048576xi32, #tpu.memory_space<hbm>> -> memref<4096xi32, #tpu.memory_space<hbm>>
    %dma_wait3A_33 = tpu.memref_slice %arg6[%add3A_20] : memref<1048576xi32, #tpu.memory_space<hbm>> -> memref<4096xi32, #tpu.memory_space<hbm>>
    tpu.wait_dma2 semaphore(%arg22 : memref<!tpu.dma_semaphore, #tpu.memory_space<semaphore_mem>>) src(%dma_wait3A_33 : memref<4096xi32, #tpu.memory_space<hbm>>) dst(%arg16 : memref<4096xi32, #tpu.memory_space<vmem>>)
    %dma_wait3A_34 = tpu.memref_slice %arg7[%add3A_20] : memref<1048576xi32, #tpu.memory_space<hbm>> -> memref<4096xi32, #tpu.memory_space<hbm>>
    %dma_wait3A_35 = tpu.memref_slice %arg7[%add3A_20] : memref<1048576xi32, #tpu.memory_space<hbm>> -> memref<4096xi32, #tpu.memory_space<hbm>>
    tpu.wait_dma2 semaphore(%arg22 : memref<!tpu.dma_semaphore, #tpu.memory_space<semaphore_mem>>) src(%dma_wait3A_35 : memref<4096xi32, #tpu.memory_space<hbm>>) dst(%arg18 : memref<4096xi32, #tpu.memory_space<vmem>>)
    %dma_start3A_36 = arith.constant 0 : i32
    %dma_start3A_37 = tpu.memref_slice %arg11[%dma_start3A_36] : memref<100000xf32, #tpu.memory_space<vmem_shared>> -> memref<100000xf32, #tpu.memory_space<vmem_shared>>
    tpu.enqueue_indirect_dma source(%dma_start3A_37 : memref<100000xf32, #tpu.memory_space<vmem_shared>>) target(%arg20 : memref<4096xf32, #tpu.memory_space<vmem>>) offsets(%arg16 : memref<4096xi32, #tpu.memory_space<vmem>>) semaphore(%arg24 : memref<!tpu.dma_semaphore, #tpu.memory_space<semaphore_mem>>)
    %add3A_38 = arith.constant 0 : i32
    %add3A_39 = arith.addi %mul3A_2, %add3A_38 : i32
    %parallel_loop3A = arith.constant 0 : i32
    %parallel_loop3A_40 = arith.constant 4096 : i32
    %parallel_loop3A_41 = arith.constant 16 : i32
    %parallel_loop3A_42 = scf.for %parallel_loop3A_208 = %parallel_loop3A to %parallel_loop3A_40 step %parallel_loop3A_41 iter_args(%parallel_loop3A_209 = %broadcast_in_dim3A_27) -> (vector<16xf32>)  : i32 {
      %parallel_loop3A_210 = arith.index_cast %parallel_loop3A_208 : i32 to index
      %parallel_loop3A_211 = tpu.vector_load %arg13[%parallel_loop3A_210] {strides = array<i32>} : memref<4096xi32, #tpu.memory_space<vmem>>, vector<16xi32>,
      %parallel_loop3A_212 = arith.index_cast %parallel_loop3A_208 : i32 to index
      %parallel_loop3A_213 = tpu.vector_load %arg17[%parallel_loop3A_212] {strides = array<i32>} : memref<4096xi32, #tpu.memory_space<vmem>>, vector<16xi32>,
      %parallel_loop3A_214 = arith.constant 6 : i32
      %parallel_loop3A_215 = vector.broadcast %parallel_loop3A_214 : i32 to vector<16xi32>
      %parallel_loop3A_216 = arith.muli %parallel_loop3A_211, %parallel_loop3A_215 : vector<16xi32>
      %parallel_loop3A_217 = arith.addi %parallel_loop3A_216, %parallel_loop3A_213 : vector<16xi32>
      %parallel_loop3A_218 = tpu.vector_load_idx %arg9[%parallel_loop3A_211] : memref<10000xf32, #tpu.memory_space<vmem>>[vector<16xi32>], vector<16xf32>,
      %parallel_loop3A_219 = arith.constant 1 : i32
      %parallel_loop3A_220 = vector.broadcast %parallel_loop3A_219 : i32 to vector<16xi32>
      %parallel_loop3A_221 = arith.subi %parallel_loop3A_217, %parallel_loop3A_220 : vector<16xi32>
      %parallel_loop3A_222 = tpu.vector_load_idx %arg10[%parallel_loop3A_221] : memref<60000xf32, #tpu.memory_space<vmem>>[vector<16xi32>], vector<16xf32>,
      %parallel_loop3A_223 = tpu.vector_load_idx %arg10[%parallel_loop3A_217] : memref<60000xf32, #tpu.memory_space<vmem>>[vector<16xi32>], vector<16xf32>,
      %parallel_loop3A_224 = arith.index_cast %parallel_loop3A_208 : i32 to index
      %parallel_loop3A_225 = tpu.vector_load %arg19[%parallel_loop3A_224] {strides = array<i32>} : memref<4096xf32, #tpu.memory_space<vmem>>, vector<16xf32>,
      %parallel_loop3A_226 = arith.subf %parallel_loop3A_225, %parallel_loop3A_222 : vector<16xf32>
      %parallel_loop3A_227 = arith.mulf %parallel_loop3A_218, %parallel_loop3A_226 : vector<16xf32>
      %parallel_loop3A_228 = arith.constant -3.000000e+01 : f32
      %parallel_loop3A_229 = vector.broadcast %parallel_loop3A_228 : f32 to vector<16xf32>
      %parallel_loop3A_230 = arith.maximumf %parallel_loop3A_227, %parallel_loop3A_229 : vector<16xf32>
      %parallel_loop3A_231 = arith.subf %parallel_loop3A_225, %parallel_loop3A_223 : vector<16xf32>
      %parallel_loop3A_232 = arith.mulf %parallel_loop3A_218, %parallel_loop3A_231 : vector<16xf32>
      %parallel_loop3A_233 = arith.constant -3.000000e+01 : f32
      %parallel_loop3A_234 = vector.broadcast %parallel_loop3A_233 : f32 to vector<16xf32>
      %parallel_loop3A_235 = arith.maximumf %parallel_loop3A_232, %parallel_loop3A_234 : vector<16xf32>
      %parallel_loop3A_236 = arith.constant 0.000000e+00 : f32
      %parallel_loop3A_237 = vector.broadcast %parallel_loop3A_236 : f32 to vector<16xf32>
      %parallel_loop3A_238 = arith.subf %parallel_loop3A_237, %parallel_loop3A_230 : vector<16xf32>
      %parallel_loop3A_239 = math.exp %parallel_loop3A_238 : vector<16xf32>
      %parallel_loop3A_240 = arith.constant 0.000000e+00 : f32
      %parallel_loop3A_241 = vector.broadcast %parallel_loop3A_240 : f32 to vector<16xf32>
      %parallel_loop3A_242 = arith.subf %parallel_loop3A_241, %parallel_loop3A_235 : vector<16xf32>
      %parallel_loop3A_243 = math.exp %parallel_loop3A_242 : vector<16xf32>
      %parallel_loop3A_244 = arith.subf %parallel_loop3A_243, %parallel_loop3A_239 : vector<16xf32>
      %parallel_loop3A_245 = arith.constant 1.000000e+00 : f32
      %parallel_loop3A_246 = vector.broadcast %parallel_loop3A_245 : f32 to vector<16xf32>
      %parallel_loop3A_247 = arith.addf %parallel_loop3A_246, %parallel_loop3A_239 : vector<16xf32>
      %parallel_loop3A_248 = arith.constant 1.000000e+00 : f32
      %parallel_loop3A_249 = vector.broadcast %parallel_loop3A_248 : f32 to vector<16xf32>
      %parallel_loop3A_250 = arith.addf %parallel_loop3A_249, %parallel_loop3A_243 : vector<16xf32>
      %parallel_loop3A_251 = arith.mulf %parallel_loop3A_247, %parallel_loop3A_250 : vector<16xf32>
      %parallel_loop3A_252 = arith.divf %parallel_loop3A_244, %parallel_loop3A_251 : vector<16xf32>
      %parallel_loop3A_253 = arith.constant 9.99999991E-38 : f32
      %parallel_loop3A_254 = vector.broadcast %parallel_loop3A_253 : f32 to vector<16xf32>
      %parallel_loop3A_255 = arith.maximumf %parallel_loop3A_252, %parallel_loop3A_254 : vector<16xf32>
      %parallel_loop3A_256 = vector.bitcast %parallel_loop3A_255 : vector<16xf32> to vector<16xi32>
      %parallel_loop3A_257 = arith.constant 23 : i32
      %parallel_loop3A_258 = vector.broadcast %parallel_loop3A_257 : i32 to vector<16xi32>
      %parallel_loop3A_259 = arith.shrui %parallel_loop3A_256, %parallel_loop3A_258 : vector<16xi32>
      %parallel_loop3A_260 = arith.constant 127 : i32
      %parallel_loop3A_261 = vector.broadcast %parallel_loop3A_260 : i32 to vector<16xi32>
      %parallel_loop3A_262 = arith.subi %parallel_loop3A_259, %parallel_loop3A_261 : vector<16xi32>
      %parallel_loop3A_263 = arith.constant 8388607 : i32
      %parallel_loop3A_264 = vector.broadcast %parallel_loop3A_263 : i32 to vector<16xi32>
      %parallel_loop3A_265 = arith.andi %parallel_loop3A_256, %parallel_loop3A_264 : vector<16xi32>
      %parallel_loop3A_266 = arith.constant 1065353216 : i32
      %parallel_loop3A_267 = vector.broadcast %parallel_loop3A_266 : i32 to vector<16xi32>
      %parallel_loop3A_268 = arith.ori %parallel_loop3A_265, %parallel_loop3A_267 : vector<16xi32>
      %parallel_loop3A_269 = vector.bitcast %parallel_loop3A_268 : vector<16xi32> to vector<16xf32>
      %parallel_loop3A_270 = arith.constant 1.000000e+00 : f32
      %parallel_loop3A_271 = vector.broadcast %parallel_loop3A_270 : f32 to vector<16xf32>
      %parallel_loop3A_272 = arith.subf %parallel_loop3A_269, %parallel_loop3A_271 : vector<16xf32>
      %parallel_loop3A_273 = arith.constant 1.000000e+00 : f32
      %parallel_loop3A_274 = vector.broadcast %parallel_loop3A_273 : f32 to vector<16xf32>
      %parallel_loop3A_275 = arith.addf %parallel_loop3A_269, %parallel_loop3A_274 : vector<16xf32>
      %parallel_loop3A_276 = arith.divf %parallel_loop3A_272, %parallel_loop3A_275 : vector<16xf32>
      %parallel_loop3A_277 = arith.mulf %parallel_loop3A_276, %parallel_loop3A_276 : vector<16xf32>
      %parallel_loop3A_278 = arith.constant 0.142857149 : f32
      %parallel_loop3A_279 = vector.broadcast %parallel_loop3A_278 : f32 to vector<16xf32>
      %parallel_loop3A_280 = arith.mulf %parallel_loop3A_277, %parallel_loop3A_279 : vector<16xf32>
      %parallel_loop3A_281 = arith.constant 2.000000e-01 : f32
      %parallel_loop3A_282 = vector.broadcast %parallel_loop3A_281 : f32 to vector<16xf32>
      %parallel_loop3A_283 = arith.addf %parallel_loop3A_282, %parallel_loop3A_280 : vector<16xf32>
      %parallel_loop3A_284 = arith.mulf %parallel_loop3A_277, %parallel_loop3A_283 : vector<16xf32>
      %parallel_loop3A_285 = arith.constant 0.333333343 : f32
      %parallel_loop3A_286 = vector.broadcast %parallel_loop3A_285 : f32 to vector<16xf32>
      %parallel_loop3A_287 = arith.addf %parallel_loop3A_286, %parallel_loop3A_284 : vector<16xf32>
      %parallel_loop3A_288 = arith.mulf %parallel_loop3A_277, %parallel_loop3A_287 : vector<16xf32>
      %parallel_loop3A_289 = arith.constant 1.000000e+00 : f32
      %parallel_loop3A_290 = vector.broadcast %parallel_loop3A_289 : f32 to vector<16xf32>
      %parallel_loop3A_291 = arith.addf %parallel_loop3A_290, %parallel_loop3A_288 : vector<16xf32>
      %parallel_loop3A_292 = arith.mulf %parallel_loop3A_276, %parallel_loop3A_291 : vector<16xf32>
      %parallel_loop3A_293 = arith.sitofp %parallel_loop3A_262 : vector<16xi32> to vector<16xf32>
      %parallel_loop3A_294 = arith.constant 0.693147182 : f32
      %parallel_loop3A_295 = vector.broadcast %parallel_loop3A_294 : f32 to vector<16xf32>
      %parallel_loop3A_296 = arith.mulf %parallel_loop3A_293, %parallel_loop3A_295 : vector<16xf32>
      %parallel_loop3A_297 = arith.constant 2.000000e+00 : f32
      %parallel_loop3A_298 = vector.broadcast %parallel_loop3A_297 : f32 to vector<16xf32>
      %parallel_loop3A_299 = arith.mulf %parallel_loop3A_298, %parallel_loop3A_292 : vector<16xf32>
      %parallel_loop3A_300 = arith.addf %parallel_loop3A_296, %parallel_loop3A_299 : vector<16xf32>
      %parallel_loop3A_301 = arith.addi %add3A_39, %parallel_loop3A_208 : i32
      %parallel_loop3A_302 = vector.broadcast %parallel_loop3A_301 : i32 to vector<16xi32>
      %parallel_loop3A_303 = arith.addi %parallel_loop3A_302, %iota3A : vector<16xi32>
      %parallel_loop3A_304 = arith.constant 1000000 : i32
      %parallel_loop3A_305 = vector.broadcast %parallel_loop3A_304 : i32 to vector<16xi32>
      %parallel_loop3A_306 = arith.cmpi slt, %parallel_loop3A_303, %parallel_loop3A_305 : vector<16xi32>
      %parallel_loop3A_307 = arith.constant 0.000000e+00 : f32
      %parallel_loop3A_308 = vector.broadcast %parallel_loop3A_307 : f32 to vector<16xf32>
      %parallel_loop3A_309 = arith.select %parallel_loop3A_306, %parallel_loop3A_300, %parallel_loop3A_308 : vector<16xi1>, vector<16xf32>
      %parallel_loop3A_310 = arith.addf %parallel_loop3A_209, %parallel_loop3A_309 : vector<16xf32>
      scf.yield %parallel_loop3A_310 : vector<16xf32>
    } {sc.loop_unroll_factor = 4 : i64, sc.parallel_access}
    %add3A_43 = arith.constant 8192 : i32
    %add3A_44 = arith.addi %mul3A_2, %add3A_43 : i32
    %dma_start3A_45 = tpu.memref_slice %arg5[%add3A_44] : memref<1048576xi32, #tpu.memory_space<hbm>> -> memref<4096xi32, #tpu.memory_space<hbm>>
    %dma_start3A_46 = tpu.memref_slice %arg5[%add3A_44] : memref<1048576xi32, #tpu.memory_space<hbm>> -> memref<4096xi32, #tpu.memory_space<hbm>>
    tpu.enqueue_dma source(%dma_start3A_46 : memref<4096xi32, #tpu.memory_space<hbm>>) target(%arg13 : memref<4096xi32, #tpu.memory_space<vmem>>) target_semaphore(%arg21 : memref<!tpu.dma_semaphore, #tpu.memory_space<semaphore_mem>>)
    %dma_start3A_47 = tpu.memref_slice %arg6[%add3A_44] : memref<1048576xi32, #tpu.memory_space<hbm>> -> memref<4096xi32, #tpu.memory_space<hbm>>
    %dma_start3A_48 = tpu.memref_slice %arg6[%add3A_44] : memref<1048576xi32, #tpu.memory_space<hbm>> -> memref<4096xi32, #tpu.memory_space<hbm>>
    tpu.enqueue_dma source(%dma_start3A_48 : memref<4096xi32, #tpu.memory_space<hbm>>) target(%arg15 : memref<4096xi32, #tpu.memory_space<vmem>>) target_semaphore(%arg21 : memref<!tpu.dma_semaphore, #tpu.memory_space<semaphore_mem>>)
    %dma_start3A_49 = tpu.memref_slice %arg7[%add3A_44] : memref<1048576xi32, #tpu.memory_space<hbm>> -> memref<4096xi32, #tpu.memory_space<hbm>>
    %dma_start3A_50 = tpu.memref_slice %arg7[%add3A_44] : memref<1048576xi32, #tpu.memory_space<hbm>> -> memref<4096xi32, #tpu.memory_space<hbm>>
    tpu.enqueue_dma source(%dma_start3A_50 : memref<4096xi32, #tpu.memory_space<hbm>>) target(%arg17 : memref<4096xi32, #tpu.memory_space<vmem>>) target_semaphore(%arg21 : memref<!tpu.dma_semaphore, #tpu.memory_space<semaphore_mem>>)
    %dma_wait3A_51 = arith.constant 0 : i32
    %dma_wait3A_52 = tpu.memref_slice %arg11[%dma_wait3A_51] : memref<100000xf32, #tpu.memory_space<vmem_shared>> -> memref<100000xf32, #tpu.memory_space<vmem_shared>>
    tpu.wait_indirect_dma semaphore(%arg24 : memref<!tpu.dma_semaphore, #tpu.memory_space<semaphore_mem>>) src(%dma_wait3A_52 : memref<100000xf32, #tpu.memory_space<vmem_shared>>) dst(%arg20 : memref<4096xf32, #tpu.memory_space<vmem>>)
    %dma_wait3A_53 = tpu.memref_slice %arg5[%add3A_44] : memref<1048576xi32, #tpu.memory_space<hbm>> -> memref<4096xi32, #tpu.memory_space<hbm>>
    %dma_wait3A_54 = tpu.memref_slice %arg5[%add3A_44] : memref<1048576xi32, #tpu.memory_space<hbm>> -> memref<4096xi32, #tpu.memory_space<hbm>>
    tpu.wait_dma2 semaphore(%arg21 : memref<!tpu.dma_semaphore, #tpu.memory_space<semaphore_mem>>) src(%dma_wait3A_54 : memref<4096xi32, #tpu.memory_space<hbm>>) dst(%arg13 : memref<4096xi32, #tpu.memory_space<vmem>>)
    %dma_wait3A_55 = tpu.memref_slice %arg6[%add3A_44] : memref<1048576xi32, #tpu.memory_space<hbm>> -> memref<4096xi32, #tpu.memory_space<hbm>>
    %dma_wait3A_56 = tpu.memref_slice %arg6[%add3A_44] : memref<1048576xi32, #tpu.memory_space<hbm>> -> memref<4096xi32, #tpu.memory_space<hbm>>
    tpu.wait_dma2 semaphore(%arg21 : memref<!tpu.dma_semaphore, #tpu.memory_space<semaphore_mem>>) src(%dma_wait3A_56 : memref<4096xi32, #tpu.memory_space<hbm>>) dst(%arg15 : memref<4096xi32, #tpu.memory_space<vmem>>)
    %dma_wait3A_57 = tpu.memref_slice %arg7[%add3A_44] : memref<1048576xi32, #tpu.memory_space<hbm>> -> memref<4096xi32, #tpu.memory_space<hbm>>
    %dma_wait3A_58 = tpu.memref_slice %arg7[%add3A_44] : memref<1048576xi32, #tpu.memory_space<hbm>> -> memref<4096xi32, #tpu.memory_space<hbm>>
    tpu.wait_dma2 semaphore(%arg21 : memref<!tpu.dma_semaphore, #tpu.memory_space<semaphore_mem>>) src(%dma_wait3A_58 : memref<4096xi32, #tpu.memory_space<hbm>>) dst(%arg17 : memref<4096xi32, #tpu.memory_space<vmem>>)
    %dma_start3A_59 = arith.constant 0 : i32
    %dma_start3A_60 = tpu.memref_slice %arg11[%dma_start3A_59] : memref<100000xf32, #tpu.memory_space<vmem_shared>> -> memref<100000xf32, #tpu.memory_space<vmem_shared>>
    tpu.enqueue_indirect_dma source(%dma_start3A_60 : memref<100000xf32, #tpu.memory_space<vmem_shared>>) target(%arg19 : memref<4096xf32, #tpu.memory_space<vmem>>) offsets(%arg15 : memref<4096xi32, #tpu.memory_space<vmem>>) semaphore(%arg23 : memref<!tpu.dma_semaphore, #tpu.memory_space<semaphore_mem>>)
    %add3A_61 = arith.constant 4096 : i32
    %add3A_62 = arith.addi %mul3A_2, %add3A_61 : i32
    %parallel_loop3A_63 = arith.constant 0 : i32
    %parallel_loop3A_64 = arith.constant 4096 : i32
    %parallel_loop3A_65 = arith.constant 16 : i32
    %parallel_loop3A_66 = scf.for %parallel_loop3A_208 = %parallel_loop3A_63 to %parallel_loop3A_64 step %parallel_loop3A_65 iter_args(%parallel_loop3A_209 = %parallel_loop3A_42) -> (vector<16xf32>)  : i32 {
      %parallel_loop3A_210 = arith.index_cast %parallel_loop3A_208 : i32 to index
      %parallel_loop3A_211 = tpu.vector_load %arg14[%parallel_loop3A_210] {strides = array<i32>} : memref<4096xi32, #tpu.memory_space<vmem>>, vector<16xi32>,
      %parallel_loop3A_212 = arith.index_cast %parallel_loop3A_208 : i32 to index
      %parallel_loop3A_213 = tpu.vector_load %arg18[%parallel_loop3A_212] {strides = array<i32>} : memref<4096xi32, #tpu.memory_space<vmem>>, vector<16xi32>,
      %parallel_loop3A_214 = arith.constant 6 : i32
      %parallel_loop3A_215 = vector.broadcast %parallel_loop3A_214 : i32 to vector<16xi32>
      %parallel_loop3A_216 = arith.muli %parallel_loop3A_211, %parallel_loop3A_215 : vector<16xi32>
      %parallel_loop3A_217 = arith.addi %parallel_loop3A_216, %parallel_loop3A_213 : vector<16xi32>
      %parallel_loop3A_218 = tpu.vector_load_idx %arg9[%parallel_loop3A_211] : memref<10000xf32, #tpu.memory_space<vmem>>[vector<16xi32>], vector<16xf32>,
      %parallel_loop3A_219 = arith.constant 1 : i32
      %parallel_loop3A_220 = vector.broadcast %parallel_loop3A_219 : i32 to vector<16xi32>
      %parallel_loop3A_221 = arith.subi %parallel_loop3A_217, %parallel_loop3A_220 : vector<16xi32>
      %parallel_loop3A_222 = tpu.vector_load_idx %arg10[%parallel_loop3A_221] : memref<60000xf32, #tpu.memory_space<vmem>>[vector<16xi32>], vector<16xf32>,
      %parallel_loop3A_223 = tpu.vector_load_idx %arg10[%parallel_loop3A_217] : memref<60000xf32, #tpu.memory_space<vmem>>[vector<16xi32>], vector<16xf32>,
      %parallel_loop3A_224 = arith.index_cast %parallel_loop3A_208 : i32 to index
      %parallel_loop3A_225 = tpu.vector_load %arg20[%parallel_loop3A_224] {strides = array<i32>} : memref<4096xf32, #tpu.memory_space<vmem>>, vector<16xf32>,
      %parallel_loop3A_226 = arith.subf %parallel_loop3A_225, %parallel_loop3A_222 : vector<16xf32>
      %parallel_loop3A_227 = arith.mulf %parallel_loop3A_218, %parallel_loop3A_226 : vector<16xf32>
      %parallel_loop3A_228 = arith.constant -3.000000e+01 : f32
      %parallel_loop3A_229 = vector.broadcast %parallel_loop3A_228 : f32 to vector<16xf32>
      %parallel_loop3A_230 = arith.maximumf %parallel_loop3A_227, %parallel_loop3A_229 : vector<16xf32>
      %parallel_loop3A_231 = arith.subf %parallel_loop3A_225, %parallel_loop3A_223 : vector<16xf32>
      %parallel_loop3A_232 = arith.mulf %parallel_loop3A_218, %parallel_loop3A_231 : vector<16xf32>
      %parallel_loop3A_233 = arith.constant -3.000000e+01 : f32
      %parallel_loop3A_234 = vector.broadcast %parallel_loop3A_233 : f32 to vector<16xf32>
      %parallel_loop3A_235 = arith.maximumf %parallel_loop3A_232, %parallel_loop3A_234 : vector<16xf32>
      %parallel_loop3A_236 = arith.constant 0.000000e+00 : f32
      %parallel_loop3A_237 = vector.broadcast %parallel_loop3A_236 : f32 to vector<16xf32>
      %parallel_loop3A_238 = arith.subf %parallel_loop3A_237, %parallel_loop3A_230 : vector<16xf32>
      %parallel_loop3A_239 = math.exp %parallel_loop3A_238 : vector<16xf32>
      %parallel_loop3A_240 = arith.constant 0.000000e+00 : f32
      %parallel_loop3A_241 = vector.broadcast %parallel_loop3A_240 : f32 to vector<16xf32>
      %parallel_loop3A_242 = arith.subf %parallel_loop3A_241, %parallel_loop3A_235 : vector<16xf32>
      %parallel_loop3A_243 = math.exp %parallel_loop3A_242 : vector<16xf32>
      %parallel_loop3A_244 = arith.subf %parallel_loop3A_243, %parallel_loop3A_239 : vector<16xf32>
      %parallel_loop3A_245 = arith.constant 1.000000e+00 : f32
      %parallel_loop3A_246 = vector.broadcast %parallel_loop3A_245 : f32 to vector<16xf32>
      %parallel_loop3A_247 = arith.addf %parallel_loop3A_246, %parallel_loop3A_239 : vector<16xf32>
      %parallel_loop3A_248 = arith.constant 1.000000e+00 : f32
      %parallel_loop3A_249 = vector.broadcast %parallel_loop3A_248 : f32 to vector<16xf32>
      %parallel_loop3A_250 = arith.addf %parallel_loop3A_249, %parallel_loop3A_243 : vector<16xf32>
      %parallel_loop3A_251 = arith.mulf %parallel_loop3A_247, %parallel_loop3A_250 : vector<16xf32>
      %parallel_loop3A_252 = arith.divf %parallel_loop3A_244, %parallel_loop3A_251 : vector<16xf32>
      %parallel_loop3A_253 = arith.constant 9.99999991E-38 : f32
      %parallel_loop3A_254 = vector.broadcast %parallel_loop3A_253 : f32 to vector<16xf32>
      %parallel_loop3A_255 = arith.maximumf %parallel_loop3A_252, %parallel_loop3A_254 : vector<16xf32>
      %parallel_loop3A_256 = vector.bitcast %parallel_loop3A_255 : vector<16xf32> to vector<16xi32>
      %parallel_loop3A_257 = arith.constant 23 : i32
      %parallel_loop3A_258 = vector.broadcast %parallel_loop3A_257 : i32 to vector<16xi32>
      %parallel_loop3A_259 = arith.shrui %parallel_loop3A_256, %parallel_loop3A_258 : vector<16xi32>
      %parallel_loop3A_260 = arith.constant 127 : i32
      %parallel_loop3A_261 = vector.broadcast %parallel_loop3A_260 : i32 to vector<16xi32>
      %parallel_loop3A_262 = arith.subi %parallel_loop3A_259, %parallel_loop3A_261 : vector<16xi32>
      %parallel_loop3A_263 = arith.constant 8388607 : i32
      %parallel_loop3A_264 = vector.broadcast %parallel_loop3A_263 : i32 to vector<16xi32>
      %parallel_loop3A_265 = arith.andi %parallel_loop3A_256, %parallel_loop3A_264 : vector<16xi32>
      %parallel_loop3A_266 = arith.constant 1065353216 : i32
      %parallel_loop3A_267 = vector.broadcast %parallel_loop3A_266 : i32 to vector<16xi32>
      %parallel_loop3A_268 = arith.ori %parallel_loop3A_265, %parallel_loop3A_267 : vector<16xi32>
      %parallel_loop3A_269 = vector.bitcast %parallel_loop3A_268 : vector<16xi32> to vector<16xf32>
      %parallel_loop3A_270 = arith.constant 1.000000e+00 : f32
      %parallel_loop3A_271 = vector.broadcast %parallel_loop3A_270 : f32 to vector<16xf32>
      %parallel_loop3A_272 = arith.subf %parallel_loop3A_269, %parallel_loop3A_271 : vector<16xf32>
      %parallel_loop3A_273 = arith.constant 1.000000e+00 : f32
      %parallel_loop3A_274 = vector.broadcast %parallel_loop3A_273 : f32 to vector<16xf32>
      %parallel_loop3A_275 = arith.addf %parallel_loop3A_269, %parallel_loop3A_274 : vector<16xf32>
      %parallel_loop3A_276 = arith.divf %parallel_loop3A_272, %parallel_loop3A_275 : vector<16xf32>
      %parallel_loop3A_277 = arith.mulf %parallel_loop3A_276, %parallel_loop3A_276 : vector<16xf32>
      %parallel_loop3A_278 = arith.constant 0.142857149 : f32
      %parallel_loop3A_279 = vector.broadcast %parallel_loop3A_278 : f32 to vector<16xf32>
      %parallel_loop3A_280 = arith.mulf %parallel_loop3A_277, %parallel_loop3A_279 : vector<16xf32>
      %parallel_loop3A_281 = arith.constant 2.000000e-01 : f32
      %parallel_loop3A_282 = vector.broadcast %parallel_loop3A_281 : f32 to vector<16xf32>
      %parallel_loop3A_283 = arith.addf %parallel_loop3A_282, %parallel_loop3A_280 : vector<16xf32>
      %parallel_loop3A_284 = arith.mulf %parallel_loop3A_277, %parallel_loop3A_283 : vector<16xf32>
      %parallel_loop3A_285 = arith.constant 0.333333343 : f32
      %parallel_loop3A_286 = vector.broadcast %parallel_loop3A_285 : f32 to vector<16xf32>
      %parallel_loop3A_287 = arith.addf %parallel_loop3A_286, %parallel_loop3A_284 : vector<16xf32>
      %parallel_loop3A_288 = arith.mulf %parallel_loop3A_277, %parallel_loop3A_287 : vector<16xf32>
      %parallel_loop3A_289 = arith.constant 1.000000e+00 : f32
      %parallel_loop3A_290 = vector.broadcast %parallel_loop3A_289 : f32 to vector<16xf32>
      %parallel_loop3A_291 = arith.addf %parallel_loop3A_290, %parallel_loop3A_288 : vector<16xf32>
      %parallel_loop3A_292 = arith.mulf %parallel_loop3A_276, %parallel_loop3A_291 : vector<16xf32>
      %parallel_loop3A_293 = arith.sitofp %parallel_loop3A_262 : vector<16xi32> to vector<16xf32>
      %parallel_loop3A_294 = arith.constant 0.693147182 : f32
      %parallel_loop3A_295 = vector.broadcast %parallel_loop3A_294 : f32 to vector<16xf32>
      %parallel_loop3A_296 = arith.mulf %parallel_loop3A_293, %parallel_loop3A_295 : vector<16xf32>
      %parallel_loop3A_297 = arith.constant 2.000000e+00 : f32
      %parallel_loop3A_298 = vector.broadcast %parallel_loop3A_297 : f32 to vector<16xf32>
      %parallel_loop3A_299 = arith.mulf %parallel_loop3A_298, %parallel_loop3A_292 : vector<16xf32>
      %parallel_loop3A_300 = arith.addf %parallel_loop3A_296, %parallel_loop3A_299 : vector<16xf32>
      %parallel_loop3A_301 = arith.addi %add3A_62, %parallel_loop3A_208 : i32
      %parallel_loop3A_302 = vector.broadcast %parallel_loop3A_301 : i32 to vector<16xi32>
      %parallel_loop3A_303 = arith.addi %parallel_loop3A_302, %iota3A : vector<16xi32>
      %parallel_loop3A_304 = arith.constant 1000000 : i32
      %parallel_loop3A_305 = vector.broadcast %parallel_loop3A_304 : i32 to vector<16xi32>
      %parallel_loop3A_306 = arith.cmpi slt, %parallel_loop3A_303, %parallel_loop3A_305 : vector<16xi32>
      %parallel_loop3A_307 = arith.constant 0.000000e+00 : f32
      %parallel_loop3A_308 = vector.broadcast %parallel_loop3A_307 : f32 to vector<16xf32>
      %parallel_loop3A_309 = arith.select %parallel_loop3A_306, %parallel_loop3A_300, %parallel_loop3A_308 : vector<16xi1>, vector<16xf32>
      %parallel_loop3A_310 = arith.addf %parallel_loop3A_209, %parallel_loop3A_309 : vector<16xf32>
      scf.yield %parallel_loop3A_310 : vector<16xf32>
    } {sc.loop_unroll_factor = 4 : i64, sc.parallel_access}
    %add3A_67 = arith.constant 12288 : i32
    %add3A_68 = arith.addi %mul3A_2, %add3A_67 : i32
    %dma_start3A_69 = tpu.memref_slice %arg5[%add3A_68] : memref<1048576xi32, #tpu.memory_space<hbm>> -> memref<4096xi32, #tpu.memory_space<hbm>>
    %dma_start3A_70 = tpu.memref_slice %arg5[%add3A_68] : memref<1048576xi32, #tpu.memory_space<hbm>> -> memref<4096xi32, #tpu.memory_space<hbm>>
    tpu.enqueue_dma source(%dma_start3A_70 : memref<4096xi32, #tpu.memory_space<hbm>>) target(%arg14 : memref<4096xi32, #tpu.memory_space<vmem>>) target_semaphore(%arg22 : memref<!tpu.dma_semaphore, #tpu.memory_space<semaphore_mem>>)
    %dma_start3A_71 = tpu.memref_slice %arg6[%add3A_68] : memref<1048576xi32, #tpu.memory_space<hbm>> -> memref<4096xi32, #tpu.memory_space<hbm>>
    %dma_start3A_72 = tpu.memref_slice %arg6[%add3A_68] : memref<1048576xi32, #tpu.memory_space<hbm>> -> memref<4096xi32, #tpu.memory_space<hbm>>
    tpu.enqueue_dma source(%dma_start3A_72 : memref<4096xi32, #tpu.memory_space<hbm>>) target(%arg16 : memref<4096xi32, #tpu.memory_space<vmem>>) target_semaphore(%arg22 : memref<!tpu.dma_semaphore, #tpu.memory_space<semaphore_mem>>)
    %dma_start3A_73 = tpu.memref_slice %arg7[%add3A_68] : memref<1048576xi32, #tpu.memory_space<hbm>> -> memref<4096xi32, #tpu.memory_space<hbm>>
    %dma_start3A_74 = tpu.memref_slice %arg7[%add3A_68] : memref<1048576xi32, #tpu.memory_space<hbm>> -> memref<4096xi32, #tpu.memory_space<hbm>>
    tpu.enqueue_dma source(%dma_start3A_74 : memref<4096xi32, #tpu.memory_space<hbm>>) target(%arg18 : memref<4096xi32, #tpu.memory_space<vmem>>) target_semaphore(%arg22 : memref<!tpu.dma_semaphore, #tpu.memory_space<semaphore_mem>>)
    %dma_wait3A_75 = arith.constant 0 : i32
    %dma_wait3A_76 = tpu.memref_slice %arg11[%dma_wait3A_75] : memref<100000xf32, #tpu.memory_space<vmem_shared>> -> memref<100000xf32, #tpu.memory_space<vmem_shared>>
    tpu.wait_indirect_dma semaphore(%arg23 : memref<!tpu.dma_semaphore, #tpu.memory_space<semaphore_mem>>) src(%dma_wait3A_76 : memref<100000xf32, #tpu.memory_space<vmem_shared>>) dst(%arg19 : memref<4096xf32, #tpu.memory_space<vmem>>)
    %dma_wait3A_77 = tpu.memref_slice %arg5[%add3A_68] : memref<1048576xi32, #tpu.memory_space<hbm>> -> memref<4096xi32, #tpu.memory_space<hbm>>
    %dma_wait3A_78 = tpu.memref_slice %arg5[%add3A_68] : memref<1048576xi32, #tpu.memory_space<hbm>> -> memref<4096xi32, #tpu.memory_space<hbm>>
    tpu.wait_dma2 semaphore(%arg22 : memref<!tpu.dma_semaphore, #tpu.memory_space<semaphore_mem>>) src(%dma_wait3A_78 : memref<4096xi32, #tpu.memory_space<hbm>>) dst(%arg14 : memref<4096xi32, #tpu.memory_space<vmem>>)
    %dma_wait3A_79 = tpu.memref_slice %arg6[%add3A_68] : memref<1048576xi32, #tpu.memory_space<hbm>> -> memref<4096xi32, #tpu.memory_space<hbm>>
    %dma_wait3A_80 = tpu.memref_slice %arg6[%add3A_68] : memref<1048576xi32, #tpu.memory_space<hbm>> -> memref<4096xi32, #tpu.memory_space<hbm>>
    tpu.wait_dma2 semaphore(%arg22 : memref<!tpu.dma_semaphore, #tpu.memory_space<semaphore_mem>>) src(%dma_wait3A_80 : memref<4096xi32, #tpu.memory_space<hbm>>) dst(%arg16 : memref<4096xi32, #tpu.memory_space<vmem>>)
    %dma_wait3A_81 = tpu.memref_slice %arg7[%add3A_68] : memref<1048576xi32, #tpu.memory_space<hbm>> -> memref<4096xi32, #tpu.memory_space<hbm>>
    %dma_wait3A_82 = tpu.memref_slice %arg7[%add3A_68] : memref<1048576xi32, #tpu.memory_space<hbm>> -> memref<4096xi32, #tpu.memory_space<hbm>>
    tpu.wait_dma2 semaphore(%arg22 : memref<!tpu.dma_semaphore, #tpu.memory_space<semaphore_mem>>) src(%dma_wait3A_82 : memref<4096xi32, #tpu.memory_space<hbm>>) dst(%arg18 : memref<4096xi32, #tpu.memory_space<vmem>>)
    %dma_start3A_83 = arith.constant 0 : i32
    %dma_start3A_84 = tpu.memref_slice %arg11[%dma_start3A_83] : memref<100000xf32, #tpu.memory_space<vmem_shared>> -> memref<100000xf32, #tpu.memory_space<vmem_shared>>
    tpu.enqueue_indirect_dma source(%dma_start3A_84 : memref<100000xf32, #tpu.memory_space<vmem_shared>>) target(%arg20 : memref<4096xf32, #tpu.memory_space<vmem>>) offsets(%arg16 : memref<4096xi32, #tpu.memory_space<vmem>>) semaphore(%arg24 : memref<!tpu.dma_semaphore, #tpu.memory_space<semaphore_mem>>)
    %add3A_85 = arith.constant 8192 : i32
    %add3A_86 = arith.addi %mul3A_2, %add3A_85 : i32
    %parallel_loop3A_87 = arith.constant 0 : i32
    %parallel_loop3A_88 = arith.constant 4096 : i32
    %parallel_loop3A_89 = arith.constant 16 : i32
    %parallel_loop3A_90 = scf.for %parallel_loop3A_208 = %parallel_loop3A_87 to %parallel_loop3A_88 step %parallel_loop3A_89 iter_args(%parallel_loop3A_209 = %parallel_loop3A_66) -> (vector<16xf32>)  : i32 {
      %parallel_loop3A_210 = arith.index_cast %parallel_loop3A_208 : i32 to index
      %parallel_loop3A_211 = tpu.vector_load %arg13[%parallel_loop3A_210] {strides = array<i32>} : memref<4096xi32, #tpu.memory_space<vmem>>, vector<16xi32>,
      %parallel_loop3A_212 = arith.index_cast %parallel_loop3A_208 : i32 to index
      %parallel_loop3A_213 = tpu.vector_load %arg17[%parallel_loop3A_212] {strides = array<i32>} : memref<4096xi32, #tpu.memory_space<vmem>>, vector<16xi32>,
      %parallel_loop3A_214 = arith.constant 6 : i32
      %parallel_loop3A_215 = vector.broadcast %parallel_loop3A_214 : i32 to vector<16xi32>
      %parallel_loop3A_216 = arith.muli %parallel_loop3A_211, %parallel_loop3A_215 : vector<16xi32>
      %parallel_loop3A_217 = arith.addi %parallel_loop3A_216, %parallel_loop3A_213 : vector<16xi32>
      %parallel_loop3A_218 = tpu.vector_load_idx %arg9[%parallel_loop3A_211] : memref<10000xf32, #tpu.memory_space<vmem>>[vector<16xi32>], vector<16xf32>,
      %parallel_loop3A_219 = arith.constant 1 : i32
      %parallel_loop3A_220 = vector.broadcast %parallel_loop3A_219 : i32 to vector<16xi32>
      %parallel_loop3A_221 = arith.subi %parallel_loop3A_217, %parallel_loop3A_220 : vector<16xi32>
      %parallel_loop3A_222 = tpu.vector_load_idx %arg10[%parallel_loop3A_221] : memref<60000xf32, #tpu.memory_space<vmem>>[vector<16xi32>], vector<16xf32>,
      %parallel_loop3A_223 = tpu.vector_load_idx %arg10[%parallel_loop3A_217] : memref<60000xf32, #tpu.memory_space<vmem>>[vector<16xi32>], vector<16xf32>,
      %parallel_loop3A_224 = arith.index_cast %parallel_loop3A_208 : i32 to index
      %parallel_loop3A_225 = tpu.vector_load %arg19[%parallel_loop3A_224] {strides = array<i32>} : memref<4096xf32, #tpu.memory_space<vmem>>, vector<16xf32>,
      %parallel_loop3A_226 = arith.subf %parallel_loop3A_225, %parallel_loop3A_222 : vector<16xf32>
      %parallel_loop3A_227 = arith.mulf %parallel_loop3A_218, %parallel_loop3A_226 : vector<16xf32>
      %parallel_loop3A_228 = arith.constant -3.000000e+01 : f32
      %parallel_loop3A_229 = vector.broadcast %parallel_loop3A_228 : f32 to vector<16xf32>
      %parallel_loop3A_230 = arith.maximumf %parallel_loop3A_227, %parallel_loop3A_229 : vector<16xf32>
      %parallel_loop3A_231 = arith.subf %parallel_loop3A_225, %parallel_loop3A_223 : vector<16xf32>
      %parallel_loop3A_232 = arith.mulf %parallel_loop3A_218, %parallel_loop3A_231 : vector<16xf32>
      %parallel_loop3A_233 = arith.constant -3.000000e+01 : f32
      %parallel_loop3A_234 = vector.broadcast %parallel_loop3A_233 : f32 to vector<16xf32>
      %parallel_loop3A_235 = arith.maximumf %parallel_loop3A_232, %parallel_loop3A_234 : vector<16xf32>
      %parallel_loop3A_236 = arith.constant 0.000000e+00 : f32
      %parallel_loop3A_237 = vector.broadcast %parallel_loop3A_236 : f32 to vector<16xf32>
      %parallel_loop3A_238 = arith.subf %parallel_loop3A_237, %parallel_loop3A_230 : vector<16xf32>
      %parallel_loop3A_239 = math.exp %parallel_loop3A_238 : vector<16xf32>
      %parallel_loop3A_240 = arith.constant 0.000000e+00 : f32
      %parallel_loop3A_241 = vector.broadcast %parallel_loop3A_240 : f32 to vector<16xf32>
      %parallel_loop3A_242 = arith.subf %parallel_loop3A_241, %parallel_loop3A_235 : vector<16xf32>
      %parallel_loop3A_243 = math.exp %parallel_loop3A_242 : vector<16xf32>
      %parallel_loop3A_244 = arith.subf %parallel_loop3A_243, %parallel_loop3A_239 : vector<16xf32>
      %parallel_loop3A_245 = arith.constant 1.000000e+00 : f32
      %parallel_loop3A_246 = vector.broadcast %parallel_loop3A_245 : f32 to vector<16xf32>
      %parallel_loop3A_247 = arith.addf %parallel_loop3A_246, %parallel_loop3A_239 : vector<16xf32>
      %parallel_loop3A_248 = arith.constant 1.000000e+00 : f32
      %parallel_loop3A_249 = vector.broadcast %parallel_loop3A_248 : f32 to vector<16xf32>
      %parallel_loop3A_250 = arith.addf %parallel_loop3A_249, %parallel_loop3A_243 : vector<16xf32>
      %parallel_loop3A_251 = arith.mulf %parallel_loop3A_247, %parallel_loop3A_250 : vector<16xf32>
      %parallel_loop3A_252 = arith.divf %parallel_loop3A_244, %parallel_loop3A_251 : vector<16xf32>
      %parallel_loop3A_253 = arith.constant 9.99999991E-38 : f32
      %parallel_loop3A_254 = vector.broadcast %parallel_loop3A_253 : f32 to vector<16xf32>
      %parallel_loop3A_255 = arith.maximumf %parallel_loop3A_252, %parallel_loop3A_254 : vector<16xf32>
      %parallel_loop3A_256 = vector.bitcast %parallel_loop3A_255 : vector<16xf32> to vector<16xi32>
      %parallel_loop3A_257 = arith.constant 23 : i32
      %parallel_loop3A_258 = vector.broadcast %parallel_loop3A_257 : i32 to vector<16xi32>
      %parallel_loop3A_259 = arith.shrui %parallel_loop3A_256, %parallel_loop3A_258 : vector<16xi32>
      %parallel_loop3A_260 = arith.constant 127 : i32
      %parallel_loop3A_261 = vector.broadcast %parallel_loop3A_260 : i32 to vector<16xi32>
      %parallel_loop3A_262 = arith.subi %parallel_loop3A_259, %parallel_loop3A_261 : vector<16xi32>
      %parallel_loop3A_263 = arith.constant 8388607 : i32
      %parallel_loop3A_264 = vector.broadcast %parallel_loop3A_263 : i32 to vector<16xi32>
      %parallel_loop3A_265 = arith.andi %parallel_loop3A_256, %parallel_loop3A_264 : vector<16xi32>
      %parallel_loop3A_266 = arith.constant 1065353216 : i32
      %parallel_loop3A_267 = vector.broadcast %parallel_loop3A_266 : i32 to vector<16xi32>
      %parallel_loop3A_268 = arith.ori %parallel_loop3A_265, %parallel_loop3A_267 : vector<16xi32>
      %parallel_loop3A_269 = vector.bitcast %parallel_loop3A_268 : vector<16xi32> to vector<16xf32>
      %parallel_loop3A_270 = arith.constant 1.000000e+00 : f32
      %parallel_loop3A_271 = vector.broadcast %parallel_loop3A_270 : f32 to vector<16xf32>
      %parallel_loop3A_272 = arith.subf %parallel_loop3A_269, %parallel_loop3A_271 : vector<16xf32>
      %parallel_loop3A_273 = arith.constant 1.000000e+00 : f32
      %parallel_loop3A_274 = vector.broadcast %parallel_loop3A_273 : f32 to vector<16xf32>
      %parallel_loop3A_275 = arith.addf %parallel_loop3A_269, %parallel_loop3A_274 : vector<16xf32>
      %parallel_loop3A_276 = arith.divf %parallel_loop3A_272, %parallel_loop3A_275 : vector<16xf32>
      %parallel_loop3A_277 = arith.mulf %parallel_loop3A_276, %parallel_loop3A_276 : vector<16xf32>
      %parallel_loop3A_278 = arith.constant 0.142857149 : f32
      %parallel_loop3A_279 = vector.broadcast %parallel_loop3A_278 : f32 to vector<16xf32>
      %parallel_loop3A_280 = arith.mulf %parallel_loop3A_277, %parallel_loop3A_279 : vector<16xf32>
      %parallel_loop3A_281 = arith.constant 2.000000e-01 : f32
      %parallel_loop3A_282 = vector.broadcast %parallel_loop3A_281 : f32 to vector<16xf32>
      %parallel_loop3A_283 = arith.addf %parallel_loop3A_282, %parallel_loop3A_280 : vector<16xf32>
      %parallel_loop3A_284 = arith.mulf %parallel_loop3A_277, %parallel_loop3A_283 : vector<16xf32>
      %parallel_loop3A_285 = arith.constant 0.333333343 : f32
      %parallel_loop3A_286 = vector.broadcast %parallel_loop3A_285 : f32 to vector<16xf32>
      %parallel_loop3A_287 = arith.addf %parallel_loop3A_286, %parallel_loop3A_284 : vector<16xf32>
      %parallel_loop3A_288 = arith.mulf %parallel_loop3A_277, %parallel_loop3A_287 : vector<16xf32>
      %parallel_loop3A_289 = arith.constant 1.000000e+00 : f32
      %parallel_loop3A_290 = vector.broadcast %parallel_loop3A_289 : f32 to vector<16xf32>
      %parallel_loop3A_291 = arith.addf %parallel_loop3A_290, %parallel_loop3A_288 : vector<16xf32>
      %parallel_loop3A_292 = arith.mulf %parallel_loop3A_276, %parallel_loop3A_291 : vector<16xf32>
      %parallel_loop3A_293 = arith.sitofp %parallel_loop3A_262 : vector<16xi32> to vector<16xf32>
      %parallel_loop3A_294 = arith.constant 0.693147182 : f32
      %parallel_loop3A_295 = vector.broadcast %parallel_loop3A_294 : f32 to vector<16xf32>
      %parallel_loop3A_296 = arith.mulf %parallel_loop3A_293, %parallel_loop3A_295 : vector<16xf32>
      %parallel_loop3A_297 = arith.constant 2.000000e+00 : f32
      %parallel_loop3A_298 = vector.broadcast %parallel_loop3A_297 : f32 to vector<16xf32>
      %parallel_loop3A_299 = arith.mulf %parallel_loop3A_298, %parallel_loop3A_292 : vector<16xf32>
      %parallel_loop3A_300 = arith.addf %parallel_loop3A_296, %parallel_loop3A_299 : vector<16xf32>
      %parallel_loop3A_301 = arith.addi %add3A_86, %parallel_loop3A_208 : i32
      %parallel_loop3A_302 = vector.broadcast %parallel_loop3A_301 : i32 to vector<16xi32>
      %parallel_loop3A_303 = arith.addi %parallel_loop3A_302, %iota3A : vector<16xi32>
      %parallel_loop3A_304 = arith.constant 1000000 : i32
      %parallel_loop3A_305 = vector.broadcast %parallel_loop3A_304 : i32 to vector<16xi32>
      %parallel_loop3A_306 = arith.cmpi slt, %parallel_loop3A_303, %parallel_loop3A_305 : vector<16xi32>
      %parallel_loop3A_307 = arith.constant 0.000000e+00 : f32
      %parallel_loop3A_308 = vector.broadcast %parallel_loop3A_307 : f32 to vector<16xf32>
      %parallel_loop3A_309 = arith.select %parallel_loop3A_306, %parallel_loop3A_300, %parallel_loop3A_308 : vector<16xi1>, vector<16xf32>
      %parallel_loop3A_310 = arith.addf %parallel_loop3A_209, %parallel_loop3A_309 : vector<16xf32>
      scf.yield %parallel_loop3A_310 : vector<16xf32>
    } {sc.loop_unroll_factor = 4 : i64, sc.parallel_access}
    %add3A_91 = arith.constant 16384 : i32
    %add3A_92 = arith.addi %mul3A_2, %add3A_91 : i32
    %dma_start3A_93 = tpu.memref_slice %arg5[%add3A_92] : memref<1048576xi32, #tpu.memory_space<hbm>> -> memref<4096xi32, #tpu.memory_space<hbm>>
    %dma_start3A_94 = tpu.memref_slice %arg5[%add3A_92] : memref<1048576xi32, #tpu.memory_space<hbm>> -> memref<4096xi32, #tpu.memory_space<hbm>>
    tpu.enqueue_dma source(%dma_start3A_94 : memref<4096xi32, #tpu.memory_space<hbm>>) target(%arg13 : memref<4096xi32, #tpu.memory_space<vmem>>) target_semaphore(%arg21 : memref<!tpu.dma_semaphore, #tpu.memory_space<semaphore_mem>>)
    %dma_start3A_95 = tpu.memref_slice %arg6[%add3A_92] : memref<1048576xi32, #tpu.memory_space<hbm>> -> memref<4096xi32, #tpu.memory_space<hbm>>
    %dma_start3A_96 = tpu.memref_slice %arg6[%add3A_92] : memref<1048576xi32, #tpu.memory_space<hbm>> -> memref<4096xi32, #tpu.memory_space<hbm>>
    tpu.enqueue_dma source(%dma_start3A_96 : memref<4096xi32, #tpu.memory_space<hbm>>) target(%arg15 : memref<4096xi32, #tpu.memory_space<vmem>>) target_semaphore(%arg21 : memref<!tpu.dma_semaphore, #tpu.memory_space<semaphore_mem>>)
    %dma_start3A_97 = tpu.memref_slice %arg7[%add3A_92] : memref<1048576xi32, #tpu.memory_space<hbm>> -> memref<4096xi32, #tpu.memory_space<hbm>>
    %dma_start3A_98 = tpu.memref_slice %arg7[%add3A_92] : memref<1048576xi32, #tpu.memory_space<hbm>> -> memref<4096xi32, #tpu.memory_space<hbm>>
    tpu.enqueue_dma source(%dma_start3A_98 : memref<4096xi32, #tpu.memory_space<hbm>>) target(%arg17 : memref<4096xi32, #tpu.memory_space<vmem>>) target_semaphore(%arg21 : memref<!tpu.dma_semaphore, #tpu.memory_space<semaphore_mem>>)
    %dma_wait3A_99 = arith.constant 0 : i32
    %dma_wait3A_100 = tpu.memref_slice %arg11[%dma_wait3A_99] : memref<100000xf32, #tpu.memory_space<vmem_shared>> -> memref<100000xf32, #tpu.memory_space<vmem_shared>>
    tpu.wait_indirect_dma semaphore(%arg24 : memref<!tpu.dma_semaphore, #tpu.memory_space<semaphore_mem>>) src(%dma_wait3A_100 : memref<100000xf32, #tpu.memory_space<vmem_shared>>) dst(%arg20 : memref<4096xf32, #tpu.memory_space<vmem>>)
    %dma_wait3A_101 = tpu.memref_slice %arg5[%add3A_92] : memref<1048576xi32, #tpu.memory_space<hbm>> -> memref<4096xi32, #tpu.memory_space<hbm>>
    %dma_wait3A_102 = tpu.memref_slice %arg5[%add3A_92] : memref<1048576xi32, #tpu.memory_space<hbm>> -> memref<4096xi32, #tpu.memory_space<hbm>>
    tpu.wait_dma2 semaphore(%arg21 : memref<!tpu.dma_semaphore, #tpu.memory_space<semaphore_mem>>) src(%dma_wait3A_102 : memref<4096xi32, #tpu.memory_space<hbm>>) dst(%arg13 : memref<4096xi32, #tpu.memory_space<vmem>>)
    %dma_wait3A_103 = tpu.memref_slice %arg6[%add3A_92] : memref<1048576xi32, #tpu.memory_space<hbm>> -> memref<4096xi32, #tpu.memory_space<hbm>>
    %dma_wait3A_104 = tpu.memref_slice %arg6[%add3A_92] : memref<1048576xi32, #tpu.memory_space<hbm>> -> memref<4096xi32, #tpu.memory_space<hbm>>
    tpu.wait_dma2 semaphore(%arg21 : memref<!tpu.dma_semaphore, #tpu.memory_space<semaphore_mem>>) src(%dma_wait3A_104 : memref<4096xi32, #tpu.memory_space<hbm>>) dst(%arg15 : memref<4096xi32, #tpu.memory_space<vmem>>)
    %dma_wait3A_105 = tpu.memref_slice %arg7[%add3A_92] : memref<1048576xi32, #tpu.memory_space<hbm>> -> memref<4096xi32, #tpu.memory_space<hbm>>
    %dma_wait3A_106 = tpu.memref_slice %arg7[%add3A_92] : memref<1048576xi32, #tpu.memory_space<hbm>> -> memref<4096xi32, #tpu.memory_space<hbm>>
    tpu.wait_dma2 semaphore(%arg21 : memref<!tpu.dma_semaphore, #tpu.memory_space<semaphore_mem>>) src(%dma_wait3A_106 : memref<4096xi32, #tpu.memory_space<hbm>>) dst(%arg17 : memref<4096xi32, #tpu.memory_space<vmem>>)
    %dma_start3A_107 = arith.constant 0 : i32
    %dma_start3A_108 = tpu.memref_slice %arg11[%dma_start3A_107] : memref<100000xf32, #tpu.memory_space<vmem_shared>> -> memref<100000xf32, #tpu.memory_space<vmem_shared>>
    tpu.enqueue_indirect_dma source(%dma_start3A_108 : memref<100000xf32, #tpu.memory_space<vmem_shared>>) target(%arg19 : memref<4096xf32, #tpu.memory_space<vmem>>) offsets(%arg15 : memref<4096xi32, #tpu.memory_space<vmem>>) semaphore(%arg23 : memref<!tpu.dma_semaphore, #tpu.memory_space<semaphore_mem>>)
    %add3A_109 = arith.constant 12288 : i32
    %add3A_110 = arith.addi %mul3A_2, %add3A_109 : i32
    %parallel_loop3A_111 = arith.constant 0 : i32
    %parallel_loop3A_112 = arith.constant 4096 : i32
    %parallel_loop3A_113 = arith.constant 16 : i32
    %parallel_loop3A_114 = scf.for %parallel_loop3A_208 = %parallel_loop3A_111 to %parallel_loop3A_112 step %parallel_loop3A_113 iter_args(%parallel_loop3A_209 = %parallel_loop3A_90) -> (vector<16xf32>)  : i32 {
      %parallel_loop3A_210 = arith.index_cast %parallel_loop3A_208 : i32 to index
      %parallel_loop3A_211 = tpu.vector_load %arg14[%parallel_loop3A_210] {strides = array<i32>} : memref<4096xi32, #tpu.memory_space<vmem>>, vector<16xi32>,
      %parallel_loop3A_212 = arith.index_cast %parallel_loop3A_208 : i32 to index
      %parallel_loop3A_213 = tpu.vector_load %arg18[%parallel_loop3A_212] {strides = array<i32>} : memref<4096xi32, #tpu.memory_space<vmem>>, vector<16xi32>,
      %parallel_loop3A_214 = arith.constant 6 : i32
      %parallel_loop3A_215 = vector.broadcast %parallel_loop3A_214 : i32 to vector<16xi32>
      %parallel_loop3A_216 = arith.muli %parallel_loop3A_211, %parallel_loop3A_215 : vector<16xi32>
      %parallel_loop3A_217 = arith.addi %parallel_loop3A_216, %parallel_loop3A_213 : vector<16xi32>
      %parallel_loop3A_218 = tpu.vector_load_idx %arg9[%parallel_loop3A_211] : memref<10000xf32, #tpu.memory_space<vmem>>[vector<16xi32>], vector<16xf32>,
      %parallel_loop3A_219 = arith.constant 1 : i32
      %parallel_loop3A_220 = vector.broadcast %parallel_loop3A_219 : i32 to vector<16xi32>
      %parallel_loop3A_221 = arith.subi %parallel_loop3A_217, %parallel_loop3A_220 : vector<16xi32>
      %parallel_loop3A_222 = tpu.vector_load_idx %arg10[%parallel_loop3A_221] : memref<60000xf32, #tpu.memory_space<vmem>>[vector<16xi32>], vector<16xf32>,
      %parallel_loop3A_223 = tpu.vector_load_idx %arg10[%parallel_loop3A_217] : memref<60000xf32, #tpu.memory_space<vmem>>[vector<16xi32>], vector<16xf32>,
      %parallel_loop3A_224 = arith.index_cast %parallel_loop3A_208 : i32 to index
      %parallel_loop3A_225 = tpu.vector_load %arg20[%parallel_loop3A_224] {strides = array<i32>} : memref<4096xf32, #tpu.memory_space<vmem>>, vector<16xf32>,
      %parallel_loop3A_226 = arith.subf %parallel_loop3A_225, %parallel_loop3A_222 : vector<16xf32>
      %parallel_loop3A_227 = arith.mulf %parallel_loop3A_218, %parallel_loop3A_226 : vector<16xf32>
      %parallel_loop3A_228 = arith.constant -3.000000e+01 : f32
      %parallel_loop3A_229 = vector.broadcast %parallel_loop3A_228 : f32 to vector<16xf32>
      %parallel_loop3A_230 = arith.maximumf %parallel_loop3A_227, %parallel_loop3A_229 : vector<16xf32>
      %parallel_loop3A_231 = arith.subf %parallel_loop3A_225, %parallel_loop3A_223 : vector<16xf32>
      %parallel_loop3A_232 = arith.mulf %parallel_loop3A_218, %parallel_loop3A_231 : vector<16xf32>
      %parallel_loop3A_233 = arith.constant -3.000000e+01 : f32
      %parallel_loop3A_234 = vector.broadcast %parallel_loop3A_233 : f32 to vector<16xf32>
      %parallel_loop3A_235 = arith.maximumf %parallel_loop3A_232, %parallel_loop3A_234 : vector<16xf32>
      %parallel_loop3A_236 = arith.constant 0.000000e+00 : f32
      %parallel_loop3A_237 = vector.broadcast %parallel_loop3A_236 : f32 to vector<16xf32>
      %parallel_loop3A_238 = arith.subf %parallel_loop3A_237, %parallel_loop3A_230 : vector<16xf32>
      %parallel_loop3A_239 = math.exp %parallel_loop3A_238 : vector<16xf32>
      %parallel_loop3A_240 = arith.constant 0.000000e+00 : f32
      %parallel_loop3A_241 = vector.broadcast %parallel_loop3A_240 : f32 to vector<16xf32>
      %parallel_loop3A_242 = arith.subf %parallel_loop3A_241, %parallel_loop3A_235 : vector<16xf32>
      %parallel_loop3A_243 = math.exp %parallel_loop3A_242 : vector<16xf32>
      %parallel_loop3A_244 = arith.subf %parallel_loop3A_243, %parallel_loop3A_239 : vector<16xf32>
      %parallel_loop3A_245 = arith.constant 1.000000e+00 : f32
      %parallel_loop3A_246 = vector.broadcast %parallel_loop3A_245 : f32 to vector<16xf32>
      %parallel_loop3A_247 = arith.addf %parallel_loop3A_246, %parallel_loop3A_239 : vector<16xf32>
      %parallel_loop3A_248 = arith.constant 1.000000e+00 : f32
      %parallel_loop3A_249 = vector.broadcast %parallel_loop3A_248 : f32 to vector<16xf32>
      %parallel_loop3A_250 = arith.addf %parallel_loop3A_249, %parallel_loop3A_243 : vector<16xf32>
      %parallel_loop3A_251 = arith.mulf %parallel_loop3A_247, %parallel_loop3A_250 : vector<16xf32>
      %parallel_loop3A_252 = arith.divf %parallel_loop3A_244, %parallel_loop3A_251 : vector<16xf32>
      %parallel_loop3A_253 = arith.constant 9.99999991E-38 : f32
      %parallel_loop3A_254 = vector.broadcast %parallel_loop3A_253 : f32 to vector<16xf32>
      %parallel_loop3A_255 = arith.maximumf %parallel_loop3A_252, %parallel_loop3A_254 : vector<16xf32>
      %parallel_loop3A_256 = vector.bitcast %parallel_loop3A_255 : vector<16xf32> to vector<16xi32>
      %parallel_loop3A_257 = arith.constant 23 : i32
      %parallel_loop3A_258 = vector.broadcast %parallel_loop3A_257 : i32 to vector<16xi32>
      %parallel_loop3A_259 = arith.shrui %parallel_loop3A_256, %parallel_loop3A_258 : vector<16xi32>
      %parallel_loop3A_260 = arith.constant 127 : i32
      %parallel_loop3A_261 = vector.broadcast %parallel_loop3A_260 : i32 to vector<16xi32>
      %parallel_loop3A_262 = arith.subi %parallel_loop3A_259, %parallel_loop3A_261 : vector<16xi32>
      %parallel_loop3A_263 = arith.constant 8388607 : i32
      %parallel_loop3A_264 = vector.broadcast %parallel_loop3A_263 : i32 to vector<16xi32>
      %parallel_loop3A_265 = arith.andi %parallel_loop3A_256, %parallel_loop3A_264 : vector<16xi32>
      %parallel_loop3A_266 = arith.constant 1065353216 : i32
      %parallel_loop3A_267 = vector.broadcast %parallel_loop3A_266 : i32 to vector<16xi32>
      %parallel_loop3A_268 = arith.ori %parallel_loop3A_265, %parallel_loop3A_267 : vector<16xi32>
      %parallel_loop3A_269 = vector.bitcast %parallel_loop3A_268 : vector<16xi32> to vector<16xf32>
      %parallel_loop3A_270 = arith.constant 1.000000e+00 : f32
      %parallel_loop3A_271 = vector.broadcast %parallel_loop3A_270 : f32 to vector<16xf32>
      %parallel_loop3A_272 = arith.subf %parallel_loop3A_269, %parallel_loop3A_271 : vector<16xf32>
      %parallel_loop3A_273 = arith.constant 1.000000e+00 : f32
      %parallel_loop3A_274 = vector.broadcast %parallel_loop3A_273 : f32 to vector<16xf32>
      %parallel_loop3A_275 = arith.addf %parallel_loop3A_269, %parallel_loop3A_274 : vector<16xf32>
      %parallel_loop3A_276 = arith.divf %parallel_loop3A_272, %parallel_loop3A_275 : vector<16xf32>
      %parallel_loop3A_277 = arith.mulf %parallel_loop3A_276, %parallel_loop3A_276 : vector<16xf32>
      %parallel_loop3A_278 = arith.constant 0.142857149 : f32
      %parallel_loop3A_279 = vector.broadcast %parallel_loop3A_278 : f32 to vector<16xf32>
      %parallel_loop3A_280 = arith.mulf %parallel_loop3A_277, %parallel_loop3A_279 : vector<16xf32>
      %parallel_loop3A_281 = arith.constant 2.000000e-01 : f32
      %parallel_loop3A_282 = vector.broadcast %parallel_loop3A_281 : f32 to vector<16xf32>
      %parallel_loop3A_283 = arith.addf %parallel_loop3A_282, %parallel_loop3A_280 : vector<16xf32>
      %parallel_loop3A_284 = arith.mulf %parallel_loop3A_277, %parallel_loop3A_283 : vector<16xf32>
      %parallel_loop3A_285 = arith.constant 0.333333343 : f32
      %parallel_loop3A_286 = vector.broadcast %parallel_loop3A_285 : f32 to vector<16xf32>
      %parallel_loop3A_287 = arith.addf %parallel_loop3A_286, %parallel_loop3A_284 : vector<16xf32>
      %parallel_loop3A_288 = arith.mulf %parallel_loop3A_277, %parallel_loop3A_287 : vector<16xf32>
      %parallel_loop3A_289 = arith.constant 1.000000e+00 : f32
      %parallel_loop3A_290 = vector.broadcast %parallel_loop3A_289 : f32 to vector<16xf32>
      %parallel_loop3A_291 = arith.addf %parallel_loop3A_290, %parallel_loop3A_288 : vector<16xf32>
      %parallel_loop3A_292 = arith.mulf %parallel_loop3A_276, %parallel_loop3A_291 : vector<16xf32>
      %parallel_loop3A_293 = arith.sitofp %parallel_loop3A_262 : vector<16xi32> to vector<16xf32>
      %parallel_loop3A_294 = arith.constant 0.693147182 : f32
      %parallel_loop3A_295 = vector.broadcast %parallel_loop3A_294 : f32 to vector<16xf32>
      %parallel_loop3A_296 = arith.mulf %parallel_loop3A_293, %parallel_loop3A_295 : vector<16xf32>
      %parallel_loop3A_297 = arith.constant 2.000000e+00 : f32
      %parallel_loop3A_298 = vector.broadcast %parallel_loop3A_297 : f32 to vector<16xf32>
      %parallel_loop3A_299 = arith.mulf %parallel_loop3A_298, %parallel_loop3A_292 : vector<16xf32>
      %parallel_loop3A_300 = arith.addf %parallel_loop3A_296, %parallel_loop3A_299 : vector<16xf32>
      %parallel_loop3A_301 = arith.addi %add3A_110, %parallel_loop3A_208 : i32
      %parallel_loop3A_302 = vector.broadcast %parallel_loop3A_301 : i32 to vector<16xi32>
      %parallel_loop3A_303 = arith.addi %parallel_loop3A_302, %iota3A : vector<16xi32>
      %parallel_loop3A_304 = arith.constant 1000000 : i32
      %parallel_loop3A_305 = vector.broadcast %parallel_loop3A_304 : i32 to vector<16xi32>
      %parallel_loop3A_306 = arith.cmpi slt, %parallel_loop3A_303, %parallel_loop3A_305 : vector<16xi32>
      %parallel_loop3A_307 = arith.constant 0.000000e+00 : f32
      %parallel_loop3A_308 = vector.broadcast %parallel_loop3A_307 : f32 to vector<16xf32>
      %parallel_loop3A_309 = arith.select %parallel_loop3A_306, %parallel_loop3A_300, %parallel_loop3A_308 : vector<16xi1>, vector<16xf32>
      %parallel_loop3A_310 = arith.addf %parallel_loop3A_209, %parallel_loop3A_309 : vector<16xf32>
      scf.yield %parallel_loop3A_310 : vector<16xf32>
    } {sc.loop_unroll_factor = 4 : i64, sc.parallel_access}
    %add3A_115 = arith.constant 20480 : i32
    %add3A_116 = arith.addi %mul3A_2, %add3A_115 : i32
    %dma_start3A_117 = tpu.memref_slice %arg5[%add3A_116] : memref<1048576xi32, #tpu.memory_space<hbm>> -> memref<4096xi32, #tpu.memory_space<hbm>>
    %dma_start3A_118 = tpu.memref_slice %arg5[%add3A_116] : memref<1048576xi32, #tpu.memory_space<hbm>> -> memref<4096xi32, #tpu.memory_space<hbm>>
    tpu.enqueue_dma source(%dma_start3A_118 : memref<4096xi32, #tpu.memory_space<hbm>>) target(%arg14 : memref<4096xi32, #tpu.memory_space<vmem>>) target_semaphore(%arg22 : memref<!tpu.dma_semaphore, #tpu.memory_space<semaphore_mem>>)
    %dma_start3A_119 = tpu.memref_slice %arg6[%add3A_116] : memref<1048576xi32, #tpu.memory_space<hbm>> -> memref<4096xi32, #tpu.memory_space<hbm>>
    %dma_start3A_120 = tpu.memref_slice %arg6[%add3A_116] : memref<1048576xi32, #tpu.memory_space<hbm>> -> memref<4096xi32, #tpu.memory_space<hbm>>
    tpu.enqueue_dma source(%dma_start3A_120 : memref<4096xi32, #tpu.memory_space<hbm>>) target(%arg16 : memref<4096xi32, #tpu.memory_space<vmem>>) target_semaphore(%arg22 : memref<!tpu.dma_semaphore, #tpu.memory_space<semaphore_mem>>)
    %dma_start3A_121 = tpu.memref_slice %arg7[%add3A_116] : memref<1048576xi32, #tpu.memory_space<hbm>> -> memref<4096xi32, #tpu.memory_space<hbm>>
    %dma_start3A_122 = tpu.memref_slice %arg7[%add3A_116] : memref<1048576xi32, #tpu.memory_space<hbm>> -> memref<4096xi32, #tpu.memory_space<hbm>>
    tpu.enqueue_dma source(%dma_start3A_122 : memref<4096xi32, #tpu.memory_space<hbm>>) target(%arg18 : memref<4096xi32, #tpu.memory_space<vmem>>) target_semaphore(%arg22 : memref<!tpu.dma_semaphore, #tpu.memory_space<semaphore_mem>>)
    %dma_wait3A_123 = arith.constant 0 : i32
    %dma_wait3A_124 = tpu.memref_slice %arg11[%dma_wait3A_123] : memref<100000xf32, #tpu.memory_space<vmem_shared>> -> memref<100000xf32, #tpu.memory_space<vmem_shared>>
    tpu.wait_indirect_dma semaphore(%arg23 : memref<!tpu.dma_semaphore, #tpu.memory_space<semaphore_mem>>) src(%dma_wait3A_124 : memref<100000xf32, #tpu.memory_space<vmem_shared>>) dst(%arg19 : memref<4096xf32, #tpu.memory_space<vmem>>)
    %dma_wait3A_125 = tpu.memref_slice %arg5[%add3A_116] : memref<1048576xi32, #tpu.memory_space<hbm>> -> memref<4096xi32, #tpu.memory_space<hbm>>
    %dma_wait3A_126 = tpu.memref_slice %arg5[%add3A_116] : memref<1048576xi32, #tpu.memory_space<hbm>> -> memref<4096xi32, #tpu.memory_space<hbm>>
    tpu.wait_dma2 semaphore(%arg22 : memref<!tpu.dma_semaphore, #tpu.memory_space<semaphore_mem>>) src(%dma_wait3A_126 : memref<4096xi32, #tpu.memory_space<hbm>>) dst(%arg14 : memref<4096xi32, #tpu.memory_space<vmem>>)
    %dma_wait3A_127 = tpu.memref_slice %arg6[%add3A_116] : memref<1048576xi32, #tpu.memory_space<hbm>> -> memref<4096xi32, #tpu.memory_space<hbm>>
    %dma_wait3A_128 = tpu.memref_slice %arg6[%add3A_116] : memref<1048576xi32, #tpu.memory_space<hbm>> -> memref<4096xi32, #tpu.memory_space<hbm>>
    tpu.wait_dma2 semaphore(%arg22 : memref<!tpu.dma_semaphore, #tpu.memory_space<semaphore_mem>>) src(%dma_wait3A_128 : memref<4096xi32, #tpu.memory_space<hbm>>) dst(%arg16 : memref<4096xi32, #tpu.memory_space<vmem>>)
    %dma_wait3A_129 = tpu.memref_slice %arg7[%add3A_116] : memref<1048576xi32, #tpu.memory_space<hbm>> -> memref<4096xi32, #tpu.memory_space<hbm>>
    %dma_wait3A_130 = tpu.memref_slice %arg7[%add3A_116] : memref<1048576xi32, #tpu.memory_space<hbm>> -> memref<4096xi32, #tpu.memory_space<hbm>>
    tpu.wait_dma2 semaphore(%arg22 : memref<!tpu.dma_semaphore, #tpu.memory_space<semaphore_mem>>) src(%dma_wait3A_130 : memref<4096xi32, #tpu.memory_space<hbm>>) dst(%arg18 : memref<4096xi32, #tpu.memory_space<vmem>>)
    %dma_start3A_131 = arith.constant 0 : i32
    %dma_start3A_132 = tpu.memref_slice %arg11[%dma_start3A_131] : memref<100000xf32, #tpu.memory_space<vmem_shared>> -> memref<100000xf32, #tpu.memory_space<vmem_shared>>
    tpu.enqueue_indirect_dma source(%dma_start3A_132 : memref<100000xf32, #tpu.memory_space<vmem_shared>>) target(%arg20 : memref<4096xf32, #tpu.memory_space<vmem>>) offsets(%arg16 : memref<4096xi32, #tpu.memory_space<vmem>>) semaphore(%arg24 : memref<!tpu.dma_semaphore, #tpu.memory_space<semaphore_mem>>)
    %add3A_133 = arith.constant 16384 : i32
    %add3A_134 = arith.addi %mul3A_2, %add3A_133 : i32
    %parallel_loop3A_135 = arith.constant 0 : i32
    %parallel_loop3A_136 = arith.constant 4096 : i32
    %parallel_loop3A_137 = arith.constant 16 : i32
    %parallel_loop3A_138 = scf.for %parallel_loop3A_208 = %parallel_loop3A_135 to %parallel_loop3A_136 step %parallel_loop3A_137 iter_args(%parallel_loop3A_209 = %parallel_loop3A_114) -> (vector<16xf32>)  : i32 {
      %parallel_loop3A_210 = arith.index_cast %parallel_loop3A_208 : i32 to index
      %parallel_loop3A_211 = tpu.vector_load %arg13[%parallel_loop3A_210] {strides = array<i32>} : memref<4096xi32, #tpu.memory_space<vmem>>, vector<16xi32>,
      %parallel_loop3A_212 = arith.index_cast %parallel_loop3A_208 : i32 to index
      %parallel_loop3A_213 = tpu.vector_load %arg17[%parallel_loop3A_212] {strides = array<i32>} : memref<4096xi32, #tpu.memory_space<vmem>>, vector<16xi32>,
      %parallel_loop3A_214 = arith.constant 6 : i32
      %parallel_loop3A_215 = vector.broadcast %parallel_loop3A_214 : i32 to vector<16xi32>
      %parallel_loop3A_216 = arith.muli %parallel_loop3A_211, %parallel_loop3A_215 : vector<16xi32>
      %parallel_loop3A_217 = arith.addi %parallel_loop3A_216, %parallel_loop3A_213 : vector<16xi32>
      %parallel_loop3A_218 = tpu.vector_load_idx %arg9[%parallel_loop3A_211] : memref<10000xf32, #tpu.memory_space<vmem>>[vector<16xi32>], vector<16xf32>,
      %parallel_loop3A_219 = arith.constant 1 : i32
      %parallel_loop3A_220 = vector.broadcast %parallel_loop3A_219 : i32 to vector<16xi32>
      %parallel_loop3A_221 = arith.subi %parallel_loop3A_217, %parallel_loop3A_220 : vector<16xi32>
      %parallel_loop3A_222 = tpu.vector_load_idx %arg10[%parallel_loop3A_221] : memref<60000xf32, #tpu.memory_space<vmem>>[vector<16xi32>], vector<16xf32>,
      %parallel_loop3A_223 = tpu.vector_load_idx %arg10[%parallel_loop3A_217] : memref<60000xf32, #tpu.memory_space<vmem>>[vector<16xi32>], vector<16xf32>,
      %parallel_loop3A_224 = arith.index_cast %parallel_loop3A_208 : i32 to index
      %parallel_loop3A_225 = tpu.vector_load %arg19[%parallel_loop3A_224] {strides = array<i32>} : memref<4096xf32, #tpu.memory_space<vmem>>, vector<16xf32>,
      %parallel_loop3A_226 = arith.subf %parallel_loop3A_225, %parallel_loop3A_222 : vector<16xf32>
      %parallel_loop3A_227 = arith.mulf %parallel_loop3A_218, %parallel_loop3A_226 : vector<16xf32>
      %parallel_loop3A_228 = arith.constant -3.000000e+01 : f32
      %parallel_loop3A_229 = vector.broadcast %parallel_loop3A_228 : f32 to vector<16xf32>
      %parallel_loop3A_230 = arith.maximumf %parallel_loop3A_227, %parallel_loop3A_229 : vector<16xf32>
      %parallel_loop3A_231 = arith.subf %parallel_loop3A_225, %parallel_loop3A_223 : vector<16xf32>
      %parallel_loop3A_232 = arith.mulf %parallel_loop3A_218, %parallel_loop3A_231 : vector<16xf32>
      %parallel_loop3A_233 = arith.constant -3.000000e+01 : f32
      %parallel_loop3A_234 = vector.broadcast %parallel_loop3A_233 : f32 to vector<16xf32>
      %parallel_loop3A_235 = arith.maximumf %parallel_loop3A_232, %parallel_loop3A_234 : vector<16xf32>
      %parallel_loop3A_236 = arith.constant 0.000000e+00 : f32
      %parallel_loop3A_237 = vector.broadcast %parallel_loop3A_236 : f32 to vector<16xf32>
      %parallel_loop3A_238 = arith.subf %parallel_loop3A_237, %parallel_loop3A_230 : vector<16xf32>
      %parallel_loop3A_239 = math.exp %parallel_loop3A_238 : vector<16xf32>
      %parallel_loop3A_240 = arith.constant 0.000000e+00 : f32
      %parallel_loop3A_241 = vector.broadcast %parallel_loop3A_240 : f32 to vector<16xf32>
      %parallel_loop3A_242 = arith.subf %parallel_loop3A_241, %parallel_loop3A_235 : vector<16xf32>
      %parallel_loop3A_243 = math.exp %parallel_loop3A_242 : vector<16xf32>
      %parallel_loop3A_244 = arith.subf %parallel_loop3A_243, %parallel_loop3A_239 : vector<16xf32>
      %parallel_loop3A_245 = arith.constant 1.000000e+00 : f32
      %parallel_loop3A_246 = vector.broadcast %parallel_loop3A_245 : f32 to vector<16xf32>
      %parallel_loop3A_247 = arith.addf %parallel_loop3A_246, %parallel_loop3A_239 : vector<16xf32>
      %parallel_loop3A_248 = arith.constant 1.000000e+00 : f32
      %parallel_loop3A_249 = vector.broadcast %parallel_loop3A_248 : f32 to vector<16xf32>
      %parallel_loop3A_250 = arith.addf %parallel_loop3A_249, %parallel_loop3A_243 : vector<16xf32>
      %parallel_loop3A_251 = arith.mulf %parallel_loop3A_247, %parallel_loop3A_250 : vector<16xf32>
      %parallel_loop3A_252 = arith.divf %parallel_loop3A_244, %parallel_loop3A_251 : vector<16xf32>
      %parallel_loop3A_253 = arith.constant 9.99999991E-38 : f32
      %parallel_loop3A_254 = vector.broadcast %parallel_loop3A_253 : f32 to vector<16xf32>
      %parallel_loop3A_255 = arith.maximumf %parallel_loop3A_252, %parallel_loop3A_254 : vector<16xf32>
      %parallel_loop3A_256 = vector.bitcast %parallel_loop3A_255 : vector<16xf32> to vector<16xi32>
      %parallel_loop3A_257 = arith.constant 23 : i32
      %parallel_loop3A_258 = vector.broadcast %parallel_loop3A_257 : i32 to vector<16xi32>
      %parallel_loop3A_259 = arith.shrui %parallel_loop3A_256, %parallel_loop3A_258 : vector<16xi32>
      %parallel_loop3A_260 = arith.constant 127 : i32
      %parallel_loop3A_261 = vector.broadcast %parallel_loop3A_260 : i32 to vector<16xi32>
      %parallel_loop3A_262 = arith.subi %parallel_loop3A_259, %parallel_loop3A_261 : vector<16xi32>
      %parallel_loop3A_263 = arith.constant 8388607 : i32
      %parallel_loop3A_264 = vector.broadcast %parallel_loop3A_263 : i32 to vector<16xi32>
      %parallel_loop3A_265 = arith.andi %parallel_loop3A_256, %parallel_loop3A_264 : vector<16xi32>
      %parallel_loop3A_266 = arith.constant 1065353216 : i32
      %parallel_loop3A_267 = vector.broadcast %parallel_loop3A_266 : i32 to vector<16xi32>
      %parallel_loop3A_268 = arith.ori %parallel_loop3A_265, %parallel_loop3A_267 : vector<16xi32>
      %parallel_loop3A_269 = vector.bitcast %parallel_loop3A_268 : vector<16xi32> to vector<16xf32>
      %parallel_loop3A_270 = arith.constant 1.000000e+00 : f32
      %parallel_loop3A_271 = vector.broadcast %parallel_loop3A_270 : f32 to vector<16xf32>
      %parallel_loop3A_272 = arith.subf %parallel_loop3A_269, %parallel_loop3A_271 : vector<16xf32>
      %parallel_loop3A_273 = arith.constant 1.000000e+00 : f32
      %parallel_loop3A_274 = vector.broadcast %parallel_loop3A_273 : f32 to vector<16xf32>
      %parallel_loop3A_275 = arith.addf %parallel_loop3A_269, %parallel_loop3A_274 : vector<16xf32>
      %parallel_loop3A_276 = arith.divf %parallel_loop3A_272, %parallel_loop3A_275 : vector<16xf32>
      %parallel_loop3A_277 = arith.mulf %parallel_loop3A_276, %parallel_loop3A_276 : vector<16xf32>
      %parallel_loop3A_278 = arith.constant 0.142857149 : f32
      %parallel_loop3A_279 = vector.broadcast %parallel_loop3A_278 : f32 to vector<16xf32>
      %parallel_loop3A_280 = arith.mulf %parallel_loop3A_277, %parallel_loop3A_279 : vector<16xf32>
      %parallel_loop3A_281 = arith.constant 2.000000e-01 : f32
      %parallel_loop3A_282 = vector.broadcast %parallel_loop3A_281 : f32 to vector<16xf32>
      %parallel_loop3A_283 = arith.addf %parallel_loop3A_282, %parallel_loop3A_280 : vector<16xf32>
      %parallel_loop3A_284 = arith.mulf %parallel_loop3A_277, %parallel_loop3A_283 : vector<16xf32>
      %parallel_loop3A_285 = arith.constant 0.333333343 : f32
      %parallel_loop3A_286 = vector.broadcast %parallel_loop3A_285 : f32 to vector<16xf32>
      %parallel_loop3A_287 = arith.addf %parallel_loop3A_286, %parallel_loop3A_284 : vector<16xf32>
      %parallel_loop3A_288 = arith.mulf %parallel_loop3A_277, %parallel_loop3A_287 : vector<16xf32>
      %parallel_loop3A_289 = arith.constant 1.000000e+00 : f32
      %parallel_loop3A_290 = vector.broadcast %parallel_loop3A_289 : f32 to vector<16xf32>
      %parallel_loop3A_291 = arith.addf %parallel_loop3A_290, %parallel_loop3A_288 : vector<16xf32>
      %parallel_loop3A_292 = arith.mulf %parallel_loop3A_276, %parallel_loop3A_291 : vector<16xf32>
      %parallel_loop3A_293 = arith.sitofp %parallel_loop3A_262 : vector<16xi32> to vector<16xf32>
      %parallel_loop3A_294 = arith.constant 0.693147182 : f32
      %parallel_loop3A_295 = vector.broadcast %parallel_loop3A_294 : f32 to vector<16xf32>
      %parallel_loop3A_296 = arith.mulf %parallel_loop3A_293, %parallel_loop3A_295 : vector<16xf32>
      %parallel_loop3A_297 = arith.constant 2.000000e+00 : f32
      %parallel_loop3A_298 = vector.broadcast %parallel_loop3A_297 : f32 to vector<16xf32>
      %parallel_loop3A_299 = arith.mulf %parallel_loop3A_298, %parallel_loop3A_292 : vector<16xf32>
      %parallel_loop3A_300 = arith.addf %parallel_loop3A_296, %parallel_loop3A_299 : vector<16xf32>
      %parallel_loop3A_301 = arith.addi %add3A_134, %parallel_loop3A_208 : i32
      %parallel_loop3A_302 = vector.broadcast %parallel_loop3A_301 : i32 to vector<16xi32>
      %parallel_loop3A_303 = arith.addi %parallel_loop3A_302, %iota3A : vector<16xi32>
      %parallel_loop3A_304 = arith.constant 1000000 : i32
      %parallel_loop3A_305 = vector.broadcast %parallel_loop3A_304 : i32 to vector<16xi32>
      %parallel_loop3A_306 = arith.cmpi slt, %parallel_loop3A_303, %parallel_loop3A_305 : vector<16xi32>
      %parallel_loop3A_307 = arith.constant 0.000000e+00 : f32
      %parallel_loop3A_308 = vector.broadcast %parallel_loop3A_307 : f32 to vector<16xf32>
      %parallel_loop3A_309 = arith.select %parallel_loop3A_306, %parallel_loop3A_300, %parallel_loop3A_308 : vector<16xi1>, vector<16xf32>
      %parallel_loop3A_310 = arith.addf %parallel_loop3A_209, %parallel_loop3A_309 : vector<16xf32>
      scf.yield %parallel_loop3A_310 : vector<16xf32>
    } {sc.loop_unroll_factor = 4 : i64, sc.parallel_access}
    %add3A_139 = arith.constant 24576 : i32
    %add3A_140 = arith.addi %mul3A_2, %add3A_139 : i32
    %dma_start3A_141 = tpu.memref_slice %arg5[%add3A_140] : memref<1048576xi32, #tpu.memory_space<hbm>> -> memref<4096xi32, #tpu.memory_space<hbm>>
    %dma_start3A_142 = tpu.memref_slice %arg5[%add3A_140] : memref<1048576xi32, #tpu.memory_space<hbm>> -> memref<4096xi32, #tpu.memory_space<hbm>>
    tpu.enqueue_dma source(%dma_start3A_142 : memref<4096xi32, #tpu.memory_space<hbm>>) target(%arg13 : memref<4096xi32, #tpu.memory_space<vmem>>) target_semaphore(%arg21 : memref<!tpu.dma_semaphore, #tpu.memory_space<semaphore_mem>>)
    %dma_start3A_143 = tpu.memref_slice %arg6[%add3A_140] : memref<1048576xi32, #tpu.memory_space<hbm>> -> memref<4096xi32, #tpu.memory_space<hbm>>
    %dma_start3A_144 = tpu.memref_slice %arg6[%add3A_140] : memref<1048576xi32, #tpu.memory_space<hbm>> -> memref<4096xi32, #tpu.memory_space<hbm>>
    tpu.enqueue_dma source(%dma_start3A_144 : memref<4096xi32, #tpu.memory_space<hbm>>) target(%arg15 : memref<4096xi32, #tpu.memory_space<vmem>>) target_semaphore(%arg21 : memref<!tpu.dma_semaphore, #tpu.memory_space<semaphore_mem>>)
    %dma_start3A_145 = tpu.memref_slice %arg7[%add3A_140] : memref<1048576xi32, #tpu.memory_space<hbm>> -> memref<4096xi32, #tpu.memory_space<hbm>>
    %dma_start3A_146 = tpu.memref_slice %arg7[%add3A_140] : memref<1048576xi32, #tpu.memory_space<hbm>> -> memref<4096xi32, #tpu.memory_space<hbm>>
    tpu.enqueue_dma source(%dma_start3A_146 : memref<4096xi32, #tpu.memory_space<hbm>>) target(%arg17 : memref<4096xi32, #tpu.memory_space<vmem>>) target_semaphore(%arg21 : memref<!tpu.dma_semaphore, #tpu.memory_space<semaphore_mem>>)
    %dma_wait3A_147 = arith.constant 0 : i32
    %dma_wait3A_148 = tpu.memref_slice %arg11[%dma_wait3A_147] : memref<100000xf32, #tpu.memory_space<vmem_shared>> -> memref<100000xf32, #tpu.memory_space<vmem_shared>>
    tpu.wait_indirect_dma semaphore(%arg24 : memref<!tpu.dma_semaphore, #tpu.memory_space<semaphore_mem>>) src(%dma_wait3A_148 : memref<100000xf32, #tpu.memory_space<vmem_shared>>) dst(%arg20 : memref<4096xf32, #tpu.memory_space<vmem>>)
    %dma_wait3A_149 = tpu.memref_slice %arg5[%add3A_140] : memref<1048576xi32, #tpu.memory_space<hbm>> -> memref<4096xi32, #tpu.memory_space<hbm>>
    %dma_wait3A_150 = tpu.memref_slice %arg5[%add3A_140] : memref<1048576xi32, #tpu.memory_space<hbm>> -> memref<4096xi32, #tpu.memory_space<hbm>>
    tpu.wait_dma2 semaphore(%arg21 : memref<!tpu.dma_semaphore, #tpu.memory_space<semaphore_mem>>) src(%dma_wait3A_150 : memref<4096xi32, #tpu.memory_space<hbm>>) dst(%arg13 : memref<4096xi32, #tpu.memory_space<vmem>>)
    %dma_wait3A_151 = tpu.memref_slice %arg6[%add3A_140] : memref<1048576xi32, #tpu.memory_space<hbm>> -> memref<4096xi32, #tpu.memory_space<hbm>>
    %dma_wait3A_152 = tpu.memref_slice %arg6[%add3A_140] : memref<1048576xi32, #tpu.memory_space<hbm>> -> memref<4096xi32, #tpu.memory_space<hbm>>
    tpu.wait_dma2 semaphore(%arg21 : memref<!tpu.dma_semaphore, #tpu.memory_space<semaphore_mem>>) src(%dma_wait3A_152 : memref<4096xi32, #tpu.memory_space<hbm>>) dst(%arg15 : memref<4096xi32, #tpu.memory_space<vmem>>)
    %dma_wait3A_153 = tpu.memref_slice %arg7[%add3A_140] : memref<1048576xi32, #tpu.memory_space<hbm>> -> memref<4096xi32, #tpu.memory_space<hbm>>
    %dma_wait3A_154 = tpu.memref_slice %arg7[%add3A_140] : memref<1048576xi32, #tpu.memory_space<hbm>> -> memref<4096xi32, #tpu.memory_space<hbm>>
    tpu.wait_dma2 semaphore(%arg21 : memref<!tpu.dma_semaphore, #tpu.memory_space<semaphore_mem>>) src(%dma_wait3A_154 : memref<4096xi32, #tpu.memory_space<hbm>>) dst(%arg17 : memref<4096xi32, #tpu.memory_space<vmem>>)
    %dma_start3A_155 = arith.constant 0 : i32
    %dma_start3A_156 = tpu.memref_slice %arg11[%dma_start3A_155] : memref<100000xf32, #tpu.memory_space<vmem_shared>> -> memref<100000xf32, #tpu.memory_space<vmem_shared>>
    tpu.enqueue_indirect_dma source(%dma_start3A_156 : memref<100000xf32, #tpu.memory_space<vmem_shared>>) target(%arg19 : memref<4096xf32, #tpu.memory_space<vmem>>) offsets(%arg15 : memref<4096xi32, #tpu.memory_space<vmem>>) semaphore(%arg23 : memref<!tpu.dma_semaphore, #tpu.memory_space<semaphore_mem>>)
    %add3A_157 = arith.constant 20480 : i32
    %add3A_158 = arith.addi %mul3A_2, %add3A_157 : i32
    %parallel_loop3A_159 = arith.constant 0 : i32
    %parallel_loop3A_160 = arith.constant 4096 : i32
    %parallel_loop3A_161 = arith.constant 16 : i32
    %parallel_loop3A_162 = scf.for %parallel_loop3A_208 = %parallel_loop3A_159 to %parallel_loop3A_160 step %parallel_loop3A_161 iter_args(%parallel_loop3A_209 = %parallel_loop3A_138) -> (vector<16xf32>)  : i32 {
      %parallel_loop3A_210 = arith.index_cast %parallel_loop3A_208 : i32 to index
      %parallel_loop3A_211 = tpu.vector_load %arg14[%parallel_loop3A_210] {strides = array<i32>} : memref<4096xi32, #tpu.memory_space<vmem>>, vector<16xi32>,
      %parallel_loop3A_212 = arith.index_cast %parallel_loop3A_208 : i32 to index
      %parallel_loop3A_213 = tpu.vector_load %arg18[%parallel_loop3A_212] {strides = array<i32>} : memref<4096xi32, #tpu.memory_space<vmem>>, vector<16xi32>,
      %parallel_loop3A_214 = arith.constant 6 : i32
      %parallel_loop3A_215 = vector.broadcast %parallel_loop3A_214 : i32 to vector<16xi32>
      %parallel_loop3A_216 = arith.muli %parallel_loop3A_211, %parallel_loop3A_215 : vector<16xi32>
      %parallel_loop3A_217 = arith.addi %parallel_loop3A_216, %parallel_loop3A_213 : vector<16xi32>
      %parallel_loop3A_218 = tpu.vector_load_idx %arg9[%parallel_loop3A_211] : memref<10000xf32, #tpu.memory_space<vmem>>[vector<16xi32>], vector<16xf32>,
      %parallel_loop3A_219 = arith.constant 1 : i32
      %parallel_loop3A_220 = vector.broadcast %parallel_loop3A_219 : i32 to vector<16xi32>
      %parallel_loop3A_221 = arith.subi %parallel_loop3A_217, %parallel_loop3A_220 : vector<16xi32>
      %parallel_loop3A_222 = tpu.vector_load_idx %arg10[%parallel_loop3A_221] : memref<60000xf32, #tpu.memory_space<vmem>>[vector<16xi32>], vector<16xf32>,
      %parallel_loop3A_223 = tpu.vector_load_idx %arg10[%parallel_loop3A_217] : memref<60000xf32, #tpu.memory_space<vmem>>[vector<16xi32>], vector<16xf32>,
      %parallel_loop3A_224 = arith.index_cast %parallel_loop3A_208 : i32 to index
      %parallel_loop3A_225 = tpu.vector_load %arg20[%parallel_loop3A_224] {strides = array<i32>} : memref<4096xf32, #tpu.memory_space<vmem>>, vector<16xf32>,
      %parallel_loop3A_226 = arith.subf %parallel_loop3A_225, %parallel_loop3A_222 : vector<16xf32>
      %parallel_loop3A_227 = arith.mulf %parallel_loop3A_218, %parallel_loop3A_226 : vector<16xf32>
      %parallel_loop3A_228 = arith.constant -3.000000e+01 : f32
      %parallel_loop3A_229 = vector.broadcast %parallel_loop3A_228 : f32 to vector<16xf32>
      %parallel_loop3A_230 = arith.maximumf %parallel_loop3A_227, %parallel_loop3A_229 : vector<16xf32>
      %parallel_loop3A_231 = arith.subf %parallel_loop3A_225, %parallel_loop3A_223 : vector<16xf32>
      %parallel_loop3A_232 = arith.mulf %parallel_loop3A_218, %parallel_loop3A_231 : vector<16xf32>
      %parallel_loop3A_233 = arith.constant -3.000000e+01 : f32
      %parallel_loop3A_234 = vector.broadcast %parallel_loop3A_233 : f32 to vector<16xf32>
      %parallel_loop3A_235 = arith.maximumf %parallel_loop3A_232, %parallel_loop3A_234 : vector<16xf32>
      %parallel_loop3A_236 = arith.constant 0.000000e+00 : f32
      %parallel_loop3A_237 = vector.broadcast %parallel_loop3A_236 : f32 to vector<16xf32>
      %parallel_loop3A_238 = arith.subf %parallel_loop3A_237, %parallel_loop3A_230 : vector<16xf32>
      %parallel_loop3A_239 = math.exp %parallel_loop3A_238 : vector<16xf32>
      %parallel_loop3A_240 = arith.constant 0.000000e+00 : f32
      %parallel_loop3A_241 = vector.broadcast %parallel_loop3A_240 : f32 to vector<16xf32>
      %parallel_loop3A_242 = arith.subf %parallel_loop3A_241, %parallel_loop3A_235 : vector<16xf32>
      %parallel_loop3A_243 = math.exp %parallel_loop3A_242 : vector<16xf32>
      %parallel_loop3A_244 = arith.subf %parallel_loop3A_243, %parallel_loop3A_239 : vector<16xf32>
      %parallel_loop3A_245 = arith.constant 1.000000e+00 : f32
      %parallel_loop3A_246 = vector.broadcast %parallel_loop3A_245 : f32 to vector<16xf32>
      %parallel_loop3A_247 = arith.addf %parallel_loop3A_246, %parallel_loop3A_239 : vector<16xf32>
      %parallel_loop3A_248 = arith.constant 1.000000e+00 : f32
      %parallel_loop3A_249 = vector.broadcast %parallel_loop3A_248 : f32 to vector<16xf32>
      %parallel_loop3A_250 = arith.addf %parallel_loop3A_249, %parallel_loop3A_243 : vector<16xf32>
      %parallel_loop3A_251 = arith.mulf %parallel_loop3A_247, %parallel_loop3A_250 : vector<16xf32>
      %parallel_loop3A_252 = arith.divf %parallel_loop3A_244, %parallel_loop3A_251 : vector<16xf32>
      %parallel_loop3A_253 = arith.constant 9.99999991E-38 : f32
      %parallel_loop3A_254 = vector.broadcast %parallel_loop3A_253 : f32 to vector<16xf32>
      %parallel_loop3A_255 = arith.maximumf %parallel_loop3A_252, %parallel_loop3A_254 : vector<16xf32>
      %parallel_loop3A_256 = vector.bitcast %parallel_loop3A_255 : vector<16xf32> to vector<16xi32>
      %parallel_loop3A_257 = arith.constant 23 : i32
      %parallel_loop3A_258 = vector.broadcast %parallel_loop3A_257 : i32 to vector<16xi32>
      %parallel_loop3A_259 = arith.shrui %parallel_loop3A_256, %parallel_loop3A_258 : vector<16xi32>
      %parallel_loop3A_260 = arith.constant 127 : i32
      %parallel_loop3A_261 = vector.broadcast %parallel_loop3A_260 : i32 to vector<16xi32>
      %parallel_loop3A_262 = arith.subi %parallel_loop3A_259, %parallel_loop3A_261 : vector<16xi32>
      %parallel_loop3A_263 = arith.constant 8388607 : i32
      %parallel_loop3A_264 = vector.broadcast %parallel_loop3A_263 : i32 to vector<16xi32>
      %parallel_loop3A_265 = arith.andi %parallel_loop3A_256, %parallel_loop3A_264 : vector<16xi32>
      %parallel_loop3A_266 = arith.constant 1065353216 : i32
      %parallel_loop3A_267 = vector.broadcast %parallel_loop3A_266 : i32 to vector<16xi32>
      %parallel_loop3A_268 = arith.ori %parallel_loop3A_265, %parallel_loop3A_267 : vector<16xi32>
      %parallel_loop3A_269 = vector.bitcast %parallel_loop3A_268 : vector<16xi32> to vector<16xf32>
      %parallel_loop3A_270 = arith.constant 1.000000e+00 : f32
      %parallel_loop3A_271 = vector.broadcast %parallel_loop3A_270 : f32 to vector<16xf32>
      %parallel_loop3A_272 = arith.subf %parallel_loop3A_269, %parallel_loop3A_271 : vector<16xf32>
      %parallel_loop3A_273 = arith.constant 1.000000e+00 : f32
      %parallel_loop3A_274 = vector.broadcast %parallel_loop3A_273 : f32 to vector<16xf32>
      %parallel_loop3A_275 = arith.addf %parallel_loop3A_269, %parallel_loop3A_274 : vector<16xf32>
      %parallel_loop3A_276 = arith.divf %parallel_loop3A_272, %parallel_loop3A_275 : vector<16xf32>
      %parallel_loop3A_277 = arith.mulf %parallel_loop3A_276, %parallel_loop3A_276 : vector<16xf32>
      %parallel_loop3A_278 = arith.constant 0.142857149 : f32
      %parallel_loop3A_279 = vector.broadcast %parallel_loop3A_278 : f32 to vector<16xf32>
      %parallel_loop3A_280 = arith.mulf %parallel_loop3A_277, %parallel_loop3A_279 : vector<16xf32>
      %parallel_loop3A_281 = arith.constant 2.000000e-01 : f32
      %parallel_loop3A_282 = vector.broadcast %parallel_loop3A_281 : f32 to vector<16xf32>
      %parallel_loop3A_283 = arith.addf %parallel_loop3A_282, %parallel_loop3A_280 : vector<16xf32>
      %parallel_loop3A_284 = arith.mulf %parallel_loop3A_277, %parallel_loop3A_283 : vector<16xf32>
      %parallel_loop3A_285 = arith.constant 0.333333343 : f32
      %parallel_loop3A_286 = vector.broadcast %parallel_loop3A_285 : f32 to vector<16xf32>
      %parallel_loop3A_287 = arith.addf %parallel_loop3A_286, %parallel_loop3A_284 : vector<16xf32>
      %parallel_loop3A_288 = arith.mulf %parallel_loop3A_277, %parallel_loop3A_287 : vector<16xf32>
      %parallel_loop3A_289 = arith.constant 1.000000e+00 : f32
      %parallel_loop3A_290 = vector.broadcast %parallel_loop3A_289 : f32 to vector<16xf32>
      %parallel_loop3A_291 = arith.addf %parallel_loop3A_290, %parallel_loop3A_288 : vector<16xf32>
      %parallel_loop3A_292 = arith.mulf %parallel_loop3A_276, %parallel_loop3A_291 : vector<16xf32>
      %parallel_loop3A_293 = arith.sitofp %parallel_loop3A_262 : vector<16xi32> to vector<16xf32>
      %parallel_loop3A_294 = arith.constant 0.693147182 : f32
      %parallel_loop3A_295 = vector.broadcast %parallel_loop3A_294 : f32 to vector<16xf32>
      %parallel_loop3A_296 = arith.mulf %parallel_loop3A_293, %parallel_loop3A_295 : vector<16xf32>
      %parallel_loop3A_297 = arith.constant 2.000000e+00 : f32
      %parallel_loop3A_298 = vector.broadcast %parallel_loop3A_297 : f32 to vector<16xf32>
      %parallel_loop3A_299 = arith.mulf %parallel_loop3A_298, %parallel_loop3A_292 : vector<16xf32>
      %parallel_loop3A_300 = arith.addf %parallel_loop3A_296, %parallel_loop3A_299 : vector<16xf32>
      %parallel_loop3A_301 = arith.addi %add3A_158, %parallel_loop3A_208 : i32
      %parallel_loop3A_302 = vector.broadcast %parallel_loop3A_301 : i32 to vector<16xi32>
      %parallel_loop3A_303 = arith.addi %parallel_loop3A_302, %iota3A : vector<16xi32>
      %parallel_loop3A_304 = arith.constant 1000000 : i32
      %parallel_loop3A_305 = vector.broadcast %parallel_loop3A_304 : i32 to vector<16xi32>
      %parallel_loop3A_306 = arith.cmpi slt, %parallel_loop3A_303, %parallel_loop3A_305 : vector<16xi32>
      %parallel_loop3A_307 = arith.constant 0.000000e+00 : f32
      %parallel_loop3A_308 = vector.broadcast %parallel_loop3A_307 : f32 to vector<16xf32>
      %parallel_loop3A_309 = arith.select %parallel_loop3A_306, %parallel_loop3A_300, %parallel_loop3A_308 : vector<16xi1>, vector<16xf32>
      %parallel_loop3A_310 = arith.addf %parallel_loop3A_209, %parallel_loop3A_309 : vector<16xf32>
      scf.yield %parallel_loop3A_310 : vector<16xf32>
    } {sc.loop_unroll_factor = 4 : i64, sc.parallel_access}
    %add3A_163 = arith.constant 28672 : i32
    %add3A_164 = arith.addi %mul3A_2, %add3A_163 : i32
    %dma_start3A_165 = tpu.memref_slice %arg5[%add3A_164] : memref<1048576xi32, #tpu.memory_space<hbm>> -> memref<4096xi32, #tpu.memory_space<hbm>>
    %dma_start3A_166 = tpu.memref_slice %arg5[%add3A_164] : memref<1048576xi32, #tpu.memory_space<hbm>> -> memref<4096xi32, #tpu.memory_space<hbm>>
    tpu.enqueue_dma source(%dma_start3A_166 : memref<4096xi32, #tpu.memory_space<hbm>>) target(%arg14 : memref<4096xi32, #tpu.memory_space<vmem>>) target_semaphore(%arg22 : memref<!tpu.dma_semaphore, #tpu.memory_space<semaphore_mem>>)
    %dma_start3A_167 = tpu.memref_slice %arg6[%add3A_164] : memref<1048576xi32, #tpu.memory_space<hbm>> -> memref<4096xi32, #tpu.memory_space<hbm>>
    %dma_start3A_168 = tpu.memref_slice %arg6[%add3A_164] : memref<1048576xi32, #tpu.memory_space<hbm>> -> memref<4096xi32, #tpu.memory_space<hbm>>
    tpu.enqueue_dma source(%dma_start3A_168 : memref<4096xi32, #tpu.memory_space<hbm>>) target(%arg16 : memref<4096xi32, #tpu.memory_space<vmem>>) target_semaphore(%arg22 : memref<!tpu.dma_semaphore, #tpu.memory_space<semaphore_mem>>)
    %dma_start3A_169 = tpu.memref_slice %arg7[%add3A_164] : memref<1048576xi32, #tpu.memory_space<hbm>> -> memref<4096xi32, #tpu.memory_space<hbm>>
    %dma_start3A_170 = tpu.memref_slice %arg7[%add3A_164] : memref<1048576xi32, #tpu.memory_space<hbm>> -> memref<4096xi32, #tpu.memory_space<hbm>>
    tpu.enqueue_dma source(%dma_start3A_170 : memref<4096xi32, #tpu.memory_space<hbm>>) target(%arg18 : memref<4096xi32, #tpu.memory_space<vmem>>) target_semaphore(%arg22 : memref<!tpu.dma_semaphore, #tpu.memory_space<semaphore_mem>>)
    %dma_wait3A_171 = arith.constant 0 : i32
    %dma_wait3A_172 = tpu.memref_slice %arg11[%dma_wait3A_171] : memref<100000xf32, #tpu.memory_space<vmem_shared>> -> memref<100000xf32, #tpu.memory_space<vmem_shared>>
    tpu.wait_indirect_dma semaphore(%arg23 : memref<!tpu.dma_semaphore, #tpu.memory_space<semaphore_mem>>) src(%dma_wait3A_172 : memref<100000xf32, #tpu.memory_space<vmem_shared>>) dst(%arg19 : memref<4096xf32, #tpu.memory_space<vmem>>)
    %dma_wait3A_173 = tpu.memref_slice %arg5[%add3A_164] : memref<1048576xi32, #tpu.memory_space<hbm>> -> memref<4096xi32, #tpu.memory_space<hbm>>
    %dma_wait3A_174 = tpu.memref_slice %arg5[%add3A_164] : memref<1048576xi32, #tpu.memory_space<hbm>> -> memref<4096xi32, #tpu.memory_space<hbm>>
    tpu.wait_dma2 semaphore(%arg22 : memref<!tpu.dma_semaphore, #tpu.memory_space<semaphore_mem>>) src(%dma_wait3A_174 : memref<4096xi32, #tpu.memory_space<hbm>>) dst(%arg14 : memref<4096xi32, #tpu.memory_space<vmem>>)
    %dma_wait3A_175 = tpu.memref_slice %arg6[%add3A_164] : memref<1048576xi32, #tpu.memory_space<hbm>> -> memref<4096xi32, #tpu.memory_space<hbm>>
    %dma_wait3A_176 = tpu.memref_slice %arg6[%add3A_164] : memref<1048576xi32, #tpu.memory_space<hbm>> -> memref<4096xi32, #tpu.memory_space<hbm>>
    tpu.wait_dma2 semaphore(%arg22 : memref<!tpu.dma_semaphore, #tpu.memory_space<semaphore_mem>>) src(%dma_wait3A_176 : memref<4096xi32, #tpu.memory_space<hbm>>) dst(%arg16 : memref<4096xi32, #tpu.memory_space<vmem>>)
    %dma_wait3A_177 = tpu.memref_slice %arg7[%add3A_164] : memref<1048576xi32, #tpu.memory_space<hbm>> -> memref<4096xi32, #tpu.memory_space<hbm>>
    %dma_wait3A_178 = tpu.memref_slice %arg7[%add3A_164] : memref<1048576xi32, #tpu.memory_space<hbm>> -> memref<4096xi32, #tpu.memory_space<hbm>>
    tpu.wait_dma2 semaphore(%arg22 : memref<!tpu.dma_semaphore, #tpu.memory_space<semaphore_mem>>) src(%dma_wait3A_178 : memref<4096xi32, #tpu.memory_space<hbm>>) dst(%arg18 : memref<4096xi32, #tpu.memory_space<vmem>>)
    %dma_start3A_179 = arith.constant 0 : i32
    %dma_start3A_180 = tpu.memref_slice %arg11[%dma_start3A_179] : memref<100000xf32, #tpu.memory_space<vmem_shared>> -> memref<100000xf32, #tpu.memory_space<vmem_shared>>
    tpu.enqueue_indirect_dma source(%dma_start3A_180 : memref<100000xf32, #tpu.memory_space<vmem_shared>>) target(%arg20 : memref<4096xf32, #tpu.memory_space<vmem>>) offsets(%arg16 : memref<4096xi32, #tpu.memory_space<vmem>>) semaphore(%arg24 : memref<!tpu.dma_semaphore, #tpu.memory_space<semaphore_mem>>)
    %add3A_181 = arith.constant 24576 : i32
    %add3A_182 = arith.addi %mul3A_2, %add3A_181 : i32
    %parallel_loop3A_183 = arith.constant 0 : i32
    %parallel_loop3A_184 = arith.constant 4096 : i32
    %parallel_loop3A_185 = arith.constant 16 : i32
    %parallel_loop3A_186 = scf.for %parallel_loop3A_208 = %parallel_loop3A_183 to %parallel_loop3A_184 step %parallel_loop3A_185 iter_args(%parallel_loop3A_209 = %parallel_loop3A_162) -> (vector<16xf32>)  : i32 {
      %parallel_loop3A_210 = arith.index_cast %parallel_loop3A_208 : i32 to index
      %parallel_loop3A_211 = tpu.vector_load %arg13[%parallel_loop3A_210] {strides = array<i32>} : memref<4096xi32, #tpu.memory_space<vmem>>, vector<16xi32>,
      %parallel_loop3A_212 = arith.index_cast %parallel_loop3A_208 : i32 to index
      %parallel_loop3A_213 = tpu.vector_load %arg17[%parallel_loop3A_212] {strides = array<i32>} : memref<4096xi32, #tpu.memory_space<vmem>>, vector<16xi32>,
      %parallel_loop3A_214 = arith.constant 6 : i32
      %parallel_loop3A_215 = vector.broadcast %parallel_loop3A_214 : i32 to vector<16xi32>
      %parallel_loop3A_216 = arith.muli %parallel_loop3A_211, %parallel_loop3A_215 : vector<16xi32>
      %parallel_loop3A_217 = arith.addi %parallel_loop3A_216, %parallel_loop3A_213 : vector<16xi32>
      %parallel_loop3A_218 = tpu.vector_load_idx %arg9[%parallel_loop3A_211] : memref<10000xf32, #tpu.memory_space<vmem>>[vector<16xi32>], vector<16xf32>,
      %parallel_loop3A_219 = arith.constant 1 : i32
      %parallel_loop3A_220 = vector.broadcast %parallel_loop3A_219 : i32 to vector<16xi32>
      %parallel_loop3A_221 = arith.subi %parallel_loop3A_217, %parallel_loop3A_220 : vector<16xi32>
      %parallel_loop3A_222 = tpu.vector_load_idx %arg10[%parallel_loop3A_221] : memref<60000xf32, #tpu.memory_space<vmem>>[vector<16xi32>], vector<16xf32>,
      %parallel_loop3A_223 = tpu.vector_load_idx %arg10[%parallel_loop3A_217] : memref<60000xf32, #tpu.memory_space<vmem>>[vector<16xi32>], vector<16xf32>,
      %parallel_loop3A_224 = arith.index_cast %parallel_loop3A_208 : i32 to index
      %parallel_loop3A_225 = tpu.vector_load %arg19[%parallel_loop3A_224] {strides = array<i32>} : memref<4096xf32, #tpu.memory_space<vmem>>, vector<16xf32>,
      %parallel_loop3A_226 = arith.subf %parallel_loop3A_225, %parallel_loop3A_222 : vector<16xf32>
      %parallel_loop3A_227 = arith.mulf %parallel_loop3A_218, %parallel_loop3A_226 : vector<16xf32>
      %parallel_loop3A_228 = arith.constant -3.000000e+01 : f32
      %parallel_loop3A_229 = vector.broadcast %parallel_loop3A_228 : f32 to vector<16xf32>
      %parallel_loop3A_230 = arith.maximumf %parallel_loop3A_227, %parallel_loop3A_229 : vector<16xf32>
      %parallel_loop3A_231 = arith.subf %parallel_loop3A_225, %parallel_loop3A_223 : vector<16xf32>
      %parallel_loop3A_232 = arith.mulf %parallel_loop3A_218, %parallel_loop3A_231 : vector<16xf32>
      %parallel_loop3A_233 = arith.constant -3.000000e+01 : f32
      %parallel_loop3A_234 = vector.broadcast %parallel_loop3A_233 : f32 to vector<16xf32>
      %parallel_loop3A_235 = arith.maximumf %parallel_loop3A_232, %parallel_loop3A_234 : vector<16xf32>
      %parallel_loop3A_236 = arith.constant 0.000000e+00 : f32
      %parallel_loop3A_237 = vector.broadcast %parallel_loop3A_236 : f32 to vector<16xf32>
      %parallel_loop3A_238 = arith.subf %parallel_loop3A_237, %parallel_loop3A_230 : vector<16xf32>
      %parallel_loop3A_239 = math.exp %parallel_loop3A_238 : vector<16xf32>
      %parallel_loop3A_240 = arith.constant 0.000000e+00 : f32
      %parallel_loop3A_241 = vector.broadcast %parallel_loop3A_240 : f32 to vector<16xf32>
      %parallel_loop3A_242 = arith.subf %parallel_loop3A_241, %parallel_loop3A_235 : vector<16xf32>
      %parallel_loop3A_243 = math.exp %parallel_loop3A_242 : vector<16xf32>
      %parallel_loop3A_244 = arith.subf %parallel_loop3A_243, %parallel_loop3A_239 : vector<16xf32>
      %parallel_loop3A_245 = arith.constant 1.000000e+00 : f32
      %parallel_loop3A_246 = vector.broadcast %parallel_loop3A_245 : f32 to vector<16xf32>
      %parallel_loop3A_247 = arith.addf %parallel_loop3A_246, %parallel_loop3A_239 : vector<16xf32>
      %parallel_loop3A_248 = arith.constant 1.000000e+00 : f32
      %parallel_loop3A_249 = vector.broadcast %parallel_loop3A_248 : f32 to vector<16xf32>
      %parallel_loop3A_250 = arith.addf %parallel_loop3A_249, %parallel_loop3A_243 : vector<16xf32>
      %parallel_loop3A_251 = arith.mulf %parallel_loop3A_247, %parallel_loop3A_250 : vector<16xf32>
      %parallel_loop3A_252 = arith.divf %parallel_loop3A_244, %parallel_loop3A_251 : vector<16xf32>
      %parallel_loop3A_253 = arith.constant 9.99999991E-38 : f32
      %parallel_loop3A_254 = vector.broadcast %parallel_loop3A_253 : f32 to vector<16xf32>
      %parallel_loop3A_255 = arith.maximumf %parallel_loop3A_252, %parallel_loop3A_254 : vector<16xf32>
      %parallel_loop3A_256 = vector.bitcast %parallel_loop3A_255 : vector<16xf32> to vector<16xi32>
      %parallel_loop3A_257 = arith.constant 23 : i32
      %parallel_loop3A_258 = vector.broadcast %parallel_loop3A_257 : i32 to vector<16xi32>
      %parallel_loop3A_259 = arith.shrui %parallel_loop3A_256, %parallel_loop3A_258 : vector<16xi32>
      %parallel_loop3A_260 = arith.constant 127 : i32
      %parallel_loop3A_261 = vector.broadcast %parallel_loop3A_260 : i32 to vector<16xi32>
      %parallel_loop3A_262 = arith.subi %parallel_loop3A_259, %parallel_loop3A_261 : vector<16xi32>
      %parallel_loop3A_263 = arith.constant 8388607 : i32
      %parallel_loop3A_264 = vector.broadcast %parallel_loop3A_263 : i32 to vector<16xi32>
      %parallel_loop3A_265 = arith.andi %parallel_loop3A_256, %parallel_loop3A_264 : vector<16xi32>
      %parallel_loop3A_266 = arith.constant 1065353216 : i32
      %parallel_loop3A_267 = vector.broadcast %parallel_loop3A_266 : i32 to vector<16xi32>
      %parallel_loop3A_268 = arith.ori %parallel_loop3A_265, %parallel_loop3A_267 : vector<16xi32>
      %parallel_loop3A_269 = vector.bitcast %parallel_loop3A_268 : vector<16xi32> to vector<16xf32>
      %parallel_loop3A_270 = arith.constant 1.000000e+00 : f32
      %parallel_loop3A_271 = vector.broadcast %parallel_loop3A_270 : f32 to vector<16xf32>
      %parallel_loop3A_272 = arith.subf %parallel_loop3A_269, %parallel_loop3A_271 : vector<16xf32>
      %parallel_loop3A_273 = arith.constant 1.000000e+00 : f32
      %parallel_loop3A_274 = vector.broadcast %parallel_loop3A_273 : f32 to vector<16xf32>
      %parallel_loop3A_275 = arith.addf %parallel_loop3A_269, %parallel_loop3A_274 : vector<16xf32>
      %parallel_loop3A_276 = arith.divf %parallel_loop3A_272, %parallel_loop3A_275 : vector<16xf32>
      %parallel_loop3A_277 = arith.mulf %parallel_loop3A_276, %parallel_loop3A_276 : vector<16xf32>
      %parallel_loop3A_278 = arith.constant 0.142857149 : f32
      %parallel_loop3A_279 = vector.broadcast %parallel_loop3A_278 : f32 to vector<16xf32>
      %parallel_loop3A_280 = arith.mulf %parallel_loop3A_277, %parallel_loop3A_279 : vector<16xf32>
      %parallel_loop3A_281 = arith.constant 2.000000e-01 : f32
      %parallel_loop3A_282 = vector.broadcast %parallel_loop3A_281 : f32 to vector<16xf32>
      %parallel_loop3A_283 = arith.addf %parallel_loop3A_282, %parallel_loop3A_280 : vector<16xf32>
      %parallel_loop3A_284 = arith.mulf %parallel_loop3A_277, %parallel_loop3A_283 : vector<16xf32>
      %parallel_loop3A_285 = arith.constant 0.333333343 : f32
      %parallel_loop3A_286 = vector.broadcast %parallel_loop3A_285 : f32 to vector<16xf32>
      %parallel_loop3A_287 = arith.addf %parallel_loop3A_286, %parallel_loop3A_284 : vector<16xf32>
      %parallel_loop3A_288 = arith.mulf %parallel_loop3A_277, %parallel_loop3A_287 : vector<16xf32>
      %parallel_loop3A_289 = arith.constant 1.000000e+00 : f32
      %parallel_loop3A_290 = vector.broadcast %parallel_loop3A_289 : f32 to vector<16xf32>
      %parallel_loop3A_291 = arith.addf %parallel_loop3A_290, %parallel_loop3A_288 : vector<16xf32>
      %parallel_loop3A_292 = arith.mulf %parallel_loop3A_276, %parallel_loop3A_291 : vector<16xf32>
      %parallel_loop3A_293 = arith.sitofp %parallel_loop3A_262 : vector<16xi32> to vector<16xf32>
      %parallel_loop3A_294 = arith.constant 0.693147182 : f32
      %parallel_loop3A_295 = vector.broadcast %parallel_loop3A_294 : f32 to vector<16xf32>
      %parallel_loop3A_296 = arith.mulf %parallel_loop3A_293, %parallel_loop3A_295 : vector<16xf32>
      %parallel_loop3A_297 = arith.constant 2.000000e+00 : f32
      %parallel_loop3A_298 = vector.broadcast %parallel_loop3A_297 : f32 to vector<16xf32>
      %parallel_loop3A_299 = arith.mulf %parallel_loop3A_298, %parallel_loop3A_292 : vector<16xf32>
      %parallel_loop3A_300 = arith.addf %parallel_loop3A_296, %parallel_loop3A_299 : vector<16xf32>
      %parallel_loop3A_301 = arith.addi %add3A_182, %parallel_loop3A_208 : i32
      %parallel_loop3A_302 = vector.broadcast %parallel_loop3A_301 : i32 to vector<16xi32>
      %parallel_loop3A_303 = arith.addi %parallel_loop3A_302, %iota3A : vector<16xi32>
      %parallel_loop3A_304 = arith.constant 1000000 : i32
      %parallel_loop3A_305 = vector.broadcast %parallel_loop3A_304 : i32 to vector<16xi32>
      %parallel_loop3A_306 = arith.cmpi slt, %parallel_loop3A_303, %parallel_loop3A_305 : vector<16xi32>
      %parallel_loop3A_307 = arith.constant 0.000000e+00 : f32
      %parallel_loop3A_308 = vector.broadcast %parallel_loop3A_307 : f32 to vector<16xf32>
      %parallel_loop3A_309 = arith.select %parallel_loop3A_306, %parallel_loop3A_300, %parallel_loop3A_308 : vector<16xi1>, vector<16xf32>
      %parallel_loop3A_310 = arith.addf %parallel_loop3A_209, %parallel_loop3A_309 : vector<16xf32>
      scf.yield %parallel_loop3A_310 : vector<16xf32>
    } {sc.loop_unroll_factor = 4 : i64, sc.parallel_access}
    %dma_wait3A_187 = arith.constant 0 : i32
    %dma_wait3A_188 = tpu.memref_slice %arg11[%dma_wait3A_187] : memref<100000xf32, #tpu.memory_space<vmem_shared>> -> memref<100000xf32, #tpu.memory_space<vmem_shared>>
    tpu.wait_indirect_dma semaphore(%arg24 : memref<!tpu.dma_semaphore, #tpu.memory_space<semaphore_mem>>) src(%dma_wait3A_188 : memref<100000xf32, #tpu.memory_space<vmem_shared>>) dst(%arg20 : memref<4096xf32, #tpu.memory_space<vmem>>)
    %add3A_189 = arith.constant 28672 : i32
    %add3A_190 = arith.addi %mul3A_2, %add3A_189 : i32
    %parallel_loop3A_191 = arith.constant 0 : i32
    %parallel_loop3A_192 = arith.constant 4096 : i32
    %parallel_loop3A_193 = arith.constant 16 : i32
    %parallel_loop3A_194 = scf.for %parallel_loop3A_208 = %parallel_loop3A_191 to %parallel_loop3A_192 step %parallel_loop3A_193 iter_args(%parallel_loop3A_209 = %parallel_loop3A_186) -> (vector<16xf32>)  : i32 {
      %parallel_loop3A_210 = arith.index_cast %parallel_loop3A_208 : i32 to index
      %parallel_loop3A_211 = tpu.vector_load %arg14[%parallel_loop3A_210] {strides = array<i32>} : memref<4096xi32, #tpu.memory_space<vmem>>, vector<16xi32>,
      %parallel_loop3A_212 = arith.index_cast %parallel_loop3A_208 : i32 to index
      %parallel_loop3A_213 = tpu.vector_load %arg18[%parallel_loop3A_212] {strides = array<i32>} : memref<4096xi32, #tpu.memory_space<vmem>>, vector<16xi32>,
      %parallel_loop3A_214 = arith.constant 6 : i32
      %parallel_loop3A_215 = vector.broadcast %parallel_loop3A_214 : i32 to vector<16xi32>
      %parallel_loop3A_216 = arith.muli %parallel_loop3A_211, %parallel_loop3A_215 : vector<16xi32>
      %parallel_loop3A_217 = arith.addi %parallel_loop3A_216, %parallel_loop3A_213 : vector<16xi32>
      %parallel_loop3A_218 = tpu.vector_load_idx %arg9[%parallel_loop3A_211] : memref<10000xf32, #tpu.memory_space<vmem>>[vector<16xi32>], vector<16xf32>,
      %parallel_loop3A_219 = arith.constant 1 : i32
      %parallel_loop3A_220 = vector.broadcast %parallel_loop3A_219 : i32 to vector<16xi32>
      %parallel_loop3A_221 = arith.subi %parallel_loop3A_217, %parallel_loop3A_220 : vector<16xi32>
      %parallel_loop3A_222 = tpu.vector_load_idx %arg10[%parallel_loop3A_221] : memref<60000xf32, #tpu.memory_space<vmem>>[vector<16xi32>], vector<16xf32>,
      %parallel_loop3A_223 = tpu.vector_load_idx %arg10[%parallel_loop3A_217] : memref<60000xf32, #tpu.memory_space<vmem>>[vector<16xi32>], vector<16xf32>,
      %parallel_loop3A_224 = arith.index_cast %parallel_loop3A_208 : i32 to index
      %parallel_loop3A_225 = tpu.vector_load %arg20[%parallel_loop3A_224] {strides = array<i32>} : memref<4096xf32, #tpu.memory_space<vmem>>, vector<16xf32>,
      %parallel_loop3A_226 = arith.subf %parallel_loop3A_225, %parallel_loop3A_222 : vector<16xf32>
      %parallel_loop3A_227 = arith.mulf %parallel_loop3A_218, %parallel_loop3A_226 : vector<16xf32>
      %parallel_loop3A_228 = arith.constant -3.000000e+01 : f32
      %parallel_loop3A_229 = vector.broadcast %parallel_loop3A_228 : f32 to vector<16xf32>
      %parallel_loop3A_230 = arith.maximumf %parallel_loop3A_227, %parallel_loop3A_229 : vector<16xf32>
      %parallel_loop3A_231 = arith.subf %parallel_loop3A_225, %parallel_loop3A_223 : vector<16xf32>
      %parallel_loop3A_232 = arith.mulf %parallel_loop3A_218, %parallel_loop3A_231 : vector<16xf32>
      %parallel_loop3A_233 = arith.constant -3.000000e+01 : f32
      %parallel_loop3A_234 = vector.broadcast %parallel_loop3A_233 : f32 to vector<16xf32>
      %parallel_loop3A_235 = arith.maximumf %parallel_loop3A_232, %parallel_loop3A_234 : vector<16xf32>
      %parallel_loop3A_236 = arith.constant 0.000000e+00 : f32
      %parallel_loop3A_237 = vector.broadcast %parallel_loop3A_236 : f32 to vector<16xf32>
      %parallel_loop3A_238 = arith.subf %parallel_loop3A_237, %parallel_loop3A_230 : vector<16xf32>
      %parallel_loop3A_239 = math.exp %parallel_loop3A_238 : vector<16xf32>
      %parallel_loop3A_240 = arith.constant 0.000000e+00 : f32
      %parallel_loop3A_241 = vector.broadcast %parallel_loop3A_240 : f32 to vector<16xf32>
      %parallel_loop3A_242 = arith.subf %parallel_loop3A_241, %parallel_loop3A_235 : vector<16xf32>
      %parallel_loop3A_243 = math.exp %parallel_loop3A_242 : vector<16xf32>
      %parallel_loop3A_244 = arith.subf %parallel_loop3A_243, %parallel_loop3A_239 : vector<16xf32>
      %parallel_loop3A_245 = arith.constant 1.000000e+00 : f32
      %parallel_loop3A_246 = vector.broadcast %parallel_loop3A_245 : f32 to vector<16xf32>
      %parallel_loop3A_247 = arith.addf %parallel_loop3A_246, %parallel_loop3A_239 : vector<16xf32>
      %parallel_loop3A_248 = arith.constant 1.000000e+00 : f32
      %parallel_loop3A_249 = vector.broadcast %parallel_loop3A_248 : f32 to vector<16xf32>
      %parallel_loop3A_250 = arith.addf %parallel_loop3A_249, %parallel_loop3A_243 : vector<16xf32>
      %parallel_loop3A_251 = arith.mulf %parallel_loop3A_247, %parallel_loop3A_250 : vector<16xf32>
      %parallel_loop3A_252 = arith.divf %parallel_loop3A_244, %parallel_loop3A_251 : vector<16xf32>
      %parallel_loop3A_253 = arith.constant 9.99999991E-38 : f32
      %parallel_loop3A_254 = vector.broadcast %parallel_loop3A_253 : f32 to vector<16xf32>
      %parallel_loop3A_255 = arith.maximumf %parallel_loop3A_252, %parallel_loop3A_254 : vector<16xf32>
      %parallel_loop3A_256 = vector.bitcast %parallel_loop3A_255 : vector<16xf32> to vector<16xi32>
      %parallel_loop3A_257 = arith.constant 23 : i32
      %parallel_loop3A_258 = vector.broadcast %parallel_loop3A_257 : i32 to vector<16xi32>
      %parallel_loop3A_259 = arith.shrui %parallel_loop3A_256, %parallel_loop3A_258 : vector<16xi32>
      %parallel_loop3A_260 = arith.constant 127 : i32
      %parallel_loop3A_261 = vector.broadcast %parallel_loop3A_260 : i32 to vector<16xi32>
      %parallel_loop3A_262 = arith.subi %parallel_loop3A_259, %parallel_loop3A_261 : vector<16xi32>
      %parallel_loop3A_263 = arith.constant 8388607 : i32
      %parallel_loop3A_264 = vector.broadcast %parallel_loop3A_263 : i32 to vector<16xi32>
      %parallel_loop3A_265 = arith.andi %parallel_loop3A_256, %parallel_loop3A_264 : vector<16xi32>
      %parallel_loop3A_266 = arith.constant 1065353216 : i32
      %parallel_loop3A_267 = vector.broadcast %parallel_loop3A_266 : i32 to vector<16xi32>
      %parallel_loop3A_268 = arith.ori %parallel_loop3A_265, %parallel_loop3A_267 : vector<16xi32>
      %parallel_loop3A_269 = vector.bitcast %parallel_loop3A_268 : vector<16xi32> to vector<16xf32>
      %parallel_loop3A_270 = arith.constant 1.000000e+00 : f32
      %parallel_loop3A_271 = vector.broadcast %parallel_loop3A_270 : f32 to vector<16xf32>
      %parallel_loop3A_272 = arith.subf %parallel_loop3A_269, %parallel_loop3A_271 : vector<16xf32>
      %parallel_loop3A_273 = arith.constant 1.000000e+00 : f32
      %parallel_loop3A_274 = vector.broadcast %parallel_loop3A_273 : f32 to vector<16xf32>
      %parallel_loop3A_275 = arith.addf %parallel_loop3A_269, %parallel_loop3A_274 : vector<16xf32>
      %parallel_loop3A_276 = arith.divf %parallel_loop3A_272, %parallel_loop3A_275 : vector<16xf32>
      %parallel_loop3A_277 = arith.mulf %parallel_loop3A_276, %parallel_loop3A_276 : vector<16xf32>
      %parallel_loop3A_278 = arith.constant 0.142857149 : f32
      %parallel_loop3A_279 = vector.broadcast %parallel_loop3A_278 : f32 to vector<16xf32>
      %parallel_loop3A_280 = arith.mulf %parallel_loop3A_277, %parallel_loop3A_279 : vector<16xf32>
      %parallel_loop3A_281 = arith.constant 2.000000e-01 : f32
      %parallel_loop3A_282 = vector.broadcast %parallel_loop3A_281 : f32 to vector<16xf32>
      %parallel_loop3A_283 = arith.addf %parallel_loop3A_282, %parallel_loop3A_280 : vector<16xf32>
      %parallel_loop3A_284 = arith.mulf %parallel_loop3A_277, %parallel_loop3A_283 : vector<16xf32>
      %parallel_loop3A_285 = arith.constant 0.333333343 : f32
      %parallel_loop3A_286 = vector.broadcast %parallel_loop3A_285 : f32 to vector<16xf32>
      %parallel_loop3A_287 = arith.addf %parallel_loop3A_286, %parallel_loop3A_284 : vector<16xf32>
      %parallel_loop3A_288 = arith.mulf %parallel_loop3A_277, %parallel_loop3A_287 : vector<16xf32>
      %parallel_loop3A_289 = arith.constant 1.000000e+00 : f32
      %parallel_loop3A_290 = vector.broadcast %parallel_loop3A_289 : f32 to vector<16xf32>
      %parallel_loop3A_291 = arith.addf %parallel_loop3A_290, %parallel_loop3A_288 : vector<16xf32>
      %parallel_loop3A_292 = arith.mulf %parallel_loop3A_276, %parallel_loop3A_291 : vector<16xf32>
      %parallel_loop3A_293 = arith.sitofp %parallel_loop3A_262 : vector<16xi32> to vector<16xf32>
      %parallel_loop3A_294 = arith.constant 0.693147182 : f32
      %parallel_loop3A_295 = vector.broadcast %parallel_loop3A_294 : f32 to vector<16xf32>
      %parallel_loop3A_296 = arith.mulf %parallel_loop3A_293, %parallel_loop3A_295 : vector<16xf32>
      %parallel_loop3A_297 = arith.constant 2.000000e+00 : f32
      %parallel_loop3A_298 = vector.broadcast %parallel_loop3A_297 : f32 to vector<16xf32>
      %parallel_loop3A_299 = arith.mulf %parallel_loop3A_298, %parallel_loop3A_292 : vector<16xf32>
      %parallel_loop3A_300 = arith.addf %parallel_loop3A_296, %parallel_loop3A_299 : vector<16xf32>
      %parallel_loop3A_301 = arith.addi %add3A_190, %parallel_loop3A_208 : i32
      %parallel_loop3A_302 = vector.broadcast %parallel_loop3A_301 : i32 to vector<16xi32>
      %parallel_loop3A_303 = arith.addi %parallel_loop3A_302, %iota3A : vector<16xi32>
      %parallel_loop3A_304 = arith.constant 1000000 : i32
      %parallel_loop3A_305 = vector.broadcast %parallel_loop3A_304 : i32 to vector<16xi32>
      %parallel_loop3A_306 = arith.cmpi slt, %parallel_loop3A_303, %parallel_loop3A_305 : vector<16xi32>
      %parallel_loop3A_307 = arith.constant 0.000000e+00 : f32
      %parallel_loop3A_308 = vector.broadcast %parallel_loop3A_307 : f32 to vector<16xf32>
      %parallel_loop3A_309 = arith.select %parallel_loop3A_306, %parallel_loop3A_300, %parallel_loop3A_308 : vector<16xi1>, vector<16xf32>
      %parallel_loop3A_310 = arith.addf %parallel_loop3A_209, %parallel_loop3A_309 : vector<16xf32>
      scf.yield %parallel_loop3A_310 : vector<16xf32>
    } {sc.loop_unroll_factor = 4 : i64, sc.parallel_access}
    %swap3A = arith.constant 0 : index
    %swap3A_195 = tpu.vector_load %arg12[%swap3A] {strides = array<i32>} : memref<16xf32, #tpu.memory_space<vmem>>, vector<16xf32>,
    tpu.vector_store %arg12[%swap3A], %parallel_loop3A_194 {strides = array<i32>} : memref<16xf32, #tpu.memory_space<vmem>>, vector<16xf32>,
    %dma_start3A_196 = arith.constant 0 : i32
    %dma_start3A_197 = tpu.memref_slice %arg8[%add3A, %dma_start3A_196] : memref<32x16xf32, #tpu.memory_space<hbm>> -> memref<1x16xf32, #tpu.memory_space<hbm>>
    %dma_start3A_198 = tpu.memref_squeeze %dma_start3A_197 : memref<1x16xf32, #tpu.memory_space<hbm>> -> memref<16xf32, #tpu.memory_space<hbm>>
    %dma_start3A_199 = arith.constant 0 : i32
    %dma_start3A_200 = tpu.memref_slice %arg8[%add3A, %dma_start3A_199] : memref<32x16xf32, #tpu.memory_space<hbm>> -> memref<1x16xf32, #tpu.memory_space<hbm>>
    %dma_start3A_201 = tpu.memref_squeeze %dma_start3A_200 : memref<1x16xf32, #tpu.memory_space<hbm>> -> memref<16xf32, #tpu.memory_space<hbm>>
    tpu.enqueue_dma source(%arg12 : memref<16xf32, #tpu.memory_space<vmem>>) target(%dma_start3A_201 : memref<16xf32, #tpu.memory_space<hbm>>) target_semaphore(%arg25 : memref<!tpu.dma_semaphore, #tpu.memory_space<semaphore_mem>>)
    %dma_wait3A_202 = arith.constant 0 : i32
    %dma_wait3A_203 = tpu.memref_slice %arg8[%add3A, %dma_wait3A_202] : memref<32x16xf32, #tpu.memory_space<hbm>> -> memref<1x16xf32, #tpu.memory_space<hbm>>
    %dma_wait3A_204 = tpu.memref_squeeze %dma_wait3A_203 : memref<1x16xf32, #tpu.memory_space<hbm>> -> memref<16xf32, #tpu.memory_space<hbm>>
    %dma_wait3A_205 = arith.constant 0 : i32
    %dma_wait3A_206 = tpu.memref_slice %arg8[%add3A, %dma_wait3A_205] : memref<32x16xf32, #tpu.memory_space<hbm>> -> memref<1x16xf32, #tpu.memory_space<hbm>>
    %dma_wait3A_207 = tpu.memref_squeeze %dma_wait3A_206 : memref<1x16xf32, #tpu.memory_space<hbm>> -> memref<16xf32, #tpu.memory_space<hbm>>
    tpu.wait_dma2 semaphore(%arg25 : memref<!tpu.dma_semaphore, #tpu.memory_space<semaphore_mem>>) src(%arg12 : memref<16xf32, #tpu.memory_space<vmem>>) dst(%dma_wait3A_207 : memref<16xf32, #tpu.memory_space<hbm>>)
    return
  }
}

module attributes {stable_mosaic.version = 14 : i64} {
  func.func @_tables_body(%arg0: memref<80x125xf32, #tpu.memory_space<vmem>>, %arg1: memref<80x125xf32, #tpu.memory_space<vmem>>, %arg2: memref<80x125xf32, #tpu.memory_space<vmem>>, %arg3: memref<80x125xf32, #tpu.memory_space<vmem>>, %arg4: memref<80x125xf32, #tpu.memory_space<vmem>>, %arg5: memref<80x125xf32, #tpu.memory_space<vmem>>, %arg6: memref<80x125xf32, #tpu.memory_space<vmem>>, %arg7: memref<80x125xf32, #tpu.memory_space<vmem>>, %arg8: memref<80x125xf32, #tpu.memory_space<vmem>>, %arg9: memref<80x125xf32, #tpu.memory_space<vmem>>) attributes {dimension_semantics = [], scalar_prefetch = 0 : i64, scratch_operands = 0 : i64, tpu.core_type = #tpu.core_type<tc>} {
    %get3A = arith.constant 0 : index
    %get3A_0 = arith.constant 0 : index
    %get3A_1 = vector.load %arg0[%get3A, %get3A_0] : memref<80x125xf32, #tpu.memory_space<vmem>>, vector<80x125xf32>
    %max3A = arith.constant 0.000000e+00 : f32
    %max3A_2 = vector.broadcast %max3A : f32 to vector<80x125xf32>
    %max3A_3 = arith.maximumf %get3A_1, %max3A_2 : vector<80x125xf32>
    %abs3A = math.absf %get3A_1 : vector<80x125xf32>
    %neg3A = arith.constant 0.000000e+00 : f32
    %neg3A_4 = vector.broadcast %neg3A : f32 to vector<80x125xf32>
    %neg3A_5 = arith.subf %neg3A_4, %abs3A : vector<80x125xf32>
    %exp3A = math.exp %neg3A_5 : vector<80x125xf32>
    %add3A = arith.constant 1.000000e+00 : f32
    %add3A_6 = vector.broadcast %add3A : f32 to vector<80x125xf32>
    %add3A_7 = arith.addf %add3A_6, %exp3A : vector<80x125xf32>
    %log3A = math.log %add3A_7 : vector<80x125xf32>
    %add3A_8 = arith.addf %max3A_3, %log3A : vector<80x125xf32>
    %swap3A = arith.constant 0 : index
    %swap3A_9 = arith.constant 0 : index
    %swap3A_10 = vector.load %arg5[%swap3A, %swap3A_9] : memref<80x125xf32, #tpu.memory_space<vmem>>, vector<80x125xf32>
    tpu.vector_store %arg5[%swap3A, %swap3A_9], %add3A_8 {strides = array<i32>} : memref<80x125xf32, #tpu.memory_space<vmem>>, vector<80x125xf32>,
    %get3A_11 = arith.constant 0 : index
    %get3A_12 = arith.constant 0 : index
    %get3A_13 = vector.load %arg1[%get3A_11, %get3A_12] : memref<80x125xf32, #tpu.memory_space<vmem>>, vector<80x125xf32>
    %get3A_14 = arith.constant 0 : index
    %get3A_15 = arith.constant 0 : index
    %get3A_16 = vector.load %arg2[%get3A_14, %get3A_15] : memref<80x125xf32, #tpu.memory_space<vmem>>, vector<80x125xf32>
    %max3A_17 = arith.constant 0.000000e+00 : f32
    %max3A_18 = vector.broadcast %max3A_17 : f32 to vector<80x125xf32>
    %max3A_19 = arith.maximumf %get3A_16, %max3A_18 : vector<80x125xf32>
    %abs3A_20 = math.absf %get3A_16 : vector<80x125xf32>
    %neg3A_21 = arith.constant 0.000000e+00 : f32
    %neg3A_22 = vector.broadcast %neg3A_21 : f32 to vector<80x125xf32>
    %neg3A_23 = arith.subf %neg3A_22, %abs3A_20 : vector<80x125xf32>
    %exp3A_24 = math.exp %neg3A_23 : vector<80x125xf32>
    %add3A_25 = arith.constant 1.000000e+00 : f32
    %add3A_26 = vector.broadcast %add3A_25 : f32 to vector<80x125xf32>
    %add3A_27 = arith.addf %add3A_26, %exp3A_24 : vector<80x125xf32>
    %log3A_28 = math.log %add3A_27 : vector<80x125xf32>
    %add3A_29 = arith.addf %max3A_19, %log3A_28 : vector<80x125xf32>
    %add3A_30 = arith.addf %get3A_13, %add3A_29 : vector<80x125xf32>
    %get3A_31 = arith.constant 0 : index
    %get3A_32 = arith.constant 0 : index
    %get3A_33 = vector.load %arg3[%get3A_31, %get3A_32] : memref<80x125xf32, #tpu.memory_space<vmem>>, vector<80x125xf32>
    %max3A_34 = arith.constant 0.000000e+00 : f32
    %max3A_35 = vector.broadcast %max3A_34 : f32 to vector<80x125xf32>
    %max3A_36 = arith.maximumf %get3A_33, %max3A_35 : vector<80x125xf32>
    %abs3A_37 = math.absf %get3A_33 : vector<80x125xf32>
    %neg3A_38 = arith.constant 0.000000e+00 : f32
    %neg3A_39 = vector.broadcast %neg3A_38 : f32 to vector<80x125xf32>
    %neg3A_40 = arith.subf %neg3A_39, %abs3A_37 : vector<80x125xf32>
    %exp3A_41 = math.exp %neg3A_40 : vector<80x125xf32>
    %add3A_42 = arith.constant 1.000000e+00 : f32
    %add3A_43 = vector.broadcast %add3A_42 : f32 to vector<80x125xf32>
    %add3A_44 = arith.addf %add3A_43, %exp3A_41 : vector<80x125xf32>
    %log3A_45 = math.log %add3A_44 : vector<80x125xf32>
    %add3A_46 = arith.addf %max3A_36, %log3A_45 : vector<80x125xf32>
    %add3A_47 = arith.addf %add3A_30, %add3A_46 : vector<80x125xf32>
    %get3A_48 = arith.constant 0 : index
    %get3A_49 = arith.constant 0 : index
    %get3A_50 = vector.load %arg4[%get3A_48, %get3A_49] : memref<80x125xf32, #tpu.memory_space<vmem>>, vector<80x125xf32>
    %max3A_51 = arith.constant 0.000000e+00 : f32
    %max3A_52 = vector.broadcast %max3A_51 : f32 to vector<80x125xf32>
    %max3A_53 = arith.maximumf %get3A_50, %max3A_52 : vector<80x125xf32>
    %abs3A_54 = math.absf %get3A_50 : vector<80x125xf32>
    %neg3A_55 = arith.constant 0.000000e+00 : f32
    %neg3A_56 = vector.broadcast %neg3A_55 : f32 to vector<80x125xf32>
    %neg3A_57 = arith.subf %neg3A_56, %abs3A_54 : vector<80x125xf32>
    %exp3A_58 = math.exp %neg3A_57 : vector<80x125xf32>
    %add3A_59 = arith.constant 1.000000e+00 : f32
    %add3A_60 = vector.broadcast %add3A_59 : f32 to vector<80x125xf32>
    %add3A_61 = arith.addf %add3A_60, %exp3A_58 : vector<80x125xf32>
    %log3A_62 = math.log %add3A_61 : vector<80x125xf32>
    %add3A_63 = arith.addf %max3A_53, %log3A_62 : vector<80x125xf32>
    %add3A_64 = arith.addf %add3A_47, %add3A_63 : vector<80x125xf32>
    %swap3A_65 = arith.constant 0 : index
    %swap3A_66 = arith.constant 0 : index
    %swap3A_67 = vector.load %arg6[%swap3A_65, %swap3A_66] : memref<80x125xf32, #tpu.memory_space<vmem>>, vector<80x125xf32>
    tpu.vector_store %arg6[%swap3A_65, %swap3A_66], %get3A_13 {strides = array<i32>} : memref<80x125xf32, #tpu.memory_space<vmem>>, vector<80x125xf32>,
    %swap3A_68 = arith.constant 0 : index
    %swap3A_69 = arith.constant 0 : index
    %swap3A_70 = vector.load %arg7[%swap3A_68, %swap3A_69] : memref<80x125xf32, #tpu.memory_space<vmem>>, vector<80x125xf32>
    tpu.vector_store %arg7[%swap3A_68, %swap3A_69], %add3A_30 {strides = array<i32>} : memref<80x125xf32, #tpu.memory_space<vmem>>, vector<80x125xf32>,
    %swap3A_71 = arith.constant 0 : index
    %swap3A_72 = arith.constant 0 : index
    %swap3A_73 = vector.load %arg8[%swap3A_71, %swap3A_72] : memref<80x125xf32, #tpu.memory_space<vmem>>, vector<80x125xf32>
    tpu.vector_store %arg8[%swap3A_71, %swap3A_72], %add3A_47 {strides = array<i32>} : memref<80x125xf32, #tpu.memory_space<vmem>>, vector<80x125xf32>,
    %swap3A_74 = arith.constant 0 : index
    %swap3A_75 = arith.constant 0 : index
    %swap3A_76 = vector.load %arg9[%swap3A_74, %swap3A_75] : memref<80x125xf32, #tpu.memory_space<vmem>>, vector<80x125xf32>
    tpu.vector_store %arg9[%swap3A_74, %swap3A_75], %add3A_64 {strides = array<i32>} : memref<80x125xf32, #tpu.memory_space<vmem>>, vector<80x125xf32>,
    return
  }
}

module attributes {stable_mosaic.version = 14 : i64} {
  func.func @_finish_body(%arg0: memref<32x16xf32, #tpu.memory_space<vmem>>, %arg1: memref<80x125xf32, #tpu.memory_space<vmem>>, %arg2: memref<80x125xf32, #tpu.memory_space<vmem>>, %arg3: memref<80x125xf32, #tpu.memory_space<vmem>>, %arg4: memref<80x125xf32, #tpu.memory_space<vmem>>, %arg5: memref<80x125xf32, #tpu.memory_space<vmem>>, %arg6: memref<800x125xf32, #tpu.memory_space<vmem>>, %arg7: memref<10x4xf32, #tpu.memory_space<vmem>>, %arg8: memref<10x4xf32, #tpu.memory_space<vmem>>, %arg9: memref<80x125xi32, #tpu.memory_space<vmem>>, %arg10: memref<1x1xf32, #tpu.memory_space<vmem>>) attributes {dimension_semantics = [], scalar_prefetch = 0 : i64, scratch_operands = 0 : i64, tpu.core_type = #tpu.core_type<tc>} {
    %get3A = arith.constant 0 : index
    %get3A_0 = arith.constant 0 : index
    %get3A_1 = vector.load %arg0[%get3A, %get3A_0] : memref<32x16xf32, #tpu.memory_space<vmem>>, vector<32x16xf32>
    %reduce_sum3A = vector.shape_cast %get3A_1 : vector<32x16xf32> to vector<1x32x16xf32>
    %reduce_sum3A_2 = arith.constant dense<0.000000e+00> : vector<1xf32>
    %reduce_sum3A_3 = vector.multi_reduction <add>, %reduce_sum3A, %reduce_sum3A_2 [1, 2] : vector<1x32x16xf32> to vector<1xf32>
    %reduce_sum3A_4 = vector.shape_cast %reduce_sum3A_3 : vector<1xf32> to vector<1x1x1xf32>
    %reduce_sum3A_5 = vector.extract %reduce_sum3A_4[0, 0, 0] : f32 from vector<1x1x1xf32>
    %get3A_6 = arith.constant 0 : index
    %get3A_7 = arith.constant 0 : index
    %get3A_8 = vector.load %arg1[%get3A_6, %get3A_7] : memref<80x125xf32, #tpu.memory_space<vmem>>, vector<80x125xf32>
    %mul3A = arith.constant -5.000000e-01 : f32
    %mul3A_9 = vector.broadcast %mul3A : f32 to vector<80x125xf32>
    %mul3A_10 = arith.mulf %mul3A_9, %get3A_8 : vector<80x125xf32>
    %mul3A_11 = arith.mulf %mul3A_10, %get3A_8 : vector<80x125xf32>
    %reduce_sum3A_12 = vector.shape_cast %mul3A_11 : vector<80x125xf32> to vector<1x80x125xf32>
    %reduce_sum3A_13 = arith.constant dense<0.000000e+00> : vector<1xf32>
    %reduce_sum3A_14 = vector.multi_reduction <add>, %reduce_sum3A_12, %reduce_sum3A_13 [1, 2] : vector<1x80x125xf32> to vector<1xf32>
    %reduce_sum3A_15 = vector.shape_cast %reduce_sum3A_14 : vector<1xf32> to vector<1x1x1xf32>
    %reduce_sum3A_16 = vector.extract %reduce_sum3A_15[0, 0, 0] : f32 from vector<1x1x1xf32>
    %sub3A = arith.constant 9189.38574 : f32
    %sub3A_17 = arith.subf %reduce_sum3A_16, %sub3A : f32
    %get3A_18 = arith.constant 0 : index
    %get3A_19 = arith.constant 0 : index
    %get3A_20 = vector.load %arg9[%get3A_18, %get3A_19] : memref<80x125xi32, #tpu.memory_space<vmem>>, vector<80x125xi32>
    %eq3A = arith.constant 0 : i32
    %eq3A_21 = vector.broadcast %eq3A : i32 to vector<80x125xi32>
    %eq3A_22 = arith.cmpi eq, %get3A_20, %eq3A_21 : vector<80x125xi32>
    %convert_element_type3A = arith.extui %eq3A_22 : vector<80x125xi1> to vector<80x125xi32>
    %convert_element_type3A_23 = arith.sitofp %convert_element_type3A : vector<80x125xi32> to vector<80x125xf32>
    %eq3A_24 = arith.constant 1 : i32
    %eq3A_25 = vector.broadcast %eq3A_24 : i32 to vector<80x125xi32>
    %eq3A_26 = arith.cmpi eq, %get3A_20, %eq3A_25 : vector<80x125xi32>
    %convert_element_type3A_27 = arith.extui %eq3A_26 : vector<80x125xi1> to vector<80x125xi32>
    %convert_element_type3A_28 = arith.sitofp %convert_element_type3A_27 : vector<80x125xi32> to vector<80x125xf32>
    %eq3A_29 = arith.constant 2 : i32
    %eq3A_30 = vector.broadcast %eq3A_29 : i32 to vector<80x125xi32>
    %eq3A_31 = arith.cmpi eq, %get3A_20, %eq3A_30 : vector<80x125xi32>
    %convert_element_type3A_32 = arith.extui %eq3A_31 : vector<80x125xi1> to vector<80x125xi32>
    %convert_element_type3A_33 = arith.sitofp %convert_element_type3A_32 : vector<80x125xi32> to vector<80x125xf32>
    %eq3A_34 = arith.constant 3 : i32
    %eq3A_35 = vector.broadcast %eq3A_34 : i32 to vector<80x125xi32>
    %eq3A_36 = arith.cmpi eq, %get3A_20, %eq3A_35 : vector<80x125xi32>
    %convert_element_type3A_37 = arith.extui %eq3A_36 : vector<80x125xi1> to vector<80x125xi32>
    %convert_element_type3A_38 = arith.sitofp %convert_element_type3A_37 : vector<80x125xi32> to vector<80x125xf32>
    %eq3A_39 = arith.constant 4 : i32
    %eq3A_40 = vector.broadcast %eq3A_39 : i32 to vector<80x125xi32>
    %eq3A_41 = arith.cmpi eq, %get3A_20, %eq3A_40 : vector<80x125xi32>
    %convert_element_type3A_42 = arith.extui %eq3A_41 : vector<80x125xi1> to vector<80x125xi32>
    %convert_element_type3A_43 = arith.sitofp %convert_element_type3A_42 : vector<80x125xi32> to vector<80x125xf32>
    %eq3A_44 = arith.constant 5 : i32
    %eq3A_45 = vector.broadcast %eq3A_44 : i32 to vector<80x125xi32>
    %eq3A_46 = arith.cmpi eq, %get3A_20, %eq3A_45 : vector<80x125xi32>
    %convert_element_type3A_47 = arith.extui %eq3A_46 : vector<80x125xi1> to vector<80x125xi32>
    %convert_element_type3A_48 = arith.sitofp %convert_element_type3A_47 : vector<80x125xi32> to vector<80x125xf32>
    %eq3A_49 = arith.constant 6 : i32
    %eq3A_50 = vector.broadcast %eq3A_49 : i32 to vector<80x125xi32>
    %eq3A_51 = arith.cmpi eq, %get3A_20, %eq3A_50 : vector<80x125xi32>
    %convert_element_type3A_52 = arith.extui %eq3A_51 : vector<80x125xi1> to vector<80x125xi32>
    %convert_element_type3A_53 = arith.sitofp %convert_element_type3A_52 : vector<80x125xi32> to vector<80x125xf32>
    %eq3A_54 = arith.constant 7 : i32
    %eq3A_55 = vector.broadcast %eq3A_54 : i32 to vector<80x125xi32>
    %eq3A_56 = arith.cmpi eq, %get3A_20, %eq3A_55 : vector<80x125xi32>
    %convert_element_type3A_57 = arith.extui %eq3A_56 : vector<80x125xi1> to vector<80x125xi32>
    %convert_element_type3A_58 = arith.sitofp %convert_element_type3A_57 : vector<80x125xi32> to vector<80x125xf32>
    %eq3A_59 = arith.constant 8 : i32
    %eq3A_60 = vector.broadcast %eq3A_59 : i32 to vector<80x125xi32>
    %eq3A_61 = arith.cmpi eq, %get3A_20, %eq3A_60 : vector<80x125xi32>
    %convert_element_type3A_62 = arith.extui %eq3A_61 : vector<80x125xi1> to vector<80x125xi32>
    %convert_element_type3A_63 = arith.sitofp %convert_element_type3A_62 : vector<80x125xi32> to vector<80x125xf32>
    %eq3A_64 = arith.constant 9 : i32
    %eq3A_65 = vector.broadcast %eq3A_64 : i32 to vector<80x125xi32>
    %eq3A_66 = arith.cmpi eq, %get3A_20, %eq3A_65 : vector<80x125xi32>
    %convert_element_type3A_67 = arith.extui %eq3A_66 : vector<80x125xi1> to vector<80x125xi32>
    %convert_element_type3A_68 = arith.sitofp %convert_element_type3A_67 : vector<80x125xi32> to vector<80x125xf32>
    %get3A_69 = arith.constant 0 : index
    %get3A_70 = arith.constant 0 : index
    %get3A_71 = vector.load %arg2[%get3A_69, %get3A_70] : memref<80x125xf32, #tpu.memory_space<vmem>>, vector<80x125xf32>
    %get3A_72 = arith.constant 0 : index
    %get3A_73 = arith.constant 0 : index
    %get3A_74 = vector.load %arg3[%get3A_72, %get3A_73] : memref<80x125xf32, #tpu.memory_space<vmem>>, vector<80x125xf32>
    %get3A_75 = arith.constant 0 : index
    %get3A_76 = arith.constant 0 : index
    %get3A_77 = vector.load %arg4[%get3A_75, %get3A_76] : memref<80x125xf32, #tpu.memory_space<vmem>>, vector<80x125xf32>
    %get3A_78 = arith.constant 0 : index
    %get3A_79 = arith.constant 0 : index
    %get3A_80 = vector.load %arg5[%get3A_78, %get3A_79] : memref<80x125xf32, #tpu.memory_space<vmem>>, vector<80x125xf32>
    %broadcast_in_dim3A = arith.constant 0.000000e+00 : f32
    %broadcast_in_dim3A_81 = vector.broadcast %broadcast_in_dim3A : f32 to vector<80x125xf32>
    %broadcast_in_dim3A_82 = arith.constant 0.000000e+00 : f32
    %broadcast_in_dim3A_83 = vector.broadcast %broadcast_in_dim3A_82 : f32 to vector<80x125xf32>
    %broadcast_in_dim3A_84 = arith.constant 0.000000e+00 : f32
    %broadcast_in_dim3A_85 = vector.broadcast %broadcast_in_dim3A_84 : f32 to vector<80x125xf32>
    %get3A_86 = arith.constant 0 : index
    %get3A_87 = arith.constant 0 : index
    %get3A_88 = vector.load %arg7[%get3A_86, %get3A_87] : memref<10x4xf32, #tpu.memory_space<vmem>>, vector<1x1xf32>
    %get3A_89 = arith.constant 0 : index
    %get3A_90 = arith.constant 0 : index
    %get3A_91 = vector.load %arg8[%get3A_89, %get3A_90] : memref<10x4xf32, #tpu.memory_space<vmem>>, vector<1x1xf32>
    %max3A = arith.constant 0.000000e+00 : f32
    %max3A_92 = vector.broadcast %max3A : f32 to vector<1x1xf32>
    %max3A_93 = arith.maximumf %get3A_91, %max3A_92 : vector<1x1xf32>
    %abs3A = math.absf %get3A_91 : vector<1x1xf32>
    %neg3A = arith.constant 0.000000e+00 : f32
    %neg3A_94 = vector.broadcast %neg3A : f32 to vector<1x1xf32>
    %neg3A_95 = arith.subf %neg3A_94, %abs3A : vector<1x1xf32>
    %exp3A = math.exp %neg3A_95 : vector<1x1xf32>
    %add3A = arith.constant 1.000000e+00 : f32
    %add3A_96 = vector.broadcast %add3A : f32 to vector<1x1xf32>
    %add3A_97 = arith.addf %add3A_96, %exp3A : vector<1x1xf32>
    %log3A = math.log %add3A_97 : vector<1x1xf32>
    %add3A_98 = arith.addf %max3A_93, %log3A : vector<1x1xf32>
    %mul3A_99 = vector.broadcast %get3A_88 : vector<1x1xf32> to vector<80x125xf32>
    %mul3A_100 = arith.mulf %convert_element_type3A_23, %mul3A_99 : vector<80x125xf32>
    %add3A_101 = arith.addf %broadcast_in_dim3A_81, %mul3A_100 : vector<80x125xf32>
    %div3A = arith.constant 1.000000e+00 : f32
    %div3A_102 = vector.broadcast %div3A : f32 to vector<1x1xf32>
    %div3A_103 = arith.divf %div3A_102, %add3A_98 : vector<1x1xf32>
    %mul3A_104 = vector.broadcast %div3A_103 : vector<1x1xf32> to vector<80x125xf32>
    %mul3A_105 = arith.mulf %convert_element_type3A_23, %mul3A_104 : vector<80x125xf32>
    %add3A_106 = arith.addf %broadcast_in_dim3A_83, %mul3A_105 : vector<80x125xf32>
    %log3A_107 = math.log %add3A_98 : vector<1x1xf32>
    %mul3A_108 = vector.broadcast %log3A_107 : vector<1x1xf32> to vector<80x125xf32>
    %mul3A_109 = arith.mulf %convert_element_type3A_23, %mul3A_108 : vector<80x125xf32>
    %add3A_110 = arith.addf %broadcast_in_dim3A_85, %mul3A_109 : vector<80x125xf32>
    %get3A_111 = arith.constant 1 : index
    %get3A_112 = arith.constant 0 : index
    %get3A_113 = vector.load %arg7[%get3A_111, %get3A_112] : memref<10x4xf32, #tpu.memory_space<vmem>>, vector<1x1xf32>
    %get3A_114 = arith.constant 1 : index
    %get3A_115 = arith.constant 0 : index
    %get3A_116 = vector.load %arg8[%get3A_114, %get3A_115] : memref<10x4xf32, #tpu.memory_space<vmem>>, vector<1x1xf32>
    %max3A_117 = arith.constant 0.000000e+00 : f32
    %max3A_118 = vector.broadcast %max3A_117 : f32 to vector<1x1xf32>
    %max3A_119 = arith.maximumf %get3A_116, %max3A_118 : vector<1x1xf32>
    %abs3A_120 = math.absf %get3A_116 : vector<1x1xf32>
    %neg3A_121 = arith.constant 0.000000e+00 : f32
    %neg3A_122 = vector.broadcast %neg3A_121 : f32 to vector<1x1xf32>
    %neg3A_123 = arith.subf %neg3A_122, %abs3A_120 : vector<1x1xf32>
    %exp3A_124 = math.exp %neg3A_123 : vector<1x1xf32>
    %add3A_125 = arith.constant 1.000000e+00 : f32
    %add3A_126 = vector.broadcast %add3A_125 : f32 to vector<1x1xf32>
    %add3A_127 = arith.addf %add3A_126, %exp3A_124 : vector<1x1xf32>
    %log3A_128 = math.log %add3A_127 : vector<1x1xf32>
    %add3A_129 = arith.addf %max3A_119, %log3A_128 : vector<1x1xf32>
    %mul3A_130 = vector.broadcast %get3A_113 : vector<1x1xf32> to vector<80x125xf32>
    %mul3A_131 = arith.mulf %convert_element_type3A_28, %mul3A_130 : vector<80x125xf32>
    %add3A_132 = arith.addf %add3A_101, %mul3A_131 : vector<80x125xf32>
    %div3A_133 = arith.constant 1.000000e+00 : f32
    %div3A_134 = vector.broadcast %div3A_133 : f32 to vector<1x1xf32>
    %div3A_135 = arith.divf %div3A_134, %add3A_129 : vector<1x1xf32>
    %mul3A_136 = vector.broadcast %div3A_135 : vector<1x1xf32> to vector<80x125xf32>
    %mul3A_137 = arith.mulf %convert_element_type3A_28, %mul3A_136 : vector<80x125xf32>
    %add3A_138 = arith.addf %add3A_106, %mul3A_137 : vector<80x125xf32>
    %log3A_139 = math.log %add3A_129 : vector<1x1xf32>
    %mul3A_140 = vector.broadcast %log3A_139 : vector<1x1xf32> to vector<80x125xf32>
    %mul3A_141 = arith.mulf %convert_element_type3A_28, %mul3A_140 : vector<80x125xf32>
    %add3A_142 = arith.addf %add3A_110, %mul3A_141 : vector<80x125xf32>
    %get3A_143 = arith.constant 2 : index
    %get3A_144 = arith.constant 0 : index
    %get3A_145 = vector.load %arg7[%get3A_143, %get3A_144] : memref<10x4xf32, #tpu.memory_space<vmem>>, vector<1x1xf32>
    %get3A_146 = arith.constant 2 : index
    %get3A_147 = arith.constant 0 : index
    %get3A_148 = vector.load %arg8[%get3A_146, %get3A_147] : memref<10x4xf32, #tpu.memory_space<vmem>>, vector<1x1xf32>
    %max3A_149 = arith.constant 0.000000e+00 : f32
    %max3A_150 = vector.broadcast %max3A_149 : f32 to vector<1x1xf32>
    %max3A_151 = arith.maximumf %get3A_148, %max3A_150 : vector<1x1xf32>
    %abs3A_152 = math.absf %get3A_148 : vector<1x1xf32>
    %neg3A_153 = arith.constant 0.000000e+00 : f32
    %neg3A_154 = vector.broadcast %neg3A_153 : f32 to vector<1x1xf32>
    %neg3A_155 = arith.subf %neg3A_154, %abs3A_152 : vector<1x1xf32>
    %exp3A_156 = math.exp %neg3A_155 : vector<1x1xf32>
    %add3A_157 = arith.constant 1.000000e+00 : f32
    %add3A_158 = vector.broadcast %add3A_157 : f32 to vector<1x1xf32>
    %add3A_159 = arith.addf %add3A_158, %exp3A_156 : vector<1x1xf32>
    %log3A_160 = math.log %add3A_159 : vector<1x1xf32>
    %add3A_161 = arith.addf %max3A_151, %log3A_160 : vector<1x1xf32>
    %mul3A_162 = vector.broadcast %get3A_145 : vector<1x1xf32> to vector<80x125xf32>
    %mul3A_163 = arith.mulf %convert_element_type3A_33, %mul3A_162 : vector<80x125xf32>
    %add3A_164 = arith.addf %add3A_132, %mul3A_163 : vector<80x125xf32>
    %div3A_165 = arith.constant 1.000000e+00 : f32
    %div3A_166 = vector.broadcast %div3A_165 : f32 to vector<1x1xf32>
    %div3A_167 = arith.divf %div3A_166, %add3A_161 : vector<1x1xf32>
    %mul3A_168 = vector.broadcast %div3A_167 : vector<1x1xf32> to vector<80x125xf32>
    %mul3A_169 = arith.mulf %convert_element_type3A_33, %mul3A_168 : vector<80x125xf32>
    %add3A_170 = arith.addf %add3A_138, %mul3A_169 : vector<80x125xf32>
    %log3A_171 = math.log %add3A_161 : vector<1x1xf32>
    %mul3A_172 = vector.broadcast %log3A_171 : vector<1x1xf32> to vector<80x125xf32>
    %mul3A_173 = arith.mulf %convert_element_type3A_33, %mul3A_172 : vector<80x125xf32>
    %add3A_174 = arith.addf %add3A_142, %mul3A_173 : vector<80x125xf32>
    %get3A_175 = arith.constant 3 : index
    %get3A_176 = arith.constant 0 : index
    %get3A_177 = vector.load %arg7[%get3A_175, %get3A_176] : memref<10x4xf32, #tpu.memory_space<vmem>>, vector<1x1xf32>
    %get3A_178 = arith.constant 3 : index
    %get3A_179 = arith.constant 0 : index
    %get3A_180 = vector.load %arg8[%get3A_178, %get3A_179] : memref<10x4xf32, #tpu.memory_space<vmem>>, vector<1x1xf32>
    %max3A_181 = arith.constant 0.000000e+00 : f32
    %max3A_182 = vector.broadcast %max3A_181 : f32 to vector<1x1xf32>
    %max3A_183 = arith.maximumf %get3A_180, %max3A_182 : vector<1x1xf32>
    %abs3A_184 = math.absf %get3A_180 : vector<1x1xf32>
    %neg3A_185 = arith.constant 0.000000e+00 : f32
    %neg3A_186 = vector.broadcast %neg3A_185 : f32 to vector<1x1xf32>
    %neg3A_187 = arith.subf %neg3A_186, %abs3A_184 : vector<1x1xf32>
    %exp3A_188 = math.exp %neg3A_187 : vector<1x1xf32>
    %add3A_189 = arith.constant 1.000000e+00 : f32
    %add3A_190 = vector.broadcast %add3A_189 : f32 to vector<1x1xf32>
    %add3A_191 = arith.addf %add3A_190, %exp3A_188 : vector<1x1xf32>
    %log3A_192 = math.log %add3A_191 : vector<1x1xf32>
    %add3A_193 = arith.addf %max3A_183, %log3A_192 : vector<1x1xf32>
    %mul3A_194 = vector.broadcast %get3A_177 : vector<1x1xf32> to vector<80x125xf32>
    %mul3A_195 = arith.mulf %convert_element_type3A_38, %mul3A_194 : vector<80x125xf32>
    %add3A_196 = arith.addf %add3A_164, %mul3A_195 : vector<80x125xf32>
    %div3A_197 = arith.constant 1.000000e+00 : f32
    %div3A_198 = vector.broadcast %div3A_197 : f32 to vector<1x1xf32>
    %div3A_199 = arith.divf %div3A_198, %add3A_193 : vector<1x1xf32>
    %mul3A_200 = vector.broadcast %div3A_199 : vector<1x1xf32> to vector<80x125xf32>
    %mul3A_201 = arith.mulf %convert_element_type3A_38, %mul3A_200 : vector<80x125xf32>
    %add3A_202 = arith.addf %add3A_170, %mul3A_201 : vector<80x125xf32>
    %log3A_203 = math.log %add3A_193 : vector<1x1xf32>
    %mul3A_204 = vector.broadcast %log3A_203 : vector<1x1xf32> to vector<80x125xf32>
    %mul3A_205 = arith.mulf %convert_element_type3A_38, %mul3A_204 : vector<80x125xf32>
    %add3A_206 = arith.addf %add3A_174, %mul3A_205 : vector<80x125xf32>
    %get3A_207 = arith.constant 4 : index
    %get3A_208 = arith.constant 0 : index
    %get3A_209 = vector.load %arg7[%get3A_207, %get3A_208] : memref<10x4xf32, #tpu.memory_space<vmem>>, vector<1x1xf32>
    %get3A_210 = arith.constant 4 : index
    %get3A_211 = arith.constant 0 : index
    %get3A_212 = vector.load %arg8[%get3A_210, %get3A_211] : memref<10x4xf32, #tpu.memory_space<vmem>>, vector<1x1xf32>
    %max3A_213 = arith.constant 0.000000e+00 : f32
    %max3A_214 = vector.broadcast %max3A_213 : f32 to vector<1x1xf32>
    %max3A_215 = arith.maximumf %get3A_212, %max3A_214 : vector<1x1xf32>
    %abs3A_216 = math.absf %get3A_212 : vector<1x1xf32>
    %neg3A_217 = arith.constant 0.000000e+00 : f32
    %neg3A_218 = vector.broadcast %neg3A_217 : f32 to vector<1x1xf32>
    %neg3A_219 = arith.subf %neg3A_218, %abs3A_216 : vector<1x1xf32>
    %exp3A_220 = math.exp %neg3A_219 : vector<1x1xf32>
    %add3A_221 = arith.constant 1.000000e+00 : f32
    %add3A_222 = vector.broadcast %add3A_221 : f32 to vector<1x1xf32>
    %add3A_223 = arith.addf %add3A_222, %exp3A_220 : vector<1x1xf32>
    %log3A_224 = math.log %add3A_223 : vector<1x1xf32>
    %add3A_225 = arith.addf %max3A_215, %log3A_224 : vector<1x1xf32>
    %mul3A_226 = vector.broadcast %get3A_209 : vector<1x1xf32> to vector<80x125xf32>
    %mul3A_227 = arith.mulf %convert_element_type3A_43, %mul3A_226 : vector<80x125xf32>
    %add3A_228 = arith.addf %add3A_196, %mul3A_227 : vector<80x125xf32>
    %div3A_229 = arith.constant 1.000000e+00 : f32
    %div3A_230 = vector.broadcast %div3A_229 : f32 to vector<1x1xf32>
    %div3A_231 = arith.divf %div3A_230, %add3A_225 : vector<1x1xf32>
    %mul3A_232 = vector.broadcast %div3A_231 : vector<1x1xf32> to vector<80x125xf32>
    %mul3A_233 = arith.mulf %convert_element_type3A_43, %mul3A_232 : vector<80x125xf32>
    %add3A_234 = arith.addf %add3A_202, %mul3A_233 : vector<80x125xf32>
    %log3A_235 = math.log %add3A_225 : vector<1x1xf32>
    %mul3A_236 = vector.broadcast %log3A_235 : vector<1x1xf32> to vector<80x125xf32>
    %mul3A_237 = arith.mulf %convert_element_type3A_43, %mul3A_236 : vector<80x125xf32>
    %add3A_238 = arith.addf %add3A_206, %mul3A_237 : vector<80x125xf32>
    %get3A_239 = arith.constant 5 : index
    %get3A_240 = arith.constant 0 : index
    %get3A_241 = vector.load %arg7[%get3A_239, %get3A_240] : memref<10x4xf32, #tpu.memory_space<vmem>>, vector<1x1xf32>
    %get3A_242 = arith.constant 5 : index
    %get3A_243 = arith.constant 0 : index
    %get3A_244 = vector.load %arg8[%get3A_242, %get3A_243] : memref<10x4xf32, #tpu.memory_space<vmem>>, vector<1x1xf32>
    %max3A_245 = arith.constant 0.000000e+00 : f32
    %max3A_246 = vector.broadcast %max3A_245 : f32 to vector<1x1xf32>
    %max3A_247 = arith.maximumf %get3A_244, %max3A_246 : vector<1x1xf32>
    %abs3A_248 = math.absf %get3A_244 : vector<1x1xf32>
    %neg3A_249 = arith.constant 0.000000e+00 : f32
    %neg3A_250 = vector.broadcast %neg3A_249 : f32 to vector<1x1xf32>
    %neg3A_251 = arith.subf %neg3A_250, %abs3A_248 : vector<1x1xf32>
    %exp3A_252 = math.exp %neg3A_251 : vector<1x1xf32>
    %add3A_253 = arith.constant 1.000000e+00 : f32
    %add3A_254 = vector.broadcast %add3A_253 : f32 to vector<1x1xf32>
    %add3A_255 = arith.addf %add3A_254, %exp3A_252 : vector<1x1xf32>
    %log3A_256 = math.log %add3A_255 : vector<1x1xf32>
    %add3A_257 = arith.addf %max3A_247, %log3A_256 : vector<1x1xf32>
    %mul3A_258 = vector.broadcast %get3A_241 : vector<1x1xf32> to vector<80x125xf32>
    %mul3A_259 = arith.mulf %convert_element_type3A_48, %mul3A_258 : vector<80x125xf32>
    %add3A_260 = arith.addf %add3A_228, %mul3A_259 : vector<80x125xf32>
    %div3A_261 = arith.constant 1.000000e+00 : f32
    %div3A_262 = vector.broadcast %div3A_261 : f32 to vector<1x1xf32>
    %div3A_263 = arith.divf %div3A_262, %add3A_257 : vector<1x1xf32>
    %mul3A_264 = vector.broadcast %div3A_263 : vector<1x1xf32> to vector<80x125xf32>
    %mul3A_265 = arith.mulf %convert_element_type3A_48, %mul3A_264 : vector<80x125xf32>
    %add3A_266 = arith.addf %add3A_234, %mul3A_265 : vector<80x125xf32>
    %log3A_267 = math.log %add3A_257 : vector<1x1xf32>
    %mul3A_268 = vector.broadcast %log3A_267 : vector<1x1xf32> to vector<80x125xf32>
    %mul3A_269 = arith.mulf %convert_element_type3A_48, %mul3A_268 : vector<80x125xf32>
    %add3A_270 = arith.addf %add3A_238, %mul3A_269 : vector<80x125xf32>
    %get3A_271 = arith.constant 6 : index
    %get3A_272 = arith.constant 0 : index
    %get3A_273 = vector.load %arg7[%get3A_271, %get3A_272] : memref<10x4xf32, #tpu.memory_space<vmem>>, vector<1x1xf32>
    %get3A_274 = arith.constant 6 : index
    %get3A_275 = arith.constant 0 : index
    %get3A_276 = vector.load %arg8[%get3A_274, %get3A_275] : memref<10x4xf32, #tpu.memory_space<vmem>>, vector<1x1xf32>
    %max3A_277 = arith.constant 0.000000e+00 : f32
    %max3A_278 = vector.broadcast %max3A_277 : f32 to vector<1x1xf32>
    %max3A_279 = arith.maximumf %get3A_276, %max3A_278 : vector<1x1xf32>
    %abs3A_280 = math.absf %get3A_276 : vector<1x1xf32>
    %neg3A_281 = arith.constant 0.000000e+00 : f32
    %neg3A_282 = vector.broadcast %neg3A_281 : f32 to vector<1x1xf32>
    %neg3A_283 = arith.subf %neg3A_282, %abs3A_280 : vector<1x1xf32>
    %exp3A_284 = math.exp %neg3A_283 : vector<1x1xf32>
    %add3A_285 = arith.constant 1.000000e+00 : f32
    %add3A_286 = vector.broadcast %add3A_285 : f32 to vector<1x1xf32>
    %add3A_287 = arith.addf %add3A_286, %exp3A_284 : vector<1x1xf32>
    %log3A_288 = math.log %add3A_287 : vector<1x1xf32>
    %add3A_289 = arith.addf %max3A_279, %log3A_288 : vector<1x1xf32>
    %mul3A_290 = vector.broadcast %get3A_273 : vector<1x1xf32> to vector<80x125xf32>
    %mul3A_291 = arith.mulf %convert_element_type3A_53, %mul3A_290 : vector<80x125xf32>
    %add3A_292 = arith.addf %add3A_260, %mul3A_291 : vector<80x125xf32>
    %div3A_293 = arith.constant 1.000000e+00 : f32
    %div3A_294 = vector.broadcast %div3A_293 : f32 to vector<1x1xf32>
    %div3A_295 = arith.divf %div3A_294, %add3A_289 : vector<1x1xf32>
    %mul3A_296 = vector.broadcast %div3A_295 : vector<1x1xf32> to vector<80x125xf32>
    %mul3A_297 = arith.mulf %convert_element_type3A_53, %mul3A_296 : vector<80x125xf32>
    %add3A_298 = arith.addf %add3A_266, %mul3A_297 : vector<80x125xf32>
    %log3A_299 = math.log %add3A_289 : vector<1x1xf32>
    %mul3A_300 = vector.broadcast %log3A_299 : vector<1x1xf32> to vector<80x125xf32>
    %mul3A_301 = arith.mulf %convert_element_type3A_53, %mul3A_300 : vector<80x125xf32>
    %add3A_302 = arith.addf %add3A_270, %mul3A_301 : vector<80x125xf32>
    %get3A_303 = arith.constant 7 : index
    %get3A_304 = arith.constant 0 : index
    %get3A_305 = vector.load %arg7[%get3A_303, %get3A_304] : memref<10x4xf32, #tpu.memory_space<vmem>>, vector<1x1xf32>
    %get3A_306 = arith.constant 7 : index
    %get3A_307 = arith.constant 0 : index
    %get3A_308 = vector.load %arg8[%get3A_306, %get3A_307] : memref<10x4xf32, #tpu.memory_space<vmem>>, vector<1x1xf32>
    %max3A_309 = arith.constant 0.000000e+00 : f32
    %max3A_310 = vector.broadcast %max3A_309 : f32 to vector<1x1xf32>
    %max3A_311 = arith.maximumf %get3A_308, %max3A_310 : vector<1x1xf32>
    %abs3A_312 = math.absf %get3A_308 : vector<1x1xf32>
    %neg3A_313 = arith.constant 0.000000e+00 : f32
    %neg3A_314 = vector.broadcast %neg3A_313 : f32 to vector<1x1xf32>
    %neg3A_315 = arith.subf %neg3A_314, %abs3A_312 : vector<1x1xf32>
    %exp3A_316 = math.exp %neg3A_315 : vector<1x1xf32>
    %add3A_317 = arith.constant 1.000000e+00 : f32
    %add3A_318 = vector.broadcast %add3A_317 : f32 to vector<1x1xf32>
    %add3A_319 = arith.addf %add3A_318, %exp3A_316 : vector<1x1xf32>
    %log3A_320 = math.log %add3A_319 : vector<1x1xf32>
    %add3A_321 = arith.addf %max3A_311, %log3A_320 : vector<1x1xf32>
    %mul3A_322 = vector.broadcast %get3A_305 : vector<1x1xf32> to vector<80x125xf32>
    %mul3A_323 = arith.mulf %convert_element_type3A_58, %mul3A_322 : vector<80x125xf32>
    %add3A_324 = arith.addf %add3A_292, %mul3A_323 : vector<80x125xf32>
    %div3A_325 = arith.constant 1.000000e+00 : f32
    %div3A_326 = vector.broadcast %div3A_325 : f32 to vector<1x1xf32>
    %div3A_327 = arith.divf %div3A_326, %add3A_321 : vector<1x1xf32>
    %mul3A_328 = vector.broadcast %div3A_327 : vector<1x1xf32> to vector<80x125xf32>
    %mul3A_329 = arith.mulf %convert_element_type3A_58, %mul3A_328 : vector<80x125xf32>
    %add3A_330 = arith.addf %add3A_298, %mul3A_329 : vector<80x125xf32>
    %log3A_331 = math.log %add3A_321 : vector<1x1xf32>
    %mul3A_332 = vector.broadcast %log3A_331 : vector<1x1xf32> to vector<80x125xf32>
    %mul3A_333 = arith.mulf %convert_element_type3A_58, %mul3A_332 : vector<80x125xf32>
    %add3A_334 = arith.addf %add3A_302, %mul3A_333 : vector<80x125xf32>
    %get3A_335 = arith.constant 8 : index
    %get3A_336 = arith.constant 0 : index
    %get3A_337 = vector.load %arg7[%get3A_335, %get3A_336] : memref<10x4xf32, #tpu.memory_space<vmem>>, vector<1x1xf32>
    %get3A_338 = arith.constant 8 : index
    %get3A_339 = arith.constant 0 : index
    %get3A_340 = vector.load %arg8[%get3A_338, %get3A_339] : memref<10x4xf32, #tpu.memory_space<vmem>>, vector<1x1xf32>
    %max3A_341 = arith.constant 0.000000e+00 : f32
    %max3A_342 = vector.broadcast %max3A_341 : f32 to vector<1x1xf32>
    %max3A_343 = arith.maximumf %get3A_340, %max3A_342 : vector<1x1xf32>
    %abs3A_344 = math.absf %get3A_340 : vector<1x1xf32>
    %neg3A_345 = arith.constant 0.000000e+00 : f32
    %neg3A_346 = vector.broadcast %neg3A_345 : f32 to vector<1x1xf32>
    %neg3A_347 = arith.subf %neg3A_346, %abs3A_344 : vector<1x1xf32>
    %exp3A_348 = math.exp %neg3A_347 : vector<1x1xf32>
    %add3A_349 = arith.constant 1.000000e+00 : f32
    %add3A_350 = vector.broadcast %add3A_349 : f32 to vector<1x1xf32>
    %add3A_351 = arith.addf %add3A_350, %exp3A_348 : vector<1x1xf32>
    %log3A_352 = math.log %add3A_351 : vector<1x1xf32>
    %add3A_353 = arith.addf %max3A_343, %log3A_352 : vector<1x1xf32>
    %mul3A_354 = vector.broadcast %get3A_337 : vector<1x1xf32> to vector<80x125xf32>
    %mul3A_355 = arith.mulf %convert_element_type3A_63, %mul3A_354 : vector<80x125xf32>
    %add3A_356 = arith.addf %add3A_324, %mul3A_355 : vector<80x125xf32>
    %div3A_357 = arith.constant 1.000000e+00 : f32
    %div3A_358 = vector.broadcast %div3A_357 : f32 to vector<1x1xf32>
    %div3A_359 = arith.divf %div3A_358, %add3A_353 : vector<1x1xf32>
    %mul3A_360 = vector.broadcast %div3A_359 : vector<1x1xf32> to vector<80x125xf32>
    %mul3A_361 = arith.mulf %convert_element_type3A_63, %mul3A_360 : vector<80x125xf32>
    %add3A_362 = arith.addf %add3A_330, %mul3A_361 : vector<80x125xf32>
    %log3A_363 = math.log %add3A_353 : vector<1x1xf32>
    %mul3A_364 = vector.broadcast %log3A_363 : vector<1x1xf32> to vector<80x125xf32>
    %mul3A_365 = arith.mulf %convert_element_type3A_63, %mul3A_364 : vector<80x125xf32>
    %add3A_366 = arith.addf %add3A_334, %mul3A_365 : vector<80x125xf32>
    %get3A_367 = arith.constant 9 : index
    %get3A_368 = arith.constant 0 : index
    %get3A_369 = vector.load %arg7[%get3A_367, %get3A_368] : memref<10x4xf32, #tpu.memory_space<vmem>>, vector<1x1xf32>
    %get3A_370 = arith.constant 9 : index
    %get3A_371 = arith.constant 0 : index
    %get3A_372 = vector.load %arg8[%get3A_370, %get3A_371] : memref<10x4xf32, #tpu.memory_space<vmem>>, vector<1x1xf32>
    %max3A_373 = arith.constant 0.000000e+00 : f32
    %max3A_374 = vector.broadcast %max3A_373 : f32 to vector<1x1xf32>
    %max3A_375 = arith.maximumf %get3A_372, %max3A_374 : vector<1x1xf32>
    %abs3A_376 = math.absf %get3A_372 : vector<1x1xf32>
    %neg3A_377 = arith.constant 0.000000e+00 : f32
    %neg3A_378 = vector.broadcast %neg3A_377 : f32 to vector<1x1xf32>
    %neg3A_379 = arith.subf %neg3A_378, %abs3A_376 : vector<1x1xf32>
    %exp3A_380 = math.exp %neg3A_379 : vector<1x1xf32>
    %add3A_381 = arith.constant 1.000000e+00 : f32
    %add3A_382 = vector.broadcast %add3A_381 : f32 to vector<1x1xf32>
    %add3A_383 = arith.addf %add3A_382, %exp3A_380 : vector<1x1xf32>
    %log3A_384 = math.log %add3A_383 : vector<1x1xf32>
    %add3A_385 = arith.addf %max3A_375, %log3A_384 : vector<1x1xf32>
    %mul3A_386 = vector.broadcast %get3A_369 : vector<1x1xf32> to vector<80x125xf32>
    %mul3A_387 = arith.mulf %convert_element_type3A_68, %mul3A_386 : vector<80x125xf32>
    %add3A_388 = arith.addf %add3A_356, %mul3A_387 : vector<80x125xf32>
    %div3A_389 = arith.constant 1.000000e+00 : f32
    %div3A_390 = vector.broadcast %div3A_389 : f32 to vector<1x1xf32>
    %div3A_391 = arith.divf %div3A_390, %add3A_385 : vector<1x1xf32>
    %mul3A_392 = vector.broadcast %div3A_391 : vector<1x1xf32> to vector<80x125xf32>
    %mul3A_393 = arith.mulf %convert_element_type3A_68, %mul3A_392 : vector<80x125xf32>
    %add3A_394 = arith.addf %add3A_362, %mul3A_393 : vector<80x125xf32>
    %log3A_395 = math.log %add3A_385 : vector<1x1xf32>
    %mul3A_396 = vector.broadcast %log3A_395 : vector<1x1xf32> to vector<80x125xf32>
    %mul3A_397 = arith.mulf %convert_element_type3A_68, %mul3A_396 : vector<80x125xf32>
    %add3A_398 = arith.addf %add3A_366, %mul3A_397 : vector<80x125xf32>
    %sub3A_399 = arith.subf %get3A_71, %add3A_388 : vector<80x125xf32>
    %mul3A_400 = arith.mulf %sub3A_399, %add3A_394 : vector<80x125xf32>
    %mul3A_401 = arith.constant -5.000000e-01 : f32
    %mul3A_402 = vector.broadcast %mul3A_401 : f32 to vector<80x125xf32>
    %mul3A_403 = arith.mulf %mul3A_402, %mul3A_400 : vector<80x125xf32>
    %mul3A_404 = arith.mulf %mul3A_403, %mul3A_400 : vector<80x125xf32>
    %sub3A_405 = arith.subf %mul3A_404, %add3A_398 : vector<80x125xf32>
    %reduce_sum3A_406 = vector.shape_cast %sub3A_405 : vector<80x125xf32> to vector<1x80x125xf32>
    %reduce_sum3A_407 = arith.constant dense<0.000000e+00> : vector<1xf32>
    %reduce_sum3A_408 = vector.multi_reduction <add>, %reduce_sum3A_406, %reduce_sum3A_407 [1, 2] : vector<1x80x125xf32> to vector<1xf32>
    %reduce_sum3A_409 = vector.shape_cast %reduce_sum3A_408 : vector<1xf32> to vector<1x1x1xf32>
    %reduce_sum3A_410 = vector.extract %reduce_sum3A_409[0, 0, 0] : f32 from vector<1x1x1xf32>
    %add3A_411 = arith.addf %sub3A_17, %reduce_sum3A_410 : f32
    %broadcast_in_dim3A_412 = arith.constant 0.000000e+00 : f32
    %broadcast_in_dim3A_413 = vector.broadcast %broadcast_in_dim3A_412 : f32 to vector<80x125xf32>
    %broadcast_in_dim3A_414 = arith.constant 0.000000e+00 : f32
    %broadcast_in_dim3A_415 = vector.broadcast %broadcast_in_dim3A_414 : f32 to vector<80x125xf32>
    %broadcast_in_dim3A_416 = arith.constant 0.000000e+00 : f32
    %broadcast_in_dim3A_417 = vector.broadcast %broadcast_in_dim3A_416 : f32 to vector<80x125xf32>
    %get3A_418 = arith.constant 0 : index
    %get3A_419 = arith.constant 1 : index
    %get3A_420 = vector.load %arg7[%get3A_418, %get3A_419] : memref<10x4xf32, #tpu.memory_space<vmem>>, vector<1x1xf32>
    %get3A_421 = arith.constant 0 : index
    %get3A_422 = arith.constant 1 : index
    %get3A_423 = vector.load %arg8[%get3A_421, %get3A_422] : memref<10x4xf32, #tpu.memory_space<vmem>>, vector<1x1xf32>
    %max3A_424 = arith.constant 0.000000e+00 : f32
    %max3A_425 = vector.broadcast %max3A_424 : f32 to vector<1x1xf32>
    %max3A_426 = arith.maximumf %get3A_423, %max3A_425 : vector<1x1xf32>
    %abs3A_427 = math.absf %get3A_423 : vector<1x1xf32>
    %neg3A_428 = arith.constant 0.000000e+00 : f32
    %neg3A_429 = vector.broadcast %neg3A_428 : f32 to vector<1x1xf32>
    %neg3A_430 = arith.subf %neg3A_429, %abs3A_427 : vector<1x1xf32>
    %exp3A_431 = math.exp %neg3A_430 : vector<1x1xf32>
    %add3A_432 = arith.constant 1.000000e+00 : f32
    %add3A_433 = vector.broadcast %add3A_432 : f32 to vector<1x1xf32>
    %add3A_434 = arith.addf %add3A_433, %exp3A_431 : vector<1x1xf32>
    %log3A_435 = math.log %add3A_434 : vector<1x1xf32>
    %add3A_436 = arith.addf %max3A_426, %log3A_435 : vector<1x1xf32>
    %mul3A_437 = vector.broadcast %get3A_420 : vector<1x1xf32> to vector<80x125xf32>
    %mul3A_438 = arith.mulf %convert_element_type3A_23, %mul3A_437 : vector<80x125xf32>
    %add3A_439 = arith.addf %broadcast_in_dim3A_413, %mul3A_438 : vector<80x125xf32>
    %div3A_440 = arith.constant 1.000000e+00 : f32
    %div3A_441 = vector.broadcast %div3A_440 : f32 to vector<1x1xf32>
    %div3A_442 = arith.divf %div3A_441, %add3A_436 : vector<1x1xf32>
    %mul3A_443 = vector.broadcast %div3A_442 : vector<1x1xf32> to vector<80x125xf32>
    %mul3A_444 = arith.mulf %convert_element_type3A_23, %mul3A_443 : vector<80x125xf32>
    %add3A_445 = arith.addf %broadcast_in_dim3A_415, %mul3A_444 : vector<80x125xf32>
    %log3A_446 = math.log %add3A_436 : vector<1x1xf32>
    %mul3A_447 = vector.broadcast %log3A_446 : vector<1x1xf32> to vector<80x125xf32>
    %mul3A_448 = arith.mulf %convert_element_type3A_23, %mul3A_447 : vector<80x125xf32>
    %add3A_449 = arith.addf %broadcast_in_dim3A_417, %mul3A_448 : vector<80x125xf32>
    %get3A_450 = arith.constant 1 : index
    %get3A_451 = arith.constant 1 : index
    %get3A_452 = vector.load %arg7[%get3A_450, %get3A_451] : memref<10x4xf32, #tpu.memory_space<vmem>>, vector<1x1xf32>
    %get3A_453 = arith.constant 1 : index
    %get3A_454 = arith.constant 1 : index
    %get3A_455 = vector.load %arg8[%get3A_453, %get3A_454] : memref<10x4xf32, #tpu.memory_space<vmem>>, vector<1x1xf32>
    %max3A_456 = arith.constant 0.000000e+00 : f32
    %max3A_457 = vector.broadcast %max3A_456 : f32 to vector<1x1xf32>
    %max3A_458 = arith.maximumf %get3A_455, %max3A_457 : vector<1x1xf32>
    %abs3A_459 = math.absf %get3A_455 : vector<1x1xf32>
    %neg3A_460 = arith.constant 0.000000e+00 : f32
    %neg3A_461 = vector.broadcast %neg3A_460 : f32 to vector<1x1xf32>
    %neg3A_462 = arith.subf %neg3A_461, %abs3A_459 : vector<1x1xf32>
    %exp3A_463 = math.exp %neg3A_462 : vector<1x1xf32>
    %add3A_464 = arith.constant 1.000000e+00 : f32
    %add3A_465 = vector.broadcast %add3A_464 : f32 to vector<1x1xf32>
    %add3A_466 = arith.addf %add3A_465, %exp3A_463 : vector<1x1xf32>
    %log3A_467 = math.log %add3A_466 : vector<1x1xf32>
    %add3A_468 = arith.addf %max3A_458, %log3A_467 : vector<1x1xf32>
    %mul3A_469 = vector.broadcast %get3A_452 : vector<1x1xf32> to vector<80x125xf32>
    %mul3A_470 = arith.mulf %convert_element_type3A_28, %mul3A_469 : vector<80x125xf32>
    %add3A_471 = arith.addf %add3A_439, %mul3A_470 : vector<80x125xf32>
    %div3A_472 = arith.constant 1.000000e+00 : f32
    %div3A_473 = vector.broadcast %div3A_472 : f32 to vector<1x1xf32>
    %div3A_474 = arith.divf %div3A_473, %add3A_468 : vector<1x1xf32>
    %mul3A_475 = vector.broadcast %div3A_474 : vector<1x1xf32> to vector<80x125xf32>
    %mul3A_476 = arith.mulf %convert_element_type3A_28, %mul3A_475 : vector<80x125xf32>
    %add3A_477 = arith.addf %add3A_445, %mul3A_476 : vector<80x125xf32>
    %log3A_478 = math.log %add3A_468 : vector<1x1xf32>
    %mul3A_479 = vector.broadcast %log3A_478 : vector<1x1xf32> to vector<80x125xf32>
    %mul3A_480 = arith.mulf %convert_element_type3A_28, %mul3A_479 : vector<80x125xf32>
    %add3A_481 = arith.addf %add3A_449, %mul3A_480 : vector<80x125xf32>
    %get3A_482 = arith.constant 2 : index
    %get3A_483 = arith.constant 1 : index
    %get3A_484 = vector.load %arg7[%get3A_482, %get3A_483] : memref<10x4xf32, #tpu.memory_space<vmem>>, vector<1x1xf32>
    %get3A_485 = arith.constant 2 : index
    %get3A_486 = arith.constant 1 : index
    %get3A_487 = vector.load %arg8[%get3A_485, %get3A_486] : memref<10x4xf32, #tpu.memory_space<vmem>>, vector<1x1xf32>
    %max3A_488 = arith.constant 0.000000e+00 : f32
    %max3A_489 = vector.broadcast %max3A_488 : f32 to vector<1x1xf32>
    %max3A_490 = arith.maximumf %get3A_487, %max3A_489 : vector<1x1xf32>
    %abs3A_491 = math.absf %get3A_487 : vector<1x1xf32>
    %neg3A_492 = arith.constant 0.000000e+00 : f32
    %neg3A_493 = vector.broadcast %neg3A_492 : f32 to vector<1x1xf32>
    %neg3A_494 = arith.subf %neg3A_493, %abs3A_491 : vector<1x1xf32>
    %exp3A_495 = math.exp %neg3A_494 : vector<1x1xf32>
    %add3A_496 = arith.constant 1.000000e+00 : f32
    %add3A_497 = vector.broadcast %add3A_496 : f32 to vector<1x1xf32>
    %add3A_498 = arith.addf %add3A_497, %exp3A_495 : vector<1x1xf32>
    %log3A_499 = math.log %add3A_498 : vector<1x1xf32>
    %add3A_500 = arith.addf %max3A_490, %log3A_499 : vector<1x1xf32>
    %mul3A_501 = vector.broadcast %get3A_484 : vector<1x1xf32> to vector<80x125xf32>
    %mul3A_502 = arith.mulf %convert_element_type3A_33, %mul3A_501 : vector<80x125xf32>
    %add3A_503 = arith.addf %add3A_471, %mul3A_502 : vector<80x125xf32>
    %div3A_504 = arith.constant 1.000000e+00 : f32
    %div3A_505 = vector.broadcast %div3A_504 : f32 to vector<1x1xf32>
    %div3A_506 = arith.divf %div3A_505, %add3A_500 : vector<1x1xf32>
    %mul3A_507 = vector.broadcast %div3A_506 : vector<1x1xf32> to vector<80x125xf32>
    %mul3A_508 = arith.mulf %convert_element_type3A_33, %mul3A_507 : vector<80x125xf32>
    %add3A_509 = arith.addf %add3A_477, %mul3A_508 : vector<80x125xf32>
    %log3A_510 = math.log %add3A_500 : vector<1x1xf32>
    %mul3A_511 = vector.broadcast %log3A_510 : vector<1x1xf32> to vector<80x125xf32>
    %mul3A_512 = arith.mulf %convert_element_type3A_33, %mul3A_511 : vector<80x125xf32>
    %add3A_513 = arith.addf %add3A_481, %mul3A_512 : vector<80x125xf32>
    %get3A_514 = arith.constant 3 : index
    %get3A_515 = arith.constant 1 : index
    %get3A_516 = vector.load %arg7[%get3A_514, %get3A_515] : memref<10x4xf32, #tpu.memory_space<vmem>>, vector<1x1xf32>
    %get3A_517 = arith.constant 3 : index
    %get3A_518 = arith.constant 1 : index
    %get3A_519 = vector.load %arg8[%get3A_517, %get3A_518] : memref<10x4xf32, #tpu.memory_space<vmem>>, vector<1x1xf32>
    %max3A_520 = arith.constant 0.000000e+00 : f32
    %max3A_521 = vector.broadcast %max3A_520 : f32 to vector<1x1xf32>
    %max3A_522 = arith.maximumf %get3A_519, %max3A_521 : vector<1x1xf32>
    %abs3A_523 = math.absf %get3A_519 : vector<1x1xf32>
    %neg3A_524 = arith.constant 0.000000e+00 : f32
    %neg3A_525 = vector.broadcast %neg3A_524 : f32 to vector<1x1xf32>
    %neg3A_526 = arith.subf %neg3A_525, %abs3A_523 : vector<1x1xf32>
    %exp3A_527 = math.exp %neg3A_526 : vector<1x1xf32>
    %add3A_528 = arith.constant 1.000000e+00 : f32
    %add3A_529 = vector.broadcast %add3A_528 : f32 to vector<1x1xf32>
    %add3A_530 = arith.addf %add3A_529, %exp3A_527 : vector<1x1xf32>
    %log3A_531 = math.log %add3A_530 : vector<1x1xf32>
    %add3A_532 = arith.addf %max3A_522, %log3A_531 : vector<1x1xf32>
    %mul3A_533 = vector.broadcast %get3A_516 : vector<1x1xf32> to vector<80x125xf32>
    %mul3A_534 = arith.mulf %convert_element_type3A_38, %mul3A_533 : vector<80x125xf32>
    %add3A_535 = arith.addf %add3A_503, %mul3A_534 : vector<80x125xf32>
    %div3A_536 = arith.constant 1.000000e+00 : f32
    %div3A_537 = vector.broadcast %div3A_536 : f32 to vector<1x1xf32>
    %div3A_538 = arith.divf %div3A_537, %add3A_532 : vector<1x1xf32>
    %mul3A_539 = vector.broadcast %div3A_538 : vector<1x1xf32> to vector<80x125xf32>
    %mul3A_540 = arith.mulf %convert_element_type3A_38, %mul3A_539 : vector<80x125xf32>
    %add3A_541 = arith.addf %add3A_509, %mul3A_540 : vector<80x125xf32>
    %log3A_542 = math.log %add3A_532 : vector<1x1xf32>
    %mul3A_543 = vector.broadcast %log3A_542 : vector<1x1xf32> to vector<80x125xf32>
    %mul3A_544 = arith.mulf %convert_element_type3A_38, %mul3A_543 : vector<80x125xf32>
    %add3A_545 = arith.addf %add3A_513, %mul3A_544 : vector<80x125xf32>
    %get3A_546 = arith.constant 4 : index
    %get3A_547 = arith.constant 1 : index
    %get3A_548 = vector.load %arg7[%get3A_546, %get3A_547] : memref<10x4xf32, #tpu.memory_space<vmem>>, vector<1x1xf32>
    %get3A_549 = arith.constant 4 : index
    %get3A_550 = arith.constant 1 : index
    %get3A_551 = vector.load %arg8[%get3A_549, %get3A_550] : memref<10x4xf32, #tpu.memory_space<vmem>>, vector<1x1xf32>
    %max3A_552 = arith.constant 0.000000e+00 : f32
    %max3A_553 = vector.broadcast %max3A_552 : f32 to vector<1x1xf32>
    %max3A_554 = arith.maximumf %get3A_551, %max3A_553 : vector<1x1xf32>
    %abs3A_555 = math.absf %get3A_551 : vector<1x1xf32>
    %neg3A_556 = arith.constant 0.000000e+00 : f32
    %neg3A_557 = vector.broadcast %neg3A_556 : f32 to vector<1x1xf32>
    %neg3A_558 = arith.subf %neg3A_557, %abs3A_555 : vector<1x1xf32>
    %exp3A_559 = math.exp %neg3A_558 : vector<1x1xf32>
    %add3A_560 = arith.constant 1.000000e+00 : f32
    %add3A_561 = vector.broadcast %add3A_560 : f32 to vector<1x1xf32>
    %add3A_562 = arith.addf %add3A_561, %exp3A_559 : vector<1x1xf32>
    %log3A_563 = math.log %add3A_562 : vector<1x1xf32>
    %add3A_564 = arith.addf %max3A_554, %log3A_563 : vector<1x1xf32>
    %mul3A_565 = vector.broadcast %get3A_548 : vector<1x1xf32> to vector<80x125xf32>
    %mul3A_566 = arith.mulf %convert_element_type3A_43, %mul3A_565 : vector<80x125xf32>
    %add3A_567 = arith.addf %add3A_535, %mul3A_566 : vector<80x125xf32>
    %div3A_568 = arith.constant 1.000000e+00 : f32
    %div3A_569 = vector.broadcast %div3A_568 : f32 to vector<1x1xf32>
    %div3A_570 = arith.divf %div3A_569, %add3A_564 : vector<1x1xf32>
    %mul3A_571 = vector.broadcast %div3A_570 : vector<1x1xf32> to vector<80x125xf32>
    %mul3A_572 = arith.mulf %convert_element_type3A_43, %mul3A_571 : vector<80x125xf32>
    %add3A_573 = arith.addf %add3A_541, %mul3A_572 : vector<80x125xf32>
    %log3A_574 = math.log %add3A_564 : vector<1x1xf32>
    %mul3A_575 = vector.broadcast %log3A_574 : vector<1x1xf32> to vector<80x125xf32>
    %mul3A_576 = arith.mulf %convert_element_type3A_43, %mul3A_575 : vector<80x125xf32>
    %add3A_577 = arith.addf %add3A_545, %mul3A_576 : vector<80x125xf32>
    %get3A_578 = arith.constant 5 : index
    %get3A_579 = arith.constant 1 : index
    %get3A_580 = vector.load %arg7[%get3A_578, %get3A_579] : memref<10x4xf32, #tpu.memory_space<vmem>>, vector<1x1xf32>
    %get3A_581 = arith.constant 5 : index
    %get3A_582 = arith.constant 1 : index
    %get3A_583 = vector.load %arg8[%get3A_581, %get3A_582] : memref<10x4xf32, #tpu.memory_space<vmem>>, vector<1x1xf32>
    %max3A_584 = arith.constant 0.000000e+00 : f32
    %max3A_585 = vector.broadcast %max3A_584 : f32 to vector<1x1xf32>
    %max3A_586 = arith.maximumf %get3A_583, %max3A_585 : vector<1x1xf32>
    %abs3A_587 = math.absf %get3A_583 : vector<1x1xf32>
    %neg3A_588 = arith.constant 0.000000e+00 : f32
    %neg3A_589 = vector.broadcast %neg3A_588 : f32 to vector<1x1xf32>
    %neg3A_590 = arith.subf %neg3A_589, %abs3A_587 : vector<1x1xf32>
    %exp3A_591 = math.exp %neg3A_590 : vector<1x1xf32>
    %add3A_592 = arith.constant 1.000000e+00 : f32
    %add3A_593 = vector.broadcast %add3A_592 : f32 to vector<1x1xf32>
    %add3A_594 = arith.addf %add3A_593, %exp3A_591 : vector<1x1xf32>
    %log3A_595 = math.log %add3A_594 : vector<1x1xf32>
    %add3A_596 = arith.addf %max3A_586, %log3A_595 : vector<1x1xf32>
    %mul3A_597 = vector.broadcast %get3A_580 : vector<1x1xf32> to vector<80x125xf32>
    %mul3A_598 = arith.mulf %convert_element_type3A_48, %mul3A_597 : vector<80x125xf32>
    %add3A_599 = arith.addf %add3A_567, %mul3A_598 : vector<80x125xf32>
    %div3A_600 = arith.constant 1.000000e+00 : f32
    %div3A_601 = vector.broadcast %div3A_600 : f32 to vector<1x1xf32>
    %div3A_602 = arith.divf %div3A_601, %add3A_596 : vector<1x1xf32>
    %mul3A_603 = vector.broadcast %div3A_602 : vector<1x1xf32> to vector<80x125xf32>
    %mul3A_604 = arith.mulf %convert_element_type3A_48, %mul3A_603 : vector<80x125xf32>
    %add3A_605 = arith.addf %add3A_573, %mul3A_604 : vector<80x125xf32>
    %log3A_606 = math.log %add3A_596 : vector<1x1xf32>
    %mul3A_607 = vector.broadcast %log3A_606 : vector<1x1xf32> to vector<80x125xf32>
    %mul3A_608 = arith.mulf %convert_element_type3A_48, %mul3A_607 : vector<80x125xf32>
    %add3A_609 = arith.addf %add3A_577, %mul3A_608 : vector<80x125xf32>
    %get3A_610 = arith.constant 6 : index
    %get3A_611 = arith.constant 1 : index
    %get3A_612 = vector.load %arg7[%get3A_610, %get3A_611] : memref<10x4xf32, #tpu.memory_space<vmem>>, vector<1x1xf32>
    %get3A_613 = arith.constant 6 : index
    %get3A_614 = arith.constant 1 : index
    %get3A_615 = vector.load %arg8[%get3A_613, %get3A_614] : memref<10x4xf32, #tpu.memory_space<vmem>>, vector<1x1xf32>
    %max3A_616 = arith.constant 0.000000e+00 : f32
    %max3A_617 = vector.broadcast %max3A_616 : f32 to vector<1x1xf32>
    %max3A_618 = arith.maximumf %get3A_615, %max3A_617 : vector<1x1xf32>
    %abs3A_619 = math.absf %get3A_615 : vector<1x1xf32>
    %neg3A_620 = arith.constant 0.000000e+00 : f32
    %neg3A_621 = vector.broadcast %neg3A_620 : f32 to vector<1x1xf32>
    %neg3A_622 = arith.subf %neg3A_621, %abs3A_619 : vector<1x1xf32>
    %exp3A_623 = math.exp %neg3A_622 : vector<1x1xf32>
    %add3A_624 = arith.constant 1.000000e+00 : f32
    %add3A_625 = vector.broadcast %add3A_624 : f32 to vector<1x1xf32>
    %add3A_626 = arith.addf %add3A_625, %exp3A_623 : vector<1x1xf32>
    %log3A_627 = math.log %add3A_626 : vector<1x1xf32>
    %add3A_628 = arith.addf %max3A_618, %log3A_627 : vector<1x1xf32>
    %mul3A_629 = vector.broadcast %get3A_612 : vector<1x1xf32> to vector<80x125xf32>
    %mul3A_630 = arith.mulf %convert_element_type3A_53, %mul3A_629 : vector<80x125xf32>
    %add3A_631 = arith.addf %add3A_599, %mul3A_630 : vector<80x125xf32>
    %div3A_632 = arith.constant 1.000000e+00 : f32
    %div3A_633 = vector.broadcast %div3A_632 : f32 to vector<1x1xf32>
    %div3A_634 = arith.divf %div3A_633, %add3A_628 : vector<1x1xf32>
    %mul3A_635 = vector.broadcast %div3A_634 : vector<1x1xf32> to vector<80x125xf32>
    %mul3A_636 = arith.mulf %convert_element_type3A_53, %mul3A_635 : vector<80x125xf32>
    %add3A_637 = arith.addf %add3A_605, %mul3A_636 : vector<80x125xf32>
    %log3A_638 = math.log %add3A_628 : vector<1x1xf32>
    %mul3A_639 = vector.broadcast %log3A_638 : vector<1x1xf32> to vector<80x125xf32>
    %mul3A_640 = arith.mulf %convert_element_type3A_53, %mul3A_639 : vector<80x125xf32>
    %add3A_641 = arith.addf %add3A_609, %mul3A_640 : vector<80x125xf32>
    %get3A_642 = arith.constant 7 : index
    %get3A_643 = arith.constant 1 : index
    %get3A_644 = vector.load %arg7[%get3A_642, %get3A_643] : memref<10x4xf32, #tpu.memory_space<vmem>>, vector<1x1xf32>
    %get3A_645 = arith.constant 7 : index
    %get3A_646 = arith.constant 1 : index
    %get3A_647 = vector.load %arg8[%get3A_645, %get3A_646] : memref<10x4xf32, #tpu.memory_space<vmem>>, vector<1x1xf32>
    %max3A_648 = arith.constant 0.000000e+00 : f32
    %max3A_649 = vector.broadcast %max3A_648 : f32 to vector<1x1xf32>
    %max3A_650 = arith.maximumf %get3A_647, %max3A_649 : vector<1x1xf32>
    %abs3A_651 = math.absf %get3A_647 : vector<1x1xf32>
    %neg3A_652 = arith.constant 0.000000e+00 : f32
    %neg3A_653 = vector.broadcast %neg3A_652 : f32 to vector<1x1xf32>
    %neg3A_654 = arith.subf %neg3A_653, %abs3A_651 : vector<1x1xf32>
    %exp3A_655 = math.exp %neg3A_654 : vector<1x1xf32>
    %add3A_656 = arith.constant 1.000000e+00 : f32
    %add3A_657 = vector.broadcast %add3A_656 : f32 to vector<1x1xf32>
    %add3A_658 = arith.addf %add3A_657, %exp3A_655 : vector<1x1xf32>
    %log3A_659 = math.log %add3A_658 : vector<1x1xf32>
    %add3A_660 = arith.addf %max3A_650, %log3A_659 : vector<1x1xf32>
    %mul3A_661 = vector.broadcast %get3A_644 : vector<1x1xf32> to vector<80x125xf32>
    %mul3A_662 = arith.mulf %convert_element_type3A_58, %mul3A_661 : vector<80x125xf32>
    %add3A_663 = arith.addf %add3A_631, %mul3A_662 : vector<80x125xf32>
    %div3A_664 = arith.constant 1.000000e+00 : f32
    %div3A_665 = vector.broadcast %div3A_664 : f32 to vector<1x1xf32>
    %div3A_666 = arith.divf %div3A_665, %add3A_660 : vector<1x1xf32>
    %mul3A_667 = vector.broadcast %div3A_666 : vector<1x1xf32> to vector<80x125xf32>
    %mul3A_668 = arith.mulf %convert_element_type3A_58, %mul3A_667 : vector<80x125xf32>
    %add3A_669 = arith.addf %add3A_637, %mul3A_668 : vector<80x125xf32>
    %log3A_670 = math.log %add3A_660 : vector<1x1xf32>
    %mul3A_671 = vector.broadcast %log3A_670 : vector<1x1xf32> to vector<80x125xf32>
    %mul3A_672 = arith.mulf %convert_element_type3A_58, %mul3A_671 : vector<80x125xf32>
    %add3A_673 = arith.addf %add3A_641, %mul3A_672 : vector<80x125xf32>
    %get3A_674 = arith.constant 8 : index
    %get3A_675 = arith.constant 1 : index
    %get3A_676 = vector.load %arg7[%get3A_674, %get3A_675] : memref<10x4xf32, #tpu.memory_space<vmem>>, vector<1x1xf32>
    %get3A_677 = arith.constant 8 : index
    %get3A_678 = arith.constant 1 : index
    %get3A_679 = vector.load %arg8[%get3A_677, %get3A_678] : memref<10x4xf32, #tpu.memory_space<vmem>>, vector<1x1xf32>
    %max3A_680 = arith.constant 0.000000e+00 : f32
    %max3A_681 = vector.broadcast %max3A_680 : f32 to vector<1x1xf32>
    %max3A_682 = arith.maximumf %get3A_679, %max3A_681 : vector<1x1xf32>
    %abs3A_683 = math.absf %get3A_679 : vector<1x1xf32>
    %neg3A_684 = arith.constant 0.000000e+00 : f32
    %neg3A_685 = vector.broadcast %neg3A_684 : f32 to vector<1x1xf32>
    %neg3A_686 = arith.subf %neg3A_685, %abs3A_683 : vector<1x1xf32>
    %exp3A_687 = math.exp %neg3A_686 : vector<1x1xf32>
    %add3A_688 = arith.constant 1.000000e+00 : f32
    %add3A_689 = vector.broadcast %add3A_688 : f32 to vector<1x1xf32>
    %add3A_690 = arith.addf %add3A_689, %exp3A_687 : vector<1x1xf32>
    %log3A_691 = math.log %add3A_690 : vector<1x1xf32>
    %add3A_692 = arith.addf %max3A_682, %log3A_691 : vector<1x1xf32>
    %mul3A_693 = vector.broadcast %get3A_676 : vector<1x1xf32> to vector<80x125xf32>
    %mul3A_694 = arith.mulf %convert_element_type3A_63, %mul3A_693 : vector<80x125xf32>
    %add3A_695 = arith.addf %add3A_663, %mul3A_694 : vector<80x125xf32>
    %div3A_696 = arith.constant 1.000000e+00 : f32
    %div3A_697 = vector.broadcast %div3A_696 : f32 to vector<1x1xf32>
    %div3A_698 = arith.divf %div3A_697, %add3A_692 : vector<1x1xf32>
    %mul3A_699 = vector.broadcast %div3A_698 : vector<1x1xf32> to vector<80x125xf32>
    %mul3A_700 = arith.mulf %convert_element_type3A_63, %mul3A_699 : vector<80x125xf32>
    %add3A_701 = arith.addf %add3A_669, %mul3A_700 : vector<80x125xf32>
    %log3A_702 = math.log %add3A_692 : vector<1x1xf32>
    %mul3A_703 = vector.broadcast %log3A_702 : vector<1x1xf32> to vector<80x125xf32>
    %mul3A_704 = arith.mulf %convert_element_type3A_63, %mul3A_703 : vector<80x125xf32>
    %add3A_705 = arith.addf %add3A_673, %mul3A_704 : vector<80x125xf32>
    %get3A_706 = arith.constant 9 : index
    %get3A_707 = arith.constant 1 : index
    %get3A_708 = vector.load %arg7[%get3A_706, %get3A_707] : memref<10x4xf32, #tpu.memory_space<vmem>>, vector<1x1xf32>
    %get3A_709 = arith.constant 9 : index
    %get3A_710 = arith.constant 1 : index
    %get3A_711 = vector.load %arg8[%get3A_709, %get3A_710] : memref<10x4xf32, #tpu.memory_space<vmem>>, vector<1x1xf32>
    %max3A_712 = arith.constant 0.000000e+00 : f32
    %max3A_713 = vector.broadcast %max3A_712 : f32 to vector<1x1xf32>
    %max3A_714 = arith.maximumf %get3A_711, %max3A_713 : vector<1x1xf32>
    %abs3A_715 = math.absf %get3A_711 : vector<1x1xf32>
    %neg3A_716 = arith.constant 0.000000e+00 : f32
    %neg3A_717 = vector.broadcast %neg3A_716 : f32 to vector<1x1xf32>
    %neg3A_718 = arith.subf %neg3A_717, %abs3A_715 : vector<1x1xf32>
    %exp3A_719 = math.exp %neg3A_718 : vector<1x1xf32>
    %add3A_720 = arith.constant 1.000000e+00 : f32
    %add3A_721 = vector.broadcast %add3A_720 : f32 to vector<1x1xf32>
    %add3A_722 = arith.addf %add3A_721, %exp3A_719 : vector<1x1xf32>
    %log3A_723 = math.log %add3A_722 : vector<1x1xf32>
    %add3A_724 = arith.addf %max3A_714, %log3A_723 : vector<1x1xf32>
    %mul3A_725 = vector.broadcast %get3A_708 : vector<1x1xf32> to vector<80x125xf32>
    %mul3A_726 = arith.mulf %convert_element_type3A_68, %mul3A_725 : vector<80x125xf32>
    %add3A_727 = arith.addf %add3A_695, %mul3A_726 : vector<80x125xf32>
    %div3A_728 = arith.constant 1.000000e+00 : f32
    %div3A_729 = vector.broadcast %div3A_728 : f32 to vector<1x1xf32>
    %div3A_730 = arith.divf %div3A_729, %add3A_724 : vector<1x1xf32>
    %mul3A_731 = vector.broadcast %div3A_730 : vector<1x1xf32> to vector<80x125xf32>
    %mul3A_732 = arith.mulf %convert_element_type3A_68, %mul3A_731 : vector<80x125xf32>
    %add3A_733 = arith.addf %add3A_701, %mul3A_732 : vector<80x125xf32>
    %log3A_734 = math.log %add3A_724 : vector<1x1xf32>
    %mul3A_735 = vector.broadcast %log3A_734 : vector<1x1xf32> to vector<80x125xf32>
    %mul3A_736 = arith.mulf %convert_element_type3A_68, %mul3A_735 : vector<80x125xf32>
    %add3A_737 = arith.addf %add3A_705, %mul3A_736 : vector<80x125xf32>
    %sub3A_738 = arith.subf %get3A_74, %add3A_727 : vector<80x125xf32>
    %mul3A_739 = arith.mulf %sub3A_738, %add3A_733 : vector<80x125xf32>
    %mul3A_740 = arith.constant -5.000000e-01 : f32
    %mul3A_741 = vector.broadcast %mul3A_740 : f32 to vector<80x125xf32>
    %mul3A_742 = arith.mulf %mul3A_741, %mul3A_739 : vector<80x125xf32>
    %mul3A_743 = arith.mulf %mul3A_742, %mul3A_739 : vector<80x125xf32>
    %sub3A_744 = arith.subf %mul3A_743, %add3A_737 : vector<80x125xf32>
    %reduce_sum3A_745 = vector.shape_cast %sub3A_744 : vector<80x125xf32> to vector<1x80x125xf32>
    %reduce_sum3A_746 = arith.constant dense<0.000000e+00> : vector<1xf32>
    %reduce_sum3A_747 = vector.multi_reduction <add>, %reduce_sum3A_745, %reduce_sum3A_746 [1, 2] : vector<1x80x125xf32> to vector<1xf32>
    %reduce_sum3A_748 = vector.shape_cast %reduce_sum3A_747 : vector<1xf32> to vector<1x1x1xf32>
    %reduce_sum3A_749 = vector.extract %reduce_sum3A_748[0, 0, 0] : f32 from vector<1x1x1xf32>
    %add3A_750 = arith.addf %add3A_411, %reduce_sum3A_749 : f32
    %broadcast_in_dim3A_751 = arith.constant 0.000000e+00 : f32
    %broadcast_in_dim3A_752 = vector.broadcast %broadcast_in_dim3A_751 : f32 to vector<80x125xf32>
    %broadcast_in_dim3A_753 = arith.constant 0.000000e+00 : f32
    %broadcast_in_dim3A_754 = vector.broadcast %broadcast_in_dim3A_753 : f32 to vector<80x125xf32>
    %broadcast_in_dim3A_755 = arith.constant 0.000000e+00 : f32
    %broadcast_in_dim3A_756 = vector.broadcast %broadcast_in_dim3A_755 : f32 to vector<80x125xf32>
    %get3A_757 = arith.constant 0 : index
    %get3A_758 = arith.constant 2 : index
    %get3A_759 = vector.load %arg7[%get3A_757, %get3A_758] : memref<10x4xf32, #tpu.memory_space<vmem>>, vector<1x1xf32>
    %get3A_760 = arith.constant 0 : index
    %get3A_761 = arith.constant 2 : index
    %get3A_762 = vector.load %arg8[%get3A_760, %get3A_761] : memref<10x4xf32, #tpu.memory_space<vmem>>, vector<1x1xf32>
    %max3A_763 = arith.constant 0.000000e+00 : f32
    %max3A_764 = vector.broadcast %max3A_763 : f32 to vector<1x1xf32>
    %max3A_765 = arith.maximumf %get3A_762, %max3A_764 : vector<1x1xf32>
    %abs3A_766 = math.absf %get3A_762 : vector<1x1xf32>
    %neg3A_767 = arith.constant 0.000000e+00 : f32
    %neg3A_768 = vector.broadcast %neg3A_767 : f32 to vector<1x1xf32>
    %neg3A_769 = arith.subf %neg3A_768, %abs3A_766 : vector<1x1xf32>
    %exp3A_770 = math.exp %neg3A_769 : vector<1x1xf32>
    %add3A_771 = arith.constant 1.000000e+00 : f32
    %add3A_772 = vector.broadcast %add3A_771 : f32 to vector<1x1xf32>
    %add3A_773 = arith.addf %add3A_772, %exp3A_770 : vector<1x1xf32>
    %log3A_774 = math.log %add3A_773 : vector<1x1xf32>
    %add3A_775 = arith.addf %max3A_765, %log3A_774 : vector<1x1xf32>
    %mul3A_776 = vector.broadcast %get3A_759 : vector<1x1xf32> to vector<80x125xf32>
    %mul3A_777 = arith.mulf %convert_element_type3A_23, %mul3A_776 : vector<80x125xf32>
    %add3A_778 = arith.addf %broadcast_in_dim3A_752, %mul3A_777 : vector<80x125xf32>
    %div3A_779 = arith.constant 1.000000e+00 : f32
    %div3A_780 = vector.broadcast %div3A_779 : f32 to vector<1x1xf32>
    %div3A_781 = arith.divf %div3A_780, %add3A_775 : vector<1x1xf32>
    %mul3A_782 = vector.broadcast %div3A_781 : vector<1x1xf32> to vector<80x125xf32>
    %mul3A_783 = arith.mulf %convert_element_type3A_23, %mul3A_782 : vector<80x125xf32>
    %add3A_784 = arith.addf %broadcast_in_dim3A_754, %mul3A_783 : vector<80x125xf32>
    %log3A_785 = math.log %add3A_775 : vector<1x1xf32>
    %mul3A_786 = vector.broadcast %log3A_785 : vector<1x1xf32> to vector<80x125xf32>
    %mul3A_787 = arith.mulf %convert_element_type3A_23, %mul3A_786 : vector<80x125xf32>
    %add3A_788 = arith.addf %broadcast_in_dim3A_756, %mul3A_787 : vector<80x125xf32>
    %get3A_789 = arith.constant 1 : index
    %get3A_790 = arith.constant 2 : index
    %get3A_791 = vector.load %arg7[%get3A_789, %get3A_790] : memref<10x4xf32, #tpu.memory_space<vmem>>, vector<1x1xf32>
    %get3A_792 = arith.constant 1 : index
    %get3A_793 = arith.constant 2 : index
    %get3A_794 = vector.load %arg8[%get3A_792, %get3A_793] : memref<10x4xf32, #tpu.memory_space<vmem>>, vector<1x1xf32>
    %max3A_795 = arith.constant 0.000000e+00 : f32
    %max3A_796 = vector.broadcast %max3A_795 : f32 to vector<1x1xf32>
    %max3A_797 = arith.maximumf %get3A_794, %max3A_796 : vector<1x1xf32>
    %abs3A_798 = math.absf %get3A_794 : vector<1x1xf32>
    %neg3A_799 = arith.constant 0.000000e+00 : f32
    %neg3A_800 = vector.broadcast %neg3A_799 : f32 to vector<1x1xf32>
    %neg3A_801 = arith.subf %neg3A_800, %abs3A_798 : vector<1x1xf32>
    %exp3A_802 = math.exp %neg3A_801 : vector<1x1xf32>
    %add3A_803 = arith.constant 1.000000e+00 : f32
    %add3A_804 = vector.broadcast %add3A_803 : f32 to vector<1x1xf32>
    %add3A_805 = arith.addf %add3A_804, %exp3A_802 : vector<1x1xf32>
    %log3A_806 = math.log %add3A_805 : vector<1x1xf32>
    %add3A_807 = arith.addf %max3A_797, %log3A_806 : vector<1x1xf32>
    %mul3A_808 = vector.broadcast %get3A_791 : vector<1x1xf32> to vector<80x125xf32>
    %mul3A_809 = arith.mulf %convert_element_type3A_28, %mul3A_808 : vector<80x125xf32>
    %add3A_810 = arith.addf %add3A_778, %mul3A_809 : vector<80x125xf32>
    %div3A_811 = arith.constant 1.000000e+00 : f32
    %div3A_812 = vector.broadcast %div3A_811 : f32 to vector<1x1xf32>
    %div3A_813 = arith.divf %div3A_812, %add3A_807 : vector<1x1xf32>
    %mul3A_814 = vector.broadcast %div3A_813 : vector<1x1xf32> to vector<80x125xf32>
    %mul3A_815 = arith.mulf %convert_element_type3A_28, %mul3A_814 : vector<80x125xf32>
    %add3A_816 = arith.addf %add3A_784, %mul3A_815 : vector<80x125xf32>
    %log3A_817 = math.log %add3A_807 : vector<1x1xf32>
    %mul3A_818 = vector.broadcast %log3A_817 : vector<1x1xf32> to vector<80x125xf32>
    %mul3A_819 = arith.mulf %convert_element_type3A_28, %mul3A_818 : vector<80x125xf32>
    %add3A_820 = arith.addf %add3A_788, %mul3A_819 : vector<80x125xf32>
    %get3A_821 = arith.constant 2 : index
    %get3A_822 = arith.constant 2 : index
    %get3A_823 = vector.load %arg7[%get3A_821, %get3A_822] : memref<10x4xf32, #tpu.memory_space<vmem>>, vector<1x1xf32>
    %get3A_824 = arith.constant 2 : index
    %get3A_825 = arith.constant 2 : index
    %get3A_826 = vector.load %arg8[%get3A_824, %get3A_825] : memref<10x4xf32, #tpu.memory_space<vmem>>, vector<1x1xf32>
    %max3A_827 = arith.constant 0.000000e+00 : f32
    %max3A_828 = vector.broadcast %max3A_827 : f32 to vector<1x1xf32>
    %max3A_829 = arith.maximumf %get3A_826, %max3A_828 : vector<1x1xf32>
    %abs3A_830 = math.absf %get3A_826 : vector<1x1xf32>
    %neg3A_831 = arith.constant 0.000000e+00 : f32
    %neg3A_832 = vector.broadcast %neg3A_831 : f32 to vector<1x1xf32>
    %neg3A_833 = arith.subf %neg3A_832, %abs3A_830 : vector<1x1xf32>
    %exp3A_834 = math.exp %neg3A_833 : vector<1x1xf32>
    %add3A_835 = arith.constant 1.000000e+00 : f32
    %add3A_836 = vector.broadcast %add3A_835 : f32 to vector<1x1xf32>
    %add3A_837 = arith.addf %add3A_836, %exp3A_834 : vector<1x1xf32>
    %log3A_838 = math.log %add3A_837 : vector<1x1xf32>
    %add3A_839 = arith.addf %max3A_829, %log3A_838 : vector<1x1xf32>
    %mul3A_840 = vector.broadcast %get3A_823 : vector<1x1xf32> to vector<80x125xf32>
    %mul3A_841 = arith.mulf %convert_element_type3A_33, %mul3A_840 : vector<80x125xf32>
    %add3A_842 = arith.addf %add3A_810, %mul3A_841 : vector<80x125xf32>
    %div3A_843 = arith.constant 1.000000e+00 : f32
    %div3A_844 = vector.broadcast %div3A_843 : f32 to vector<1x1xf32>
    %div3A_845 = arith.divf %div3A_844, %add3A_839 : vector<1x1xf32>
    %mul3A_846 = vector.broadcast %div3A_845 : vector<1x1xf32> to vector<80x125xf32>
    %mul3A_847 = arith.mulf %convert_element_type3A_33, %mul3A_846 : vector<80x125xf32>
    %add3A_848 = arith.addf %add3A_816, %mul3A_847 : vector<80x125xf32>
    %log3A_849 = math.log %add3A_839 : vector<1x1xf32>
    %mul3A_850 = vector.broadcast %log3A_849 : vector<1x1xf32> to vector<80x125xf32>
    %mul3A_851 = arith.mulf %convert_element_type3A_33, %mul3A_850 : vector<80x125xf32>
    %add3A_852 = arith.addf %add3A_820, %mul3A_851 : vector<80x125xf32>
    %get3A_853 = arith.constant 3 : index
    %get3A_854 = arith.constant 2 : index
    %get3A_855 = vector.load %arg7[%get3A_853, %get3A_854] : memref<10x4xf32, #tpu.memory_space<vmem>>, vector<1x1xf32>
    %get3A_856 = arith.constant 3 : index
    %get3A_857 = arith.constant 2 : index
    %get3A_858 = vector.load %arg8[%get3A_856, %get3A_857] : memref<10x4xf32, #tpu.memory_space<vmem>>, vector<1x1xf32>
    %max3A_859 = arith.constant 0.000000e+00 : f32
    %max3A_860 = vector.broadcast %max3A_859 : f32 to vector<1x1xf32>
    %max3A_861 = arith.maximumf %get3A_858, %max3A_860 : vector<1x1xf32>
    %abs3A_862 = math.absf %get3A_858 : vector<1x1xf32>
    %neg3A_863 = arith.constant 0.000000e+00 : f32
    %neg3A_864 = vector.broadcast %neg3A_863 : f32 to vector<1x1xf32>
    %neg3A_865 = arith.subf %neg3A_864, %abs3A_862 : vector<1x1xf32>
    %exp3A_866 = math.exp %neg3A_865 : vector<1x1xf32>
    %add3A_867 = arith.constant 1.000000e+00 : f32
    %add3A_868 = vector.broadcast %add3A_867 : f32 to vector<1x1xf32>
    %add3A_869 = arith.addf %add3A_868, %exp3A_866 : vector<1x1xf32>
    %log3A_870 = math.log %add3A_869 : vector<1x1xf32>
    %add3A_871 = arith.addf %max3A_861, %log3A_870 : vector<1x1xf32>
    %mul3A_872 = vector.broadcast %get3A_855 : vector<1x1xf32> to vector<80x125xf32>
    %mul3A_873 = arith.mulf %convert_element_type3A_38, %mul3A_872 : vector<80x125xf32>
    %add3A_874 = arith.addf %add3A_842, %mul3A_873 : vector<80x125xf32>
    %div3A_875 = arith.constant 1.000000e+00 : f32
    %div3A_876 = vector.broadcast %div3A_875 : f32 to vector<1x1xf32>
    %div3A_877 = arith.divf %div3A_876, %add3A_871 : vector<1x1xf32>
    %mul3A_878 = vector.broadcast %div3A_877 : vector<1x1xf32> to vector<80x125xf32>
    %mul3A_879 = arith.mulf %convert_element_type3A_38, %mul3A_878 : vector<80x125xf32>
    %add3A_880 = arith.addf %add3A_848, %mul3A_879 : vector<80x125xf32>
    %log3A_881 = math.log %add3A_871 : vector<1x1xf32>
    %mul3A_882 = vector.broadcast %log3A_881 : vector<1x1xf32> to vector<80x125xf32>
    %mul3A_883 = arith.mulf %convert_element_type3A_38, %mul3A_882 : vector<80x125xf32>
    %add3A_884 = arith.addf %add3A_852, %mul3A_883 : vector<80x125xf32>
    %get3A_885 = arith.constant 4 : index
    %get3A_886 = arith.constant 2 : index
    %get3A_887 = vector.load %arg7[%get3A_885, %get3A_886] : memref<10x4xf32, #tpu.memory_space<vmem>>, vector<1x1xf32>
    %get3A_888 = arith.constant 4 : index
    %get3A_889 = arith.constant 2 : index
    %get3A_890 = vector.load %arg8[%get3A_888, %get3A_889] : memref<10x4xf32, #tpu.memory_space<vmem>>, vector<1x1xf32>
    %max3A_891 = arith.constant 0.000000e+00 : f32
    %max3A_892 = vector.broadcast %max3A_891 : f32 to vector<1x1xf32>
    %max3A_893 = arith.maximumf %get3A_890, %max3A_892 : vector<1x1xf32>
    %abs3A_894 = math.absf %get3A_890 : vector<1x1xf32>
    %neg3A_895 = arith.constant 0.000000e+00 : f32
    %neg3A_896 = vector.broadcast %neg3A_895 : f32 to vector<1x1xf32>
    %neg3A_897 = arith.subf %neg3A_896, %abs3A_894 : vector<1x1xf32>
    %exp3A_898 = math.exp %neg3A_897 : vector<1x1xf32>
    %add3A_899 = arith.constant 1.000000e+00 : f32
    %add3A_900 = vector.broadcast %add3A_899 : f32 to vector<1x1xf32>
    %add3A_901 = arith.addf %add3A_900, %exp3A_898 : vector<1x1xf32>
    %log3A_902 = math.log %add3A_901 : vector<1x1xf32>
    %add3A_903 = arith.addf %max3A_893, %log3A_902 : vector<1x1xf32>
    %mul3A_904 = vector.broadcast %get3A_887 : vector<1x1xf32> to vector<80x125xf32>
    %mul3A_905 = arith.mulf %convert_element_type3A_43, %mul3A_904 : vector<80x125xf32>
    %add3A_906 = arith.addf %add3A_874, %mul3A_905 : vector<80x125xf32>
    %div3A_907 = arith.constant 1.000000e+00 : f32
    %div3A_908 = vector.broadcast %div3A_907 : f32 to vector<1x1xf32>
    %div3A_909 = arith.divf %div3A_908, %add3A_903 : vector<1x1xf32>
    %mul3A_910 = vector.broadcast %div3A_909 : vector<1x1xf32> to vector<80x125xf32>
    %mul3A_911 = arith.mulf %convert_element_type3A_43, %mul3A_910 : vector<80x125xf32>
    %add3A_912 = arith.addf %add3A_880, %mul3A_911 : vector<80x125xf32>
    %log3A_913 = math.log %add3A_903 : vector<1x1xf32>
    %mul3A_914 = vector.broadcast %log3A_913 : vector<1x1xf32> to vector<80x125xf32>
    %mul3A_915 = arith.mulf %convert_element_type3A_43, %mul3A_914 : vector<80x125xf32>
    %add3A_916 = arith.addf %add3A_884, %mul3A_915 : vector<80x125xf32>
    %get3A_917 = arith.constant 5 : index
    %get3A_918 = arith.constant 2 : index
    %get3A_919 = vector.load %arg7[%get3A_917, %get3A_918] : memref<10x4xf32, #tpu.memory_space<vmem>>, vector<1x1xf32>
    %get3A_920 = arith.constant 5 : index
    %get3A_921 = arith.constant 2 : index
    %get3A_922 = vector.load %arg8[%get3A_920, %get3A_921] : memref<10x4xf32, #tpu.memory_space<vmem>>, vector<1x1xf32>
    %max3A_923 = arith.constant 0.000000e+00 : f32
    %max3A_924 = vector.broadcast %max3A_923 : f32 to vector<1x1xf32>
    %max3A_925 = arith.maximumf %get3A_922, %max3A_924 : vector<1x1xf32>
    %abs3A_926 = math.absf %get3A_922 : vector<1x1xf32>
    %neg3A_927 = arith.constant 0.000000e+00 : f32
    %neg3A_928 = vector.broadcast %neg3A_927 : f32 to vector<1x1xf32>
    %neg3A_929 = arith.subf %neg3A_928, %abs3A_926 : vector<1x1xf32>
    %exp3A_930 = math.exp %neg3A_929 : vector<1x1xf32>
    %add3A_931 = arith.constant 1.000000e+00 : f32
    %add3A_932 = vector.broadcast %add3A_931 : f32 to vector<1x1xf32>
    %add3A_933 = arith.addf %add3A_932, %exp3A_930 : vector<1x1xf32>
    %log3A_934 = math.log %add3A_933 : vector<1x1xf32>
    %add3A_935 = arith.addf %max3A_925, %log3A_934 : vector<1x1xf32>
    %mul3A_936 = vector.broadcast %get3A_919 : vector<1x1xf32> to vector<80x125xf32>
    %mul3A_937 = arith.mulf %convert_element_type3A_48, %mul3A_936 : vector<80x125xf32>
    %add3A_938 = arith.addf %add3A_906, %mul3A_937 : vector<80x125xf32>
    %div3A_939 = arith.constant 1.000000e+00 : f32
    %div3A_940 = vector.broadcast %div3A_939 : f32 to vector<1x1xf32>
    %div3A_941 = arith.divf %div3A_940, %add3A_935 : vector<1x1xf32>
    %mul3A_942 = vector.broadcast %div3A_941 : vector<1x1xf32> to vector<80x125xf32>
    %mul3A_943 = arith.mulf %convert_element_type3A_48, %mul3A_942 : vector<80x125xf32>
    %add3A_944 = arith.addf %add3A_912, %mul3A_943 : vector<80x125xf32>
    %log3A_945 = math.log %add3A_935 : vector<1x1xf32>
    %mul3A_946 = vector.broadcast %log3A_945 : vector<1x1xf32> to vector<80x125xf32>
    %mul3A_947 = arith.mulf %convert_element_type3A_48, %mul3A_946 : vector<80x125xf32>
    %add3A_948 = arith.addf %add3A_916, %mul3A_947 : vector<80x125xf32>
    %get3A_949 = arith.constant 6 : index
    %get3A_950 = arith.constant 2 : index
    %get3A_951 = vector.load %arg7[%get3A_949, %get3A_950] : memref<10x4xf32, #tpu.memory_space<vmem>>, vector<1x1xf32>
    %get3A_952 = arith.constant 6 : index
    %get3A_953 = arith.constant 2 : index
    %get3A_954 = vector.load %arg8[%get3A_952, %get3A_953] : memref<10x4xf32, #tpu.memory_space<vmem>>, vector<1x1xf32>
    %max3A_955 = arith.constant 0.000000e+00 : f32
    %max3A_956 = vector.broadcast %max3A_955 : f32 to vector<1x1xf32>
    %max3A_957 = arith.maximumf %get3A_954, %max3A_956 : vector<1x1xf32>
    %abs3A_958 = math.absf %get3A_954 : vector<1x1xf32>
    %neg3A_959 = arith.constant 0.000000e+00 : f32
    %neg3A_960 = vector.broadcast %neg3A_959 : f32 to vector<1x1xf32>
    %neg3A_961 = arith.subf %neg3A_960, %abs3A_958 : vector<1x1xf32>
    %exp3A_962 = math.exp %neg3A_961 : vector<1x1xf32>
    %add3A_963 = arith.constant 1.000000e+00 : f32
    %add3A_964 = vector.broadcast %add3A_963 : f32 to vector<1x1xf32>
    %add3A_965 = arith.addf %add3A_964, %exp3A_962 : vector<1x1xf32>
    %log3A_966 = math.log %add3A_965 : vector<1x1xf32>
    %add3A_967 = arith.addf %max3A_957, %log3A_966 : vector<1x1xf32>
    %mul3A_968 = vector.broadcast %get3A_951 : vector<1x1xf32> to vector<80x125xf32>
    %mul3A_969 = arith.mulf %convert_element_type3A_53, %mul3A_968 : vector<80x125xf32>
    %add3A_970 = arith.addf %add3A_938, %mul3A_969 : vector<80x125xf32>
    %div3A_971 = arith.constant 1.000000e+00 : f32
    %div3A_972 = vector.broadcast %div3A_971 : f32 to vector<1x1xf32>
    %div3A_973 = arith.divf %div3A_972, %add3A_967 : vector<1x1xf32>
    %mul3A_974 = vector.broadcast %div3A_973 : vector<1x1xf32> to vector<80x125xf32>
    %mul3A_975 = arith.mulf %convert_element_type3A_53, %mul3A_974 : vector<80x125xf32>
    %add3A_976 = arith.addf %add3A_944, %mul3A_975 : vector<80x125xf32>
    %log3A_977 = math.log %add3A_967 : vector<1x1xf32>
    %mul3A_978 = vector.broadcast %log3A_977 : vector<1x1xf32> to vector<80x125xf32>
    %mul3A_979 = arith.mulf %convert_element_type3A_53, %mul3A_978 : vector<80x125xf32>
    %add3A_980 = arith.addf %add3A_948, %mul3A_979 : vector<80x125xf32>
    %get3A_981 = arith.constant 7 : index
    %get3A_982 = arith.constant 2 : index
    %get3A_983 = vector.load %arg7[%get3A_981, %get3A_982] : memref<10x4xf32, #tpu.memory_space<vmem>>, vector<1x1xf32>
    %get3A_984 = arith.constant 7 : index
    %get3A_985 = arith.constant 2 : index
    %get3A_986 = vector.load %arg8[%get3A_984, %get3A_985] : memref<10x4xf32, #tpu.memory_space<vmem>>, vector<1x1xf32>
    %max3A_987 = arith.constant 0.000000e+00 : f32
    %max3A_988 = vector.broadcast %max3A_987 : f32 to vector<1x1xf32>
    %max3A_989 = arith.maximumf %get3A_986, %max3A_988 : vector<1x1xf32>
    %abs3A_990 = math.absf %get3A_986 : vector<1x1xf32>
    %neg3A_991 = arith.constant 0.000000e+00 : f32
    %neg3A_992 = vector.broadcast %neg3A_991 : f32 to vector<1x1xf32>
    %neg3A_993 = arith.subf %neg3A_992, %abs3A_990 : vector<1x1xf32>
    %exp3A_994 = math.exp %neg3A_993 : vector<1x1xf32>
    %add3A_995 = arith.constant 1.000000e+00 : f32
    %add3A_996 = vector.broadcast %add3A_995 : f32 to vector<1x1xf32>
    %add3A_997 = arith.addf %add3A_996, %exp3A_994 : vector<1x1xf32>
    %log3A_998 = math.log %add3A_997 : vector<1x1xf32>
    %add3A_999 = arith.addf %max3A_989, %log3A_998 : vector<1x1xf32>
    %mul3A_1000 = vector.broadcast %get3A_983 : vector<1x1xf32> to vector<80x125xf32>
    %mul3A_1001 = arith.mulf %convert_element_type3A_58, %mul3A_1000 : vector<80x125xf32>
    %add3A_1002 = arith.addf %add3A_970, %mul3A_1001 : vector<80x125xf32>
    %div3A_1003 = arith.constant 1.000000e+00 : f32
    %div3A_1004 = vector.broadcast %div3A_1003 : f32 to vector<1x1xf32>
    %div3A_1005 = arith.divf %div3A_1004, %add3A_999 : vector<1x1xf32>
    %mul3A_1006 = vector.broadcast %div3A_1005 : vector<1x1xf32> to vector<80x125xf32>
    %mul3A_1007 = arith.mulf %convert_element_type3A_58, %mul3A_1006 : vector<80x125xf32>
    %add3A_1008 = arith.addf %add3A_976, %mul3A_1007 : vector<80x125xf32>
    %log3A_1009 = math.log %add3A_999 : vector<1x1xf32>
    %mul3A_1010 = vector.broadcast %log3A_1009 : vector<1x1xf32> to vector<80x125xf32>
    %mul3A_1011 = arith.mulf %convert_element_type3A_58, %mul3A_1010 : vector<80x125xf32>
    %add3A_1012 = arith.addf %add3A_980, %mul3A_1011 : vector<80x125xf32>
    %get3A_1013 = arith.constant 8 : index
    %get3A_1014 = arith.constant 2 : index
    %get3A_1015 = vector.load %arg7[%get3A_1013, %get3A_1014] : memref<10x4xf32, #tpu.memory_space<vmem>>, vector<1x1xf32>
    %get3A_1016 = arith.constant 8 : index
    %get3A_1017 = arith.constant 2 : index
    %get3A_1018 = vector.load %arg8[%get3A_1016, %get3A_1017] : memref<10x4xf32, #tpu.memory_space<vmem>>, vector<1x1xf32>
    %max3A_1019 = arith.constant 0.000000e+00 : f32
    %max3A_1020 = vector.broadcast %max3A_1019 : f32 to vector<1x1xf32>
    %max3A_1021 = arith.maximumf %get3A_1018, %max3A_1020 : vector<1x1xf32>
    %abs3A_1022 = math.absf %get3A_1018 : vector<1x1xf32>
    %neg3A_1023 = arith.constant 0.000000e+00 : f32
    %neg3A_1024 = vector.broadcast %neg3A_1023 : f32 to vector<1x1xf32>
    %neg3A_1025 = arith.subf %neg3A_1024, %abs3A_1022 : vector<1x1xf32>
    %exp3A_1026 = math.exp %neg3A_1025 : vector<1x1xf32>
    %add3A_1027 = arith.constant 1.000000e+00 : f32
    %add3A_1028 = vector.broadcast %add3A_1027 : f32 to vector<1x1xf32>
    %add3A_1029 = arith.addf %add3A_1028, %exp3A_1026 : vector<1x1xf32>
    %log3A_1030 = math.log %add3A_1029 : vector<1x1xf32>
    %add3A_1031 = arith.addf %max3A_1021, %log3A_1030 : vector<1x1xf32>
    %mul3A_1032 = vector.broadcast %get3A_1015 : vector<1x1xf32> to vector<80x125xf32>
    %mul3A_1033 = arith.mulf %convert_element_type3A_63, %mul3A_1032 : vector<80x125xf32>
    %add3A_1034 = arith.addf %add3A_1002, %mul3A_1033 : vector<80x125xf32>
    %div3A_1035 = arith.constant 1.000000e+00 : f32
    %div3A_1036 = vector.broadcast %div3A_1035 : f32 to vector<1x1xf32>
    %div3A_1037 = arith.divf %div3A_1036, %add3A_1031 : vector<1x1xf32>
    %mul3A_1038 = vector.broadcast %div3A_1037 : vector<1x1xf32> to vector<80x125xf32>
    %mul3A_1039 = arith.mulf %convert_element_type3A_63, %mul3A_1038 : vector<80x125xf32>
    %add3A_1040 = arith.addf %add3A_1008, %mul3A_1039 : vector<80x125xf32>
    %log3A_1041 = math.log %add3A_1031 : vector<1x1xf32>
    %mul3A_1042 = vector.broadcast %log3A_1041 : vector<1x1xf32> to vector<80x125xf32>
    %mul3A_1043 = arith.mulf %convert_element_type3A_63, %mul3A_1042 : vector<80x125xf32>
    %add3A_1044 = arith.addf %add3A_1012, %mul3A_1043 : vector<80x125xf32>
    %get3A_1045 = arith.constant 9 : index
    %get3A_1046 = arith.constant 2 : index
    %get3A_1047 = vector.load %arg7[%get3A_1045, %get3A_1046] : memref<10x4xf32, #tpu.memory_space<vmem>>, vector<1x1xf32>
    %get3A_1048 = arith.constant 9 : index
    %get3A_1049 = arith.constant 2 : index
    %get3A_1050 = vector.load %arg8[%get3A_1048, %get3A_1049] : memref<10x4xf32, #tpu.memory_space<vmem>>, vector<1x1xf32>
    %max3A_1051 = arith.constant 0.000000e+00 : f32
    %max3A_1052 = vector.broadcast %max3A_1051 : f32 to vector<1x1xf32>
    %max3A_1053 = arith.maximumf %get3A_1050, %max3A_1052 : vector<1x1xf32>
    %abs3A_1054 = math.absf %get3A_1050 : vector<1x1xf32>
    %neg3A_1055 = arith.constant 0.000000e+00 : f32
    %neg3A_1056 = vector.broadcast %neg3A_1055 : f32 to vector<1x1xf32>
    %neg3A_1057 = arith.subf %neg3A_1056, %abs3A_1054 : vector<1x1xf32>
    %exp3A_1058 = math.exp %neg3A_1057 : vector<1x1xf32>
    %add3A_1059 = arith.constant 1.000000e+00 : f32
    %add3A_1060 = vector.broadcast %add3A_1059 : f32 to vector<1x1xf32>
    %add3A_1061 = arith.addf %add3A_1060, %exp3A_1058 : vector<1x1xf32>
    %log3A_1062 = math.log %add3A_1061 : vector<1x1xf32>
    %add3A_1063 = arith.addf %max3A_1053, %log3A_1062 : vector<1x1xf32>
    %mul3A_1064 = vector.broadcast %get3A_1047 : vector<1x1xf32> to vector<80x125xf32>
    %mul3A_1065 = arith.mulf %convert_element_type3A_68, %mul3A_1064 : vector<80x125xf32>
    %add3A_1066 = arith.addf %add3A_1034, %mul3A_1065 : vector<80x125xf32>
    %div3A_1067 = arith.constant 1.000000e+00 : f32
    %div3A_1068 = vector.broadcast %div3A_1067 : f32 to vector<1x1xf32>
    %div3A_1069 = arith.divf %div3A_1068, %add3A_1063 : vector<1x1xf32>
    %mul3A_1070 = vector.broadcast %div3A_1069 : vector<1x1xf32> to vector<80x125xf32>
    %mul3A_1071 = arith.mulf %convert_element_type3A_68, %mul3A_1070 : vector<80x125xf32>
    %add3A_1072 = arith.addf %add3A_1040, %mul3A_1071 : vector<80x125xf32>
    %log3A_1073 = math.log %add3A_1063 : vector<1x1xf32>
    %mul3A_1074 = vector.broadcast %log3A_1073 : vector<1x1xf32> to vector<80x125xf32>
    %mul3A_1075 = arith.mulf %convert_element_type3A_68, %mul3A_1074 : vector<80x125xf32>
    %add3A_1076 = arith.addf %add3A_1044, %mul3A_1075 : vector<80x125xf32>
    %sub3A_1077 = arith.subf %get3A_77, %add3A_1066 : vector<80x125xf32>
    %mul3A_1078 = arith.mulf %sub3A_1077, %add3A_1072 : vector<80x125xf32>
    %mul3A_1079 = arith.constant -5.000000e-01 : f32
    %mul3A_1080 = vector.broadcast %mul3A_1079 : f32 to vector<80x125xf32>
    %mul3A_1081 = arith.mulf %mul3A_1080, %mul3A_1078 : vector<80x125xf32>
    %mul3A_1082 = arith.mulf %mul3A_1081, %mul3A_1078 : vector<80x125xf32>
    %sub3A_1083 = arith.subf %mul3A_1082, %add3A_1076 : vector<80x125xf32>
    %reduce_sum3A_1084 = vector.shape_cast %sub3A_1083 : vector<80x125xf32> to vector<1x80x125xf32>
    %reduce_sum3A_1085 = arith.constant dense<0.000000e+00> : vector<1xf32>
    %reduce_sum3A_1086 = vector.multi_reduction <add>, %reduce_sum3A_1084, %reduce_sum3A_1085 [1, 2] : vector<1x80x125xf32> to vector<1xf32>
    %reduce_sum3A_1087 = vector.shape_cast %reduce_sum3A_1086 : vector<1xf32> to vector<1x1x1xf32>
    %reduce_sum3A_1088 = vector.extract %reduce_sum3A_1087[0, 0, 0] : f32 from vector<1x1x1xf32>
    %add3A_1089 = arith.addf %add3A_750, %reduce_sum3A_1088 : f32
    %broadcast_in_dim3A_1090 = arith.constant 0.000000e+00 : f32
    %broadcast_in_dim3A_1091 = vector.broadcast %broadcast_in_dim3A_1090 : f32 to vector<80x125xf32>
    %broadcast_in_dim3A_1092 = arith.constant 0.000000e+00 : f32
    %broadcast_in_dim3A_1093 = vector.broadcast %broadcast_in_dim3A_1092 : f32 to vector<80x125xf32>
    %broadcast_in_dim3A_1094 = arith.constant 0.000000e+00 : f32
    %broadcast_in_dim3A_1095 = vector.broadcast %broadcast_in_dim3A_1094 : f32 to vector<80x125xf32>
    %get3A_1096 = arith.constant 0 : index
    %get3A_1097 = arith.constant 3 : index
    %get3A_1098 = vector.load %arg7[%get3A_1096, %get3A_1097] : memref<10x4xf32, #tpu.memory_space<vmem>>, vector<1x1xf32>
    %get3A_1099 = arith.constant 0 : index
    %get3A_1100 = arith.constant 3 : index
    %get3A_1101 = vector.load %arg8[%get3A_1099, %get3A_1100] : memref<10x4xf32, #tpu.memory_space<vmem>>, vector<1x1xf32>
    %max3A_1102 = arith.constant 0.000000e+00 : f32
    %max3A_1103 = vector.broadcast %max3A_1102 : f32 to vector<1x1xf32>
    %max3A_1104 = arith.maximumf %get3A_1101, %max3A_1103 : vector<1x1xf32>
    %abs3A_1105 = math.absf %get3A_1101 : vector<1x1xf32>
    %neg3A_1106 = arith.constant 0.000000e+00 : f32
    %neg3A_1107 = vector.broadcast %neg3A_1106 : f32 to vector<1x1xf32>
    %neg3A_1108 = arith.subf %neg3A_1107, %abs3A_1105 : vector<1x1xf32>
    %exp3A_1109 = math.exp %neg3A_1108 : vector<1x1xf32>
    %add3A_1110 = arith.constant 1.000000e+00 : f32
    %add3A_1111 = vector.broadcast %add3A_1110 : f32 to vector<1x1xf32>
    %add3A_1112 = arith.addf %add3A_1111, %exp3A_1109 : vector<1x1xf32>
    %log3A_1113 = math.log %add3A_1112 : vector<1x1xf32>
    %add3A_1114 = arith.addf %max3A_1104, %log3A_1113 : vector<1x1xf32>
    %mul3A_1115 = vector.broadcast %get3A_1098 : vector<1x1xf32> to vector<80x125xf32>
    %mul3A_1116 = arith.mulf %convert_element_type3A_23, %mul3A_1115 : vector<80x125xf32>
    %add3A_1117 = arith.addf %broadcast_in_dim3A_1091, %mul3A_1116 : vector<80x125xf32>
    %div3A_1118 = arith.constant 1.000000e+00 : f32
    %div3A_1119 = vector.broadcast %div3A_1118 : f32 to vector<1x1xf32>
    %div3A_1120 = arith.divf %div3A_1119, %add3A_1114 : vector<1x1xf32>
    %mul3A_1121 = vector.broadcast %div3A_1120 : vector<1x1xf32> to vector<80x125xf32>
    %mul3A_1122 = arith.mulf %convert_element_type3A_23, %mul3A_1121 : vector<80x125xf32>
    %add3A_1123 = arith.addf %broadcast_in_dim3A_1093, %mul3A_1122 : vector<80x125xf32>
    %log3A_1124 = math.log %add3A_1114 : vector<1x1xf32>
    %mul3A_1125 = vector.broadcast %log3A_1124 : vector<1x1xf32> to vector<80x125xf32>
    %mul3A_1126 = arith.mulf %convert_element_type3A_23, %mul3A_1125 : vector<80x125xf32>
    %add3A_1127 = arith.addf %broadcast_in_dim3A_1095, %mul3A_1126 : vector<80x125xf32>
    %get3A_1128 = arith.constant 1 : index
    %get3A_1129 = arith.constant 3 : index
    %get3A_1130 = vector.load %arg7[%get3A_1128, %get3A_1129] : memref<10x4xf32, #tpu.memory_space<vmem>>, vector<1x1xf32>
    %get3A_1131 = arith.constant 1 : index
    %get3A_1132 = arith.constant 3 : index
    %get3A_1133 = vector.load %arg8[%get3A_1131, %get3A_1132] : memref<10x4xf32, #tpu.memory_space<vmem>>, vector<1x1xf32>
    %max3A_1134 = arith.constant 0.000000e+00 : f32
    %max3A_1135 = vector.broadcast %max3A_1134 : f32 to vector<1x1xf32>
    %max3A_1136 = arith.maximumf %get3A_1133, %max3A_1135 : vector<1x1xf32>
    %abs3A_1137 = math.absf %get3A_1133 : vector<1x1xf32>
    %neg3A_1138 = arith.constant 0.000000e+00 : f32
    %neg3A_1139 = vector.broadcast %neg3A_1138 : f32 to vector<1x1xf32>
    %neg3A_1140 = arith.subf %neg3A_1139, %abs3A_1137 : vector<1x1xf32>
    %exp3A_1141 = math.exp %neg3A_1140 : vector<1x1xf32>
    %add3A_1142 = arith.constant 1.000000e+00 : f32
    %add3A_1143 = vector.broadcast %add3A_1142 : f32 to vector<1x1xf32>
    %add3A_1144 = arith.addf %add3A_1143, %exp3A_1141 : vector<1x1xf32>
    %log3A_1145 = math.log %add3A_1144 : vector<1x1xf32>
    %add3A_1146 = arith.addf %max3A_1136, %log3A_1145 : vector<1x1xf32>
    %mul3A_1147 = vector.broadcast %get3A_1130 : vector<1x1xf32> to vector<80x125xf32>
    %mul3A_1148 = arith.mulf %convert_element_type3A_28, %mul3A_1147 : vector<80x125xf32>
    %add3A_1149 = arith.addf %add3A_1117, %mul3A_1148 : vector<80x125xf32>
    %div3A_1150 = arith.constant 1.000000e+00 : f32
    %div3A_1151 = vector.broadcast %div3A_1150 : f32 to vector<1x1xf32>
    %div3A_1152 = arith.divf %div3A_1151, %add3A_1146 : vector<1x1xf32>
    %mul3A_1153 = vector.broadcast %div3A_1152 : vector<1x1xf32> to vector<80x125xf32>
    %mul3A_1154 = arith.mulf %convert_element_type3A_28, %mul3A_1153 : vector<80x125xf32>
    %add3A_1155 = arith.addf %add3A_1123, %mul3A_1154 : vector<80x125xf32>
    %log3A_1156 = math.log %add3A_1146 : vector<1x1xf32>
    %mul3A_1157 = vector.broadcast %log3A_1156 : vector<1x1xf32> to vector<80x125xf32>
    %mul3A_1158 = arith.mulf %convert_element_type3A_28, %mul3A_1157 : vector<80x125xf32>
    %add3A_1159 = arith.addf %add3A_1127, %mul3A_1158 : vector<80x125xf32>
    %get3A_1160 = arith.constant 2 : index
    %get3A_1161 = arith.constant 3 : index
    %get3A_1162 = vector.load %arg7[%get3A_1160, %get3A_1161] : memref<10x4xf32, #tpu.memory_space<vmem>>, vector<1x1xf32>
    %get3A_1163 = arith.constant 2 : index
    %get3A_1164 = arith.constant 3 : index
    %get3A_1165 = vector.load %arg8[%get3A_1163, %get3A_1164] : memref<10x4xf32, #tpu.memory_space<vmem>>, vector<1x1xf32>
    %max3A_1166 = arith.constant 0.000000e+00 : f32
    %max3A_1167 = vector.broadcast %max3A_1166 : f32 to vector<1x1xf32>
    %max3A_1168 = arith.maximumf %get3A_1165, %max3A_1167 : vector<1x1xf32>
    %abs3A_1169 = math.absf %get3A_1165 : vector<1x1xf32>
    %neg3A_1170 = arith.constant 0.000000e+00 : f32
    %neg3A_1171 = vector.broadcast %neg3A_1170 : f32 to vector<1x1xf32>
    %neg3A_1172 = arith.subf %neg3A_1171, %abs3A_1169 : vector<1x1xf32>
    %exp3A_1173 = math.exp %neg3A_1172 : vector<1x1xf32>
    %add3A_1174 = arith.constant 1.000000e+00 : f32
    %add3A_1175 = vector.broadcast %add3A_1174 : f32 to vector<1x1xf32>
    %add3A_1176 = arith.addf %add3A_1175, %exp3A_1173 : vector<1x1xf32>
    %log3A_1177 = math.log %add3A_1176 : vector<1x1xf32>
    %add3A_1178 = arith.addf %max3A_1168, %log3A_1177 : vector<1x1xf32>
    %mul3A_1179 = vector.broadcast %get3A_1162 : vector<1x1xf32> to vector<80x125xf32>
    %mul3A_1180 = arith.mulf %convert_element_type3A_33, %mul3A_1179 : vector<80x125xf32>
    %add3A_1181 = arith.addf %add3A_1149, %mul3A_1180 : vector<80x125xf32>
    %div3A_1182 = arith.constant 1.000000e+00 : f32
    %div3A_1183 = vector.broadcast %div3A_1182 : f32 to vector<1x1xf32>
    %div3A_1184 = arith.divf %div3A_1183, %add3A_1178 : vector<1x1xf32>
    %mul3A_1185 = vector.broadcast %div3A_1184 : vector<1x1xf32> to vector<80x125xf32>
    %mul3A_1186 = arith.mulf %convert_element_type3A_33, %mul3A_1185 : vector<80x125xf32>
    %add3A_1187 = arith.addf %add3A_1155, %mul3A_1186 : vector<80x125xf32>
    %log3A_1188 = math.log %add3A_1178 : vector<1x1xf32>
    %mul3A_1189 = vector.broadcast %log3A_1188 : vector<1x1xf32> to vector<80x125xf32>
    %mul3A_1190 = arith.mulf %convert_element_type3A_33, %mul3A_1189 : vector<80x125xf32>
    %add3A_1191 = arith.addf %add3A_1159, %mul3A_1190 : vector<80x125xf32>
    %get3A_1192 = arith.constant 3 : index
    %get3A_1193 = arith.constant 3 : index
    %get3A_1194 = vector.load %arg7[%get3A_1192, %get3A_1193] : memref<10x4xf32, #tpu.memory_space<vmem>>, vector<1x1xf32>
    %get3A_1195 = arith.constant 3 : index
    %get3A_1196 = arith.constant 3 : index
    %get3A_1197 = vector.load %arg8[%get3A_1195, %get3A_1196] : memref<10x4xf32, #tpu.memory_space<vmem>>, vector<1x1xf32>
    %max3A_1198 = arith.constant 0.000000e+00 : f32
    %max3A_1199 = vector.broadcast %max3A_1198 : f32 to vector<1x1xf32>
    %max3A_1200 = arith.maximumf %get3A_1197, %max3A_1199 : vector<1x1xf32>
    %abs3A_1201 = math.absf %get3A_1197 : vector<1x1xf32>
    %neg3A_1202 = arith.constant 0.000000e+00 : f32
    %neg3A_1203 = vector.broadcast %neg3A_1202 : f32 to vector<1x1xf32>
    %neg3A_1204 = arith.subf %neg3A_1203, %abs3A_1201 : vector<1x1xf32>
    %exp3A_1205 = math.exp %neg3A_1204 : vector<1x1xf32>
    %add3A_1206 = arith.constant 1.000000e+00 : f32
    %add3A_1207 = vector.broadcast %add3A_1206 : f32 to vector<1x1xf32>
    %add3A_1208 = arith.addf %add3A_1207, %exp3A_1205 : vector<1x1xf32>
    %log3A_1209 = math.log %add3A_1208 : vector<1x1xf32>
    %add3A_1210 = arith.addf %max3A_1200, %log3A_1209 : vector<1x1xf32>
    %mul3A_1211 = vector.broadcast %get3A_1194 : vector<1x1xf32> to vector<80x125xf32>
    %mul3A_1212 = arith.mulf %convert_element_type3A_38, %mul3A_1211 : vector<80x125xf32>
    %add3A_1213 = arith.addf %add3A_1181, %mul3A_1212 : vector<80x125xf32>
    %div3A_1214 = arith.constant 1.000000e+00 : f32
    %div3A_1215 = vector.broadcast %div3A_1214 : f32 to vector<1x1xf32>
    %div3A_1216 = arith.divf %div3A_1215, %add3A_1210 : vector<1x1xf32>
    %mul3A_1217 = vector.broadcast %div3A_1216 : vector<1x1xf32> to vector<80x125xf32>
    %mul3A_1218 = arith.mulf %convert_element_type3A_38, %mul3A_1217 : vector<80x125xf32>
    %add3A_1219 = arith.addf %add3A_1187, %mul3A_1218 : vector<80x125xf32>
    %log3A_1220 = math.log %add3A_1210 : vector<1x1xf32>
    %mul3A_1221 = vector.broadcast %log3A_1220 : vector<1x1xf32> to vector<80x125xf32>
    %mul3A_1222 = arith.mulf %convert_element_type3A_38, %mul3A_1221 : vector<80x125xf32>
    %add3A_1223 = arith.addf %add3A_1191, %mul3A_1222 : vector<80x125xf32>
    %get3A_1224 = arith.constant 4 : index
    %get3A_1225 = arith.constant 3 : index
    %get3A_1226 = vector.load %arg7[%get3A_1224, %get3A_1225] : memref<10x4xf32, #tpu.memory_space<vmem>>, vector<1x1xf32>
    %get3A_1227 = arith.constant 4 : index
    %get3A_1228 = arith.constant 3 : index
    %get3A_1229 = vector.load %arg8[%get3A_1227, %get3A_1228] : memref<10x4xf32, #tpu.memory_space<vmem>>, vector<1x1xf32>
    %max3A_1230 = arith.constant 0.000000e+00 : f32
    %max3A_1231 = vector.broadcast %max3A_1230 : f32 to vector<1x1xf32>
    %max3A_1232 = arith.maximumf %get3A_1229, %max3A_1231 : vector<1x1xf32>
    %abs3A_1233 = math.absf %get3A_1229 : vector<1x1xf32>
    %neg3A_1234 = arith.constant 0.000000e+00 : f32
    %neg3A_1235 = vector.broadcast %neg3A_1234 : f32 to vector<1x1xf32>
    %neg3A_1236 = arith.subf %neg3A_1235, %abs3A_1233 : vector<1x1xf32>
    %exp3A_1237 = math.exp %neg3A_1236 : vector<1x1xf32>
    %add3A_1238 = arith.constant 1.000000e+00 : f32
    %add3A_1239 = vector.broadcast %add3A_1238 : f32 to vector<1x1xf32>
    %add3A_1240 = arith.addf %add3A_1239, %exp3A_1237 : vector<1x1xf32>
    %log3A_1241 = math.log %add3A_1240 : vector<1x1xf32>
    %add3A_1242 = arith.addf %max3A_1232, %log3A_1241 : vector<1x1xf32>
    %mul3A_1243 = vector.broadcast %get3A_1226 : vector<1x1xf32> to vector<80x125xf32>
    %mul3A_1244 = arith.mulf %convert_element_type3A_43, %mul3A_1243 : vector<80x125xf32>
    %add3A_1245 = arith.addf %add3A_1213, %mul3A_1244 : vector<80x125xf32>
    %div3A_1246 = arith.constant 1.000000e+00 : f32
    %div3A_1247 = vector.broadcast %div3A_1246 : f32 to vector<1x1xf32>
    %div3A_1248 = arith.divf %div3A_1247, %add3A_1242 : vector<1x1xf32>
    %mul3A_1249 = vector.broadcast %div3A_1248 : vector<1x1xf32> to vector<80x125xf32>
    %mul3A_1250 = arith.mulf %convert_element_type3A_43, %mul3A_1249 : vector<80x125xf32>
    %add3A_1251 = arith.addf %add3A_1219, %mul3A_1250 : vector<80x125xf32>
    %log3A_1252 = math.log %add3A_1242 : vector<1x1xf32>
    %mul3A_1253 = vector.broadcast %log3A_1252 : vector<1x1xf32> to vector<80x125xf32>
    %mul3A_1254 = arith.mulf %convert_element_type3A_43, %mul3A_1253 : vector<80x125xf32>
    %add3A_1255 = arith.addf %add3A_1223, %mul3A_1254 : vector<80x125xf32>
    %get3A_1256 = arith.constant 5 : index
    %get3A_1257 = arith.constant 3 : index
    %get3A_1258 = vector.load %arg7[%get3A_1256, %get3A_1257] : memref<10x4xf32, #tpu.memory_space<vmem>>, vector<1x1xf32>
    %get3A_1259 = arith.constant 5 : index
    %get3A_1260 = arith.constant 3 : index
    %get3A_1261 = vector.load %arg8[%get3A_1259, %get3A_1260] : memref<10x4xf32, #tpu.memory_space<vmem>>, vector<1x1xf32>
    %max3A_1262 = arith.constant 0.000000e+00 : f32
    %max3A_1263 = vector.broadcast %max3A_1262 : f32 to vector<1x1xf32>
    %max3A_1264 = arith.maximumf %get3A_1261, %max3A_1263 : vector<1x1xf32>
    %abs3A_1265 = math.absf %get3A_1261 : vector<1x1xf32>
    %neg3A_1266 = arith.constant 0.000000e+00 : f32
    %neg3A_1267 = vector.broadcast %neg3A_1266 : f32 to vector<1x1xf32>
    %neg3A_1268 = arith.subf %neg3A_1267, %abs3A_1265 : vector<1x1xf32>
    %exp3A_1269 = math.exp %neg3A_1268 : vector<1x1xf32>
    %add3A_1270 = arith.constant 1.000000e+00 : f32
    %add3A_1271 = vector.broadcast %add3A_1270 : f32 to vector<1x1xf32>
    %add3A_1272 = arith.addf %add3A_1271, %exp3A_1269 : vector<1x1xf32>
    %log3A_1273 = math.log %add3A_1272 : vector<1x1xf32>
    %add3A_1274 = arith.addf %max3A_1264, %log3A_1273 : vector<1x1xf32>
    %mul3A_1275 = vector.broadcast %get3A_1258 : vector<1x1xf32> to vector<80x125xf32>
    %mul3A_1276 = arith.mulf %convert_element_type3A_48, %mul3A_1275 : vector<80x125xf32>
    %add3A_1277 = arith.addf %add3A_1245, %mul3A_1276 : vector<80x125xf32>
    %div3A_1278 = arith.constant 1.000000e+00 : f32
    %div3A_1279 = vector.broadcast %div3A_1278 : f32 to vector<1x1xf32>
    %div3A_1280 = arith.divf %div3A_1279, %add3A_1274 : vector<1x1xf32>
    %mul3A_1281 = vector.broadcast %div3A_1280 : vector<1x1xf32> to vector<80x125xf32>
    %mul3A_1282 = arith.mulf %convert_element_type3A_48, %mul3A_1281 : vector<80x125xf32>
    %add3A_1283 = arith.addf %add3A_1251, %mul3A_1282 : vector<80x125xf32>
    %log3A_1284 = math.log %add3A_1274 : vector<1x1xf32>
    %mul3A_1285 = vector.broadcast %log3A_1284 : vector<1x1xf32> to vector<80x125xf32>
    %mul3A_1286 = arith.mulf %convert_element_type3A_48, %mul3A_1285 : vector<80x125xf32>
    %add3A_1287 = arith.addf %add3A_1255, %mul3A_1286 : vector<80x125xf32>
    %get3A_1288 = arith.constant 6 : index
    %get3A_1289 = arith.constant 3 : index
    %get3A_1290 = vector.load %arg7[%get3A_1288, %get3A_1289] : memref<10x4xf32, #tpu.memory_space<vmem>>, vector<1x1xf32>
    %get3A_1291 = arith.constant 6 : index
    %get3A_1292 = arith.constant 3 : index
    %get3A_1293 = vector.load %arg8[%get3A_1291, %get3A_1292] : memref<10x4xf32, #tpu.memory_space<vmem>>, vector<1x1xf32>
    %max3A_1294 = arith.constant 0.000000e+00 : f32
    %max3A_1295 = vector.broadcast %max3A_1294 : f32 to vector<1x1xf32>
    %max3A_1296 = arith.maximumf %get3A_1293, %max3A_1295 : vector<1x1xf32>
    %abs3A_1297 = math.absf %get3A_1293 : vector<1x1xf32>
    %neg3A_1298 = arith.constant 0.000000e+00 : f32
    %neg3A_1299 = vector.broadcast %neg3A_1298 : f32 to vector<1x1xf32>
    %neg3A_1300 = arith.subf %neg3A_1299, %abs3A_1297 : vector<1x1xf32>
    %exp3A_1301 = math.exp %neg3A_1300 : vector<1x1xf32>
    %add3A_1302 = arith.constant 1.000000e+00 : f32
    %add3A_1303 = vector.broadcast %add3A_1302 : f32 to vector<1x1xf32>
    %add3A_1304 = arith.addf %add3A_1303, %exp3A_1301 : vector<1x1xf32>
    %log3A_1305 = math.log %add3A_1304 : vector<1x1xf32>
    %add3A_1306 = arith.addf %max3A_1296, %log3A_1305 : vector<1x1xf32>
    %mul3A_1307 = vector.broadcast %get3A_1290 : vector<1x1xf32> to vector<80x125xf32>
    %mul3A_1308 = arith.mulf %convert_element_type3A_53, %mul3A_1307 : vector<80x125xf32>
    %add3A_1309 = arith.addf %add3A_1277, %mul3A_1308 : vector<80x125xf32>
    %div3A_1310 = arith.constant 1.000000e+00 : f32
    %div3A_1311 = vector.broadcast %div3A_1310 : f32 to vector<1x1xf32>
    %div3A_1312 = arith.divf %div3A_1311, %add3A_1306 : vector<1x1xf32>
    %mul3A_1313 = vector.broadcast %div3A_1312 : vector<1x1xf32> to vector<80x125xf32>
    %mul3A_1314 = arith.mulf %convert_element_type3A_53, %mul3A_1313 : vector<80x125xf32>
    %add3A_1315 = arith.addf %add3A_1283, %mul3A_1314 : vector<80x125xf32>
    %log3A_1316 = math.log %add3A_1306 : vector<1x1xf32>
    %mul3A_1317 = vector.broadcast %log3A_1316 : vector<1x1xf32> to vector<80x125xf32>
    %mul3A_1318 = arith.mulf %convert_element_type3A_53, %mul3A_1317 : vector<80x125xf32>
    %add3A_1319 = arith.addf %add3A_1287, %mul3A_1318 : vector<80x125xf32>
    %get3A_1320 = arith.constant 7 : index
    %get3A_1321 = arith.constant 3 : index
    %get3A_1322 = vector.load %arg7[%get3A_1320, %get3A_1321] : memref<10x4xf32, #tpu.memory_space<vmem>>, vector<1x1xf32>
    %get3A_1323 = arith.constant 7 : index
    %get3A_1324 = arith.constant 3 : index
    %get3A_1325 = vector.load %arg8[%get3A_1323, %get3A_1324] : memref<10x4xf32, #tpu.memory_space<vmem>>, vector<1x1xf32>
    %max3A_1326 = arith.constant 0.000000e+00 : f32
    %max3A_1327 = vector.broadcast %max3A_1326 : f32 to vector<1x1xf32>
    %max3A_1328 = arith.maximumf %get3A_1325, %max3A_1327 : vector<1x1xf32>
    %abs3A_1329 = math.absf %get3A_1325 : vector<1x1xf32>
    %neg3A_1330 = arith.constant 0.000000e+00 : f32
    %neg3A_1331 = vector.broadcast %neg3A_1330 : f32 to vector<1x1xf32>
    %neg3A_1332 = arith.subf %neg3A_1331, %abs3A_1329 : vector<1x1xf32>
    %exp3A_1333 = math.exp %neg3A_1332 : vector<1x1xf32>
    %add3A_1334 = arith.constant 1.000000e+00 : f32
    %add3A_1335 = vector.broadcast %add3A_1334 : f32 to vector<1x1xf32>
    %add3A_1336 = arith.addf %add3A_1335, %exp3A_1333 : vector<1x1xf32>
    %log3A_1337 = math.log %add3A_1336 : vector<1x1xf32>
    %add3A_1338 = arith.addf %max3A_1328, %log3A_1337 : vector<1x1xf32>
    %mul3A_1339 = vector.broadcast %get3A_1322 : vector<1x1xf32> to vector<80x125xf32>
    %mul3A_1340 = arith.mulf %convert_element_type3A_58, %mul3A_1339 : vector<80x125xf32>
    %add3A_1341 = arith.addf %add3A_1309, %mul3A_1340 : vector<80x125xf32>
    %div3A_1342 = arith.constant 1.000000e+00 : f32
    %div3A_1343 = vector.broadcast %div3A_1342 : f32 to vector<1x1xf32>
    %div3A_1344 = arith.divf %div3A_1343, %add3A_1338 : vector<1x1xf32>
    %mul3A_1345 = vector.broadcast %div3A_1344 : vector<1x1xf32> to vector<80x125xf32>
    %mul3A_1346 = arith.mulf %convert_element_type3A_58, %mul3A_1345 : vector<80x125xf32>
    %add3A_1347 = arith.addf %add3A_1315, %mul3A_1346 : vector<80x125xf32>
    %log3A_1348 = math.log %add3A_1338 : vector<1x1xf32>
    %mul3A_1349 = vector.broadcast %log3A_1348 : vector<1x1xf32> to vector<80x125xf32>
    %mul3A_1350 = arith.mulf %convert_element_type3A_58, %mul3A_1349 : vector<80x125xf32>
    %add3A_1351 = arith.addf %add3A_1319, %mul3A_1350 : vector<80x125xf32>
    %get3A_1352 = arith.constant 8 : index
    %get3A_1353 = arith.constant 3 : index
    %get3A_1354 = vector.load %arg7[%get3A_1352, %get3A_1353] : memref<10x4xf32, #tpu.memory_space<vmem>>, vector<1x1xf32>
    %get3A_1355 = arith.constant 8 : index
    %get3A_1356 = arith.constant 3 : index
    %get3A_1357 = vector.load %arg8[%get3A_1355, %get3A_1356] : memref<10x4xf32, #tpu.memory_space<vmem>>, vector<1x1xf32>
    %max3A_1358 = arith.constant 0.000000e+00 : f32
    %max3A_1359 = vector.broadcast %max3A_1358 : f32 to vector<1x1xf32>
    %max3A_1360 = arith.maximumf %get3A_1357, %max3A_1359 : vector<1x1xf32>
    %abs3A_1361 = math.absf %get3A_1357 : vector<1x1xf32>
    %neg3A_1362 = arith.constant 0.000000e+00 : f32
    %neg3A_1363 = vector.broadcast %neg3A_1362 : f32 to vector<1x1xf32>
    %neg3A_1364 = arith.subf %neg3A_1363, %abs3A_1361 : vector<1x1xf32>
    %exp3A_1365 = math.exp %neg3A_1364 : vector<1x1xf32>
    %add3A_1366 = arith.constant 1.000000e+00 : f32
    %add3A_1367 = vector.broadcast %add3A_1366 : f32 to vector<1x1xf32>
    %add3A_1368 = arith.addf %add3A_1367, %exp3A_1365 : vector<1x1xf32>
    %log3A_1369 = math.log %add3A_1368 : vector<1x1xf32>
    %add3A_1370 = arith.addf %max3A_1360, %log3A_1369 : vector<1x1xf32>
    %mul3A_1371 = vector.broadcast %get3A_1354 : vector<1x1xf32> to vector<80x125xf32>
    %mul3A_1372 = arith.mulf %convert_element_type3A_63, %mul3A_1371 : vector<80x125xf32>
    %add3A_1373 = arith.addf %add3A_1341, %mul3A_1372 : vector<80x125xf32>
    %div3A_1374 = arith.constant 1.000000e+00 : f32
    %div3A_1375 = vector.broadcast %div3A_1374 : f32 to vector<1x1xf32>
    %div3A_1376 = arith.divf %div3A_1375, %add3A_1370 : vector<1x1xf32>
    %mul3A_1377 = vector.broadcast %div3A_1376 : vector<1x1xf32> to vector<80x125xf32>
    %mul3A_1378 = arith.mulf %convert_element_type3A_63, %mul3A_1377 : vector<80x125xf32>
    %add3A_1379 = arith.addf %add3A_1347, %mul3A_1378 : vector<80x125xf32>
    %log3A_1380 = math.log %add3A_1370 : vector<1x1xf32>
    %mul3A_1381 = vector.broadcast %log3A_1380 : vector<1x1xf32> to vector<80x125xf32>
    %mul3A_1382 = arith.mulf %convert_element_type3A_63, %mul3A_1381 : vector<80x125xf32>
    %add3A_1383 = arith.addf %add3A_1351, %mul3A_1382 : vector<80x125xf32>
    %get3A_1384 = arith.constant 9 : index
    %get3A_1385 = arith.constant 3 : index
    %get3A_1386 = vector.load %arg7[%get3A_1384, %get3A_1385] : memref<10x4xf32, #tpu.memory_space<vmem>>, vector<1x1xf32>
    %get3A_1387 = arith.constant 9 : index
    %get3A_1388 = arith.constant 3 : index
    %get3A_1389 = vector.load %arg8[%get3A_1387, %get3A_1388] : memref<10x4xf32, #tpu.memory_space<vmem>>, vector<1x1xf32>
    %max3A_1390 = arith.constant 0.000000e+00 : f32
    %max3A_1391 = vector.broadcast %max3A_1390 : f32 to vector<1x1xf32>
    %max3A_1392 = arith.maximumf %get3A_1389, %max3A_1391 : vector<1x1xf32>
    %abs3A_1393 = math.absf %get3A_1389 : vector<1x1xf32>
    %neg3A_1394 = arith.constant 0.000000e+00 : f32
    %neg3A_1395 = vector.broadcast %neg3A_1394 : f32 to vector<1x1xf32>
    %neg3A_1396 = arith.subf %neg3A_1395, %abs3A_1393 : vector<1x1xf32>
    %exp3A_1397 = math.exp %neg3A_1396 : vector<1x1xf32>
    %add3A_1398 = arith.constant 1.000000e+00 : f32
    %add3A_1399 = vector.broadcast %add3A_1398 : f32 to vector<1x1xf32>
    %add3A_1400 = arith.addf %add3A_1399, %exp3A_1397 : vector<1x1xf32>
    %log3A_1401 = math.log %add3A_1400 : vector<1x1xf32>
    %add3A_1402 = arith.addf %max3A_1392, %log3A_1401 : vector<1x1xf32>
    %mul3A_1403 = vector.broadcast %get3A_1386 : vector<1x1xf32> to vector<80x125xf32>
    %mul3A_1404 = arith.mulf %convert_element_type3A_68, %mul3A_1403 : vector<80x125xf32>
    %add3A_1405 = arith.addf %add3A_1373, %mul3A_1404 : vector<80x125xf32>
    %div3A_1406 = arith.constant 1.000000e+00 : f32
    %div3A_1407 = vector.broadcast %div3A_1406 : f32 to vector<1x1xf32>
    %div3A_1408 = arith.divf %div3A_1407, %add3A_1402 : vector<1x1xf32>
    %mul3A_1409 = vector.broadcast %div3A_1408 : vector<1x1xf32> to vector<80x125xf32>
    %mul3A_1410 = arith.mulf %convert_element_type3A_68, %mul3A_1409 : vector<80x125xf32>
    %add3A_1411 = arith.addf %add3A_1379, %mul3A_1410 : vector<80x125xf32>
    %log3A_1412 = math.log %add3A_1402 : vector<1x1xf32>
    %mul3A_1413 = vector.broadcast %log3A_1412 : vector<1x1xf32> to vector<80x125xf32>
    %mul3A_1414 = arith.mulf %convert_element_type3A_68, %mul3A_1413 : vector<80x125xf32>
    %add3A_1415 = arith.addf %add3A_1383, %mul3A_1414 : vector<80x125xf32>
    %sub3A_1416 = arith.subf %get3A_80, %add3A_1405 : vector<80x125xf32>
    %mul3A_1417 = arith.mulf %sub3A_1416, %add3A_1411 : vector<80x125xf32>
    %mul3A_1418 = arith.constant -5.000000e-01 : f32
    %mul3A_1419 = vector.broadcast %mul3A_1418 : f32 to vector<80x125xf32>
    %mul3A_1420 = arith.mulf %mul3A_1419, %mul3A_1417 : vector<80x125xf32>
    %mul3A_1421 = arith.mulf %mul3A_1420, %mul3A_1417 : vector<80x125xf32>
    %sub3A_1422 = arith.subf %mul3A_1421, %add3A_1415 : vector<80x125xf32>
    %reduce_sum3A_1423 = vector.shape_cast %sub3A_1422 : vector<80x125xf32> to vector<1x80x125xf32>
    %reduce_sum3A_1424 = arith.constant dense<0.000000e+00> : vector<1xf32>
    %reduce_sum3A_1425 = vector.multi_reduction <add>, %reduce_sum3A_1423, %reduce_sum3A_1424 [1, 2] : vector<1x80x125xf32> to vector<1xf32>
    %reduce_sum3A_1426 = vector.shape_cast %reduce_sum3A_1425 : vector<1xf32> to vector<1x1x1xf32>
    %reduce_sum3A_1427 = vector.extract %reduce_sum3A_1426[0, 0, 0] : f32 from vector<1x1x1xf32>
    %add3A_1428 = arith.addf %add3A_1089, %reduce_sum3A_1427 : f32
    %sub3A_1429 = arith.constant 36757.543 : f32
    %sub3A_1430 = arith.subf %add3A_1428, %sub3A_1429 : f32
    %get3A_1431 = arith.constant 0 : index
    %get3A_1432 = arith.constant 0 : index
    %get3A_1433 = vector.load %arg6[%get3A_1431, %get3A_1432] : memref<800x125xf32, #tpu.memory_space<vmem>>, vector<800x125xf32>
    %mul3A_1434 = arith.constant -5.000000e-01 : f32
    %mul3A_1435 = vector.broadcast %mul3A_1434 : f32 to vector<800x125xf32>
    %mul3A_1436 = arith.mulf %mul3A_1435, %get3A_1433 : vector<800x125xf32>
    %mul3A_1437 = arith.mulf %mul3A_1436, %get3A_1433 : vector<800x125xf32>
    %reduce_sum3A_1438 = vector.shape_cast %mul3A_1437 : vector<800x125xf32> to vector<1x800x125xf32>
    %reduce_sum3A_1439 = arith.constant dense<0.000000e+00> : vector<1xf32>
    %reduce_sum3A_1440 = vector.multi_reduction <add>, %reduce_sum3A_1438, %reduce_sum3A_1439 [1, 2] : vector<1x800x125xf32> to vector<1xf32>
    %reduce_sum3A_1441 = vector.shape_cast %reduce_sum3A_1440 : vector<1xf32> to vector<1x1x1xf32>
    %reduce_sum3A_1442 = vector.extract %reduce_sum3A_1441[0, 0, 0] : f32 from vector<1x1x1xf32>
    %sub3A_1443 = arith.constant 91893.8515 : f32
    %sub3A_1444 = arith.subf %reduce_sum3A_1442, %sub3A_1443 : f32
    %add3A_1445 = arith.addf %sub3A_1430, %sub3A_1444 : f32
    %get3A_1446 = arith.constant 0 : index
    %get3A_1447 = arith.constant 0 : index
    %get3A_1448 = vector.load %arg7[%get3A_1446, %get3A_1447] : memref<10x4xf32, #tpu.memory_space<vmem>>, vector<10x4xf32>
    %get3A_1449 = arith.constant 0 : index
    %get3A_1450 = arith.constant 0 : index
    %get3A_1451 = vector.load %arg8[%get3A_1449, %get3A_1450] : memref<10x4xf32, #tpu.memory_space<vmem>>, vector<10x4xf32>
    %max3A_1452 = arith.constant 0.000000e+00 : f32
    %max3A_1453 = vector.broadcast %max3A_1452 : f32 to vector<10x4xf32>
    %max3A_1454 = arith.maximumf %get3A_1451, %max3A_1453 : vector<10x4xf32>
    %abs3A_1455 = math.absf %get3A_1451 : vector<10x4xf32>
    %neg3A_1456 = arith.constant 0.000000e+00 : f32
    %neg3A_1457 = vector.broadcast %neg3A_1456 : f32 to vector<10x4xf32>
    %neg3A_1458 = arith.subf %neg3A_1457, %abs3A_1455 : vector<10x4xf32>
    %exp3A_1459 = math.exp %neg3A_1458 : vector<10x4xf32>
    %add3A_1460 = arith.constant 1.000000e+00 : f32
    %add3A_1461 = vector.broadcast %add3A_1460 : f32 to vector<10x4xf32>
    %add3A_1462 = arith.addf %add3A_1461, %exp3A_1459 : vector<10x4xf32>
    %log3A_1463 = math.log %add3A_1462 : vector<10x4xf32>
    %add3A_1464 = arith.addf %max3A_1454, %log3A_1463 : vector<10x4xf32>
    %mul3A_1465 = arith.constant -5.000000e-01 : f32
    %mul3A_1466 = vector.broadcast %mul3A_1465 : f32 to vector<10x4xf32>
    %mul3A_1467 = arith.mulf %mul3A_1466, %get3A_1448 : vector<10x4xf32>
    %mul3A_1468 = arith.mulf %mul3A_1467, %get3A_1448 : vector<10x4xf32>
    %reduce_sum3A_1469 = vector.shape_cast %mul3A_1468 : vector<10x4xf32> to vector<1x10x4xf32>
    %reduce_sum3A_1470 = arith.constant dense<0.000000e+00> : vector<1xf32>
    %reduce_sum3A_1471 = vector.multi_reduction <add>, %reduce_sum3A_1469, %reduce_sum3A_1470 [1, 2] : vector<1x10x4xf32> to vector<1xf32>
    %reduce_sum3A_1472 = vector.shape_cast %reduce_sum3A_1471 : vector<1xf32> to vector<1x1x1xf32>
    %reduce_sum3A_1473 = vector.extract %reduce_sum3A_1472[0, 0, 0] : f32 from vector<1x1x1xf32>
    %sub3A_1474 = arith.constant 36.7575417 : f32
    %sub3A_1475 = arith.subf %reduce_sum3A_1473, %sub3A_1474 : f32
    %add3A_1476 = arith.addf %add3A_1445, %sub3A_1475 : f32
    %log3A_1477 = math.log %add3A_1464 : vector<10x4xf32>
    %mul3A_1478 = arith.constant -2.000000e+00 : f32
    %mul3A_1479 = vector.broadcast %mul3A_1478 : f32 to vector<10x4xf32>
    %mul3A_1480 = arith.mulf %mul3A_1479, %log3A_1477 : vector<10x4xf32>
    %div3A_1481 = arith.constant 1.000000e+00 : f32
    %div3A_1482 = vector.broadcast %div3A_1481 : f32 to vector<10x4xf32>
    %div3A_1483 = arith.divf %div3A_1482, %add3A_1464 : vector<10x4xf32>
    %sub3A_1484 = arith.subf %mul3A_1480, %div3A_1483 : vector<10x4xf32>
    %reduce_sum3A_1485 = vector.shape_cast %sub3A_1484 : vector<10x4xf32> to vector<1x10x4xf32>
    %reduce_sum3A_1486 = arith.constant dense<0.000000e+00> : vector<1xf32>
    %reduce_sum3A_1487 = vector.multi_reduction <add>, %reduce_sum3A_1485, %reduce_sum3A_1486 [1, 2] : vector<1x10x4xf32> to vector<1xf32>
    %reduce_sum3A_1488 = vector.shape_cast %reduce_sum3A_1487 : vector<1xf32> to vector<1x1x1xf32>
    %reduce_sum3A_1489 = vector.extract %reduce_sum3A_1488[0, 0, 0] : f32 from vector<1x1x1xf32>
    %add3A_1490 = arith.addf %add3A_1476, %reduce_sum3A_1489 : f32
    %add3A_1491 = arith.addf %reduce_sum3A_5, %add3A_1490 : f32
    %neg3A_1492 = arith.constant 0.000000e+00 : f32
    %neg3A_1493 = arith.subf %neg3A_1492, %add3A_1491 : f32
    %reshape3A = vector.broadcast %neg3A_1493 : f32 to vector<1x1xf32>
    %swap3A = arith.constant 0 : index
    %swap3A_1494 = arith.constant 0 : index
    %swap3A_1495 = vector.load %arg10[%swap3A, %swap3A_1494] : memref<1x1xf32, #tpu.memory_space<vmem>>, vector<1x1xf32>
    tpu.vector_store %arg10[%swap3A, %swap3A_1494], %reshape3A {strides = array<i32>} : memref<1x1xf32, #tpu.memory_space<vmem>>, vector<1x1xf32>,
    return
  }
}

</mosaic_0001>

<sc_bundles>
// kernel: kernel.5.cloned.1.call-start
scs
__scs_entry_jumppad:
0x0: {  	(pc) =	sbr.rel $0x88, $3  }
0x1: {  	(tag) =	ssettag $0x0;
	lr =	simm.s32 $0x1  }
0x2: {  	[smem:$0x3F99] =	sst lr;
	_ =	strace $0xD0000000  }
0x3: {  	_ = 	snop  }
0x4: {  	_ = 	snop  }
0x5: {  	_ = 	snop  }
0x6: {  	_ = 	snop  }
0x7: {  	_ = 	snop  }
__scs_overlays_trampoline_lowered:
0x8: {  	[smem:$0x3FA8] =	sst s0  }
0x9: {  	[smem:$0x3FA9] =	sst s1  }
0xa: {  	[smem:$0x3FAA] =	sst s2  }
0xb: {  	[smem:$0x3FAB] =	sst s3  }
0xc: {  	[smem:$0x3FAC] =	sst s4  }
0xd: {  	[smem:$0x3FAD] =	sst s5  }
0xe: {  	[smem:$0x3FAE] =	sst s6  }
0xf: {  	[smem:$0x3FAF] =	sst s7  }
0x10: {  	[smem:$0x3FB0] =	sst s8  }
0x11: {  	[smem:$0x3FB1] =	sst s9;
	s0 =	simm.s32 @!p0 $0x0  }
0x12: {  	s1 =	sld [smem:$0x3F97];
	s0 =	simm.s32 @p0 $0x1  }
0x13: {  	[smem:$0x3FB2] =	sst s0;
	s0 =	simm.s32 @!p1 $0x0  }
0x14: {  	s2 =	sld [smem:$0x3F96];
	s0 =	simm.s32 @p1 $0x1  }
0x15: {  	[smem:$0x3FB3] =	sst s0;
	s0 =	simm.s32 @!p2 $0x0  }
0x16: {  	s3 =	sld [smem:$0x3FDB];
	s0 =	simm.s32 @p2 $0x1  }
0x17: {  	s4 =	simm.s32 $0x1BF5;
	[smem:$0x3FB5] =	sst s0  }
0x18: {  	s0 =	sld [smem:$0x3F98];
	_ =	swait.ge [sflag:s4], $0x0  }
0x19: {  	s7 =	sld [smem:$0x3F99]  }
0x1a: {  	s8 =	sadd.s32 $0xFFFFE003, lr  }
0x1b: {  	s9 =	sadd.s32 $0xFFFFFEF7, lr;
	s5 =	simm.s32 $0xFFFFFFFF;
	p2 =	slt.u32 s8, $0xFFFFF086  }
0x1c: {  	p1 =	slt.u32 s9, $0xF7A;
	s5 =	simm.s32 @!p2 $0x0  }
0x1d: {  	s5 =	simm.s32 @p1 $0x1;
	p0 =	seq.s32 s7, s2  }
0x1e: {  	s7 =	smul.u32 @!p0 $0xF7A, s2;
	p2 =	seq.s32 @!p0 s5, $0x0  }
0x1f: {  	s9 =	smul.u32 $0xF7A, s1;
	s8 =	simm.s32 @!p0 $0x1BF5;
	p2 =	por !p2, p0  }
0x20: {  	[sflag:s8] =	ssyncset.s32 @!p0 $0xFFFFF086;
	s6 =	sadd.s32 @!p0 s3, s7;
	s7 =	simm.s32 @!p0 $0x108  }
0x21: {  	s3 =	sadd.s32 s3, s9;
	s6 =	sadd.s32 @!p0 $0x88, s6;
	s7 =	simm.s32 @p2 $0x1082  }
0x22: {  	[simem:s7], [sflag:s8] =	dma.local @!p0 [hbm:s6], $0xF7A  }
0x23: {  	s9 =	sor.u32 $0xD0000000, s2;
	s6 =	simm.s32 $0x108;
	_ =	swait.ge @!p0 [sflag:s8], $0x0  }
0x24: {  	s3 =	sadd.s32 $0x88, s3;
	s6 =	simm.s32 @!p1 $0x1082;
	[sflag:s4] =	ssyncset.s32 $0xFFFFF086  }
0x25: {  	[simem:s6], [sflag:s4] =	dma.local [hbm:s3], $0xF7A  }
0x26: {  	[smem:$0x3F99] =	sst s1;
	(tag) =	ssettag s2;
	_ =	strace s9  }
0x27: {  	s1 =	sld [smem:$0x3FA9]  }
0x28: {  	s2 =	sld [smem:$0x3FAA]  }
0x29: {  	s4 =	sld [smem:$0x3FAC]  }
0x2a: {  	p0 =	seq.s32 s5, $0x0;
	s5 =	sld [smem:$0x3FAD]  }
0x2b: {  	s6 =	sld [smem:$0x3FAE]  }
0x2c: {  	s7 =	sld [smem:$0x3FAF]  }
0x2d: {  	s3 =	simm.s32 $0x108;
	s8 =	sld [smem:$0x3FB0]  }
0x2e: {  	s3 =	simm.s32 @!p0 $0x1082;
	s9 =	sld [smem:$0x3FB1]  }
0x2f: {  	lr =	sadd.s32 s0, s3;
	s0 =	sld [smem:$0x3FA8]  }
0x30: {  	s3 =	sld [smem:$0x3FAB]  }
0x31: {  	[smem:$0x3FB4] =	sst s10  }
0x32: {  	s10 =	sld [smem:$0x3FB2];
	_ =	sdelay $0x3  }
0x33: {  	p0 =	seq.s32 s10, $0x1;
	s10 =	sld [smem:$0x3FB4];
	_ =	sdelay $0x3  }
0x34: {  	[smem:$0x3FB4] =	sst s10  }
0x35: {  	s10 =	sld [smem:$0x3FB3];
	_ =	sdelay $0x3  }
0x36: {  	p1 =	seq.s32 s10, $0x1;
	s10 =	sld [smem:$0x3FB4];
	_ =	sdelay $0x3  }
0x37: {  	[smem:$0x3FB4] =	sst s10  }
0x38: {  	s10 =	sld [smem:$0x3FB5]  }
0x39: {  	_ = 	snop;
	(pc) =	sbr.ind lr, $3  }
0x3a: {  	_ = 	snop  }
0x3b: {  	_ = 	snop  }
0x3c: {  	p2 =	seq.s32 s10, $0x1;
	s10 =	sld [smem:$0x3FB4]  }
0x3d: {  	_ =	shalt  }
0x3e: {  	_ =	shalt  }
0x3f: {  	_ =	shalt  }
0x40: {  	_ =	shalt  }
0x41: {  	_ =	shalt  }
0x42: {  	_ =	shalt  }
0x43: {  	_ =	shalt  }
0x44: {  	_ =	shalt  }
0x45: {  	_ =	shalt  }
0x46: {  	_ =	shalt  }
0x47: {  	_ =	shalt  }
0x48: {  	_ =	shalt  }
0x49: {  	_ =	shalt  }
0x4a: {  	_ =	shalt  }
0x4b: {  	_ =	shalt  }
0x4c: {  	_ =	shalt  }
0x4d: {  	_ =	shalt  }
0x4e: {  	_ =	shalt  }
0x4f: {  	_ =	shalt  }
0x50: {  	_ =	shalt  }
0x51: {  	_ =	shalt  }
0x52: {  	_ =	shalt  }
0x53: {  	_ =	shalt  }
0x54: {  	_ =	shalt  }
0x55: {  	_ =	shalt  }
0x56: {  	_ =	shalt  }
0x57: {  	_ =	shalt  }
0x58: {  	_ =	shalt  }
0x59: {  	_ =	shalt  }
0x5a: {  	_ =	shalt  }
0x5b: {  	_ =	shalt  }
0x5c: {  	_ =	shalt  }
0x5d: {  	_ =	shalt  }
0x5e: {  	_ =	shalt  }
0x5f: {  	_ =	shalt  }
0x60: {  	_ =	shalt  }
0x61: {  	_ =	shalt  }
0x62: {  	_ =	shalt  }
0x63: {  	_ =	shalt  }
0x64: {  	_ =	shalt  }
0x65: {  	_ =	shalt  }
0x66: {  	_ =	shalt  }
0x67: {  	_ =	shalt  }
0x68: {  	_ =	shalt  }
0x69: {  	_ =	shalt  }
0x6a: {  	_ =	shalt  }
0x6b: {  	_ =	shalt  }
0x6c: {  	_ =	shalt  }
0x6d: {  	_ =	shalt  }
0x6e: {  	_ =	shalt  }
0x6f: {  	_ =	shalt  }
0x70: {  	_ =	shalt  }
0x71: {  	_ =	shalt  }
0x72: {  	_ =	shalt  }
0x73: {  	_ =	shalt  }
0x74: {  	_ =	shalt  }
0x75: {  	_ =	shalt  }
0x76: {  	_ =	shalt  }
0x77: {  	_ =	shalt  }
0x78: {  	_ =	shalt  }
0x79: {  	_ =	shalt  }
0x7a: {  	_ =	shalt  }
0x7b: {  	_ =	shalt  }
0x7c: {  	_ =	shalt  }
0x7d: {  	_ =	shalt  }
0x7e: {  	_ =	shalt  }
0x7f: {  	_ =	shalt  }
0x80: {  	_ =	shalt  }
0x81: {  	_ =	shalt  }
0x82: {  	_ =	shalt  }
0x83: {  	_ =	shalt  }
0x84: {  	_ =	shalt  }
0x85: {  	_ =	shalt  }
0x86: {  	_ =	shalt  }
0x87: {  	_ =	shalt  }
.Lfunc_end0:
.L_simem_size_0:
called_computation_lowered:
.L_overlay_start_0:
0x88: {  	s2 =	sld [smem:$0x3FD9]  }
0x89: {  	s3 =	sld [smem:$0x3FFE];
	_ =	sdelay $0x1  }
0x8a: {  	s1 =	srdreg.scid  }
0x8b: {  	s0 =	sand.u32 $0x1, s1  }
0x8c: {  	s17 =	sshll.u32 s0, $0xA;
	s2 =	sadd.s32 s3, s2  }
0x8d: {  	s2 =	sadd.s32 s2, s17  }
0x8e: {  	[smem:$0x3FC0] =	sst s2  }
0x8f: {  	_ = 	snop  }
0x90: {  	s2 =	sld [smem:$0x3FC6];
	(tm) =	ssettm $0x1  }
0x91: {  	s18 =	sld [smem:$0x3FFB];
	_ =	sdelay $0x3  }
0x92: {  	_ =	strace s18  }
0x93: {  	s3 =	sld [smem:$0x3FFC];
	_ =	sdelay $0x3  }
0x94: {  	_ =	strace s3  }
0x95: {  	s3 =	sld [smem:$0x3FFD];
	_ =	sdelay $0x3  }
0x96: {  	_ =	strace s3  }
0x97: {  	_ =	strace $0x8FFFFFFF  }
0x98: {  	s19 =	sld [smem:$0x3FDB];
	_ =	sdelay $0x1  }
0x99: {  	s4 =	simm.s32 $_scs_section_size  }
0x9a: {  	s5 =	simm.s32 $_size__tile_overlayer_lowered;
	s6 =	simm.s32 $_tile_overlayer_lowered  }
0x9b: {  	s22 =	simm.s32 $0x1BFF;
	s21 =	sshll.u32 s6, $0x1;
	s3 =	sadd.s32 s4, s19  }
0x9c: {  	s7 =	simm.s32 $0x0;
	s20 =	sshll.u32 s5, $0x1;
	s5 =	sadd.s32 s21, s3  }
0x9d: {  	[timem:s7], [sflag:s22] =	dma.local [hbm:s5], s20  }
0x9e: {  	_ =	swait.ge [sflag:s22], s20  }
0x9f: {  	s4 =	ssub.s32 $0x0, s20;
	[sflag:s22] =	ssyncset.done $0x0  }
0xa0: {  	[sflag:s22] =	ssyncadd.s32 s4;
	_ =	sdelay $0x1  }
0xa1: {  	s23 =	simm.s32 $0x1B8B  }
0xa2: {  	_ =	swait.ge [sflag:s23], $0x1  }
0xa3: {  	[sflag:s23] =	ssyncset.done $0x0  }
0xa4: {  	s25 =	simm.s32 $0x1B8E;
	s24 =	sld [smem:$0x3FFE];
	[sflag:s23] =	ssyncadd.s32 $0xFFFFFFFF  }
0xa5: {  	s26 =	simm.s32 $execute0_lowered;
	[smem:$0x3FD2] =	sst s25  }
0xa6: {  	s5 =	sshll.u32 s26, $0x1;
	_ =	strace $0x80000046;
	[dreg:$0x1] =	wrdreg $0xFFFFFFFF  }
0xa7: {  	s28 =	simm.s32 $_size_execute0_lowered;
	s3 =	sadd.s32 s3, s5;
	[dreg:$0x0] =	wrdreg $0x0  }
0xa8: {  	s5 =	sshll.u32 s28, $0x1;
	[dreg:$0x2] =	wrdreg s3  }
0xa9: {  	[dreg:$0x3] =	wrdreg s5  }
0xaa: {  	[dreg:$0x4] =	wrdreg $0xC0  }
0xab: {  	_ =	task [dreg:s7], $0x5FFFF  }
0xac: {  	[dreg:$0x1] =	wrdreg $0xFFFFFFFF  }
0xad: {  	[dreg:$0x0] =	wrdreg $0x60  }
0xae: {  	[dreg:$0x2] =	wrdreg s24  }
0xaf: {  	[dreg:$0x3] =	wrdreg s2  }
0xb0: {  	[dreg:$0x4] =	wrdreg $0x112000  }
0xb1: {  	[dreg:$0x5] =	wrdreg $0x9  }
0xb2: {  	_ =	task.clear_ibuf [dreg:s7], $0x6FFFF;
	_ =	strace $0x90000046  }
0xb3: {  	s29 =	simm.s32 $0x9;
	_ =	strace $0x80000048  }
0xb4: {  	_ =	swait.ge [sflag:s29], $0x1  }
0xb5: {  	[sflag:s29] =	ssyncadd.s32 $0xFFFFFFFF  }
0xb6: {  	_ =	strace $0x90000048  }
0xb7: {  	_ =	sfence  }
0xb8: {  	s30 =	sld [smem:$0x0];
	_ =	sdelay $0x2  }
0xb9: {  	s31 =	sshll.u32 s1, $0xD;
	s1 =	sshrl.u32 s1, $0x2  }
0xba: {  	s3 =	sand.u32 $0x4000, s31;
	s1 =	sadd.s32 s1, s30  }
0xbb: {  	s0 =	sor.u32 s3, s0;
	s1 =	sshll.u32 s1, $0x11  }
0xbc: {  	s0 =	sor.u32 s1, s0  }
0xbd: {  	s0 =	sadd.s32 $0x8F2B, s0  }
0xbe: {  	[sflag:s0] =	ssyncadd.remote.s32 $0x1  }
0xbf: {  	_ =	sfence.sel $0xFFFF  }
0xc0: {  	[dreg:$0x0] =	wrdreg $0xFFFFFFFF;
	(pc) =	sbr.abs _section_cstart, $3  }
0xc1: {  	[dreg:$0x1] =	wrdreg $0xFFFFFFFF  }
0xc2: {  	_ =	task.clear_ibuf [dreg:s7], $0x2FFFF;
	_ =	strace $0x9FFFFFFF  }
0xc3: {  	(tm) =	ssettm $0x7FFFFFFF  }
tec
execute0_lowered:
.L_overlay_start_1:
0x0: {  	(tag) =	ssettag $0x1  }
0x1: {  	s11 =	rddreg [dreg:$0x0]  }
0x2: {  	s1 =	simm.s32 $0x0;
	s0 =	srdreg.scid;
	s2 =	stileid.u32  }
0x3: {  	s29 =	rddreg [dreg:$0x2];
	s0 =	sand.u32 $0x1, s0;
	s4 =	sshll.u32 s2, $0x1  }
0x4: {  	[smem:$0x7FF] =	sst s1;
	s3 =	sadd.s32 $0x2400, s11;
	s4 =	sor.u32 s0, s4  }
0x5: {  	s5 =	sadd.s32 $0x22400, s11;
	s7 =	sadd.s32 $0x42400, s11;
	s9 =	sshll.u32 s4, $0xC  }
0x6: {  	p0 =	sne.s32 s2, $0x0;
	s6 =	ssub.s32 $0x2, s0;
	s21 =	sadd.s32 s3, s9  }
0x7: {  	s22 =	sor.u32 $0x200, s9;
	s19 =	sadd.s32 s5, s9;
	[dreg:$0x4] =	wrdreg s21  }
0x8: {  	s8 =	sshrl.u32 s6, $0x1;
	s10 =	sadd.s32 s3, s22;
	[dreg:$0x14] =	wrdreg s19  }
0x9: {  	s6 =	ssub.s32 s6, s8;
	s23 =	sadd.s32 s5, s22;
	[dreg:$0x5] =	wrdreg s10  }
0xa: {  	s24 =	sor.u32 $0x400, s9;
	s8 =	sadd.s32 s7, s22;
	[dreg:$0x6] =	wrdreg s23  }
0xb: {  	s0 =	sshll.u32 s0, $0xF;
	s25 =	sadd.s32 s3, s24;
	[dreg:$0x7] =	wrdreg s8  }
0xc: {  	s26 =	sor.u32 $0x600, s9;
	s12 =	sadd.s32 s5, s24;
	[dreg:$0x8] =	wrdreg s25  }
0xd: {  	s15 =	sor.u32 $0xA00, s9;
	s28 =	sadd.s32 s3, s26;
	[dreg:$0x9] =	wrdreg s12  }
0xe: {  	s20 =	sor.u32 $0xC00, s9;
	s31 =	sadd.s32 s5, s26;
	[dreg:$0xb] =	wrdreg s28  }
0xf: {  	s16 =	sadd.s32 s3, s15;
	s17 =	sadd.s32 s5, s15;
	[dreg:$0xc] =	wrdreg s31  }
0x10: {  	s18 =	sadd.s32 s7, s15;
	s21 =	sadd.s32 s7, s9;
	[dreg:$0x11] =	wrdreg s16  }
0x11: {  	s22 =	sadd.s32 s3, s20;
	s15 =	simm.s32 $0x4;
	[dreg:$0x12] =	wrdreg s17  }
0x12: {  	s10 =	sadd.s32 s7, s24;
	s8 =	sadd.s32 s7, s26;
	[dreg:$0x13] =	wrdreg s18  }
0x13: {  	s12 =	sor.u32 $0x800, s9;
	[dreg:$0x15] =	wrdreg s21;
	s9 =	sor.u32 $0xE00, s9  }
0x14: {  	[dreg:$0x16] =	wrdreg s22;
	s23 =	sadd.s32 s5, s20;
	s26 =	sshll.u32 s2, $0x10  }
0x15: {  	s28 =	sshll.u32 s4, $0x4;
	s31 =	smax.u32 s6, $0x1;
	s2 =	simm.s32 $0x2780  }
0x16: {  	s4 =	simm.s32 $0x14AF0;
	s6 =	simm.s32 $0x1;
	[dreg:$0xa] =	wrdreg s10  }
0x17: {  	s16 =	simm.s32 $0x5;
	s17 =	simm.s32 $0x0;
	[dreg:$0xd] =	wrdreg s8  }
0x18: {  	s13 =	sadd.s32 s3, s12;
	s14 =	sadd.s32 s5, s12;
	s8 =	sadd.s32 s7, s12  }
0x19: {  	[dreg:$0x17] =	wrdreg s23;
	s3 =	sadd.s32 s3, s9;
	s24 =	sadd.s32 s5, s9  }
0x1a: {  	s25 =	sadd.s32 s7, s9;
	s30 =	sor.u32 s0, s26;
	[dreg:$0xe] =	wrdreg s13  }
0x1b: {  	s0 =	sadd.s32 s28, s11;
	s26 =	sadd.s32 $0x1E00, s11;
	[dreg:$0xf] =	wrdreg s14  }
0x1c: {  	s5 =	simm.s32 $0x16AF0;
	s9 =	simm.s32 $0x13AF0;
	[dreg:$0x10] =	wrdreg s8  }
0x1d: {  	s10 =	simm.s32 $0x15AF0;
	s11 =	simm.s32 $0x17AF0;
	[dreg:$0x19] =	wrdreg s3  }
0x1e: {  	s12 =	simm.s32 $0x3;
	s8 =	sadd.s32 s7, s20;
	[dreg:$0x1a] =	wrdreg s24  }
0x1f: {  	[dreg:$0x1b] =	wrdreg s25;
	s0 =	sadd.s32 $0x62400, s0;
	s3 =	simm.s32 $0x12AF0  }
0x20: {  	s7 =	simm.s32 $0x1000;
	s13 =	simm.s32 $0x2;
	[dreg:$0x18] =	wrdreg s8  }
0x21: {  	s14 =	simm.s32 $0x19AF0;
	_ =	strace $0x80000047;
	[dreg:$0x1c] =	wrdreg s0  }
0x22: {  	s8 =	simm.s32 $0x18AF0;
	[dreg:$0x1d] =	wrdreg s31;
	s0 =	simm.s32 $0x6  }
.LBB2_1:
0x23: {  	s18 =	sshrl.u32 @!p0 s29, $0x3;
	s19 =	simm.s32 @!p0 $0x1C06;
	s20 =	rddreg [dreg:$0x1]  }
0x24: {  	[spmem:s18], [sflag:s19] =	dma.local @!p0 [hbm:s20], $0x30E0  }
0x25: {  	s18 =	simm.s32 @!p0 $0x6  }
0x26: {  	_ =	swait.ge @!p0 [sflag:s18], $0x30E0  }
0x27: {  	[sflag:s18] =	ssyncset.done @!p0 $0x0  }
0x28: {  	[sflag:s18] =	ssyncadd.s32 @!p0 $0xFFFFCF20  }
0x29: {  	[tilespmem:s1], [sflag:$0x6] =	stream.linear.gather [hbm4b:s26+s1], $0x2780, $0x38;
	[tilespmem:$0x1AAF0] =	vst v63  }
0x2a: {  	_ =	swait.ge [sflag:s0], $0x2780  }
0x2b: {  	[sflag:s0] =	ssyncset.done $0x0  }
0x2c: {  	[sflag:s0] =	ssyncadd.s32 $0xFFFFD880  }
0x2d: {  	s28 =	rddreg [dreg:$0x0]  }
0x2e: {  	[tilespmem:s2], [sflag:$0x6] =	stream.linear.gather [hbm4b:s28+s1], $0xEA80, $0x38;
	[tilespmem:$0x1AAF0] =	vst v63  }
0x2f: {  	_ =	swait.ge [sflag:s0], $0xEA80  }
0x30: {  	[sflag:s0] =	ssyncset.done $0x0  }
0x31: {  	[sflag:s0] =	ssyncadd.s32 $0xFFFF1580  }
0x32: {  	[bflag:$0x0] =	sbarrier.arrive $0xFFFF  }
0x33: {  	s31 =	rddreg [dreg:$0x4]  }
0x34: {  	[tilespmem:s3], [sflag:$0x1] =	stream.linear.gather [hbm4b:s31+s1], $0x1000, $0x38;
	[tilespmem:$0x1AAF0] =	vst v63  }
0x35: {  	s19 =	rddreg [dreg:$0x14]  }
0x36: {  	[tilespmem:s4], [sflag:$0x1] =	stream.linear.gather [hbm4b:s19+s1], $0x1000, $0x38;
	[tilespmem:$0x1AAF0] =	vst v63  }
0x37: {  	s20 =	rddreg [dreg:$0x15]  }
0x38: {  	[tilespmem:s5], [sflag:$0x1] =	stream.linear.gather [hbm4b:s20+s1], $0x1000, $0x38;
	[tilespmem:$0x1AAF0] =	vst v63  }
0x39: {  	_ =	swait.ge [sflag:s6], $0x1000  }
0x3a: {  	[sflag:s6] =	ssyncset.done $0x0  }
0x3b: {  	[sflag:s6] =	ssyncadd.s32 $0xFFFFF000  }
0x3c: {  	_ =	swait.ge [sflag:s6], $0x1000  }
0x3d: {  	[sflag:s6] =	ssyncset.done $0x0  }
0x3e: {  	[sflag:s6] =	ssyncadd.s32 $0xFFFFF000  }
0x3f: {  	_ =	swait.ge [sflag:s6], $0x1000  }
0x40: {  	[sflag:s6] =	ssyncset.done $0x0  }
0x41: {  	[sflag:s6] =	ssyncadd.s32 $0xFFFFF000  }
0x42: {  	[tilespmem:s8], [sflag:$0x3] =	stream.indirect.gather [spmem:s29], $0x1, s4, s7, $0xb8;
	[tilespmem:$0x1AAF0] =	vst v63  }
0x43: {  	s21 =	rddreg [dreg:$0x5]  }
0x44: {  	[tilespmem:s9], [sflag:$0x2] =	stream.linear.gather [hbm4b:s21+s1], $0x1000, $0x38;
	[tilespmem:$0x1AAF0] =	vst v63  }
0x45: {  	s22 =	rddreg [dreg:$0x6]  }
0x46: {  	[tilespmem:s10], [sflag:$0x2] =	stream.linear.gather [hbm4b:s22+s1], $0x1000, $0x38;
	[tilespmem:$0x1AAF0] =	vst v63  }
0x47: {  	s23 =	rddreg [dreg:$0x7]  }
0x48: {  	[tilespmem:s11], [sflag:$0x2] =	stream.linear.gather [hbm4b:s23+s1], $0x1000, $0x38;
	[tilespmem:$0x1AAF0] =	vst v63  }
0x49: {  	_ =	swait.ge [sflag:s12], $0x1000  }
0x4a: {  	[sflag:s12] =	ssyncset.done $0x0  }
0x4b: {  	[sflag:s12] =	ssyncadd.s32 $0xFFFFF000  }
0x4c: {  	_ =	swait.ge [sflag:s13], $0x1000  }
0x4d: {  	[sflag:s13] =	ssyncset.done $0x0  }
0x4e: {  	[sflag:s13] =	ssyncadd.s32 $0xFFFFF000  }
0x4f: {  	_ =	swait.ge [sflag:s13], $0x1000  }
0x50: {  	[sflag:s13] =	ssyncset.done $0x0  }
0x51: {  	[sflag:s13] =	ssyncadd.s32 $0xFFFFF000  }
0x52: {  	_ =	swait.ge [sflag:s13], $0x1000  }
0x53: {  	[sflag:s13] =	ssyncset.done $0x0  }
0x54: {  	s24 =	simm.s32 $0x12B10;
	[sflag:s13] =	ssyncadd.s32 $0xFFFFF000  }
0x55: {  	[tilespmem:s14], [sflag:$0x4] =	stream.indirect.gather [spmem:s29], $0x1, s10, s7, $0xb8;
	[tilespmem:$0x1AAF0] =	vst v63  }
0x56: {  	s25 =	simm.s32 $0x16B10;
	v0 =	vld [tilespmem:s24+$0xFFFFFFF0]  }
0x57: {  	v1 =	vld [tilespmem:s25+$0xFFFFFFF0]  }
0x58: {  	v3 =	vld [tilespmem:s24+$0xFFFFFFE0]  }
0x59: {  	v2 =	vld [tilespmem:s24+$0x0]  }
0x5a: {  	v4 =	vld [tilespmem:s25+$0xFFFFFFE0]  }
0x5b: {  	v5 =	vld [tilespmem:s25+$0x0]  }
0x5c: {  	v7 =	vld [tilespmem:s25+$0x10];
	v6 =	vmul.u32 $0x6, v0  }
0x5d: {  	s28 =	simm.s32 $0x18B10;
	v8 =	vld [tilespmem:s24+$0x10];
	v9 =	vmul.u32 $0x6, v3  }
0x5e: {  	v10 =	vld [tilespmem:s28+$0x0];
	v1 =	vadd.s32 v1, v6;
	v6 =	vmul.u32 $0x6, v2  }
0x5f: {  	v12 =	vld [tilespmem:s28+$0xFFFFFFF0];
	v4 =	vadd.s32 v4, v9  }
0x60: {  	v9 =	vld [tilespmem:s28+$0xFFFFFFE0];
	v5 =	vadd.s32 v5, v6;
	v6 =	vadd.s32 $0xFFFFFFFF, v4  }
0x61: {  	v11 =	vadd.s32 $0xFFFFFFFF, v1;
	v0 =	vld.idx.msk [tilespmem:v0+s1+$0x0], $0xffff  }
0x62: {  	v3 =	vld.idx.msk [tilespmem:v3+s1+$0x0], $0xffff  }
0x63: {  	v13 =	vadd.s32 $0xFFFFFFFF, v5;
	v1 =	vld.idx.msk [tilespmem:v1+s2+$0x0], $0xffff  }
0x64: {  	v4 =	vld.idx.msk [tilespmem:v4+s2+$0x0], $0xffff  }
0x65: {  	v6 =	vld.idx.msk [tilespmem:v6+s2+$0x0], $0xffff  }
0x66: {  	v11 =	vld.idx.msk [tilespmem:v11+s2+$0x0], $0xffff  }
0x67: {  	v5 =	vld.idx.msk [tilespmem:v5+s2+$0x0], $0xffff  }
0x68: {  	v13 =	vld.idx.msk [tilespmem:v13+s2+$0x0], $0xffff  }
0x69: {  	v14 =	vmul.u32 $0x6, v8;
	v2 =	vld.idx.msk [tilespmem:v2+s1+$0x0], $0xffff  }
0x6a: {  	v1 =	vsub.f32 v12, v1;
	v6 =	vsub.f32 v9, v6  }
0x6b: {  	v7 =	vadd.s32 v7, v14;
	v4 =	vsub.f32 v9, v4;
	v11 =	vsub.f32 v12, v11  }
0x6c: {  	v1 =	vmul.f32 v1, v0;
	v5 =	vsub.f32 v10, v5;
	v6 =	vmul.f32 v6, v3  }
0x6d: {  	v12 =	vadd.s32 $0xFFFFFFFF, v7;
	v10 =	vsub.f32 v10, v13;
	v0 =	vmul.f32 v11, v0  }
0x6e: {  	v1 =	vmax.f32 v1, $-3.000000000e+01;
	v5 =	vmul.f32 v5, v2;
	v6 =	vmax.f32 v6, $-3.000000000e+01  }
0x6f: {  	v2 =	vmul.f32 v10, v2;
	v0 =	vmax.f32 v0, $-3.000000000e+01;
	v6 =	vsub.f32 $0.0e+00, v6  }
0x70: {  	v3 =	vmul.f32 v4, v3;
	v1 =	vsub.f32 $0.0e+00, v1;
	v0 =	vsub.f32 $0.0e+00, v0  }
0x71: {  	v5 =	vmax.f32 v5, $-3.000000000e+01;
	v2 =	vmax.f32 v2, $-3.000000000e+01;
	v6 =	vmul.f32 $1.442695020e+00, v6  }
0x72: {  	v3 =	vmax.f32 v3, $-3.000000000e+01;
	v2 =	vsub.f32 $0.0e+00, v2;
	v0 =	vmul.f32 $1.442695020e+00, v0  }
0x73: {  	v4 =	vsub.f32 $0.0e+00, v5;
	v1 =	vmul.f32 $1.442695020e+00, v1;
	(erf) = vpow2.f32 v6  }
0x74: {  	v5 =	vld [tilespmem:s28+$0x10];
	v2 =	vmul.f32 $1.442695020e+00, v2;
	(erf) = vpow2.f32 v0;
	v0 =	vsub.f32 $0.0e+00, v3  }
0x75: {  	v4 =	vmul.f32 $1.442695020e+00, v4;
	v3 =	vld.idx.msk [tilespmem:v7+s2+$0x0], $0xffff;
	(erf) = vpow2.f32 v1  }
0x76: {  	v1 =	vld.idx.msk [tilespmem:v12+s2+$0x0], $0xffff;
	v0 =	vmul.f32 $1.442695020e+00, v0;
	(erf) = vpow2.f32 v2  }
0x77: {  	v2 =	vld.idx.msk [tilespmem:v8+s1+$0x0], $0xffff;
	(erf) = vpow2.f32 v4  }
0x78: {  	(erf) = vpow2.f32 v0;
	_ =	sdelay $0x1  }
0x79: {  	v0 =	vsub.f32 v5, v3  }
0x7a: {  	v1 =	vsub.f32 v5, v1  }
0x7b: {  	v0 =	vmul.f32 v0, v2;
	v3 =	vpop (erf)  }
0x7c: {  	v1 =	vmul.f32 v1, v2;
	v2 =	vpop (erf)  }
0x7d: {  	v0 =	vmax.f32 v0, $-3.000000000e+01;
	v4 =	vpop (erf)  }
0x7e: {  	v0 =	vsub.f32 $0.0e+00, v0;
	v1 =	vmax.f32 v1, $-3.000000000e+01;
	v5 =	vpop (erf)  }
0x7f: {  	v1 =	vsub.f32 $0.0e+00, v1;
	v6 =	vpop (erf)  }
0x80: {  	v8 =	vadd.f32 $1.000000000e+00, v2;
	v7 =	vadd.f32 $1.000000000e+00, v4;
	v0 =	vmul.f32 $1.442695020e+00, v0;
	v9 =	vpop (erf)  }
0x81: {  	v10 =	vadd.f32 $1.000000000e+00, v3;
	v1 =	vmul.f32 $1.442695020e+00, v1;
	v11 =	vadd.f32 $1.000000000e+00, v9  }
0x82: {  	(erf) = vpow2.f32 v0;
	v0 =	vmul.f32 v7, v8  }
0x83: {  	(erf) = vpow2.f32 v1;
	v1 =	vmul.f32 v11, v10  }
0x84: {  	s31 =	simm.s32 $0x12B50;
	v8 =	vadd.f32 $1.000000000e+00, v6;
	(erf) = vrcp.f32 v0;
	v0 =	vadd.f32 $1.000000000e+00, v5  }
0x85: {  	(erf) = vrcp.f32 v1;
	v1 =	vld [tilespmem:s31+$0xFFFFFFF0]  }
0x86: {  	s19 =	simm.s32 $0x16B50;
	v0 =	vmul.f32 v8, v0;
	v8 =	vld [tilespmem:s31+$0xFFFFFFE0]  }
0x87: {  	v10 =	vld [tilespmem:s19+$0xFFFFFFF0]  }
0x88: {  	v7 =	vld [tilespmem:s19+$0xFFFFFFE0]  }
0x89: {  	v11 =	vld [tilespmem:s31+$0x0]  }
0x8a: {  	v15 =	vld [tilespmem:s19+$0x10];
	v13 =	vmul.u32 $0x6, v1  }
0x8b: {  	v12 =	vld [tilespmem:s19+$0x0];
	(erf) = vrcp.f32 v0;
	v22 =	vmul.u32 $0x6, v8  }
0x8c: {  	s20 =	simm.s32 $0x18B50;
	v17 =	vld [tilespmem:s31+$0x10];
	v14 =	vpop (erf);
	v10 =	vadd.s32 v10, v13  }
0x8d: {  	v21 =	vld [tilespmem:s20+$0xFFFFFFF0];
	v2 =	vsub.f32 v4, v2;
	v16 =	vpop (erf);
	v4 =	vadd.s32 v7, v22  }
0x8e: {  	v3 =	vsub.f32 v9, v3;
	v19 =	vmul.u32 $0x6, v11;
	v9 =	vpop (erf);
	v13 =	vld [tilespmem:s20+$0x0];
	v18 =	vadd.s32 $0xFFFFFFFF, v10  }
0x8f: {  	v5 =	vsub.f32 v6, v5;
	v7 =	vld [tilespmem:s20+$0xFFFFFFE0];
	v20 =	vpop (erf)  }
0x90: {  	v0 =	vimm.f32 $0.0e+00;
	v52 =	vld.idx.msk [tilespmem:v1+s1+$0x0], $0xffff;
	v1 =	vadd.s32 v12, v19;
	v3 =	vmul.f32 v20, v3  }
0x91: {  	v23 =	vadd.f32 $1.000000000e+00, v16;
	v19 =	vadd.f32 $1.000000000e+00, v14;
	v12 =	vadd.s32 $0xFFFFFFFF, v1;
	v10 =	vld.idx.msk [tilespmem:v10+s2+$0x0], $0xffff  }
0x92: {  	v2 =	vmul.f32 v9, v2;
	v53 =	vmax.f32 v3, $9.999999910e-38;
	v3 =	vadd.s32 $0xFFFFFFFF, v4;
	v4 =	vld.idx.msk [tilespmem:v4+s2+$0x0], $0xffff  }
0x93: {  	v14 =	vsub.f32 v14, v16;
	v16 =	vmul.u32 $0x6, v17;
	v9 =	vand.u32 $0x7FFFFF, v53;
	v18 =	vld.idx.msk [tilespmem:v18+s2+$0x0], $0xffff  }
0x94: {  	v2 =	vmax.f32 v2, $9.999999910e-38;
	v19 =	vmul.f32 v19, v23;
	v6 =	vor.u32 $0x3F800000, v9;
	v9 =	vld.idx.msk [tilespmem:v11+s1+$0x0], $0xffff;
	v11 =	vpop (erf)  }
0x95: {  	v25 =	vld.idx.msk [tilespmem:v1+s2+$0x0], $0xffff;
	v56 =	vshrl.u32 v53, $0x17;
	v24 =	vadd.f32 $1.000000000e+00, v6;
	v1 =	vmul.f32 v11, v5  }
0x96: {  	v5 =	vand.u32 $0x7FFFFF, v2;
	v11 =	vld.idx.msk [tilespmem:v12+s2+$0x0], $0xffff;
	v12 =	vadd.s32 v15, v16;
	v6 =	vadd.f32 $-1.000000000e+00, v6  }
0x97: {  	v2 =	vshrl.u32 v2, $0x17;
	v5 =	vor.u32 $0x3F800000, v5;
	v15 =	vadd.s32 $0xFFFFFFFF, v12;
	v3 =	vld.idx.msk [tilespmem:v3+s2+$0x0], $0xffff  }
0x98: {  	(erf) = vrcp.f32 v24;
	v1 =	vmax.f32 v1, $9.999999910e-38;
	v16 =	vadd.f32 $1.000000000e+00, v5  }
0x99: {  	v8 =	vld.idx.msk [tilespmem:v8+s1+$0x0], $0xffff;
	v10 =	vsub.f32 v21, v10;
	v5 =	vadd.f32 $-1.000000000e+00, v5;
	(erf) = vrcp.f32 v19  }
0x9a: {  	v18 =	vsub.f32 v21, v18;
	(erf) = vrcp.f32 v16;
	v16 =	vsub.f32 v13, v25  }
0x9b: {  	v4 =	vsub.f32 v7, v4;
	v10 =	vmul.f32 v10, v52;
	v11 =	vsub.f32 v13, v11  }
0x9c: {  	v13 =	vld [tilespmem:s20+$0x10];
	v18 =	vmul.f32 v18, v52;
	v16 =	vmul.f32 v16, v9;
	v3 =	vsub.f32 v7, v3  }
0x9d: {  	v54 =	vand.u32 $0x7FFFFF, v1;
	v12 =	vld.idx.msk [tilespmem:v12+s2+$0x0], $0xffff;
	v10 =	vmax.f32 v10, $-3.000000000e+01;
	v9 =	vmul.f32 v11, v9  }
0x9e: {  	v11 =	vld.idx.msk [tilespmem:v15+s2+$0x0], $0xffff;
	v15 =	vmax.f32 v16, $-3.000000000e+01;
	v16 =	vmax.f32 v18, $-3.000000000e+01;
	v3 =	vmul.f32 v3, v8  }
0x9f: {  	v9 =	vmax.f32 v9, $-3.000000000e+01;
	v15 =	vsub.f32 $0.0e+00, v15;
	v16 =	vsub.f32 $0.0e+00, v16  }
0xa0: {  	v17 =	vld.idx.msk [tilespmem:v17+s1+$0x0], $0xffff;
	v8 =	vmul.f32 v4, v8;
	v9 =	vsub.f32 $0.0e+00, v9;
	v3 =	vmax.f32 v3, $-3.000000000e+01  }
0xa1: {  	v18 =	vpop (erf);
	v15 =	vmul.f32 $1.442695020e+00, v15;
	v7 =	vmul.f32 $1.442695020e+00, v16;
	v55 =	vsub.f32 $0.0e+00, v3  }
0xa2: {  	v10 =	vsub.f32 $0.0e+00, v10;
	v3 =	vmul.f32 v18, v6;
	v6 =	vpop (erf);
	v9 =	vmul.f32 $1.442695020e+00, v9  }
0xa3: {  	v12 =	vsub.f32 v13, v12;
	v16 =	vpop (erf);
	v6 =	vmul.f32 v6, v14;
	v18 =	vmul.f32 $1.442695020e+00, v55  }
0xa4: {  	v8 =	vmax.f32 v8, $-3.000000000e+01;
	v4 =	vmul.f32 v16, v5;
	v5 =	vmul.f32 $1.442695020e+00, v10  }
0xa5: {  	v11 =	vsub.f32 v13, v11;
	v10 =	vmul.f32 v12, v17;
	(erf) = vpow2.f32 v18  }
0xa6: {  	v16 =	vmul.f32 v3, v3;
	(erf) = vpow2.f32 v7;
	v7 =	vsub.f32 $0.0e+00, v8  }
0xa7: {  	v19 =	vor.u32 $0x3F800000, v54;
	v8 =	vmul.f32 v11, v17;
	(erf) = vpow2.f32 v5  }
0xa8: {  	v10 =	vmax.f32 v10, $-3.000000000e+01;
	v7 =	vmul.f32 $1.442695020e+00, v7;
	(erf) = vpow2.f32 v9  }
0xa9: {  	v10 =	vsub.f32 $0.0e+00, v10;
	v8 =	vmax.f32 v8, $-3.000000000e+01;
	(erf) = vpow2.f32 v15  }
0xaa: {  	v5 =	vadd.f32 $1.000000000e+00, v19;
	v8 =	vsub.f32 $0.0e+00, v8;
	(erf) = vpow2.f32 v7  }
0xab: {  	v6 =	vmax.f32 v6, $9.999999910e-38;
	v11 =	vmul.f32 v4, v4;
	v7 =	vmul.f32 $1.442695020e+00, v10  }
0xac: {  	v9 =	vand.u32 $0x7FFFFF, v6;
	(erf) = vrcp.f32 v5;
	v5 =	vmul.f32 $1.442695020e+00, v8  }
0xad: {  	v14 =	vor.u32 $0x3F800000, v9;
	v8 =	vmul.f32 $1.428571490e-01, v11;
	(erf) = vpow2.f32 v7  }
0xae: {  	v7 =	vmul.f32 $1.428571490e-01, v16;
	v10 =	vpop (erf);
	(erf) = vpow2.f32 v5;
	v5 =	vadd.f32 $1.000000000e+00, v14  }
0xaf: {  	v17 =	vadd.f32 $-1.000000000e+00, v19;
	v6 =	vshrl.u32 v6, $0x17;
	v9 =	vadd.s32 $0xFFFFFF81, v2;
	v12 =	vpop (erf)  }
0xb0: {  	v2 =	vadd.f32 $2.000000030e-01, v8;
	v7 =	vadd.f32 $2.000000030e-01, v7;
	v13 =	vpop (erf);
	(erf) = vrcp.f32 v5  }
0xb1: {  	v6 =	vadd.s32 $0xFFFFFF81, v6;
	v5 =	vadd.f32 $1.000000000e+00, v12;
	v18 =	vadd.f32 $1.000000000e+00, v13;
	v19 =	vpop (erf)  }
0xb2: {  	v15 =	vadd.f32 $1.000000000e+00, v10;
	v60 =	vmul.f32 v2, v11;
	v2 =	vcvt.s32.f32 v6;
	v58 =	vpop (erf)  }
0xb3: {  	v8 =	vsub.f32 v13, v12;
	v57 =	vadd.f32 $1.000000000e+00, v19;
	v5 =	vmul.f32 v18, v5;
	v12 =	vpop (erf)  }
0xb4: {  	v18 =	vmul.f32 v7, v16;
	v59 =	vadd.f32 $1.000000000e+00, v58;
	v7 =	vadd.f32 $1.000000000e+00, v12  }
0xb5: {  	v13 =	vadd.s32 $0xFFFFFF81, v56;
	v61 =	vpop (erf);
	v12 =	vsub.f32 v12, v10;
	v10 =	vadd.f32 $3.333333430e-01, v60  }
0xb6: {  	(erf) = vrcp.f32 v5;
	v6 =	vpop (erf);
	v5 =	vmul.f32 v7, v15;
	v15 =	vadd.f32 $-1.000000000e+00, v14  }
0xb7: {  	v14 =	vmul.f32 v59, v57;
	v62 =	vadd.f32 $1.000000000e+00, v6;
	v7 =	vmul.f32 v61, v17;
	v63 =	vpop (erf)  }
0xb8: {  	v17 =	vadd.f32 $1.000000000e+00, v63;
	(erf) = vrcp.f32 v5;
	v5 =	vmul.f32 v10, v11  }
0xb9: {  	v6 =	vsub.f32 v6, v63;
	v10 =	vadd.f32 $3.333333430e-01, v18;
	(erf) = vrcp.f32 v14;
	v18 =	vpop (erf)  }
0xba: {  	s18 =	simm.s32 $0x0;
	v11 =	vmul.f32 v62, v17;
	v14 =	vadd.f32 $1.000000000e+00, v5;
	v5 =	vmul.f32 v18, v15  }
0xbb: {  	s21 =	simm.s32 $0xFFFFFFC0;
	s22 =	simm.s32 $0x40;
	s23 =	simm.s32 $0x12B90;
	v15 =	vsub.f32 v58, v19;
	v16 =	vmul.f32 v10, v16;
	v10 =	vmul.f32 v7, v7  }
.LBB2_2:
0xbc: {  	s20 =	sadd.s32 $0x40, s20  }
0xbd: {  	v17 =	vld [tilespmem:s23+$0xFFFFFFF0];
	s19 =	sadd.s32 $0x40, s19;
	v13 =	vcvt.s32.f32 v13;
	v1 =	vshrl.u32 v1, $0x17;
	v18 =	vmul.f32 v5, v5;
	s24 =	smov.u32 s22;
	s22 =	sadd.s32 $0x40, s22  }
0xbe: {  	v9 =	vcvt.s32.f32 v9;
	v19 =	vld [tilespmem:s19+$0xFFFFFFE0];
	p1 =	slt.u32 s22, $0xFC0;
	v16 =	vadd.f32 $1.000000000e+00, v16;
	v20 =	vmul.f32 $1.428571490e-01, v10  }
0xbf: {  	v4 =	vmul.f32 v14, v4;
	v1 =	vadd.s32 $0xFFFFFF81, v1;
	v21 =	vld [tilespmem:s19+$0x0];
	v22 =	vpop (erf);
	v14 =	vmul.f32 $1.428571490e-01, v18  }
0xc0: {  	v13 =	vmul.f32 $6.931471820e-01, v13;
	v23 =	vld [tilespmem:s19+$0x10];
	v16 =	vmul.f32 v16, v3;
	v20 =	vadd.f32 $2.000000030e-01, v20  }
0xc1: {  	v1 =	vcvt.s32.f32 v1;
	v8 =	vmul.f32 v22, v8;
	v3 =	vld [tilespmem:s23+$0x10]  }
0xc2: {  	v26 =	vmul.f32 $6.931471820e-01, v9;
	v22 =	vld [tilespmem:s19+$0xFFFFFFF0];
	v24 =	vmul.u32 $0x6, v17;
	v25 =	vpop (erf);
	v20 =	vmul.f32 v20, v10  }
0xc3: {  	v28 =	vmul.f32 $6.931471820e-01, v1;
	v1 =	vadd.f32 $2.000000030e-01, v14;
	v27 =	vld [tilespmem:s23+$0x0];
	v12 =	vmul.f32 v25, v12;
	v25 =	vpop (erf)  }
0xc4: {  	v9 =	vmax.f32 v8, $9.999999910e-38;
	v16 =	vadd.f32 v16, v16;
	v14 =	vld [tilespmem:s23+$0xFFFFFFE0];
	v15 =	vmul.f32 v25, v15  }
0xc5: {  	v4 =	vadd.f32 v4, v4;
	v25 =	vld [tilespmem:s20+$0x0];
	v8 =	vmax.f32 v12, $9.999999910e-38;
	v12 =	vand.u32 $0x7FFFFF, v9  }
0xc6: {  	v20 =	vadd.f32 $3.333333430e-01, v20;
	v29 =	vld [tilespmem:s20+$0xFFFFFFF0];
	v30 =	vmul.u32 $0x6, v3;
	v31 =	vand.u32 $0x7FFFFF, v8  }
0xc7: {  	v13 =	vadd.f32 v16, v13;
	v22 =	vadd.s32 v22, v24;
	v24 =	vld [tilespmem:s20+$0x10];
	v31 =	vor.u32 $0x3F800000, v31  }
0xc8: {  	v33 =	vmul.f32 v1, v18;
	v16 =	vld.idx.msk [tilespmem:v17+s1+$0x0], $0xffff;
	v17 =	vadd.s32 $0xFFFFFFFF, v22;
	v32 =	vmul.u32 $0x6, v27  }
0xc9: {  	s25 =	sadd.s32 s21, s30;
	s21 =	smov.u32 s18;
	s18 =	smov.u32 s24;
	v10 =	vmul.f32 v20, v10;
	v23 =	vadd.s32 v23, v30;
	v1 =	vmul.u32 $0x6, v14  }
0xca: {  	s31 =	sadd.s32 $0x40, s25;
	s24 =	sadd.s32 $0x50, s25;
	s28 =	sadd.s32 $0x60, s25;
	v4 =	vadd.f32 v4, v26;
	v20 =	vadd.s32 v21, v32;
	v21 =	vadd.s32 $0xFFFFFFFF, v23  }
0xcb: {  	p2 =	slt.u32 s24, $0xF4240;
	s24 =	sadd.s32 $0x70, s25;
	v10 =	vadd.f32 $1.000000000e+00, v10;
	v19 =	vadd.s32 v19, v1;
	v26 =	vld [tilespmem:s20+$0xFFFFFFE0];
	v30 =	vadd.s32 $0xFFFFFFFF, v20  }
0xcc: {  	p3 =	slt.u32 s31, $0xF4240;
	v4 =	vpsel !p2, $0x0, v4;
	v34 =	vadd.f32 $1.000000000e+00, v31;
	v32 =	vadd.s32 $0xFFFFFFFF, v19;
	v22 =	vld.idx.msk [tilespmem:v22+s2+$0x0], $0xffff  }
0xcd: {  	v13 =	vpsel !p3, $0x0, v13;
	v1 =	vmax.f32 v15, $9.999999910e-38;
	v15 =	vadd.f32 $3.333333430e-01, v33;
	v17 =	vld.idx.msk [tilespmem:v17+s2+$0x0], $0xffff  }
0xce: {  	v12 =	vor.u32 $0x3F800000, v12;
	v7 =	vmul.f32 v10, v7;
	v27 =	vld.idx.msk [tilespmem:v27+s1+$0x0], $0xffff;
	(erf) = vrcp.f32 v34  }
0xcf: {  	v33 =	vand.u32 $0x7FFFFF, v1;
	v15 =	vmul.f32 v15, v18;
	v10 =	vld.idx.msk [tilespmem:v20+s2+$0x0], $0xffff;
	v20 =	vadd.f32 $1.000000000e+00, v12  }
0xd0: {  	v0 =	vadd.f32 v13, v0;
	v7 =	vadd.f32 v7, v7;
	v18 =	vld.idx.msk [tilespmem:v30+s2+$0x0], $0xffff;
	v30 =	vor.u32 $0x3F800000, v33  }
0xd1: {  	v2 =	vmul.f32 $6.931471820e-01, v2;
	v31 =	vadd.f32 $-1.000000000e+00, v31;
	v15 =	vadd.f32 $1.000000000e+00, v15;
	v13 =	vld.idx.msk [tilespmem:v32+s2+$0x0], $0xffff  }
0xd2: {  	v0 =	vadd.f32 v4, v0;
	v22 =	vsub.f32 v29, v22;
	v19 =	vld.idx.msk [tilespmem:v19+s2+$0x0], $0xffff;
	(erf) = vrcp.f32 v11  }
0xd3: {  	v7 =	vadd.f32 v7, v28;
	v11 =	vsub.f32 v29, v17;
	v4 =	vld.idx.msk [tilespmem:v14+s1+$0x0], $0xffff;
	(erf) = vrcp.f32 v20  }
0xd4: {  	p2 =	slt.u32 s28, $0xF4240;
	v12 =	vadd.f32 $-1.000000000e+00, v12;
	v5 =	vmul.f32 v15, v5;
	v14 =	vmul.f32 v22, v16  }
0xd5: {  	v7 =	vpsel !p2, $0x0, v7;
	v11 =	vmul.f32 v11, v16;
	v10 =	vsub.f32 v25, v10  }
0xd6: {  	v5 =	vadd.f32 v5, v5;
	v14 =	vmax.f32 v14, $-3.000000000e+01;
	v15 =	vsub.f32 v25, v18  }
0xd7: {  	v0 =	vadd.f32 v7, v0;
	v13 =	vsub.f32 v26, v13;
	v10 =	vmul.f32 v10, v27;
	v16 =	vpop (erf)  }
0xd8: {  	p2 =	slt.u32 s24, $0xF4240;
	v2 =	vadd.f32 v5, v2;
	v7 =	vmax.f32 v11, $-3.000000000e+01;
	v11 =	vmul.f32 v15, v27;
	v15 =	vld.idx.msk [tilespmem:v21+s2+$0x0], $0xffff  }
0xd9: {  	v7 =	vsub.f32 $0.0e+00, v7;
	v5 =	vmul.f32 v13, v4;
	v10 =	vmax.f32 v10, $-3.000000000e+01;
	v13 =	vld.idx.msk [tilespmem:v23+s2+$0x0], $0xffff  }
0xda: {  	v2 =	vpsel !p2, $0x0, v2;
	v11 =	vmax.f32 v11, $-3.000000000e+01;
	v20 =	vsub.f32 $0.0e+00, v10  }
0xdb: {  	v0 =	vadd.f32 v2, v0;
	v5 =	vmax.f32 v5, $-3.000000000e+01;
	v11 =	vsub.f32 $0.0e+00, v11;
	v17 =	vld.idx.msk [tilespmem:v3+s1+$0x0], $0xffff;
	v18 =	vpop (erf)  }
0xdc: {  	v2 =	vsub.f32 $0.0e+00, v5;
	v5 =	vmul.f32 $1.442695020e+00, v20;
	v3 =	vmul.f32 v16, v31;
	v10 =	vpop (erf)  }
0xdd: {  	v7 =	vmul.f32 $1.442695020e+00, v7;
	v16 =	vsub.f32 v26, v19;
	v11 =	vmul.f32 $1.442695020e+00, v11  }
0xde: {  	v14 =	vsub.f32 $0.0e+00, v14;
	v2 =	vmul.f32 $1.442695020e+00, v2;
	v15 =	vsub.f32 v24, v15  }
0xdf: {  	v16 =	vmul.f32 v16, v4;
	v4 =	vmul.f32 v10, v12;
	v13 =	vsub.f32 v24, v13  }
0xe0: {  	v10 =	vmul.f32 $1.442695020e+00, v14;
	(erf) = vpow2.f32 v2;
	v2 =	vshrl.u32 v9, $0x17  }
0xe1: {  	v9 =	vmax.f32 v16, $-3.000000000e+01;
	v12 =	vmul.f32 v13, v17;
	(erf) = vpow2.f32 v7  }
0xe2: {  	v7 =	vsub.f32 $0.0e+00, v9;
	v9 =	vadd.f32 $1.000000000e+00, v30;
	(erf) = vpow2.f32 v10  }
0xe3: {  	v16 =	vmul.f32 v3, v3;
	v10 =	vmul.f32 v15, v17;
	v12 =	vmax.f32 v12, $-3.000000000e+01  }
0xe4: {  	v7 =	vmul.f32 $1.442695020e+00, v7;
	v12 =	vsub.f32 $0.0e+00, v12;
	(erf) = vpow2.f32 v11  }
0xe5: {  	v10 =	vmax.f32 v10, $-3.000000000e+01;
	(erf) = vpow2.f32 v5;
	v5 =	vmul.f32 v18, v6  }
0xe6: {  	v6 =	vsub.f32 $0.0e+00, v10;
	v10 =	vmul.f32 v4, v4;
	(erf) = vpow2.f32 v7  }
0xe7: {  	v7 =	vmul.f32 $1.442695020e+00, v12;
	v5 =	vmax.f32 v5, $9.999999910e-38;
	(erf) = vrcp.f32 v9  }
0xe8: {  	v6 =	vmul.f32 $1.442695020e+00, v6;
	v11 =	vmul.f32 $1.428571490e-01, v10;
	v9 =	vand.u32 $0x7FFFFF, v5  }
0xe9: {  	v12 =	vpop (erf);
	(erf) = vpow2.f32 v7;
	v7 =	vmul.f32 $1.428571490e-01, v16;
	v14 =	vor.u32 $0x3F800000, v9  }
0xea: {  	v15 =	vadd.f32 $1.000000000e+00, v12;
	v13 =	vpop (erf);
	(erf) = vpow2.f32 v6;
	v6 =	vadd.f32 $1.000000000e+00, v14  }
0xeb: {  	v9 =	vadd.s32 $0xFFFFFF81, v2;
	v2 =	vadd.f32 $2.000000030e-01, v11;
	v11 =	vadd.f32 $-1.000000000e+00, v30;
	v17 =	vpop (erf)  }
0xec: {  	v7 =	vadd.f32 $2.000000030e-01, v7;
	v22 =	vadd.f32 $1.000000000e+00, v17;
	(erf) = vrcp.f32 v6  }
0xed: {  	v20 =	vshrl.u32 v8, $0x17;
	v5 =	vshrl.u32 v5, $0x17;
	v6 =	vadd.f32 $1.000000000e+00, v13;
	v19 =	vpop (erf)  }
0xee: {  	v5 =	vadd.s32 $0xFFFFFF81, v5;
	v8 =	vsub.f32 v17, v13;
	v17 =	vadd.f32 $1.000000000e+00, v19;
	v21 =	vpop (erf)  }
0xef: {  	v13 =	vadd.s32 $0xFFFFFF81, v20;
	v20 =	vmul.f32 v7, v16;
	v25 =	vmul.f32 v22, v6;
	v18 =	vpop (erf)  }
0xf0: {  	v23 =	vmul.f32 v2, v10;
	v26 =	vadd.f32 $1.000000000e+00, v21;
	v7 =	vadd.f32 $1.000000000e+00, v18;
	v24 =	vpop (erf)  }
0xf1: {  	v2 =	vcvt.s32.f32 v5;
	v12 =	vsub.f32 v18, v12;
	(erf) = vrcp.f32 v25  }
0xf2: {  	v23 =	vadd.f32 $3.333333430e-01, v23;
	v18 =	vadd.f32 $-1.000000000e+00, v14;
	v5 =	vmul.f32 v7, v15;
	v6 =	vpop (erf)  }
.Ltmp0:
0xf3: {  	v14 =	vmul.f32 v26, v17;
	v7 =	vmul.f32 v24, v11;
	v17 =	vadd.f32 $1.000000000e+00, v6;
	v22 =	vpop (erf);
	(pc) =	sbr.rel @p1 .LBB2_2-.Ltmp0, $4  }
0xf4: {  	v11 =	vadd.f32 $1.000000000e+00, v22;
	(erf) = vrcp.f32 v5;
	v5 =	vmul.f32 v23, v10  }
0xf5: {  	v6 =	vsub.f32 v6, v22;
	v10 =	vadd.f32 $3.333333430e-01, v20;
	(erf) = vrcp.f32 v14;
	v15 =	vpop (erf)  }
0xf6: {  	v11 =	vmul.f32 v17, v11;
	v14 =	vadd.f32 $1.000000000e+00, v5;
	v5 =	vmul.f32 v15, v18  }
0xf7: {  	s23 =	sadd.s32 $0x40, s23;
	v15 =	vsub.f32 v21, v19;
	v16 =	vmul.f32 v10, v16;
	v10 =	vmul.f32 v7, v7  }
0xf8: {  	_ =	sdelay $0x3  }
0xf9: {  	v17 =	vpop (erf)  }
0xfa: {  	v18 =	vpop (erf)  }
0xfb: {  	v12 =	vmul.f32 v18, v12;
	_ =	sdelay $0x1  }
0xfc: {  	v12 =	vmax.f32 v12, $9.999999910e-38  }
0xfd: {  	v18 =	vand.u32 $0x7FFFFF, v12  }
0xfe: {  	v18 =	vor.u32 $0x3F800000, v18  }
0xff: {  	v19 =	vadd.f32 $1.000000000e+00, v18;
	_ =	sdelay $0x1  }
0x100: {  	(erf) = vrcp.f32 v19  }
0x101: {  	(erf) = vrcp.f32 v11;
	_ =	sdelay $0x6  }
0x102: {  	v11 =	vpop (erf)  }
0x103: {  	v8 =	vmul.f32 v17, v8;
	v17 =	vpop (erf)  }
0x104: {  	v11 =	vmul.f32 v11, v15;
	v15 =	vpop (erf)  }
0x105: {  	v8 =	vmax.f32 v8, $9.999999910e-38;
	v15 =	vmul.f32 v15, v6  }
0x106: {  	v19 =	vand.u32 $0x7FFFFF, v8;
	v6 =	vmax.f32 v11, $9.999999910e-38  }
0x107: {  	v11 =	vor.u32 $0x3F800000, v19;
	v19 =	vand.u32 $0x7FFFFF, v6;
	v15 =	vmax.f32 v15, $9.999999910e-38  }
0x108: {  	v20 =	vadd.f32 $1.000000000e+00, v11;
	v19 =	vor.u32 $0x3F800000, v19;
	v21 =	vand.u32 $0x7FFFFF, v15  }
0x109: {  	v22 =	vadd.f32 $1.000000000e+00, v19;
	v21 =	vor.u32 $0x3F800000, v21  }
0x10a: {  	(erf) = vrcp.f32 v20;
	v58 =	vadd.f32 $1.000000000e+00, v21  }
0x10b: {  	(erf) = vrcp.f32 v22  }
0x10c: {  	(erf) = vrcp.f32 v58;
	_ =	sdelay $0x3  }
0x10d: {  	s19 =	rddreg [dreg:$0x8]  }
0x10e: {  	[tilespmem:s3], [sflag:$0x1] =	stream.linear.gather [hbm4b:s19+s1], $0x1000, $0x38;
	[tilespmem:$0x1AAF0] =	vst v63  }
0x10f: {  	s24 =	rddreg [dreg:$0x9]  }
0x110: {  	[tilespmem:s4], [sflag:$0x1] =	stream.linear.gather [hbm4b:s24+s1], $0x1000, $0x38;
	v59 =	vpop (erf);
	[tilespmem:$0x1AAF0] =	vst v63  }
0x111: {  	s25 =	rddreg [dreg:$0xa];
	v22 =	vpop (erf)  }
0x112: {  	[tilespmem:s5], [sflag:$0x1] =	stream.linear.gather [hbm4b:s25+s1], $0x1000, $0x38;
	v23 =	vpop (erf);
	[tilespmem:$0x1AAF0] =	vst v63  }
0x113: {  	_ =	swait.ge [sflag:s15], $0x1000  }
0x114: {  	[sflag:s15] =	ssyncset.done $0x0  }
0x115: {  	[sflag:s15] =	ssyncadd.s32 $0xFFFFF000  }
0x116: {  	v25 =	vmul.f32 v5, v5;
	_ =	swait.ge [sflag:s6], $0x1000  }
0x117: {  	v24 =	vmul.f32 $1.428571490e-01, v10;
	v16 =	vadd.f32 $1.000000000e+00, v16;
	[sflag:s6] =	ssyncset.done $0x0  }
0x118: {  	v13 =	vcvt.s32.f32 v13;
	v26 =	vmul.f32 $1.428571490e-01, v25;
	[sflag:s6] =	ssyncadd.s32 $0xFFFFF000  }
0x119: {  	v9 =	vcvt.s32.f32 v9;
	v24 =	vadd.f32 $2.000000030e-01, v24;
	v3 =	vmul.f32 v16, v3;
	_ =	swait.ge [sflag:s6], $0x1000  }
0x11a: {  	v1 =	vshrl.u32 v1, $0x17;
	v4 =	vmul.f32 v14, v4;
	v16 =	vadd.f32 $2.000000030e-01, v26;
	[sflag:s6] =	ssyncset.done $0x0  }
0x11b: {  	v13 =	vmul.f32 $6.931471820e-01, v13;
	v14 =	vmul.f32 v24, v10;
	v3 =	vadd.f32 v3, v3;
	[sflag:s6] =	ssyncadd.s32 $0xFFFFF000  }
0x11c: {  	s28 =	sadd.s32 s21, s30;
	v1 =	vadd.s32 $0xFFFFFF81, v1;
	v4 =	vadd.f32 v4, v4;
	v16 =	vmul.f32 v16, v25;
	_ =	swait.ge [sflag:s6], $0x1000  }
0x11d: {  	s22 =	simm.s32 $0x13B10;
	s23 =	sadd.s32 $0x40, s28;
	v9 =	vmul.f32 $6.931471820e-01, v9;
	v14 =	vadd.f32 $3.333333430e-01, v14;
	v3 =	vadd.f32 v3, v13;
	[sflag:s6] =	ssyncset.done $0x0  }
0x11e: {  	v2 =	vmul.f32 $6.931471820e-01, v2;
	v1 =	vcvt.s32.f32 v1;
	p2 =	slt.u32 s23, $0xF4240;
	v13 =	vadd.f32 $3.333333430e-01, v16;
	[sflag:s6] =	ssyncadd.s32 $0xFFFFF000  }
0x11f: {  	v4 =	vadd.f32 v4, v9;
	v10 =	vmul.f32 v14, v10;
	v3 =	vpsel !p2, $0x0, v3;
	[tilespmem:s8], [sflag:$0x3] =	stream.indirect.gather [spmem:s29], $0x1, s4, s7, $0xb8;
	[tilespmem:$0x1AAF0] =	vst v63  }
0x120: {  	v12 =	vshrl.u32 v12, $0x17;
	v13 =	vmul.f32 v13, v25;
	v11 =	vadd.f32 $-1.000000000e+00, v11;
	v60 =	vld [tilespmem:s22+$0xFFFFFFF0]  }
0x121: {  	s20 =	simm.s32 $0x17B10;
	v12 =	vadd.s32 $0xFFFFFF81, v12;
	v10 =	vadd.f32 $1.000000000e+00, v10;
	v16 =	vadd.f32 $-1.000000000e+00, v18;
	v18 =	vld [tilespmem:s22+$0xFFFFFFE0]  }
0x122: {  	s21 =	sadd.s32 $0x50, s28;
	v0 =	vadd.f32 v3, v0;
	v12 =	vcvt.s32.f32 v12;
	v11 =	vmul.f32 v59, v11;
	v9 =	vld [tilespmem:s20+$0xFFFFFFF0]  }
0x123: {  	p1 =	slt.u32 s21, $0xF4240;
	v3 =	vadd.f32 $1.000000000e+00, v13;
	v7 =	vmul.f32 v10, v7;
	v10 =	vmul.f32 v17, v16;
	v16 =	vld [tilespmem:s20+$0xFFFFFFE0]  }
0x124: {  	v1 =	vmul.f32 $6.931471820e-01, v1;
	v4 =	vpsel !p1, $0x0, v4;
	v13 =	vmul.f32 v11, v11;
	v14 =	vld [tilespmem:s22+$0x0]  }
0x125: {  	v8 =	vshrl.u32 v8, $0x17;
	v12 =	vmul.f32 $6.931471820e-01, v12;
	v3 =	vmul.f32 v3, v5;
	v61 =	vld [tilespmem:s20+$0x0]  }
0x126: {  	v28 =	vmul.f32 $1.428571490e-01, v13;
	v62 =	vld [tilespmem:s20+$0x10];
	v17 =	vmul.u32 $0x6, v60;
	v31 =	vmul.u32 $0x6, v18  }
0x127: {  	s31 =	simm.s32 $0x19B10;
	v8 =	vadd.s32 $0xFFFFFF81, v8;
	v7 =	vadd.f32 v7, v7;
	v3 =	vadd.f32 v3, v3;
	v27 =	vld [tilespmem:s22+$0x10]  }
0x128: {  	v28 =	vadd.f32 $2.000000030e-01, v28;
	v29 =	vld [tilespmem:s31+$0x0];
	v9 =	vadd.s32 v9, v17;
	v16 =	vadd.s32 v16, v31  }
0x129: {  	v1 =	vadd.f32 v7, v1;
	v63 =	vmul.f32 v10, v10;
	v36 =	vld [tilespmem:s31+$0xFFFFFFF0];
	v31 =	vadd.s32 $0xFFFFFFFF, v16  }
0x12a: {  	v7 =	vmul.f32 v28, v13;
	v5 =	vld [tilespmem:s31+$0xFFFFFFE0];
	v17 =	vmul.u32 $0x6, v14;
	v30 =	vadd.s32 $0xFFFFFFFF, v9  }
0x12b: {  	s23 =	sadd.s32 $0x60, s28;
	v4 =	vadd.f32 v4, v0;
	v8 =	vcvt.s32.f32 v8;
	v0 =	vmul.f32 $1.428571490e-01, v63;
	v24 =	vld.idx.msk [tilespmem:v60+s1+$0x0], $0xffff  }
0x12c: {  	p6 =	slt.u32 s23, $0xF4240;
	v2 =	vadd.f32 v3, v2;
	v7 =	vadd.f32 $3.333333430e-01, v7;
	v18 =	vld.idx.msk [tilespmem:v18+s1+$0x0], $0xffff;
	v17 =	vadd.s32 v61, v17  }
0x12d: {  	s19 =	sadd.s32 $0x70, s28;
	v1 =	vpsel !p6, $0x0, v1;
	v0 =	vadd.f32 $2.000000030e-01, v0;
	v37 =	vadd.s32 $0xFFFFFFFF, v17;
	v9 =	vld.idx.msk [tilespmem:v9+s2+$0x0], $0xffff  }
0x12e: {  	p2 =	slt.u32 s19, $0xF4240;
	v1 =	vadd.f32 v1, v4;
	v19 =	vadd.f32 $-1.000000000e+00, v19;
	v3 =	vmul.f32 v7, v13;
	v7 =	vld.idx.msk [tilespmem:v31+s2+$0x0], $0xffff  }
0x12f: {  	v2 =	vpsel !p2, $0x0, v2;
	v21 =	vadd.f32 $-1.000000000e+00, v21;
	v0 =	vmul.f32 v0, v63;
	v30 =	vld.idx.msk [tilespmem:v30+s2+$0x0], $0xffff  }
0x130: {  	v8 =	vmul.f32 $6.931471820e-01, v8;
	v1 =	vadd.f32 v2, v1;
	v19 =	vmul.f32 v22, v19;
	v16 =	vld.idx.msk [tilespmem:v16+s2+$0x0], $0xffff  }
0x131: {  	v15 =	vshrl.u32 v15, $0x17;
	v38 =	vadd.f32 $3.333333430e-01, v0;
	v0 =	vmul.f32 v23, v21;
	v17 =	vld.idx.msk [tilespmem:v17+s2+$0x0], $0xffff  }
0x132: {  	v6 =	vshrl.u32 v6, $0x17;
	v15 =	vadd.s32 $0xFFFFFF81, v15;
	v41 =	vmul.f32 v19, v19;
	v40 =	vld.idx.msk [tilespmem:v37+s2+$0x0], $0xffff  }
0x133: {  	v42 =	vmul.f32 v0, v0;
	v32 =	vmul.u32 $0x6, v27;
	v14 =	vld.idx.msk [tilespmem:v14+s1+$0x0], $0xffff;
	v7 =	vsub.f32 v5, v7  }
0x134: {  	v43 =	vmul.f32 $1.428571490e-01, v41;
	v9 =	vsub.f32 v36, v9;
	v20 =	vsub.f32 v36, v30  }
0x135: {  	v39 =	vadd.s32 v62, v32;
	v5 =	vsub.f32 v5, v16;
	v7 =	vmul.f32 v7, v18  }
0x136: {  	v9 =	vmul.f32 v9, v24;
	v17 =	vsub.f32 v29, v17;
	v20 =	vmul.f32 v20, v24  }
0x137: {  	v22 =	vsub.f32 v29, v40;
	v5 =	vmul.f32 v5, v18;
	v7 =	vmax.f32 v7, $-3.000000000e+01  }
0x138: {  	v17 =	vmul.f32 v17, v14;
	v20 =	vmax.f32 v20, $-3.000000000e+01;
	v7 =	vsub.f32 $0.0e+00, v7  }
0x139: {  	v9 =	vmax.f32 v9, $-3.000000000e+01;
	v14 =	vmul.f32 v22, v14;
	v20 =	vsub.f32 $0.0e+00, v20  }
0x13a: {  	v16 =	vadd.s32 $0xFFFFFFFF, v39;
	v9 =	vsub.f32 $0.0e+00, v9;
	v7 =	vmul.f32 $1.442695020e+00, v7  }
0x13b: {  	v5 =	vmax.f32 v5, $-3.000000000e+01;
	v14 =	vmax.f32 v14, $-3.000000000e+01;
	v18 =	vmul.f32 $1.442695020e+00, v20  }
0x13c: {  	v17 =	vmax.f32 v17, $-3.000000000e+01;
	v14 =	vsub.f32 $0.0e+00, v14;
	(erf) = vpow2.f32 v7;
	v7 =	vld [tilespmem:s31+$0x10]  }
0x13d: {  	v17 =	vsub.f32 $0.0e+00, v17;
	v9 =	vmul.f32 $1.442695020e+00, v9;
	(erf) = vpow2.f32 v18;
	v18 =	vld.idx.msk [tilespmem:v39+s2+$0x0], $0xffff  }
0x13e: {  	v13 =	vmul.f32 v38, v63;
	v5 =	vsub.f32 $0.0e+00, v5;
	v14 =	vmul.f32 $1.442695020e+00, v14  }
0x13f: {  	v16 =	vld.idx.msk [tilespmem:v16+s2+$0x0], $0xffff;
	v17 =	vmul.f32 $1.442695020e+00, v17;
	(erf) = vpow2.f32 v9;
	v9 =	vadd.f32 $2.000000030e-01, v43  }
0x140: {  	v3 =	vadd.f32 $1.000000000e+00, v3;
	v5 =	vmul.f32 $1.442695020e+00, v5;
	(erf) = vpow2.f32 v14;
	v14 =	vld.idx.msk [tilespmem:v27+s1+$0x0], $0xffff  }
0x141: {  	v13 =	vadd.f32 $1.000000000e+00, v13;
	(erf) = vpow2.f32 v17;
	v9 =	vmul.f32 v9, v41  }
0x142: {  	v3 =	vmul.f32 v3, v11;
	(erf) = vpow2.f32 v5;
	v11 =	vsub.f32 v7, v18  }
0x143: {  	v5 =	vadd.s32 $0xFFFFFF81, v6;
	v6 =	vmul.f32 $1.428571490e-01, v42;
	v9 =	vadd.f32 $3.333333430e-01, v9  }
0x144: {  	v10 =	vmul.f32 v13, v10;
	v3 =	vadd.f32 v3, v3;
	v7 =	vsub.f32 v7, v16  }
0x145: {  	v6 =	vadd.f32 $2.000000030e-01, v6;
	v4 =	vmul.f32 v9, v41;
	v9 =	vmul.f32 v11, v14  }
0x146: {  	v10 =	vadd.f32 v10, v10;
	v3 =	vadd.f32 v3, v8;
	v7 =	vmul.f32 v7, v14;
	v11 =	vpop (erf)  }
0x147: {  	v5 =	vcvt.s32.f32 v5;
	v6 =	vmul.f32 v6, v42;
	v9 =	vmax.f32 v9, $-3.000000000e+01;
	v13 =	vpop (erf)  }
0x148: {  	v4 =	vadd.f32 $1.000000000e+00, v4;
	v7 =	vmax.f32 v7, $-3.000000000e+01;
	v9 =	vsub.f32 $0.0e+00, v9;
	v14 =	vpop (erf)  }
0x149: {  	v5 =	vmul.f32 $6.931471820e-01, v5;
	v7 =	vsub.f32 $0.0e+00, v7;
	v45 =	vadd.f32 $1.000000000e+00, v11;
	v16 =	vpop (erf)  }
0x14a: {  	v6 =	vadd.f32 $3.333333430e-01, v6;
	v4 =	vmul.f32 v4, v19;
	v19 =	vadd.f32 $1.000000000e+00, v13;
	v17 =	vpop (erf)  }
0x14b: {  	v9 =	vmul.f32 $1.442695020e+00, v9;
	v18 =	vadd.f32 $1.000000000e+00, v14;
	v7 =	vmul.f32 $1.442695020e+00, v7;
	v44 =	vpop (erf)  }
0x14c: {  	s18 =	sadd.s32 s18, s30;
	v2 =	vmul.f32 v6, v42;
	v6 =	vadd.f32 v10, v12;
	v46 =	vadd.f32 $1.000000000e+00, v44  }
0x14d: {  	s25 =	sadd.s32 $0x40, s18;
	v4 =	vadd.f32 v4, v4;
	(erf) = vpow2.f32 v9;
	v9 =	vmul.f32 v18, v19  }
0x14e: {  	p3 =	slt.u32 s25, $0xF4240;
	s19 =	simm.s32 $0x17B50;
	v2 =	vadd.f32 $1.000000000e+00, v2;
	(erf) = vpow2.f32 v7;
	v7 =	vmul.f32 v46, v45  }
0x14f: {  	s24 =	simm.s32 $0x13B50;
	v12 =	vld [tilespmem:s19+$0xFFFFFFF0];
	v6 =	vpsel !p3, $0x0, v6;
	v10 =	vadd.f32 $1.000000000e+00, v17;
	(erf) = vrcp.f32 v9  }
0x150: {  	s28 =	sadd.s32 $0x50, s18;
	v9 =	vadd.f32 $1.000000000e+00, v16;
	v0 =	vmul.f32 v2, v0;
	v2 =	vld [tilespmem:s24+$0x0];
	(erf) = vrcp.f32 v7  }
0x151: {  	p4 =	slt.u32 s28, $0xF4240;
	v15 =	vcvt.s32.f32 v15;
	v1 =	vadd.f32 v6, v1;
	v7 =	vld [tilespmem:s24+$0xFFFFFFF0]  }
0x152: {  	v3 =	vpsel !p4, $0x0, v3;
	s31 =	sadd.s32 $0x60, s18;
	v4 =	vadd.f32 v4, v5;
	v5 =	vmul.f32 v10, v9;
	v9 =	vld [tilespmem:s24+$0xFFFFFFE0]  }
0x153: {  	s20 =	simm.s32 $0x19B50;
	p5 =	slt.u32 s31, $0xF4240;
	v1 =	vadd.f32 v3, v1;
	v3 =	vld [tilespmem:s19+$0x0]  }
0x154: {  	v49 =	vld [tilespmem:s20+$0xFFFFFFF0];
	v4 =	vpsel !p5, $0x0, v4  }
0x155: {  	v8 =	vld [tilespmem:s19+$0xFFFFFFE0];
	v6 =	vmul.f32 $6.931471820e-01, v15;
	v0 =	vadd.f32 v0, v0  }
0x156: {  	v18 =	vld [tilespmem:s20+$0x0];
	v11 =	vsub.f32 v44, v11;
	v47 =	vmul.u32 $0x6, v2;
	v15 =	vpop (erf);
	v10 =	vmul.u32 $0x6, v7  }
0x157: {  	s18 =	sadd.s32 $0x70, s18;
	v1 =	vadd.f32 v4, v1;
	(erf) = vrcp.f32 v5;
	v5 =	vld [tilespmem:s19+$0x10];
	v0 =	vadd.f32 v0, v6;
	v4 =	vpop (erf)  }
0x158: {  	p6 =	slt.u32 s18, $0xF4240;
	v6 =	vld [tilespmem:s24+$0x10];
	v50 =	vmul.u32 $0x6, v9;
	v3 =	vadd.s32 v3, v47;
	v10 =	vadd.s32 v12, v10;
	v12 =	vpop (erf)  }
0x159: {  	v0 =	vpsel !p6, $0x0, v0;
	v2 =	vld.idx.msk [tilespmem:v2+s1+$0x0], $0xffff;
	v48 =	vpop (erf)  }
0x15a: {  	v0 =	vadd.f32 v0, v1;
	v8 =	vadd.s32 v8, v50;
	v9 =	vld.idx.msk [tilespmem:v9+s1+$0x0], $0xffff;
	v1 =	vmul.f32 v48, v11  }
0x15b: {  	v7 =	vld.idx.msk [tilespmem:v7+s1+$0x0], $0xffff;
	v11 =	vsub.f32 v14, v13;
	v14 =	vadd.s32 $0xFFFFFFFF, v3  }
0x15c: {  	v13 =	vld [tilespmem:s20+$0xFFFFFFE0];
	v21 =	vmax.f32 v1, $9.999999910e-38;
	v1 =	vadd.s32 $0xFFFFFFFF, v8  }
0x15d: {  	v51 =	vadd.f32 $1.000000000e+00, v15;
	v52 =	vadd.f32 $1.000000000e+00, v4;
	v19 =	vadd.s32 $0xFFFFFFFF, v10;
	v3 =	vld.idx.msk [tilespmem:v3+s2+$0x0], $0xffff  }
0x15e: {  	v15 =	vsub.f32 v15, v4;
	v4 =	vsub.f32 v17, v16;
	v17 =	vmul.u32 $0x6, v6;
	v10 =	vld.idx.msk [tilespmem:v10+s2+$0x0], $0xffff  }
0x15f: {  	v11 =	vmul.f32 v12, v11;
	v8 =	vld.idx.msk [tilespmem:v8+s2+$0x0], $0xffff;
	v12 =	vand.u32 $0x7FFFFF, v21  }
0x160: {  	v20 =	vmul.f32 v51, v52;
	v5 =	vadd.s32 v5, v17;
	v12 =	vor.u32 $0x3F800000, v12;
	v14 =	vld.idx.msk [tilespmem:v14+s2+$0x0], $0xffff  }
0x161: {  	v54 =	vadd.s32 $0xFFFFFFFF, v5;
	v16 =	vpop (erf);
	v11 =	vmax.f32 v11, $9.999999910e-38;
	v53 =	vadd.f32 $1.000000000e+00, v12;
	v17 =	vld.idx.msk [tilespmem:v1+s2+$0x0], $0xffff  }
0x162: {  	v4 =	vmul.f32 v16, v4;
	v19 =	vld.idx.msk [tilespmem:v19+s2+$0x0], $0xffff;
	v16 =	vand.u32 $0x7FFFFF, v11;
	v12 =	vadd.f32 $-1.000000000e+00, v12  }
0x163: {  	v3 =	vsub.f32 v18, v3;
	v16 =	vor.u32 $0x3F800000, v16;
	(erf) = vrcp.f32 v53  }
0x164: {  	v1 =	vmax.f32 v4, $9.999999910e-38;
	v4 =	vadd.f32 $1.000000000e+00, v16;
	v10 =	vsub.f32 v49, v10  }
0x165: {  	v3 =	vmul.f32 v3, v2;
	v8 =	vsub.f32 v13, v8;
	(erf) = vrcp.f32 v20  }
0x166: {  	(erf) = vrcp.f32 v4;
	v14 =	vsub.f32 v18, v14;
	v17 =	vsub.f32 v13, v17  }
0x167: {  	v4 =	vsub.f32 v49, v19;
	v10 =	vmul.f32 v10, v7;
	v8 =	vmul.f32 v8, v9  }
0x168: {  	v5 =	vld.idx.msk [tilespmem:v5+s2+$0x0], $0xffff;
	v3 =	vmax.f32 v3, $-3.000000000e+01;
	v2 =	vmul.f32 v14, v2;
	v14 =	vmul.f32 v17, v9  }
0x169: {  	v16 =	vadd.f32 $-1.000000000e+00, v16;
	v18 =	vld [tilespmem:s20+$0x10];
	v3 =	vsub.f32 $0.0e+00, v3;
	v4 =	vmul.f32 v4, v7  }
0x16a: {  	v7 =	vmax.f32 v10, $-3.000000000e+01;
	v10 =	vld.idx.msk [tilespmem:v54+s2+$0x0], $0xffff;
	v8 =	vmax.f32 v8, $-3.000000000e+01;
	v14 =	vmax.f32 v14, $-3.000000000e+01  }
0x16b: {  	v6 =	vld.idx.msk [tilespmem:v6+s1+$0x0], $0xffff;
	v7 =	vsub.f32 $0.0e+00, v7;
	v4 =	vmax.f32 v4, $-3.000000000e+01;
	v14 =	vsub.f32 $0.0e+00, v14  }
0x16c: {  	v19 =	vmul.f32 $1.442695020e+00, v3;
	v2 =	vmax.f32 v2, $-3.000000000e+01;
	v4 =	vsub.f32 $0.0e+00, v4  }
0x16d: {  	v7 =	vmul.f32 $1.442695020e+00, v7;
	v2 =	vsub.f32 $0.0e+00, v2;
	v17 =	vpop (erf);
	v14 =	vmul.f32 $1.442695020e+00, v14  }
0x16e: {  	v5 =	vsub.f32 v18, v5;
	v13 =	vmul.f32 $1.442695020e+00, v4;
	v3 =	vmul.f32 v17, v12  }
0x16f: {  	v10 =	vsub.f32 v18, v10;
	v2 =	vmul.f32 $1.442695020e+00, v2;
	(erf) = vpow2.f32 v14  }
0x170: {  	v8 =	vsub.f32 $0.0e+00, v8;
	v12 =	vpop (erf);
	v5 =	vmul.f32 v5, v6;
	(erf) = vpow2.f32 v13  }
0x171: {  	v55 =	vand.u32 $0x7FFFFF, v1;
	v4 =	vpop (erf);
	v6 =	vmul.f32 v10, v6;
	(erf) = vpow2.f32 v7  }
0x172: {  	v56 =	vor.u32 $0x3F800000, v55;
	v8 =	vmul.f32 $1.442695020e+00, v8;
	v5 =	vmax.f32 v5, $-3.000000000e+01  }
0x173: {  	(erf) = vpow2.f32 v2;
	v2 =	vmax.f32 v6, $-3.000000000e+01;
	v6 =	vmul.f32 v12, v15  }
0x174: {  	v4 =	vmul.f32 v4, v16;
	v10 =	vmul.f32 v3, v3;
	v5 =	vsub.f32 $0.0e+00, v5  }
0x175: {  	v7 =	vadd.f32 $1.000000000e+00, v56;
	(erf) = vpow2.f32 v19;
	v6 =	vmax.f32 v6, $9.999999910e-38  }
0x176: {  	v2 =	vsub.f32 $0.0e+00, v2;
	(erf) = vpow2.f32 v8;
	v8 =	vand.u32 $0x7FFFFF, v6  }
0x177: {  	v9 =	vshrl.u32 v11, $0x17;
	v11 =	vmul.f32 v4, v4;
	v5 =	vmul.f32 $1.442695020e+00, v5  }
0x178: {  	v9 =	vadd.s32 $0xFFFFFF81, v9;
	(erf) = vrcp.f32 v7;
	v2 =	vmul.f32 $1.442695020e+00, v2;
	v12 =	vpop (erf)  }
0x179: {  	v7 =	vmul.f32 $1.428571490e-01, v11;
	(erf) = vpow2.f32 v5;
	v14 =	vor.u32 $0x3F800000, v8;
	v8 =	vpop (erf)  }
0x17a: {  	v5 =	vmul.f32 $1.428571490e-01, v10;
	(erf) = vpow2.f32 v2;
	v2 =	vadd.f32 $1.000000000e+00, v14;
	v13 =	vpop (erf)  }
0x17b: {  	v16 =	vadd.f32 $-1.000000000e+00, v56;
	v6 =	vshrl.u32 v6, $0x17;
	v17 =	vadd.f32 $1.000000000e+00, v13  }
0x17c: {  	v7 =	vadd.f32 $2.000000030e-01, v7;
	v5 =	vadd.f32 $2.000000030e-01, v5;
	(erf) = vrcp.f32 v2  }
0x17d: {  	v19 =	vshrl.u32 v21, $0x17;
	v6 =	vadd.s32 $0xFFFFFF81, v6;
	v2 =	vadd.f32 $1.000000000e+00, v8;
	v18 =	vpop (erf)  }
0x17e: {  	v15 =	vadd.f32 $1.000000000e+00, v12;
	v7 =	vmul.f32 v7, v11;
	v5 =	vmul.f32 v5, v10;
	v58 =	vpop (erf)  }
0x17f: {  	v8 =	vsub.f32 v13, v8;
	v57 =	vadd.f32 $1.000000000e+00, v18;
	v2 =	vmul.f32 v17, v2;
	v17 =	vpop (erf)  }
0x180: {  	v13 =	vadd.s32 $0xFFFFFF81, v19;
	v63 =	vadd.f32 $3.333333430e-01, v5;
	v19 =	vadd.f32 $1.000000000e+00, v17  }
0x181: {  	v59 =	vadd.f32 $1.000000000e+00, v58;
	(erf) = vrcp.f32 v2;
	v2 =	vcvt.s32.f32 v6;
	v60 =	vpop (erf)  }
0x182: {  	v12 =	vsub.f32 v17, v12;
	v17 =	vadd.f32 $3.333333430e-01, v7;
	v6 =	vmul.f32 v19, v15;
	v15 =	vpop (erf)  }
0x183: {  	v7 =	vmul.f32 v60, v16;
	v19 =	vadd.f32 $-1.000000000e+00, v14;
	v14 =	vmul.f32 v59, v57;
	v62 =	vpop (erf)  }
0x184: {  	v61 =	vadd.f32 $1.000000000e+00, v15;
	v16 =	vadd.f32 $1.000000000e+00, v62;
	(erf) = vrcp.f32 v6  }
0x185: {  	v17 =	vmul.f32 v17, v11;
	v6 =	vsub.f32 v15, v62;
	v5 =	vpop (erf);
	(erf) = vrcp.f32 v14  }
0x186: {  	s21 =	simm.s32 $0xFFFFFFC0;
	v15 =	vsub.f32 v58, v18;
	v5 =	vmul.f32 v5, v19;
	v11 =	vmul.f32 v61, v16  }
0x187: {  	s23 =	simm.s32 $0x13B90;
	s22 =	simm.s32 $0x40;
	s18 =	simm.s32 $0x0;
	v14 =	vadd.f32 $1.000000000e+00, v17;
	v16 =	vmul.f32 v63, v10;
	v10 =	vmul.f32 v7, v7  }
.LBB2_4:
0x188: {  	s20 =	sadd.s32 $0x40, s20  }
0x189: {  	v17 =	vld [tilespmem:s23+$0xFFFFFFF0];
	s19 =	sadd.s32 $0x40, s19;
	v13 =	vcvt.s32.f32 v13;
	v1 =	vshrl.u32 v1, $0x17;
	v18 =	vmul.f32 v5, v5;
	s24 =	smov.u32 s22;
	s22 =	sadd.s32 $0x40, s22  }
0x18a: {  	v9 =	vcvt.s32.f32 v9;
	v19 =	vld [tilespmem:s19+$0xFFFFFFE0];
	p1 =	slt.u32 s22, $0xFC0;
	v16 =	vadd.f32 $1.000000000e+00, v16;
	v20 =	vmul.f32 $1.428571490e-01, v10  }
0x18b: {  	v4 =	vmul.f32 v14, v4;
	v1 =	vadd.s32 $0xFFFFFF81, v1;
	v21 =	vld [tilespmem:s19+$0x0];
	v22 =	vpop (erf);
	v14 =	vmul.f32 $1.428571490e-01, v18  }
0x18c: {  	v13 =	vmul.f32 $6.931471820e-01, v13;
	v23 =	vld [tilespmem:s19+$0x10];
	v16 =	vmul.f32 v16, v3;
	v20 =	vadd.f32 $2.000000030e-01, v20  }
0x18d: {  	v1 =	vcvt.s32.f32 v1;
	v8 =	vmul.f32 v22, v8;
	v3 =	vld [tilespmem:s23+$0x10]  }
0x18e: {  	v26 =	vmul.f32 $6.931471820e-01, v9;
	v22 =	vld [tilespmem:s19+$0xFFFFFFF0];
	v24 =	vmul.u32 $0x6, v17;
	v25 =	vpop (erf);
	v20 =	vmul.f32 v20, v10  }
0x18f: {  	v28 =	vmul.f32 $6.931471820e-01, v1;
	v1 =	vadd.f32 $2.000000030e-01, v14;
	v27 =	vld [tilespmem:s23+$0x0];
	v12 =	vmul.f32 v25, v12;
	v25 =	vpop (erf)  }
0x190: {  	v9 =	vmax.f32 v8, $9.999999910e-38;
	v16 =	vadd.f32 v16, v16;
	v14 =	vld [tilespmem:s23+$0xFFFFFFE0];
	v15 =	vmul.f32 v25, v15  }
0x191: {  	v4 =	vadd.f32 v4, v4;
	v25 =	vld [tilespmem:s20+$0x0];
	v8 =	vmax.f32 v12, $9.999999910e-38;
	v12 =	vand.u32 $0x7FFFFF, v9  }
0x192: {  	v20 =	vadd.f32 $3.333333430e-01, v20;
	v29 =	vld [tilespmem:s20+$0xFFFFFFF0];
	v30 =	vmul.u32 $0x6, v3;
	v31 =	vand.u32 $0x7FFFFF, v8  }
0x193: {  	v13 =	vadd.f32 v16, v13;
	v22 =	vadd.s32 v22, v24;
	v24 =	vld [tilespmem:s20+$0x10];
	v31 =	vor.u32 $0x3F800000, v31  }
0x194: {  	v33 =	vmul.f32 v1, v18;
	v16 =	vld.idx.msk [tilespmem:v17+s1+$0x0], $0xffff;
	v17 =	vadd.s32 $0xFFFFFFFF, v22;
	v32 =	vmul.u32 $0x6, v27  }
0x195: {  	s25 =	sadd.s32 s21, s30;
	s21 =	smov.u32 s18;
	s18 =	smov.u32 s24;
	v10 =	vmul.f32 v20, v10;
	v23 =	vadd.s32 v23, v30;
	v1 =	vmul.u32 $0x6, v14  }
0x196: {  	s28 =	sadd.s32 $0x1040, s25;
	s24 =	sadd.s32 $0x1050, s25;
	s31 =	sadd.s32 $0x1060, s25;
	v4 =	vadd.f32 v4, v26;
	v20 =	vadd.s32 v21, v32;
	v21 =	vadd.s32 $0xFFFFFFFF, v23  }
0x197: {  	p2 =	slt.u32 s24, $0xF4240;
	s24 =	sadd.s32 $0x1070, s25;
	v10 =	vadd.f32 $1.000000000e+00, v10;
	v19 =	vadd.s32 v19, v1;
	v26 =	vld [tilespmem:s20+$0xFFFFFFE0];
	v30 =	vadd.s32 $0xFFFFFFFF, v20  }
0x198: {  	p3 =	slt.u32 s28, $0xF4240;
	v4 =	vpsel !p2, $0x0, v4;
	v34 =	vadd.f32 $1.000000000e+00, v31;
	v32 =	vadd.s32 $0xFFFFFFFF, v19;
	v22 =	vld.idx.msk [tilespmem:v22+s2+$0x0], $0xffff  }
0x199: {  	v13 =	vpsel !p3, $0x0, v13;
	v1 =	vmax.f32 v15, $9.999999910e-38;
	v15 =	vadd.f32 $3.333333430e-01, v33;
	v17 =	vld.idx.msk [tilespmem:v17+s2+$0x0], $0xffff  }
0x19a: {  	v12 =	vor.u32 $0x3F800000, v12;
	v7 =	vmul.f32 v10, v7;
	v27 =	vld.idx.msk [tilespmem:v27+s1+$0x0], $0xffff;
	(erf) = vrcp.f32 v34  }
0x19b: {  	v33 =	vand.u32 $0x7FFFFF, v1;
	v15 =	vmul.f32 v15, v18;
	v10 =	vld.idx.msk [tilespmem:v20+s2+$0x0], $0xffff;
	v20 =	vadd.f32 $1.000000000e+00, v12  }
0x19c: {  	v0 =	vadd.f32 v13, v0;
	v7 =	vadd.f32 v7, v7;
	v18 =	vld.idx.msk [tilespmem:v30+s2+$0x0], $0xffff;
	v30 =	vor.u32 $0x3F800000, v33  }
0x19d: {  	v2 =	vmul.f32 $6.931471820e-01, v2;
	v31 =	vadd.f32 $-1.000000000e+00, v31;
	v15 =	vadd.f32 $1.000000000e+00, v15;
	v13 =	vld.idx.msk [tilespmem:v32+s2+$0x0], $0xffff  }
0x19e: {  	v0 =	vadd.f32 v4, v0;
	v22 =	vsub.f32 v29, v22;
	v19 =	vld.idx.msk [tilespmem:v19+s2+$0x0], $0xffff;
	(erf) = vrcp.f32 v11  }
0x19f: {  	v7 =	vadd.f32 v7, v28;
	v11 =	vsub.f32 v29, v17;
	v4 =	vld.idx.msk [tilespmem:v14+s1+$0x0], $0xffff;
	(erf) = vrcp.f32 v20  }
0x1a0: {  	p2 =	slt.u32 s31, $0xF4240;
	v12 =	vadd.f32 $-1.000000000e+00, v12;
	v5 =	vmul.f32 v15, v5;
	v14 =	vmul.f32 v22, v16  }
0x1a1: {  	v7 =	vpsel !p2, $0x0, v7;
	v11 =	vmul.f32 v11, v16;
	v10 =	vsub.f32 v25, v10  }
0x1a2: {  	v5 =	vadd.f32 v5, v5;
	v14 =	vmax.f32 v14, $-3.000000000e+01;
	v15 =	vsub.f32 v25, v18  }
0x1a3: {  	v0 =	vadd.f32 v7, v0;
	v13 =	vsub.f32 v26, v13;
	v10 =	vmul.f32 v10, v27;
	v16 =	vpop (erf)  }
0x1a4: {  	p2 =	slt.u32 s24, $0xF4240;
	v2 =	vadd.f32 v5, v2;
	v7 =	vmax.f32 v11, $-3.000000000e+01;
	v11 =	vmul.f32 v15, v27;
	v15 =	vld.idx.msk [tilespmem:v21+s2+$0x0], $0xffff  }
0x1a5: {  	v7 =	vsub.f32 $0.0e+00, v7;
	v5 =	vmul.f32 v13, v4;
	v10 =	vmax.f32 v10, $-3.000000000e+01;
	v13 =	vld.idx.msk [tilespmem:v23+s2+$0x0], $0xffff  }
0x1a6: {  	v2 =	vpsel !p2, $0x0, v2;
	v11 =	vmax.f32 v11, $-3.000000000e+01;
	v20 =	vsub.f32 $0.0e+00, v10  }
0x1a7: {  	v0 =	vadd.f32 v2, v0;
	v5 =	vmax.f32 v5, $-3.000000000e+01;
	v11 =	vsub.f32 $0.0e+00, v11;
	v17 =	vld.idx.msk [tilespmem:v3+s1+$0x0], $0xffff;
	v18 =	vpop (erf)  }
0x1a8: {  	v2 =	vsub.f32 $0.0e+00, v5;
	v5 =	vmul.f32 $1.442695020e+00, v20;
	v3 =	vmul.f32 v16, v31;
	v10 =	vpop (erf)  }
0x1a9: {  	v7 =	vmul.f32 $1.442695020e+00, v7;
	v16 =	vsub.f32 v26, v19;
	v11 =	vmul.f32 $1.442695020e+00, v11  }
0x1aa: {  	v14 =	vsub.f32 $0.0e+00, v14;
	v2 =	vmul.f32 $1.442695020e+00, v2;
	v15 =	vsub.f32 v24, v15  }
0x1ab: {  	v16 =	vmul.f32 v16, v4;
	v4 =	vmul.f32 v10, v12;
	v13 =	vsub.f32 v24, v13  }
0x1ac: {  	v10 =	vmul.f32 $1.442695020e+00, v14;
	(erf) = vpow2.f32 v2;
	v2 =	vshrl.u32 v9, $0x17  }
0x1ad: {  	v9 =	vmax.f32 v16, $-3.000000000e+01;
	v12 =	vmul.f32 v13, v17;
	(erf) = vpow2.f32 v7  }
0x1ae: {  	v7 =	vsub.f32 $0.0e+00, v9;
	v9 =	vadd.f32 $1.000000000e+00, v30;
	(erf) = vpow2.f32 v10  }
0x1af: {  	v16 =	vmul.f32 v3, v3;
	v10 =	vmul.f32 v15, v17;
	v12 =	vmax.f32 v12, $-3.000000000e+01  }
0x1b0: {  	v7 =	vmul.f32 $1.442695020e+00, v7;
	v12 =	vsub.f32 $0.0e+00, v12;
	(erf) = vpow2.f32 v11  }
0x1b1: {  	v10 =	vmax.f32 v10, $-3.000000000e+01;
	(erf) = vpow2.f32 v5;
	v5 =	vmul.f32 v18, v6  }
0x1b2: {  	v6 =	vsub.f32 $0.0e+00, v10;
	v10 =	vmul.f32 v4, v4;
	(erf) = vpow2.f32 v7  }
0x1b3: {  	v7 =	vmul.f32 $1.442695020e+00, v12;
	v5 =	vmax.f32 v5, $9.999999910e-38;
	(erf) = vrcp.f32 v9  }
0x1b4: {  	v6 =	vmul.f32 $1.442695020e+00, v6;
	v11 =	vmul.f32 $1.428571490e-01, v10;
	v9 =	vand.u32 $0x7FFFFF, v5  }
0x1b5: {  	v12 =	vpop (erf);
	(erf) = vpow2.f32 v7;
	v7 =	vmul.f32 $1.428571490e-01, v16;
	v14 =	vor.u32 $0x3F800000, v9  }
0x1b6: {  	v15 =	vadd.f32 $1.000000000e+00, v12;
	v13 =	vpop (erf);
	(erf) = vpow2.f32 v6;
	v6 =	vadd.f32 $1.000000000e+00, v14  }
0x1b7: {  	v9 =	vadd.s32 $0xFFFFFF81, v2;
	v2 =	vadd.f32 $2.000000030e-01, v11;
	v11 =	vadd.f32 $-1.000000000e+00, v30;
	v17 =	vpop (erf)  }
0x1b8: {  	v7 =	vadd.f32 $2.000000030e-01, v7;
	v22 =	vadd.f32 $1.000000000e+00, v17;
	(erf) = vrcp.f32 v6  }
0x1b9: {  	v20 =	vshrl.u32 v8, $0x17;
	v5 =	vshrl.u32 v5, $0x17;
	v6 =	vadd.f32 $1.000000000e+00, v13;
	v19 =	vpop (erf)  }
0x1ba: {  	v5 =	vadd.s32 $0xFFFFFF81, v5;
	v8 =	vsub.f32 v17, v13;
	v17 =	vadd.f32 $1.000000000e+00, v19;
	v21 =	vpop (erf)  }
0x1bb: {  	v13 =	vadd.s32 $0xFFFFFF81, v20;
	v20 =	vmul.f32 v7, v16;
	v25 =	vmul.f32 v22, v6;
	v18 =	vpop (erf)  }
0x1bc: {  	v23 =	vmul.f32 v2, v10;
	v26 =	vadd.f32 $1.000000000e+00, v21;
	v7 =	vadd.f32 $1.000000000e+00, v18;
	v24 =	vpop (erf)  }
0x1bd: {  	v2 =	vcvt.s32.f32 v5;
	v12 =	vsub.f32 v18, v12;
	(erf) = vrcp.f32 v25  }
0x1be: {  	v23 =	vadd.f32 $3.333333430e-01, v23;
	v18 =	vadd.f32 $-1.000000000e+00, v14;
	v5 =	vmul.f32 v7, v15;
	v6 =	vpop (erf)  }
.Ltmp1:
0x1bf: {  	v14 =	vmul.f32 v26, v17;
	v7 =	vmul.f32 v24, v11;
	v17 =	vadd.f32 $1.000000000e+00, v6;
	v22 =	vpop (erf);
	(pc) =	sbr.rel @p1 .LBB2_4-.Ltmp1, $4  }
0x1c0: {  	v11 =	vadd.f32 $1.000000000e+00, v22;
	(erf) = vrcp.f32 v5;
	v5 =	vmul.f32 v23, v10  }
0x1c1: {  	v6 =	vsub.f32 v6, v22;
	v10 =	vadd.f32 $3.333333430e-01, v20;
	(erf) = vrcp.f32 v14;
	v15 =	vpop (erf)  }
0x1c2: {  	v11 =	vmul.f32 v17, v11;
	v14 =	vadd.f32 $1.000000000e+00, v5;
	v5 =	vmul.f32 v15, v18  }
0x1c3: {  	s23 =	sadd.s32 $0x40, s23;
	v15 =	vsub.f32 v21, v19;
	v16 =	vmul.f32 v10, v16;
	v10 =	vmul.f32 v7, v7  }
0x1c4: {  	_ =	sdelay $0x3  }
0x1c5: {  	v17 =	vpop (erf)  }
0x1c6: {  	v18 =	vpop (erf)  }
0x1c7: {  	v12 =	vmul.f32 v18, v12;
	_ =	sdelay $0x1  }
0x1c8: {  	v12 =	vmax.f32 v12, $9.999999910e-38  }
0x1c9: {  	v18 =	vand.u32 $0x7FFFFF, v12  }
0x1ca: {  	v18 =	vor.u32 $0x3F800000, v18  }
0x1cb: {  	v19 =	vadd.f32 $1.000000000e+00, v18;
	_ =	sdelay $0x1  }
0x1cc: {  	(erf) = vrcp.f32 v19  }
0x1cd: {  	(erf) = vrcp.f32 v11;
	_ =	sdelay $0x6  }
0x1ce: {  	v11 =	vpop (erf)  }
0x1cf: {  	v8 =	vmul.f32 v17, v8;
	v17 =	vpop (erf)  }
0x1d0: {  	v11 =	vmul.f32 v11, v15;
	v15 =	vpop (erf)  }
0x1d1: {  	v8 =	vmax.f32 v8, $9.999999910e-38;
	v15 =	vmul.f32 v15, v6  }
0x1d2: {  	v19 =	vand.u32 $0x7FFFFF, v8;
	v6 =	vmax.f32 v11, $9.999999910e-38  }
0x1d3: {  	v11 =	vor.u32 $0x3F800000, v19;
	v19 =	vand.u32 $0x7FFFFF, v6;
	v15 =	vmax.f32 v15, $9.999999910e-38  }
0x1d4: {  	v20 =	vadd.f32 $1.000000000e+00, v11;
	v19 =	vor.u32 $0x3F800000, v19;
	v21 =	vand.u32 $0x7FFFFF, v15  }
0x1d5: {  	v22 =	vadd.f32 $1.000000000e+00, v19;
	v21 =	vor.u32 $0x3F800000, v21  }
0x1d6: {  	(erf) = vrcp.f32 v20;
	v58 =	vadd.f32 $1.000000000e+00, v21  }
0x1d7: {  	(erf) = vrcp.f32 v22  }
0x1d8: {  	(erf) = vrcp.f32 v58;
	_ =	sdelay $0x3  }
0x1d9: {  	s19 =	rddreg [dreg:$0xb]  }
0x1da: {  	[tilespmem:s9], [sflag:$0x2] =	stream.linear.gather [hbm4b:s19+s1], $0x1000, $0x38;
	[tilespmem:$0x1AAF0] =	vst v63  }
0x1db: {  	s24 =	rddreg [dreg:$0xc]  }
0x1dc: {  	[tilespmem:s10], [sflag:$0x2] =	stream.linear.gather [hbm4b:s24+s1], $0x1000, $0x38;
	v59 =	vpop (erf);
	[tilespmem:$0x1AAF0] =	vst v63  }
0x1dd: {  	s25 =	rddreg [dreg:$0xd];
	v22 =	vpop (erf)  }
0x1de: {  	[tilespmem:s11], [sflag:$0x2] =	stream.linear.gather [hbm4b:s25+s1], $0x1000, $0x38;
	v23 =	vpop (erf);
	[tilespmem:$0x1AAF0] =	vst v63  }
0x1df: {  	_ =	swait.ge [sflag:s12], $0x1000  }
0x1e0: {  	[sflag:s12] =	ssyncset.done $0x0  }
0x1e1: {  	[sflag:s12] =	ssyncadd.s32 $0xFFFFF000  }
0x1e2: {  	v25 =	vmul.f32 v5, v5;
	_ =	swait.ge [sflag:s13], $0x1000  }
0x1e3: {  	v24 =	vmul.f32 $1.428571490e-01, v10;
	v16 =	vadd.f32 $1.000000000e+00, v16;
	[sflag:s13] =	ssyncset.done $0x0  }
0x1e4: {  	v13 =	vcvt.s32.f32 v13;
	v26 =	vmul.f32 $1.428571490e-01, v25;
	[sflag:s13] =	ssyncadd.s32 $0xFFFFF000  }
0x1e5: {  	v9 =	vcvt.s32.f32 v9;
	v24 =	vadd.f32 $2.000000030e-01, v24;
	v3 =	vmul.f32 v16, v3;
	_ =	swait.ge [sflag:s13], $0x1000  }
0x1e6: {  	v1 =	vshrl.u32 v1, $0x17;
	v4 =	vmul.f32 v14, v4;
	v16 =	vadd.f32 $2.000000030e-01, v26;
	[sflag:s13] =	ssyncset.done $0x0  }
0x1e7: {  	v13 =	vmul.f32 $6.931471820e-01, v13;
	v14 =	vmul.f32 v24, v10;
	v3 =	vadd.f32 v3, v3;
	[sflag:s13] =	ssyncadd.s32 $0xFFFFF000  }
0x1e8: {  	s28 =	sadd.s32 s21, s30;
	v1 =	vadd.s32 $0xFFFFFF81, v1;
	v4 =	vadd.f32 v4, v4;
	v16 =	vmul.f32 v16, v25;
	_ =	swait.ge [sflag:s13], $0x1000  }
0x1e9: {  	s22 =	simm.s32 $0x12B10;
	s23 =	sadd.s32 $0x1040, s28;
	v9 =	vmul.f32 $6.931471820e-01, v9;
	v14 =	vadd.f32 $3.333333430e-01, v14;
	v3 =	vadd.f32 v3, v13;
	[sflag:s13] =	ssyncset.done $0x0  }
0x1ea: {  	v2 =	vmul.f32 $6.931471820e-01, v2;
	v1 =	vcvt.s32.f32 v1;
	p2 =	slt.u32 s23, $0xF4240;
	v13 =	vadd.f32 $3.333333430e-01, v16;
	[sflag:s13] =	ssyncadd.s32 $0xFFFFF000  }
0x1eb: {  	v4 =	vadd.f32 v4, v9;
	v10 =	vmul.f32 v14, v10;
	v3 =	vpsel !p2, $0x0, v3;
	[tilespmem:s14], [sflag:$0x4] =	stream.indirect.gather [spmem:s29], $0x1, s10, s7, $0xb8;
	[tilespmem:$0x1AAF0] =	vst v63  }
0x1ec: {  	v12 =	vshrl.u32 v12, $0x17;
	v13 =	vmul.f32 v13, v25;
	v11 =	vadd.f32 $-1.000000000e+00, v11;
	v60 =	vld [tilespmem:s22+$0xFFFFFFF0]  }
0x1ed: {  	s20 =	simm.s32 $0x16B10;
	v12 =	vadd.s32 $0xFFFFFF81, v12;
	v10 =	vadd.f32 $1.000000000e+00, v10;
	v16 =	vadd.f32 $-1.000000000e+00, v18;
	v18 =	vld [tilespmem:s22+$0xFFFFFFE0]  }
0x1ee: {  	s21 =	sadd.s32 $0x1050, s28;
	v0 =	vadd.f32 v3, v0;
	v12 =	vcvt.s32.f32 v12;
	v11 =	vmul.f32 v59, v11;
	v9 =	vld [tilespmem:s20+$0xFFFFFFF0]  }
0x1ef: {  	p1 =	slt.u32 s21, $0xF4240;
	v3 =	vadd.f32 $1.000000000e+00, v13;
	v7 =	vmul.f32 v10, v7;
	v10 =	vmul.f32 v17, v16;
	v16 =	vld [tilespmem:s20+$0xFFFFFFE0]  }
0x1f0: {  	v1 =	vmul.f32 $6.931471820e-01, v1;
	v4 =	vpsel !p1, $0x0, v4;
	v13 =	vmul.f32 v11, v11;
	v14 =	vld [tilespmem:s22+$0x0]  }
0x1f1: {  	v8 =	vshrl.u32 v8, $0x17;
	v12 =	vmul.f32 $6.931471820e-01, v12;
	v3 =	vmul.f32 v3, v5;
	v61 =	vld [tilespmem:s20+$0x0]  }
0x1f2: {  	v28 =	vmul.f32 $1.428571490e-01, v13;
	v62 =	vld [tilespmem:s20+$0x10];
	v17 =	vmul.u32 $0x6, v60;
	v31 =	vmul.u32 $0x6, v18  }
0x1f3: {  	s31 =	simm.s32 $0x18B10;
	v8 =	vadd.s32 $0xFFFFFF81, v8;
	v7 =	vadd.f32 v7, v7;
	v3 =	vadd.f32 v3, v3;
	v27 =	vld [tilespmem:s22+$0x10]  }
0x1f4: {  	v28 =	vadd.f32 $2.000000030e-01, v28;
	v29 =	vld [tilespmem:s31+$0x0];
	v9 =	vadd.s32 v9, v17;
	v16 =	vadd.s32 v16, v31  }
0x1f5: {  	v1 =	vadd.f32 v7, v1;
	v63 =	vmul.f32 v10, v10;
	v36 =	vld [tilespmem:s31+$0xFFFFFFF0];
	v31 =	vadd.s32 $0xFFFFFFFF, v16  }
0x1f6: {  	v7 =	vmul.f32 v28, v13;
	v5 =	vld [tilespmem:s31+$0xFFFFFFE0];
	v17 =	vmul.u32 $0x6, v14;
	v30 =	vadd.s32 $0xFFFFFFFF, v9  }
0x1f7: {  	s23 =	sadd.s32 $0x1060, s28;
	v4 =	vadd.f32 v4, v0;
	v8 =	vcvt.s32.f32 v8;
	v0 =	vmul.f32 $1.428571490e-01, v63;
	v24 =	vld.idx.msk [tilespmem:v60+s1+$0x0], $0xffff  }
0x1f8: {  	p6 =	slt.u32 s23, $0xF4240;
	v2 =	vadd.f32 v3, v2;
	v7 =	vadd.f32 $3.333333430e-01, v7;
	v18 =	vld.idx.msk [tilespmem:v18+s1+$0x0], $0xffff;
	v17 =	vadd.s32 v61, v17  }
0x1f9: {  	s19 =	sadd.s32 $0x1070, s28;
	v1 =	vpsel !p6, $0x0, v1;
	v0 =	vadd.f32 $2.000000030e-01, v0;
	v37 =	vadd.s32 $0xFFFFFFFF, v17;
	v9 =	vld.idx.msk [tilespmem:v9+s2+$0x0], $0xffff  }
0x1fa: {  	p2 =	slt.u32 s19, $0xF4240;
	v1 =	vadd.f32 v1, v4;
	v19 =	vadd.f32 $-1.000000000e+00, v19;
	v3 =	vmul.f32 v7, v13;
	v7 =	vld.idx.msk [tilespmem:v31+s2+$0x0], $0xffff  }
0x1fb: {  	v2 =	vpsel !p2, $0x0, v2;
	v21 =	vadd.f32 $-1.000000000e+00, v21;
	v0 =	vmul.f32 v0, v63;
	v30 =	vld.idx.msk [tilespmem:v30+s2+$0x0], $0xffff  }
0x1fc: {  	v8 =	vmul.f32 $6.931471820e-01, v8;
	v1 =	vadd.f32 v2, v1;
	v19 =	vmul.f32 v22, v19;
	v16 =	vld.idx.msk [tilespmem:v16+s2+$0x0], $0xffff  }
0x1fd: {  	v15 =	vshrl.u32 v15, $0x17;
	v38 =	vadd.f32 $3.333333430e-01, v0;
	v0 =	vmul.f32 v23, v21;
	v17 =	vld.idx.msk [tilespmem:v17+s2+$0x0], $0xffff  }
0x1fe: {  	v6 =	vshrl.u32 v6, $0x17;
	v15 =	vadd.s32 $0xFFFFFF81, v15;
	v41 =	vmul.f32 v19, v19;
	v40 =	vld.idx.msk [tilespmem:v37+s2+$0x0], $0xffff  }
0x1ff: {  	v42 =	vmul.f32 v0, v0;
	v32 =	vmul.u32 $0x6, v27;
	v14 =	vld.idx.msk [tilespmem:v14+s1+$0x0], $0xffff;
	v7 =	vsub.f32 v5, v7  }
0x200: {  	v43 =	vmul.f32 $1.428571490e-01, v41;
	v9 =	vsub.f32 v36, v9;
	v20 =	vsub.f32 v36, v30  }
0x201: {  	v39 =	vadd.s32 v62, v32;
	v5 =	vsub.f32 v5, v16;
	v7 =	vmul.f32 v7, v18  }
0x202: {  	v9 =	vmul.f32 v9, v24;
	v17 =	vsub.f32 v29, v17;
	v20 =	vmul.f32 v20, v24  }
0x203: {  	v22 =	vsub.f32 v29, v40;
	v5 =	vmul.f32 v5, v18;
	v7 =	vmax.f32 v7, $-3.000000000e+01  }
0x204: {  	v17 =	vmul.f32 v17, v14;
	v20 =	vmax.f32 v20, $-3.000000000e+01;
	v7 =	vsub.f32 $0.0e+00, v7  }
0x205: {  	v9 =	vmax.f32 v9, $-3.000000000e+01;
	v14 =	vmul.f32 v22, v14;
	v20 =	vsub.f32 $0.0e+00, v20  }
0x206: {  	v16 =	vadd.s32 $0xFFFFFFFF, v39;
	v9 =	vsub.f32 $0.0e+00, v9;
	v7 =	vmul.f32 $1.442695020e+00, v7  }
0x207: {  	v5 =	vmax.f32 v5, $-3.000000000e+01;
	v14 =	vmax.f32 v14, $-3.000000000e+01;
	v18 =	vmul.f32 $1.442695020e+00, v20  }
0x208: {  	v17 =	vmax.f32 v17, $-3.000000000e+01;
	v14 =	vsub.f32 $0.0e+00, v14;
	(erf) = vpow2.f32 v7;
	v7 =	vld [tilespmem:s31+$0x10]  }
0x209: {  	v17 =	vsub.f32 $0.0e+00, v17;
	v9 =	vmul.f32 $1.442695020e+00, v9;
	(erf) = vpow2.f32 v18;
	v18 =	vld.idx.msk [tilespmem:v39+s2+$0x0], $0xffff  }
0x20a: {  	v13 =	vmul.f32 v38, v63;
	v5 =	vsub.f32 $0.0e+00, v5;
	v14 =	vmul.f32 $1.442695020e+00, v14  }
0x20b: {  	v16 =	vld.idx.msk [tilespmem:v16+s2+$0x0], $0xffff;
	v17 =	vmul.f32 $1.442695020e+00, v17;
	(erf) = vpow2.f32 v9;
	v9 =	vadd.f32 $2.000000030e-01, v43  }
0x20c: {  	v3 =	vadd.f32 $1.000000000e+00, v3;
	v5 =	vmul.f32 $1.442695020e+00, v5;
	(erf) = vpow2.f32 v14;
	v14 =	vld.idx.msk [tilespmem:v27+s1+$0x0], $0xffff  }
0x20d: {  	v13 =	vadd.f32 $1.000000000e+00, v13;
	(erf) = vpow2.f32 v17;
	v9 =	vmul.f32 v9, v41  }
0x20e: {  	v3 =	vmul.f32 v3, v11;
	(erf) = vpow2.f32 v5;
	v11 =	vsub.f32 v7, v18  }
0x20f: {  	v5 =	vadd.s32 $0xFFFFFF81, v6;
	v6 =	vmul.f32 $1.428571490e-01, v42;
	v9 =	vadd.f32 $3.333333430e-01, v9  }
0x210: {  	v10 =	vmul.f32 v13, v10;
	v3 =	vadd.f32 v3, v3;
	v7 =	vsub.f32 v7, v16  }
0x211: {  	v6 =	vadd.f32 $2.000000030e-01, v6;
	v4 =	vmul.f32 v9, v41;
	v9 =	vmul.f32 v11, v14  }
0x212: {  	v10 =	vadd.f32 v10, v10;
	v3 =	vadd.f32 v3, v8;
	v7 =	vmul.f32 v7, v14;
	v11 =	vpop (erf)  }
0x213: {  	v5 =	vcvt.s32.f32 v5;
	v6 =	vmul.f32 v6, v42;
	v9 =	vmax.f32 v9, $-3.000000000e+01;
	v13 =	vpop (erf)  }
0x214: {  	v4 =	vadd.f32 $1.000000000e+00, v4;
	v7 =	vmax.f32 v7, $-3.000000000e+01;
	v9 =	vsub.f32 $0.0e+00, v9;
	v14 =	vpop (erf)  }
0x215: {  	v5 =	vmul.f32 $6.931471820e-01, v5;
	v7 =	vsub.f32 $0.0e+00, v7;
	v45 =	vadd.f32 $1.000000000e+00, v11;
	v16 =	vpop (erf)  }
0x216: {  	v6 =	vadd.f32 $3.333333430e-01, v6;
	v4 =	vmul.f32 v4, v19;
	v19 =	vadd.f32 $1.000000000e+00, v13;
	v17 =	vpop (erf)  }
0x217: {  	v9 =	vmul.f32 $1.442695020e+00, v9;
	v18 =	vadd.f32 $1.000000000e+00, v14;
	v7 =	vmul.f32 $1.442695020e+00, v7;
	v44 =	vpop (erf)  }
0x218: {  	s18 =	sadd.s32 s18, s30;
	v2 =	vmul.f32 v6, v42;
	v6 =	vadd.f32 v10, v12;
	v46 =	vadd.f32 $1.000000000e+00, v44  }
0x219: {  	s25 =	sadd.s32 $0x1040, s18;
	v4 =	vadd.f32 v4, v4;
	(erf) = vpow2.f32 v9;
	v9 =	vmul.f32 v18, v19  }
0x21a: {  	p3 =	slt.u32 s25, $0xF4240;
	s19 =	simm.s32 $0x16B50;
	v2 =	vadd.f32 $1.000000000e+00, v2;
	(erf) = vpow2.f32 v7;
	v7 =	vmul.f32 v46, v45  }
0x21b: {  	s24 =	simm.s32 $0x12B50;
	v12 =	vld [tilespmem:s19+$0xFFFFFFF0];
	v6 =	vpsel !p3, $0x0, v6;
	v10 =	vadd.f32 $1.000000000e+00, v17;
	(erf) = vrcp.f32 v9  }
0x21c: {  	s28 =	sadd.s32 $0x1050, s18;
	v9 =	vadd.f32 $1.000000000e+00, v16;
	v0 =	vmul.f32 v2, v0;
	v2 =	vld [tilespmem:s24+$0x0];
	(erf) = vrcp.f32 v7  }
0x21d: {  	p4 =	slt.u32 s28, $0xF4240;
	v15 =	vcvt.s32.f32 v15;
	v1 =	vadd.f32 v6, v1;
	v7 =	vld [tilespmem:s24+$0xFFFFFFF0]  }
0x21e: {  	v3 =	vpsel !p4, $0x0, v3;
	s31 =	sadd.s32 $0x1060, s18;
	v4 =	vadd.f32 v4, v5;
	v5 =	vmul.f32 v10, v9;
	v9 =	vld [tilespmem:s24+$0xFFFFFFE0]  }
0x21f: {  	s20 =	simm.s32 $0x18B50;
	p5 =	slt.u32 s31, $0xF4240;
	v1 =	vadd.f32 v3, v1;
	v3 =	vld [tilespmem:s19+$0x0]  }
0x220: {  	v49 =	vld [tilespmem:s20+$0xFFFFFFF0];
	v4 =	vpsel !p5, $0x0, v4  }
0x221: {  	v8 =	vld [tilespmem:s19+$0xFFFFFFE0];
	v6 =	vmul.f32 $6.931471820e-01, v15;
	v0 =	vadd.f32 v0, v0  }
0x222: {  	v18 =	vld [tilespmem:s20+$0x0];
	v11 =	vsub.f32 v44, v11;
	v47 =	vmul.u32 $0x6, v2;
	v15 =	vpop (erf);
	v10 =	vmul.u32 $0x6, v7  }
0x223: {  	s18 =	sadd.s32 $0x1070, s18;
	v1 =	vadd.f32 v4, v1;
	(erf) = vrcp.f32 v5;
	v5 =	vld [tilespmem:s19+$0x10];
	v0 =	vadd.f32 v0, v6;
	v4 =	vpop (erf)  }
0x224: {  	p6 =	slt.u32 s18, $0xF4240;
	v6 =	vld [tilespmem:s24+$0x10];
	v50 =	vmul.u32 $0x6, v9;
	v3 =	vadd.s32 v3, v47;
	v10 =	vadd.s32 v12, v10;
	v12 =	vpop (erf)  }
0x225: {  	v0 =	vpsel !p6, $0x0, v0;
	v2 =	vld.idx.msk [tilespmem:v2+s1+$0x0], $0xffff;
	v48 =	vpop (erf)  }
0x226: {  	v0 =	vadd.f32 v0, v1;
	v8 =	vadd.s32 v8, v50;
	v9 =	vld.idx.msk [tilespmem:v9+s1+$0x0], $0xffff;
	v1 =	vmul.f32 v48, v11  }
0x227: {  	v7 =	vld.idx.msk [tilespmem:v7+s1+$0x0], $0xffff;
	v11 =	vsub.f32 v14, v13;
	v14 =	vadd.s32 $0xFFFFFFFF, v3  }
0x228: {  	v13 =	vld [tilespmem:s20+$0xFFFFFFE0];
	v21 =	vmax.f32 v1, $9.999999910e-38;
	v1 =	vadd.s32 $0xFFFFFFFF, v8  }
0x229: {  	v51 =	vadd.f32 $1.000000000e+00, v15;
	v52 =	vadd.f32 $1.000000000e+00, v4;
	v19 =	vadd.s32 $0xFFFFFFFF, v10;
	v3 =	vld.idx.msk [tilespmem:v3+s2+$0x0], $0xffff  }
0x22a: {  	v15 =	vsub.f32 v15, v4;
	v4 =	vsub.f32 v17, v16;
	v17 =	vmul.u32 $0x6, v6;
	v10 =	vld.idx.msk [tilespmem:v10+s2+$0x0], $0xffff  }
0x22b: {  	v11 =	vmul.f32 v12, v11;
	v8 =	vld.idx.msk [tilespmem:v8+s2+$0x0], $0xffff;
	v12 =	vand.u32 $0x7FFFFF, v21  }
0x22c: {  	v20 =	vmul.f32 v51, v52;
	v5 =	vadd.s32 v5, v17;
	v12 =	vor.u32 $0x3F800000, v12;
	v14 =	vld.idx.msk [tilespmem:v14+s2+$0x0], $0xffff  }
0x22d: {  	v54 =	vadd.s32 $0xFFFFFFFF, v5;
	v16 =	vpop (erf);
	v11 =	vmax.f32 v11, $9.999999910e-38;
	v53 =	vadd.f32 $1.000000000e+00, v12;
	v17 =	vld.idx.msk [tilespmem:v1+s2+$0x0], $0xffff  }
0x22e: {  	v4 =	vmul.f32 v16, v4;
	v19 =	vld.idx.msk [tilespmem:v19+s2+$0x0], $0xffff;
	v16 =	vand.u32 $0x7FFFFF, v11;
	v12 =	vadd.f32 $-1.000000000e+00, v12  }
0x22f: {  	v3 =	vsub.f32 v18, v3;
	v16 =	vor.u32 $0x3F800000, v16;
	(erf) = vrcp.f32 v53  }
0x230: {  	v1 =	vmax.f32 v4, $9.999999910e-38;
	v4 =	vadd.f32 $1.000000000e+00, v16;
	v10 =	vsub.f32 v49, v10  }
0x231: {  	v3 =	vmul.f32 v3, v2;
	v8 =	vsub.f32 v13, v8;
	(erf) = vrcp.f32 v20  }
0x232: {  	(erf) = vrcp.f32 v4;
	v14 =	vsub.f32 v18, v14;
	v17 =	vsub.f32 v13, v17  }
0x233: {  	v4 =	vsub.f32 v49, v19;
	v10 =	vmul.f32 v10, v7;
	v8 =	vmul.f32 v8, v9  }
0x234: {  	v5 =	vld.idx.msk [tilespmem:v5+s2+$0x0], $0xffff;
	v3 =	vmax.f32 v3, $-3.000000000e+01;
	v2 =	vmul.f32 v14, v2;
	v14 =	vmul.f32 v17, v9  }
0x235: {  	v16 =	vadd.f32 $-1.000000000e+00, v16;
	v18 =	vld [tilespmem:s20+$0x10];
	v3 =	vsub.f32 $0.0e+00, v3;
	v4 =	vmul.f32 v4, v7  }
0x236: {  	v7 =	vmax.f32 v10, $-3.000000000e+01;
	v10 =	vld.idx.msk [tilespmem:v54+s2+$0x0], $0xffff;
	v8 =	vmax.f32 v8, $-3.000000000e+01;
	v14 =	vmax.f32 v14, $-3.000000000e+01  }
0x237: {  	v6 =	vld.idx.msk [tilespmem:v6+s1+$0x0], $0xffff;
	v7 =	vsub.f32 $0.0e+00, v7;
	v4 =	vmax.f32 v4, $-3.000000000e+01;
	v14 =	vsub.f32 $0.0e+00, v14  }
0x238: {  	v19 =	vmul.f32 $1.442695020e+00, v3;
	v2 =	vmax.f32 v2, $-3.000000000e+01;
	v4 =	vsub.f32 $0.0e+00, v4  }
0x239: {  	v7 =	vmul.f32 $1.442695020e+00, v7;
	v2 =	vsub.f32 $0.0e+00, v2;
	v17 =	vpop (erf);
	v14 =	vmul.f32 $1.442695020e+00, v14  }
0x23a: {  	v5 =	vsub.f32 v18, v5;
	v13 =	vmul.f32 $1.442695020e+00, v4;
	v3 =	vmul.f32 v17, v12  }
0x23b: {  	v10 =	vsub.f32 v18, v10;
	v2 =	vmul.f32 $1.442695020e+00, v2;
	(erf) = vpow2.f32 v14  }
0x23c: {  	v8 =	vsub.f32 $0.0e+00, v8;
	v12 =	vpop (erf);
	v5 =	vmul.f32 v5, v6;
	(erf) = vpow2.f32 v13  }
0x23d: {  	v55 =	vand.u32 $0x7FFFFF, v1;
	v4 =	vpop (erf);
	v6 =	vmul.f32 v10, v6;
	(erf) = vpow2.f32 v7  }
0x23e: {  	v56 =	vor.u32 $0x3F800000, v55;
	v8 =	vmul.f32 $1.442695020e+00, v8;
	v5 =	vmax.f32 v5, $-3.000000000e+01  }
0x23f: {  	(erf) = vpow2.f32 v2;
	v2 =	vmax.f32 v6, $-3.000000000e+01;
	v6 =	vmul.f32 v12, v15  }
0x240: {  	v4 =	vmul.f32 v4, v16;
	v10 =	vmul.f32 v3, v3;
	v5 =	vsub.f32 $0.0e+00, v5  }
0x241: {  	v7 =	vadd.f32 $1.000000000e+00, v56;
	(erf) = vpow2.f32 v19;
	v6 =	vmax.f32 v6, $9.999999910e-38  }
0x242: {  	v2 =	vsub.f32 $0.0e+00, v2;
	(erf) = vpow2.f32 v8;
	v8 =	vand.u32 $0x7FFFFF, v6  }
0x243: {  	v9 =	vshrl.u32 v11, $0x17;
	v11 =	vmul.f32 v4, v4;
	v5 =	vmul.f32 $1.442695020e+00, v5  }
0x244: {  	v9 =	vadd.s32 $0xFFFFFF81, v9;
	(erf) = vrcp.f32 v7;
	v2 =	vmul.f32 $1.442695020e+00, v2;
	v12 =	vpop (erf)  }
0x245: {  	v7 =	vmul.f32 $1.428571490e-01, v11;
	(erf) = vpow2.f32 v5;
	v14 =	vor.u32 $0x3F800000, v8;
	v8 =	vpop (erf)  }
0x246: {  	v5 =	vmul.f32 $1.428571490e-01, v10;
	(erf) = vpow2.f32 v2;
	v2 =	vadd.f32 $1.000000000e+00, v14;
	v13 =	vpop (erf)  }
0x247: {  	v16 =	vadd.f32 $-1.000000000e+00, v56;
	v6 =	vshrl.u32 v6, $0x17;
	v17 =	vadd.f32 $1.000000000e+00, v13  }
0x248: {  	v7 =	vadd.f32 $2.000000030e-01, v7;
	v5 =	vadd.f32 $2.000000030e-01, v5;
	(erf) = vrcp.f32 v2  }
0x249: {  	v19 =	vshrl.u32 v21, $0x17;
	v6 =	vadd.s32 $0xFFFFFF81, v6;
	v2 =	vadd.f32 $1.000000000e+00, v8;
	v18 =	vpop (erf)  }
0x24a: {  	v15 =	vadd.f32 $1.000000000e+00, v12;
	v7 =	vmul.f32 v7, v11;
	v5 =	vmul.f32 v5, v10;
	v58 =	vpop (erf)  }
0x24b: {  	v8 =	vsub.f32 v13, v8;
	v57 =	vadd.f32 $1.000000000e+00, v18;
	v2 =	vmul.f32 v17, v2;
	v17 =	vpop (erf)  }
0x24c: {  	v13 =	vadd.s32 $0xFFFFFF81, v19;
	v63 =	vadd.f32 $3.333333430e-01, v5;
	v19 =	vadd.f32 $1.000000000e+00, v17  }
0x24d: {  	v59 =	vadd.f32 $1.000000000e+00, v58;
	(erf) = vrcp.f32 v2;
	v2 =	vcvt.s32.f32 v6;
	v60 =	vpop (erf)  }
0x24e: {  	v12 =	vsub.f32 v17, v12;
	v17 =	vadd.f32 $3.333333430e-01, v7;
	v6 =	vmul.f32 v19, v15;
	v15 =	vpop (erf)  }
0x24f: {  	v7 =	vmul.f32 v60, v16;
	v19 =	vadd.f32 $-1.000000000e+00, v14;
	v14 =	vmul.f32 v59, v57;
	v62 =	vpop (erf)  }
0x250: {  	v61 =	vadd.f32 $1.000000000e+00, v15;
	v16 =	vadd.f32 $1.000000000e+00, v62;
	(erf) = vrcp.f32 v6  }
0x251: {  	v17 =	vmul.f32 v17, v11;
	v6 =	vsub.f32 v15, v62;
	v5 =	vpop (erf);
	(erf) = vrcp.f32 v14  }
0x252: {  	s21 =	simm.s32 $0xFFFFFFC0;
	v15 =	vsub.f32 v58, v18;
	v5 =	vmul.f32 v5, v19;
	v11 =	vmul.f32 v61, v16  }
0x253: {  	s23 =	simm.s32 $0x12B90;
	s22 =	simm.s32 $0x40;
	s18 =	simm.s32 $0x0;
	v14 =	vadd.f32 $1.000000000e+00, v17;
	v16 =	vmul.f32 v63, v10;
	v10 =	vmul.f32 v7, v7  }
.LBB2_6:
0x254: {  	s20 =	sadd.s32 $0x40, s20  }
0x255: {  	v17 =	vld [tilespmem:s23+$0xFFFFFFF0];
	s19 =	sadd.s32 $0x40, s19;
	v13 =	vcvt.s32.f32 v13;
	v1 =	vshrl.u32 v1, $0x17;
	v18 =	vmul.f32 v5, v5;
	s24 =	smov.u32 s22;
	s22 =	sadd.s32 $0x40, s22  }
0x256: {  	v9 =	vcvt.s32.f32 v9;
	v19 =	vld [tilespmem:s19+$0xFFFFFFE0];
	p1 =	slt.u32 s22, $0xFC0;
	v16 =	vadd.f32 $1.000000000e+00, v16;
	v20 =	vmul.f32 $1.428571490e-01, v10  }
0x257: {  	v4 =	vmul.f32 v14, v4;
	v1 =	vadd.s32 $0xFFFFFF81, v1;
	v21 =	vld [tilespmem:s19+$0x0];
	v22 =	vpop (erf);
	v14 =	vmul.f32 $1.428571490e-01, v18  }
0x258: {  	v13 =	vmul.f32 $6.931471820e-01, v13;
	v23 =	vld [tilespmem:s19+$0x10];
	v16 =	vmul.f32 v16, v3;
	v20 =	vadd.f32 $2.000000030e-01, v20  }
0x259: {  	v1 =	vcvt.s32.f32 v1;
	v8 =	vmul.f32 v22, v8;
	v3 =	vld [tilespmem:s23+$0x10]  }
0x25a: {  	v26 =	vmul.f32 $6.931471820e-01, v9;
	v22 =	vld [tilespmem:s19+$0xFFFFFFF0];
	v24 =	vmul.u32 $0x6, v17;
	v25 =	vpop (erf);
	v20 =	vmul.f32 v20, v10  }
0x25b: {  	v28 =	vmul.f32 $6.931471820e-01, v1;
	v1 =	vadd.f32 $2.000000030e-01, v14;
	v27 =	vld [tilespmem:s23+$0x0];
	v12 =	vmul.f32 v25, v12;
	v25 =	vpop (erf)  }
0x25c: {  	v9 =	vmax.f32 v8, $9.999999910e-38;
	v16 =	vadd.f32 v16, v16;
	v14 =	vld [tilespmem:s23+$0xFFFFFFE0];
	v15 =	vmul.f32 v25, v15  }
0x25d: {  	v4 =	vadd.f32 v4, v4;
	v25 =	vld [tilespmem:s20+$0x0];
	v8 =	vmax.f32 v12, $9.999999910e-38;
	v12 =	vand.u32 $0x7FFFFF, v9  }
0x25e: {  	v20 =	vadd.f32 $3.333333430e-01, v20;
	v29 =	vld [tilespmem:s20+$0xFFFFFFF0];
	v30 =	vmul.u32 $0x6, v3;
	v31 =	vand.u32 $0x7FFFFF, v8  }
0x25f: {  	v13 =	vadd.f32 v16, v13;
	v22 =	vadd.s32 v22, v24;
	v24 =	vld [tilespmem:s20+$0x10];
	v31 =	vor.u32 $0x3F800000, v31  }
0x260: {  	v33 =	vmul.f32 v1, v18;
	v16 =	vld.idx.msk [tilespmem:v17+s1+$0x0], $0xffff;
	v17 =	vadd.s32 $0xFFFFFFFF, v22;
	v32 =	vmul.u32 $0x6, v27  }
0x261: {  	s25 =	sadd.s32 s21, s30;
	s21 =	smov.u32 s18;
	s18 =	smov.u32 s24;
	v10 =	vmul.f32 v20, v10;
	v23 =	vadd.s32 v23, v30;
	v1 =	vmul.u32 $0x6, v14  }
0x262: {  	s28 =	sadd.s32 $0x2040, s25;
	s24 =	sadd.s32 $0x2050, s25;
	s31 =	sadd.s32 $0x2060, s25;
	v4 =	vadd.f32 v4, v26;
	v20 =	vadd.s32 v21, v32;
	v21 =	vadd.s32 $0xFFFFFFFF, v23  }
0x263: {  	p2 =	slt.u32 s24, $0xF4240;
	s24 =	sadd.s32 $0x2070, s25;
	v10 =	vadd.f32 $1.000000000e+00, v10;
	v19 =	vadd.s32 v19, v1;
	v26 =	vld [tilespmem:s20+$0xFFFFFFE0];
	v30 =	vadd.s32 $0xFFFFFFFF, v20  }
0x264: {  	p3 =	slt.u32 s28, $0xF4240;
	v4 =	vpsel !p2, $0x0, v4;
	v34 =	vadd.f32 $1.000000000e+00, v31;
	v32 =	vadd.s32 $0xFFFFFFFF, v19;
	v22 =	vld.idx.msk [tilespmem:v22+s2+$0x0], $0xffff  }
0x265: {  	v13 =	vpsel !p3, $0x0, v13;
	v1 =	vmax.f32 v15, $9.999999910e-38;
	v15 =	vadd.f32 $3.333333430e-01, v33;
	v17 =	vld.idx.msk [tilespmem:v17+s2+$0x0], $0xffff  }
0x266: {  	v12 =	vor.u32 $0x3F800000, v12;
	v7 =	vmul.f32 v10, v7;
	v27 =	vld.idx.msk [tilespmem:v27+s1+$0x0], $0xffff;
	(erf) = vrcp.f32 v34  }
0x267: {  	v33 =	vand.u32 $0x7FFFFF, v1;
	v15 =	vmul.f32 v15, v18;
	v10 =	vld.idx.msk [tilespmem:v20+s2+$0x0], $0xffff;
	v20 =	vadd.f32 $1.000000000e+00, v12  }
0x268: {  	v0 =	vadd.f32 v13, v0;
	v7 =	vadd.f32 v7, v7;
	v18 =	vld.idx.msk [tilespmem:v30+s2+$0x0], $0xffff;
	v30 =	vor.u32 $0x3F800000, v33  }
0x269: {  	v2 =	vmul.f32 $6.931471820e-01, v2;
	v31 =	vadd.f32 $-1.000000000e+00, v31;
	v15 =	vadd.f32 $1.000000000e+00, v15;
	v13 =	vld.idx.msk [tilespmem:v32+s2+$0x0], $0xffff  }
0x26a: {  	v0 =	vadd.f32 v4, v0;
	v22 =	vsub.f32 v29, v22;
	v19 =	vld.idx.msk [tilespmem:v19+s2+$0x0], $0xffff;
	(erf) = vrcp.f32 v11  }
0x26b: {  	v7 =	vadd.f32 v7, v28;
	v11 =	vsub.f32 v29, v17;
	v4 =	vld.idx.msk [tilespmem:v14+s1+$0x0], $0xffff;
	(erf) = vrcp.f32 v20  }
0x26c: {  	p2 =	slt.u32 s31, $0xF4240;
	v12 =	vadd.f32 $-1.000000000e+00, v12;
	v5 =	vmul.f32 v15, v5;
	v14 =	vmul.f32 v22, v16  }
0x26d: {  	v7 =	vpsel !p2, $0x0, v7;
	v11 =	vmul.f32 v11, v16;
	v10 =	vsub.f32 v25, v10  }
0x26e: {  	v5 =	vadd.f32 v5, v5;
	v14 =	vmax.f32 v14, $-3.000000000e+01;
	v15 =	vsub.f32 v25, v18  }
0x26f: {  	v0 =	vadd.f32 v7, v0;
	v13 =	vsub.f32 v26, v13;
	v10 =	vmul.f32 v10, v27;
	v16 =	vpop (erf)  }
0x270: {  	p2 =	slt.u32 s24, $0xF4240;
	v2 =	vadd.f32 v5, v2;
	v7 =	vmax.f32 v11, $-3.000000000e+01;
	v11 =	vmul.f32 v15, v27;
	v15 =	vld.idx.msk [tilespmem:v21+s2+$0x0], $0xffff  }
0x271: {  	v7 =	vsub.f32 $0.0e+00, v7;
	v5 =	vmul.f32 v13, v4;
	v10 =	vmax.f32 v10, $-3.000000000e+01;
	v13 =	vld.idx.msk [tilespmem:v23+s2+$0x0], $0xffff  }
0x272: {  	v2 =	vpsel !p2, $0x0, v2;
	v11 =	vmax.f32 v11, $-3.000000000e+01;
	v20 =	vsub.f32 $0.0e+00, v10  }
0x273: {  	v0 =	vadd.f32 v2, v0;
	v5 =	vmax.f32 v5, $-3.000000000e+01;
	v11 =	vsub.f32 $0.0e+00, v11;
	v17 =	vld.idx.msk [tilespmem:v3+s1+$0x0], $0xffff;
	v18 =	vpop (erf)  }
0x274: {  	v2 =	vsub.f32 $0.0e+00, v5;
	v5 =	vmul.f32 $1.442695020e+00, v20;
	v3 =	vmul.f32 v16, v31;
	v10 =	vpop (erf)  }
0x275: {  	v7 =	vmul.f32 $1.442695020e+00, v7;
	v16 =	vsub.f32 v26, v19;
	v11 =	vmul.f32 $1.442695020e+00, v11  }
0x276: {  	v14 =	vsub.f32 $0.0e+00, v14;
	v2 =	vmul.f32 $1.442695020e+00, v2;
	v15 =	vsub.f32 v24, v15  }
0x277: {  	v16 =	vmul.f32 v16, v4;
	v4 =	vmul.f32 v10, v12;
	v13 =	vsub.f32 v24, v13  }
0x278: {  	v10 =	vmul.f32 $1.442695020e+00, v14;
	(erf) = vpow2.f32 v2;
	v2 =	vshrl.u32 v9, $0x17  }
0x279: {  	v9 =	vmax.f32 v16, $-3.000000000e+01;
	v12 =	vmul.f32 v13, v17;
	(erf) = vpow2.f32 v7  }
0x27a: {  	v7 =	vsub.f32 $0.0e+00, v9;
	v9 =	vadd.f32 $1.000000000e+00, v30;
	(erf) = vpow2.f32 v10  }
0x27b: {  	v16 =	vmul.f32 v3, v3;
	v10 =	vmul.f32 v15, v17;
	v12 =	vmax.f32 v12, $-3.000000000e+01  }
0x27c: {  	v7 =	vmul.f32 $1.442695020e+00, v7;
	v12 =	vsub.f32 $0.0e+00, v12;
	(erf) = vpow2.f32 v11  }
0x27d: {  	v10 =	vmax.f32 v10, $-3.000000000e+01;
	(erf) = vpow2.f32 v5;
	v5 =	vmul.f32 v18, v6  }
0x27e: {  	v6 =	vsub.f32 $0.0e+00, v10;
	v10 =	vmul.f32 v4, v4;
	(erf) = vpow2.f32 v7  }
0x27f: {  	v7 =	vmul.f32 $1.442695020e+00, v12;
	v5 =	vmax.f32 v5, $9.999999910e-38;
	(erf) = vrcp.f32 v9  }
0x280: {  	v6 =	vmul.f32 $1.442695020e+00, v6;
	v11 =	vmul.f32 $1.428571490e-01, v10;
	v9 =	vand.u32 $0x7FFFFF, v5  }
0x281: {  	v12 =	vpop (erf);
	(erf) = vpow2.f32 v7;
	v7 =	vmul.f32 $1.428571490e-01, v16;
	v14 =	vor.u32 $0x3F800000, v9  }
0x282: {  	v15 =	vadd.f32 $1.000000000e+00, v12;
	v13 =	vpop (erf);
	(erf) = vpow2.f32 v6;
	v6 =	vadd.f32 $1.000000000e+00, v14  }
0x283: {  	v9 =	vadd.s32 $0xFFFFFF81, v2;
	v2 =	vadd.f32 $2.000000030e-01, v11;
	v11 =	vadd.f32 $-1.000000000e+00, v30;
	v17 =	vpop (erf)  }
0x284: {  	v7 =	vadd.f32 $2.000000030e-01, v7;
	v22 =	vadd.f32 $1.000000000e+00, v17;
	(erf) = vrcp.f32 v6  }
0x285: {  	v20 =	vshrl.u32 v8, $0x17;
	v5 =	vshrl.u32 v5, $0x17;
	v6 =	vadd.f32 $1.000000000e+00, v13;
	v19 =	vpop (erf)  }
0x286: {  	v5 =	vadd.s32 $0xFFFFFF81, v5;
	v8 =	vsub.f32 v17, v13;
	v17 =	vadd.f32 $1.000000000e+00, v19;
	v21 =	vpop (erf)  }
0x287: {  	v13 =	vadd.s32 $0xFFFFFF81, v20;
	v20 =	vmul.f32 v7, v16;
	v25 =	vmul.f32 v22, v6;
	v18 =	vpop (erf)  }
0x288: {  	v23 =	vmul.f32 v2, v10;
	v26 =	vadd.f32 $1.000000000e+00, v21;
	v7 =	vadd.f32 $1.000000000e+00, v18;
	v24 =	vpop (erf)  }
0x289: {  	v2 =	vcvt.s32.f32 v5;
	v12 =	vsub.f32 v18, v12;
	(erf) = vrcp.f32 v25  }
0x28a: {  	v23 =	vadd.f32 $3.333333430e-01, v23;
	v18 =	vadd.f32 $-1.000000000e+00, v14;
	v5 =	vmul.f32 v7, v15;
	v6 =	vpop (erf)  }
.Ltmp2:
0x28b: {  	v14 =	vmul.f32 v26, v17;
	v7 =	vmul.f32 v24, v11;
	v17 =	vadd.f32 $1.000000000e+00, v6;
	v22 =	vpop (erf);
	(pc) =	sbr.rel @p1 .LBB2_6-.Ltmp2, $4  }
0x28c: {  	v11 =	vadd.f32 $1.000000000e+00, v22;
	(erf) = vrcp.f32 v5;
	v5 =	vmul.f32 v23, v10  }
0x28d: {  	v6 =	vsub.f32 v6, v22;
	v10 =	vadd.f32 $3.333333430e-01, v20;
	(erf) = vrcp.f32 v14;
	v15 =	vpop (erf)  }
0x28e: {  	v11 =	vmul.f32 v17, v11;
	v14 =	vadd.f32 $1.000000000e+00, v5;
	v5 =	vmul.f32 v15, v18  }
0x28f: {  	s23 =	sadd.s32 $0x40, s23;
	v15 =	vsub.f32 v21, v19;
	v16 =	vmul.f32 v10, v16;
	v10 =	vmul.f32 v7, v7  }
0x290: {  	_ =	sdelay $0x3  }
0x291: {  	v17 =	vpop (erf)  }
0x292: {  	v18 =	vpop (erf)  }
0x293: {  	v12 =	vmul.f32 v18, v12;
	_ =	sdelay $0x1  }
0x294: {  	v12 =	vmax.f32 v12, $9.999999910e-38  }
0x295: {  	v18 =	vand.u32 $0x7FFFFF, v12  }
0x296: {  	v18 =	vor.u32 $0x3F800000, v18  }
0x297: {  	v19 =	vadd.f32 $1.000000000e+00, v18;
	_ =	sdelay $0x1  }
0x298: {  	(erf) = vrcp.f32 v19  }
0x299: {  	(erf) = vrcp.f32 v11;
	_ =	sdelay $0x6  }
0x29a: {  	v11 =	vpop (erf)  }
0x29b: {  	v8 =	vmul.f32 v17, v8;
	v17 =	vpop (erf)  }
0x29c: {  	v11 =	vmul.f32 v11, v15;
	v15 =	vpop (erf)  }
0x29d: {  	v8 =	vmax.f32 v8, $9.999999910e-38;
	v15 =	vmul.f32 v15, v6  }
0x29e: {  	v19 =	vand.u32 $0x7FFFFF, v8;
	v6 =	vmax.f32 v11, $9.999999910e-38  }
0x29f: {  	v11 =	vor.u32 $0x3F800000, v19;
	v19 =	vand.u32 $0x7FFFFF, v6;
	v15 =	vmax.f32 v15, $9.999999910e-38  }
0x2a0: {  	v20 =	vadd.f32 $1.000000000e+00, v11;
	v19 =	vor.u32 $0x3F800000, v19;
	v21 =	vand.u32 $0x7FFFFF, v15  }
0x2a1: {  	v22 =	vadd.f32 $1.000000000e+00, v19;
	v21 =	vor.u32 $0x3F800000, v21  }
0x2a2: {  	(erf) = vrcp.f32 v20;
	v58 =	vadd.f32 $1.000000000e+00, v21  }
0x2a3: {  	(erf) = vrcp.f32 v22  }
0x2a4: {  	(erf) = vrcp.f32 v58;
	_ =	sdelay $0x3  }
0x2a5: {  	s19 =	rddreg [dreg:$0xe]  }
0x2a6: {  	[tilespmem:s3], [sflag:$0x1] =	stream.linear.gather [hbm4b:s19+s1], $0x1000, $0x38;
	[tilespmem:$0x1AAF0] =	vst v63  }
0x2a7: {  	s24 =	rddreg [dreg:$0xf]  }
0x2a8: {  	[tilespmem:s4], [sflag:$0x1] =	stream.linear.gather [hbm4b:s24+s1], $0x1000, $0x38;
	v59 =	vpop (erf);
	[tilespmem:$0x1AAF0] =	vst v63  }
0x2a9: {  	s25 =	rddreg [dreg:$0x10];
	v22 =	vpop (erf)  }
0x2aa: {  	[tilespmem:s5], [sflag:$0x1] =	stream.linear.gather [hbm4b:s25+s1], $0x1000, $0x38;
	v23 =	vpop (erf);
	[tilespmem:$0x1AAF0] =	vst v63  }
0x2ab: {  	_ =	swait.ge [sflag:s15], $0x1000  }
0x2ac: {  	[sflag:s15] =	ssyncset.done $0x0  }
0x2ad: {  	[sflag:s15] =	ssyncadd.s32 $0xFFFFF000  }
0x2ae: {  	v25 =	vmul.f32 v5, v5;
	_ =	swait.ge [sflag:s6], $0x1000  }
0x2af: {  	v24 =	vmul.f32 $1.428571490e-01, v10;
	v16 =	vadd.f32 $1.000000000e+00, v16;
	[sflag:s6] =	ssyncset.done $0x0  }
0x2b0: {  	v13 =	vcvt.s32.f32 v13;
	v26 =	vmul.f32 $1.428571490e-01, v25;
	[sflag:s6] =	ssyncadd.s32 $0xFFFFF000  }
0x2b1: {  	v9 =	vcvt.s32.f32 v9;
	v24 =	vadd.f32 $2.000000030e-01, v24;
	v3 =	vmul.f32 v16, v3;
	_ =	swait.ge [sflag:s6], $0x1000  }
0x2b2: {  	v1 =	vshrl.u32 v1, $0x17;
	v4 =	vmul.f32 v14, v4;
	v16 =	vadd.f32 $2.000000030e-01, v26;
	[sflag:s6] =	ssyncset.done $0x0  }
0x2b3: {  	v13 =	vmul.f32 $6.931471820e-01, v13;
	v14 =	vmul.f32 v24, v10;
	v3 =	vadd.f32 v3, v3;
	[sflag:s6] =	ssyncadd.s32 $0xFFFFF000  }
0x2b4: {  	s28 =	sadd.s32 s21, s30;
	v1 =	vadd.s32 $0xFFFFFF81, v1;
	v4 =	vadd.f32 v4, v4;
	v16 =	vmul.f32 v16, v25;
	_ =	swait.ge [sflag:s6], $0x1000  }
0x2b5: {  	s22 =	simm.s32 $0x13B10;
	s23 =	sadd.s32 $0x2040, s28;
	v9 =	vmul.f32 $6.931471820e-01, v9;
	v14 =	vadd.f32 $3.333333430e-01, v14;
	v3 =	vadd.f32 v3, v13;
	[sflag:s6] =	ssyncset.done $0x0  }
0x2b6: {  	v2 =	vmul.f32 $6.931471820e-01, v2;
	v1 =	vcvt.s32.f32 v1;
	p2 =	slt.u32 s23, $0xF4240;
	v13 =	vadd.f32 $3.333333430e-01, v16;
	[sflag:s6] =	ssyncadd.s32 $0xFFFFF000  }
0x2b7: {  	v4 =	vadd.f32 v4, v9;
	v10 =	vmul.f32 v14, v10;
	v3 =	vpsel !p2, $0x0, v3;
	[tilespmem:s8], [sflag:$0x3] =	stream.indirect.gather [spmem:s29], $0x1, s4, s7, $0xb8;
	[tilespmem:$0x1AAF0] =	vst v63  }
0x2b8: {  	v12 =	vshrl.u32 v12, $0x17;
	v13 =	vmul.f32 v13, v25;
	v11 =	vadd.f32 $-1.000000000e+00, v11;
	v60 =	vld [tilespmem:s22+$0xFFFFFFF0]  }
0x2b9: {  	s20 =	simm.s32 $0x17B10;
	v12 =	vadd.s32 $0xFFFFFF81, v12;
	v10 =	vadd.f32 $1.000000000e+00, v10;
	v16 =	vadd.f32 $-1.000000000e+00, v18;
	v18 =	vld [tilespmem:s22+$0xFFFFFFE0]  }
0x2ba: {  	s21 =	sadd.s32 $0x2050, s28;
	v0 =	vadd.f32 v3, v0;
	v12 =	vcvt.s32.f32 v12;
	v11 =	vmul.f32 v59, v11;
	v9 =	vld [tilespmem:s20+$0xFFFFFFF0]  }
0x2bb: {  	p1 =	slt.u32 s21, $0xF4240;
	v3 =	vadd.f32 $1.000000000e+00, v13;
	v7 =	vmul.f32 v10, v7;
	v10 =	vmul.f32 v17, v16;
	v16 =	vld [tilespmem:s20+$0xFFFFFFE0]  }
0x2bc: {  	v1 =	vmul.f32 $6.931471820e-01, v1;
	v4 =	vpsel !p1, $0x0, v4;
	v13 =	vmul.f32 v11, v11;
	v14 =	vld [tilespmem:s22+$0x0]  }
0x2bd: {  	v8 =	vshrl.u32 v8, $0x17;
	v12 =	vmul.f32 $6.931471820e-01, v12;
	v3 =	vmul.f32 v3, v5;
	v61 =	vld [tilespmem:s20+$0x0]  }
0x2be: {  	v28 =	vmul.f32 $1.428571490e-01, v13;
	v62 =	vld [tilespmem:s20+$0x10];
	v17 =	vmul.u32 $0x6, v60;
	v31 =	vmul.u32 $0x6, v18  }
0x2bf: {  	s31 =	simm.s32 $0x19B10;
	v8 =	vadd.s32 $0xFFFFFF81, v8;
	v7 =	vadd.f32 v7, v7;
	v3 =	vadd.f32 v3, v3;
	v27 =	vld [tilespmem:s22+$0x10]  }
0x2c0: {  	v28 =	vadd.f32 $2.000000030e-01, v28;
	v29 =	vld [tilespmem:s31+$0x0];
	v9 =	vadd.s32 v9, v17;
	v16 =	vadd.s32 v16, v31  }
0x2c1: {  	v1 =	vadd.f32 v7, v1;
	v63 =	vmul.f32 v10, v10;
	v36 =	vld [tilespmem:s31+$0xFFFFFFF0];
	v31 =	vadd.s32 $0xFFFFFFFF, v16  }
0x2c2: {  	v7 =	vmul.f32 v28, v13;
	v5 =	vld [tilespmem:s31+$0xFFFFFFE0];
	v17 =	vmul.u32 $0x6, v14;
	v30 =	vadd.s32 $0xFFFFFFFF, v9  }
0x2c3: {  	s23 =	sadd.s32 $0x2060, s28;
	v4 =	vadd.f32 v4, v0;
	v8 =	vcvt.s32.f32 v8;
	v0 =	vmul.f32 $1.428571490e-01, v63;
	v24 =	vld.idx.msk [tilespmem:v60+s1+$0x0], $0xffff  }
0x2c4: {  	p6 =	slt.u32 s23, $0xF4240;
	v2 =	vadd.f32 v3, v2;
	v7 =	vadd.f32 $3.333333430e-01, v7;
	v18 =	vld.idx.msk [tilespmem:v18+s1+$0x0], $0xffff;
	v17 =	vadd.s32 v61, v17  }
0x2c5: {  	s19 =	sadd.s32 $0x2070, s28;
	v1 =	vpsel !p6, $0x0, v1;
	v0 =	vadd.f32 $2.000000030e-01, v0;
	v37 =	vadd.s32 $0xFFFFFFFF, v17;
	v9 =	vld.idx.msk [tilespmem:v9+s2+$0x0], $0xffff  }
0x2c6: {  	p2 =	slt.u32 s19, $0xF4240;
	v1 =	vadd.f32 v1, v4;
	v19 =	vadd.f32 $-1.000000000e+00, v19;
	v3 =	vmul.f32 v7, v13;
	v7 =	vld.idx.msk [tilespmem:v31+s2+$0x0], $0xffff  }
0x2c7: {  	v2 =	vpsel !p2, $0x0, v2;
	v21 =	vadd.f32 $-1.000000000e+00, v21;
	v0 =	vmul.f32 v0, v63;
	v30 =	vld.idx.msk [tilespmem:v30+s2+$0x0], $0xffff  }
0x2c8: {  	v8 =	vmul.f32 $6.931471820e-01, v8;
	v1 =	vadd.f32 v2, v1;
	v19 =	vmul.f32 v22, v19;
	v16 =	vld.idx.msk [tilespmem:v16+s2+$0x0], $0xffff  }
0x2c9: {  	v15 =	vshrl.u32 v15, $0x17;
	v38 =	vadd.f32 $3.333333430e-01, v0;
	v0 =	vmul.f32 v23, v21;
	v17 =	vld.idx.msk [tilespmem:v17+s2+$0x0], $0xffff  }
0x2ca: {  	v6 =	vshrl.u32 v6, $0x17;
	v15 =	vadd.s32 $0xFFFFFF81, v15;
	v41 =	vmul.f32 v19, v19;
	v40 =	vld.idx.msk [tilespmem:v37+s2+$0x0], $0xffff  }
0x2cb: {  	v42 =	vmul.f32 v0, v0;
	v32 =	vmul.u32 $0x6, v27;
	v14 =	vld.idx.msk [tilespmem:v14+s1+$0x0], $0xffff;
	v7 =	vsub.f32 v5, v7  }
0x2cc: {  	v43 =	vmul.f32 $1.428571490e-01, v41;
	v9 =	vsub.f32 v36, v9;
	v20 =	vsub.f32 v36, v30  }
0x2cd: {  	v39 =	vadd.s32 v62, v32;
	v5 =	vsub.f32 v5, v16;
	v7 =	vmul.f32 v7, v18  }
0x2ce: {  	v9 =	vmul.f32 v9, v24;
	v17 =	vsub.f32 v29, v17;
	v20 =	vmul.f32 v20, v24  }
0x2cf: {  	v22 =	vsub.f32 v29, v40;
	v5 =	vmul.f32 v5, v18;
	v7 =	vmax.f32 v7, $-3.000000000e+01  }
0x2d0: {  	v17 =	vmul.f32 v17, v14;
	v20 =	vmax.f32 v20, $-3.000000000e+01;
	v7 =	vsub.f32 $0.0e+00, v7  }
0x2d1: {  	v9 =	vmax.f32 v9, $-3.000000000e+01;
	v14 =	vmul.f32 v22, v14;
	v20 =	vsub.f32 $0.0e+00, v20  }
0x2d2: {  	v16 =	vadd.s32 $0xFFFFFFFF, v39;
	v9 =	vsub.f32 $0.0e+00, v9;
	v7 =	vmul.f32 $1.442695020e+00, v7  }
0x2d3: {  	v5 =	vmax.f32 v5, $-3.000000000e+01;
	v14 =	vmax.f32 v14, $-3.000000000e+01;
	v18 =	vmul.f32 $1.442695020e+00, v20  }
0x2d4: {  	v17 =	vmax.f32 v17, $-3.000000000e+01;
	v14 =	vsub.f32 $0.0e+00, v14;
	(erf) = vpow2.f32 v7;
	v7 =	vld [tilespmem:s31+$0x10]  }
0x2d5: {  	v17 =	vsub.f32 $0.0e+00, v17;
	v9 =	vmul.f32 $1.442695020e+00, v9;
	(erf) = vpow2.f32 v18;
	v18 =	vld.idx.msk [tilespmem:v39+s2+$0x0], $0xffff  }
0x2d6: {  	v13 =	vmul.f32 v38, v63;
	v5 =	vsub.f32 $0.0e+00, v5;
	v14 =	vmul.f32 $1.442695020e+00, v14  }
0x2d7: {  	v16 =	vld.idx.msk [tilespmem:v16+s2+$0x0], $0xffff;
	v17 =	vmul.f32 $1.442695020e+00, v17;
	(erf) = vpow2.f32 v9;
	v9 =	vadd.f32 $2.000000030e-01, v43  }
0x2d8: {  	v3 =	vadd.f32 $1.000000000e+00, v3;
	v5 =	vmul.f32 $1.442695020e+00, v5;
	(erf) = vpow2.f32 v14;
	v14 =	vld.idx.msk [tilespmem:v27+s1+$0x0], $0xffff  }
0x2d9: {  	v13 =	vadd.f32 $1.000000000e+00, v13;
	(erf) = vpow2.f32 v17;
	v9 =	vmul.f32 v9, v41  }
0x2da: {  	v3 =	vmul.f32 v3, v11;
	(erf) = vpow2.f32 v5;
	v11 =	vsub.f32 v7, v18  }
0x2db: {  	v5 =	vadd.s32 $0xFFFFFF81, v6;
	v6 =	vmul.f32 $1.428571490e-01, v42;
	v9 =	vadd.f32 $3.333333430e-01, v9  }
0x2dc: {  	v10 =	vmul.f32 v13, v10;
	v3 =	vadd.f32 v3, v3;
	v7 =	vsub.f32 v7, v16  }
0x2dd: {  	v6 =	vadd.f32 $2.000000030e-01, v6;
	v4 =	vmul.f32 v9, v41;
	v9 =	vmul.f32 v11, v14  }
0x2de: {  	v10 =	vadd.f32 v10, v10;
	v3 =	vadd.f32 v3, v8;
	v7 =	vmul.f32 v7, v14;
	v11 =	vpop (erf)  }
0x2df: {  	v5 =	vcvt.s32.f32 v5;
	v6 =	vmul.f32 v6, v42;
	v9 =	vmax.f32 v9, $-3.000000000e+01;
	v13 =	vpop (erf)  }
0x2e0: {  	v4 =	vadd.f32 $1.000000000e+00, v4;
	v7 =	vmax.f32 v7, $-3.000000000e+01;
	v9 =	vsub.f32 $0.0e+00, v9;
	v14 =	vpop (erf)  }
0x2e1: {  	v5 =	vmul.f32 $6.931471820e-01, v5;
	v7 =	vsub.f32 $0.0e+00, v7;
	v45 =	vadd.f32 $1.000000000e+00, v11;
	v16 =	vpop (erf)  }
0x2e2: {  	v6 =	vadd.f32 $3.333333430e-01, v6;
	v4 =	vmul.f32 v4, v19;
	v19 =	vadd.f32 $1.000000000e+00, v13;
	v17 =	vpop (erf)  }
0x2e3: {  	v9 =	vmul.f32 $1.442695020e+00, v9;
	v18 =	vadd.f32 $1.000000000e+00, v14;
	v7 =	vmul.f32 $1.442695020e+00, v7;
	v44 =	vpop (erf)  }
0x2e4: {  	s18 =	sadd.s32 s18, s30;
	v2 =	vmul.f32 v6, v42;
	v6 =	vadd.f32 v10, v12;
	v46 =	vadd.f32 $1.000000000e+00, v44  }
0x2e5: {  	s25 =	sadd.s32 $0x2040, s18;
	v4 =	vadd.f32 v4, v4;
	(erf) = vpow2.f32 v9;
	v9 =	vmul.f32 v18, v19  }
0x2e6: {  	p3 =	slt.u32 s25, $0xF4240;
	s19 =	simm.s32 $0x17B50;
	v2 =	vadd.f32 $1.000000000e+00, v2;
	(erf) = vpow2.f32 v7;
	v7 =	vmul.f32 v46, v45  }
0x2e7: {  	s24 =	simm.s32 $0x13B50;
	v12 =	vld [tilespmem:s19+$0xFFFFFFF0];
	v6 =	vpsel !p3, $0x0, v6;
	v10 =	vadd.f32 $1.000000000e+00, v17;
	(erf) = vrcp.f32 v9  }
0x2e8: {  	s28 =	sadd.s32 $0x2050, s18;
	v9 =	vadd.f32 $1.000000000e+00, v16;
	v0 =	vmul.f32 v2, v0;
	v2 =	vld [tilespmem:s24+$0x0];
	(erf) = vrcp.f32 v7  }
0x2e9: {  	p4 =	slt.u32 s28, $0xF4240;
	v15 =	vcvt.s32.f32 v15;
	v1 =	vadd.f32 v6, v1;
	v7 =	vld [tilespmem:s24+$0xFFFFFFF0]  }
0x2ea: {  	v3 =	vpsel !p4, $0x0, v3;
	s31 =	sadd.s32 $0x2060, s18;
	v4 =	vadd.f32 v4, v5;
	v5 =	vmul.f32 v10, v9;
	v9 =	vld [tilespmem:s24+$0xFFFFFFE0]  }
0x2eb: {  	s20 =	simm.s32 $0x19B50;
	p5 =	slt.u32 s31, $0xF4240;
	v1 =	vadd.f32 v3, v1;
	v3 =	vld [tilespmem:s19+$0x0]  }
0x2ec: {  	v49 =	vld [tilespmem:s20+$0xFFFFFFF0];
	v4 =	vpsel !p5, $0x0, v4  }
0x2ed: {  	v8 =	vld [tilespmem:s19+$0xFFFFFFE0];
	v6 =	vmul.f32 $6.931471820e-01, v15;
	v0 =	vadd.f32 v0, v0  }
0x2ee: {  	v18 =	vld [tilespmem:s20+$0x0];
	v11 =	vsub.f32 v44, v11;
	v47 =	vmul.u32 $0x6, v2;
	v15 =	vpop (erf);
	v10 =	vmul.u32 $0x6, v7  }
0x2ef: {  	s18 =	sadd.s32 $0x2070, s18;
	v1 =	vadd.f32 v4, v1;
	(erf) = vrcp.f32 v5;
	v5 =	vld [tilespmem:s19+$0x10];
	v0 =	vadd.f32 v0, v6;
	v4 =	vpop (erf)  }
0x2f0: {  	p6 =	slt.u32 s18, $0xF4240;
	v6 =	vld [tilespmem:s24+$0x10];
	v50 =	vmul.u32 $0x6, v9;
	v3 =	vadd.s32 v3, v47;
	v10 =	vadd.s32 v12, v10;
	v12 =	vpop (erf)  }
0x2f1: {  	v0 =	vpsel !p6, $0x0, v0;
	v2 =	vld.idx.msk [tilespmem:v2+s1+$0x0], $0xffff;
	v48 =	vpop (erf)  }
0x2f2: {  	v0 =	vadd.f32 v0, v1;
	v8 =	vadd.s32 v8, v50;
	v9 =	vld.idx.msk [tilespmem:v9+s1+$0x0], $0xffff;
	v1 =	vmul.f32 v48, v11  }
0x2f3: {  	v7 =	vld.idx.msk [tilespmem:v7+s1+$0x0], $0xffff;
	v11 =	vsub.f32 v14, v13;
	v14 =	vadd.s32 $0xFFFFFFFF, v3  }
0x2f4: {  	v13 =	vld [tilespmem:s20+$0xFFFFFFE0];
	v21 =	vmax.f32 v1, $9.999999910e-38;
	v1 =	vadd.s32 $0xFFFFFFFF, v8  }
0x2f5: {  	v51 =	vadd.f32 $1.000000000e+00, v15;
	v52 =	vadd.f32 $1.000000000e+00, v4;
	v19 =	vadd.s32 $0xFFFFFFFF, v10;
	v3 =	vld.idx.msk [tilespmem:v3+s2+$0x0], $0xffff  }
0x2f6: {  	v15 =	vsub.f32 v15, v4;
	v4 =	vsub.f32 v17, v16;
	v17 =	vmul.u32 $0x6, v6;
	v10 =	vld.idx.msk [tilespmem:v10+s2+$0x0], $0xffff  }
0x2f7: {  	v11 =	vmul.f32 v12, v11;
	v8 =	vld.idx.msk [tilespmem:v8+s2+$0x0], $0xffff;
	v12 =	vand.u32 $0x7FFFFF, v21  }
0x2f8: {  	v20 =	vmul.f32 v51, v52;
	v5 =	vadd.s32 v5, v17;
	v12 =	vor.u32 $0x3F800000, v12;
	v14 =	vld.idx.msk [tilespmem:v14+s2+$0x0], $0xffff  }
0x2f9: {  	v54 =	vadd.s32 $0xFFFFFFFF, v5;
	v16 =	vpop (erf);
	v11 =	vmax.f32 v11, $9.999999910e-38;
	v53 =	vadd.f32 $1.000000000e+00, v12;
	v17 =	vld.idx.msk [tilespmem:v1+s2+$0x0], $0xffff  }
0x2fa: {  	v4 =	vmul.f32 v16, v4;
	v19 =	vld.idx.msk [tilespmem:v19+s2+$0x0], $0xffff;
	v16 =	vand.u32 $0x7FFFFF, v11;
	v12 =	vadd.f32 $-1.000000000e+00, v12  }
0x2fb: {  	v3 =	vsub.f32 v18, v3;
	v16 =	vor.u32 $0x3F800000, v16;
	(erf) = vrcp.f32 v53  }
0x2fc: {  	v1 =	vmax.f32 v4, $9.999999910e-38;
	v4 =	vadd.f32 $1.000000000e+00, v16;
	v10 =	vsub.f32 v49, v10  }
0x2fd: {  	v3 =	vmul.f32 v3, v2;
	v8 =	vsub.f32 v13, v8;
	(erf) = vrcp.f32 v20  }
0x2fe: {  	(erf) = vrcp.f32 v4;
	v14 =	vsub.f32 v18, v14;
	v17 =	vsub.f32 v13, v17  }
0x2ff: {  	v4 =	vsub.f32 v49, v19;
	v10 =	vmul.f32 v10, v7;
	v8 =	vmul.f32 v8, v9  }
0x300: {  	v5 =	vld.idx.msk [tilespmem:v5+s2+$0x0], $0xffff;
	v3 =	vmax.f32 v3, $-3.000000000e+01;
	v2 =	vmul.f32 v14, v2;
	v14 =	vmul.f32 v17, v9  }
0x301: {  	v16 =	vadd.f32 $-1.000000000e+00, v16;
	v18 =	vld [tilespmem:s20+$0x10];
	v3 =	vsub.f32 $0.0e+00, v3;
	v4 =	vmul.f32 v4, v7  }
0x302: {  	v7 =	vmax.f32 v10, $-3.000000000e+01;
	v10 =	vld.idx.msk [tilespmem:v54+s2+$0x0], $0xffff;
	v8 =	vmax.f32 v8, $-3.000000000e+01;
	v14 =	vmax.f32 v14, $-3.000000000e+01  }
0x303: {  	v6 =	vld.idx.msk [tilespmem:v6+s1+$0x0], $0xffff;
	v7 =	vsub.f32 $0.0e+00, v7;
	v4 =	vmax.f32 v4, $-3.000000000e+01;
	v14 =	vsub.f32 $0.0e+00, v14  }
0x304: {  	v19 =	vmul.f32 $1.442695020e+00, v3;
	v2 =	vmax.f32 v2, $-3.000000000e+01;
	v4 =	vsub.f32 $0.0e+00, v4  }
0x305: {  	v7 =	vmul.f32 $1.442695020e+00, v7;
	v2 =	vsub.f32 $0.0e+00, v2;
	v17 =	vpop (erf);
	v14 =	vmul.f32 $1.442695020e+00, v14  }
0x306: {  	v5 =	vsub.f32 v18, v5;
	v13 =	vmul.f32 $1.442695020e+00, v4;
	v3 =	vmul.f32 v17, v12  }
0x307: {  	v10 =	vsub.f32 v18, v10;
	v2 =	vmul.f32 $1.442695020e+00, v2;
	(erf) = vpow2.f32 v14  }
0x308: {  	v8 =	vsub.f32 $0.0e+00, v8;
	v12 =	vpop (erf);
	v5 =	vmul.f32 v5, v6;
	(erf) = vpow2.f32 v13  }
0x309: {  	v55 =	vand.u32 $0x7FFFFF, v1;
	v4 =	vpop (erf);
	v6 =	vmul.f32 v10, v6;
	(erf) = vpow2.f32 v7  }
0x30a: {  	v56 =	vor.u32 $0x3F800000, v55;
	v8 =	vmul.f32 $1.442695020e+00, v8;
	v5 =	vmax.f32 v5, $-3.000000000e+01  }
0x30b: {  	(erf) = vpow2.f32 v2;
	v2 =	vmax.f32 v6, $-3.000000000e+01;
	v6 =	vmul.f32 v12, v15  }
0x30c: {  	v4 =	vmul.f32 v4, v16;
	v10 =	vmul.f32 v3, v3;
	v5 =	vsub.f32 $0.0e+00, v5  }
0x30d: {  	v7 =	vadd.f32 $1.000000000e+00, v56;
	(erf) = vpow2.f32 v19;
	v6 =	vmax.f32 v6, $9.999999910e-38  }
0x30e: {  	v2 =	vsub.f32 $0.0e+00, v2;
	(erf) = vpow2.f32 v8;
	v8 =	vand.u32 $0x7FFFFF, v6  }
0x30f: {  	v9 =	vshrl.u32 v11, $0x17;
	v11 =	vmul.f32 v4, v4;
	v5 =	vmul.f32 $1.442695020e+00, v5  }
0x310: {  	v9 =	vadd.s32 $0xFFFFFF81, v9;
	(erf) = vrcp.f32 v7;
	v2 =	vmul.f32 $1.442695020e+00, v2;
	v12 =	vpop (erf)  }
0x311: {  	v7 =	vmul.f32 $1.428571490e-01, v11;
	(erf) = vpow2.f32 v5;
	v14 =	vor.u32 $0x3F800000, v8;
	v8 =	vpop (erf)  }
0x312: {  	v5 =	vmul.f32 $1.428571490e-01, v10;
	(erf) = vpow2.f32 v2;
	v2 =	vadd.f32 $1.000000000e+00, v14;
	v13 =	vpop (erf)  }
0x313: {  	v16 =	vadd.f32 $-1.000000000e+00, v56;
	v6 =	vshrl.u32 v6, $0x17;
	v17 =	vadd.f32 $1.000000000e+00, v13  }
0x314: {  	v7 =	vadd.f32 $2.000000030e-01, v7;
	v5 =	vadd.f32 $2.000000030e-01, v5;
	(erf) = vrcp.f32 v2  }
0x315: {  	v19 =	vshrl.u32 v21, $0x17;
	v6 =	vadd.s32 $0xFFFFFF81, v6;
	v2 =	vadd.f32 $1.000000000e+00, v8;
	v18 =	vpop (erf)  }
0x316: {  	v15 =	vadd.f32 $1.000000000e+00, v12;
	v7 =	vmul.f32 v7, v11;
	v5 =	vmul.f32 v5, v10;
	v58 =	vpop (erf)  }
0x317: {  	v8 =	vsub.f32 v13, v8;
	v57 =	vadd.f32 $1.000000000e+00, v18;
	v2 =	vmul.f32 v17, v2;
	v17 =	vpop (erf)  }
0x318: {  	v13 =	vadd.s32 $0xFFFFFF81, v19;
	v63 =	vadd.f32 $3.333333430e-01, v5;
	v19 =	vadd.f32 $1.000000000e+00, v17  }
0x319: {  	v59 =	vadd.f32 $1.000000000e+00, v58;
	(erf) = vrcp.f32 v2;
	v2 =	vcvt.s32.f32 v6;
	v60 =	vpop (erf)  }
0x31a: {  	v12 =	vsub.f32 v17, v12;
	v17 =	vadd.f32 $3.333333430e-01, v7;
	v6 =	vmul.f32 v19, v15;
	v15 =	vpop (erf)  }
0x31b: {  	v7 =	vmul.f32 v60, v16;
	v19 =	vadd.f32 $-1.000000000e+00, v14;
	v14 =	vmul.f32 v59, v57;
	v62 =	vpop (erf)  }
0x31c: {  	v61 =	vadd.f32 $1.000000000e+00, v15;
	v16 =	vadd.f32 $1.000000000e+00, v62;
	(erf) = vrcp.f32 v6  }
0x31d: {  	v17 =	vmul.f32 v17, v11;
	v6 =	vsub.f32 v15, v62;
	v5 =	vpop (erf);
	(erf) = vrcp.f32 v14  }
0x31e: {  	s21 =	simm.s32 $0xFFFFFFC0;
	v15 =	vsub.f32 v58, v18;
	v5 =	vmul.f32 v5, v19;
	v11 =	vmul.f32 v61, v16  }
0x31f: {  	s23 =	simm.s32 $0x13B90;
	s22 =	simm.s32 $0x40;
	s18 =	simm.s32 $0x0;
	v14 =	vadd.f32 $1.000000000e+00, v17;
	v16 =	vmul.f32 v63, v10;
	v10 =	vmul.f32 v7, v7  }
.LBB2_8:
0x320: {  	s20 =	sadd.s32 $0x40, s20  }
0x321: {  	v17 =	vld [tilespmem:s23+$0xFFFFFFF0];
	s19 =	sadd.s32 $0x40, s19;
	v13 =	vcvt.s32.f32 v13;
	v1 =	vshrl.u32 v1, $0x17;
	v18 =	vmul.f32 v5, v5;
	s24 =	smov.u32 s22;
	s22 =	sadd.s32 $0x40, s22  }
0x322: {  	v9 =	vcvt.s32.f32 v9;
	v19 =	vld [tilespmem:s19+$0xFFFFFFE0];
	p1 =	slt.u32 s22, $0xFC0;
	v16 =	vadd.f32 $1.000000000e+00, v16;
	v20 =	vmul.f32 $1.428571490e-01, v10  }
0x323: {  	v4 =	vmul.f32 v14, v4;
	v1 =	vadd.s32 $0xFFFFFF81, v1;
	v21 =	vld [tilespmem:s19+$0x0];
	v22 =	vpop (erf);
	v14 =	vmul.f32 $1.428571490e-01, v18  }
0x324: {  	v13 =	vmul.f32 $6.931471820e-01, v13;
	v23 =	vld [tilespmem:s19+$0x10];
	v16 =	vmul.f32 v16, v3;
	v20 =	vadd.f32 $2.000000030e-01, v20  }
0x325: {  	v1 =	vcvt.s32.f32 v1;
	v8 =	vmul.f32 v22, v8;
	v3 =	vld [tilespmem:s23+$0x10]  }
0x326: {  	v26 =	vmul.f32 $6.931471820e-01, v9;
	v22 =	vld [tilespmem:s19+$0xFFFFFFF0];
	v24 =	vmul.u32 $0x6, v17;
	v25 =	vpop (erf);
	v20 =	vmul.f32 v20, v10  }
0x327: {  	v28 =	vmul.f32 $6.931471820e-01, v1;
	v1 =	vadd.f32 $2.000000030e-01, v14;
	v27 =	vld [tilespmem:s23+$0x0];
	v12 =	vmul.f32 v25, v12;
	v25 =	vpop (erf)  }
0x328: {  	v9 =	vmax.f32 v8, $9.999999910e-38;
	v16 =	vadd.f32 v16, v16;
	v14 =	vld [tilespmem:s23+$0xFFFFFFE0];
	v15 =	vmul.f32 v25, v15  }
0x329: {  	v4 =	vadd.f32 v4, v4;
	v25 =	vld [tilespmem:s20+$0x0];
	v8 =	vmax.f32 v12, $9.999999910e-38;
	v12 =	vand.u32 $0x7FFFFF, v9  }
0x32a: {  	v20 =	vadd.f32 $3.333333430e-01, v20;
	v29 =	vld [tilespmem:s20+$0xFFFFFFF0];
	v30 =	vmul.u32 $0x6, v3;
	v31 =	vand.u32 $0x7FFFFF, v8  }
0x32b: {  	v13 =	vadd.f32 v16, v13;
	v22 =	vadd.s32 v22, v24;
	v24 =	vld [tilespmem:s20+$0x10];
	v31 =	vor.u32 $0x3F800000, v31  }
0x32c: {  	v33 =	vmul.f32 v1, v18;
	v16 =	vld.idx.msk [tilespmem:v17+s1+$0x0], $0xffff;
	v17 =	vadd.s32 $0xFFFFFFFF, v22;
	v32 =	vmul.u32 $0x6, v27  }
0x32d: {  	s25 =	sadd.s32 s21, s30;
	s21 =	smov.u32 s18;
	s18 =	smov.u32 s24;
	v10 =	vmul.f32 v20, v10;
	v23 =	vadd.s32 v23, v30;
	v1 =	vmul.u32 $0x6, v14  }
0x32e: {  	s28 =	sadd.s32 $0x3040, s25;
	s24 =	sadd.s32 $0x3050, s25;
	s31 =	sadd.s32 $0x3060, s25;
	v4 =	vadd.f32 v4, v26;
	v20 =	vadd.s32 v21, v32;
	v21 =	vadd.s32 $0xFFFFFFFF, v23  }
0x32f: {  	p2 =	slt.u32 s24, $0xF4240;
	s24 =	sadd.s32 $0x3070, s25;
	v10 =	vadd.f32 $1.000000000e+00, v10;
	v19 =	vadd.s32 v19, v1;
	v26 =	vld [tilespmem:s20+$0xFFFFFFE0];
	v30 =	vadd.s32 $0xFFFFFFFF, v20  }
0x330: {  	p3 =	slt.u32 s28, $0xF4240;
	v4 =	vpsel !p2, $0x0, v4;
	v34 =	vadd.f32 $1.000000000e+00, v31;
	v32 =	vadd.s32 $0xFFFFFFFF, v19;
	v22 =	vld.idx.msk [tilespmem:v22+s2+$0x0], $0xffff  }
0x331: {  	v13 =	vpsel !p3, $0x0, v13;
	v1 =	vmax.f32 v15, $9.999999910e-38;
	v15 =	vadd.f32 $3.333333430e-01, v33;
	v17 =	vld.idx.msk [tilespmem:v17+s2+$0x0], $0xffff  }
0x332: {  	v12 =	vor.u32 $0x3F800000, v12;
	v7 =	vmul.f32 v10, v7;
	v27 =	vld.idx.msk [tilespmem:v27+s1+$0x0], $0xffff;
	(erf) = vrcp.f32 v34  }
0x333: {  	v33 =	vand.u32 $0x7FFFFF, v1;
	v15 =	vmul.f32 v15, v18;
	v10 =	vld.idx.msk [tilespmem:v20+s2+$0x0], $0xffff;
	v20 =	vadd.f32 $1.000000000e+00, v12  }
0x334: {  	v0 =	vadd.f32 v13, v0;
	v7 =	vadd.f32 v7, v7;
	v18 =	vld.idx.msk [tilespmem:v30+s2+$0x0], $0xffff;
	v30 =	vor.u32 $0x3F800000, v33  }
0x335: {  	v2 =	vmul.f32 $6.931471820e-01, v2;
	v31 =	vadd.f32 $-1.000000000e+00, v31;
	v15 =	vadd.f32 $1.000000000e+00, v15;
	v13 =	vld.idx.msk [tilespmem:v32+s2+$0x0], $0xffff  }
0x336: {  	v0 =	vadd.f32 v4, v0;
	v22 =	vsub.f32 v29, v22;
	v19 =	vld.idx.msk [tilespmem:v19+s2+$0x0], $0xffff;
	(erf) = vrcp.f32 v11  }
0x337: {  	v7 =	vadd.f32 v7, v28;
	v11 =	vsub.f32 v29, v17;
	v4 =	vld.idx.msk [tilespmem:v14+s1+$0x0], $0xffff;
	(erf) = vrcp.f32 v20  }
0x338: {  	p2 =	slt.u32 s31, $0xF4240;
	v12 =	vadd.f32 $-1.000000000e+00, v12;
	v5 =	vmul.f32 v15, v5;
	v14 =	vmul.f32 v22, v16  }
0x339: {  	v7 =	vpsel !p2, $0x0, v7;
	v11 =	vmul.f32 v11, v16;
	v10 =	vsub.f32 v25, v10  }
0x33a: {  	v5 =	vadd.f32 v5, v5;
	v14 =	vmax.f32 v14, $-3.000000000e+01;
	v15 =	vsub.f32 v25, v18  }
0x33b: {  	v0 =	vadd.f32 v7, v0;
	v13 =	vsub.f32 v26, v13;
	v10 =	vmul.f32 v10, v27;
	v16 =	vpop (erf)  }
0x33c: {  	p2 =	slt.u32 s24, $0xF4240;
	v2 =	vadd.f32 v5, v2;
	v7 =	vmax.f32 v11, $-3.000000000e+01;
	v11 =	vmul.f32 v15, v27;
	v15 =	vld.idx.msk [tilespmem:v21+s2+$0x0], $0xffff  }
0x33d: {  	v7 =	vsub.f32 $0.0e+00, v7;
	v5 =	vmul.f32 v13, v4;
	v10 =	vmax.f32 v10, $-3.000000000e+01;
	v13 =	vld.idx.msk [tilespmem:v23+s2+$0x0], $0xffff  }
0x33e: {  	v2 =	vpsel !p2, $0x0, v2;
	v11 =	vmax.f32 v11, $-3.000000000e+01;
	v20 =	vsub.f32 $0.0e+00, v10  }
0x33f: {  	v0 =	vadd.f32 v2, v0;
	v5 =	vmax.f32 v5, $-3.000000000e+01;
	v11 =	vsub.f32 $0.0e+00, v11;
	v17 =	vld.idx.msk [tilespmem:v3+s1+$0x0], $0xffff;
	v18 =	vpop (erf)  }
0x340: {  	v2 =	vsub.f32 $0.0e+00, v5;
	v5 =	vmul.f32 $1.442695020e+00, v20;
	v3 =	vmul.f32 v16, v31;
	v10 =	vpop (erf)  }
0x341: {  	v7 =	vmul.f32 $1.442695020e+00, v7;
	v16 =	vsub.f32 v26, v19;
	v11 =	vmul.f32 $1.442695020e+00, v11  }
0x342: {  	v14 =	vsub.f32 $0.0e+00, v14;
	v2 =	vmul.f32 $1.442695020e+00, v2;
	v15 =	vsub.f32 v24, v15  }
0x343: {  	v16 =	vmul.f32 v16, v4;
	v4 =	vmul.f32 v10, v12;
	v13 =	vsub.f32 v24, v13  }
0x344: {  	v10 =	vmul.f32 $1.442695020e+00, v14;
	(erf) = vpow2.f32 v2;
	v2 =	vshrl.u32 v9, $0x17  }
0x345: {  	v9 =	vmax.f32 v16, $-3.000000000e+01;
	v12 =	vmul.f32 v13, v17;
	(erf) = vpow2.f32 v7  }
0x346: {  	v7 =	vsub.f32 $0.0e+00, v9;
	v9 =	vadd.f32 $1.000000000e+00, v30;
	(erf) = vpow2.f32 v10  }
0x347: {  	v16 =	vmul.f32 v3, v3;
	v10 =	vmul.f32 v15, v17;
	v12 =	vmax.f32 v12, $-3.000000000e+01  }
0x348: {  	v7 =	vmul.f32 $1.442695020e+00, v7;
	v12 =	vsub.f32 $0.0e+00, v12;
	(erf) = vpow2.f32 v11  }
0x349: {  	v10 =	vmax.f32 v10, $-3.000000000e+01;
	(erf) = vpow2.f32 v5;
	v5 =	vmul.f32 v18, v6  }
0x34a: {  	v6 =	vsub.f32 $0.0e+00, v10;
	v10 =	vmul.f32 v4, v4;
	(erf) = vpow2.f32 v7  }
0x34b: {  	v7 =	vmul.f32 $1.442695020e+00, v12;
	v5 =	vmax.f32 v5, $9.999999910e-38;
	(erf) = vrcp.f32 v9  }
0x34c: {  	v6 =	vmul.f32 $1.442695020e+00, v6;
	v11 =	vmul.f32 $1.428571490e-01, v10;
	v9 =	vand.u32 $0x7FFFFF, v5  }
0x34d: {  	v12 =	vpop (erf);
	(erf) = vpow2.f32 v7;
	v7 =	vmul.f32 $1.428571490e-01, v16;
	v14 =	vor.u32 $0x3F800000, v9  }
0x34e: {  	v15 =	vadd.f32 $1.000000000e+00, v12;
	v13 =	vpop (erf);
	(erf) = vpow2.f32 v6;
	v6 =	vadd.f32 $1.000000000e+00, v14  }
0x34f: {  	v9 =	vadd.s32 $0xFFFFFF81, v2;
	v2 =	vadd.f32 $2.000000030e-01, v11;
	v11 =	vadd.f32 $-1.000000000e+00, v30;
	v17 =	vpop (erf)  }
0x350: {  	v7 =	vadd.f32 $2.000000030e-01, v7;
	v22 =	vadd.f32 $1.000000000e+00, v17;
	(erf) = vrcp.f32 v6  }
0x351: {  	v20 =	vshrl.u32 v8, $0x17;
	v5 =	vshrl.u32 v5, $0x17;
	v6 =	vadd.f32 $1.000000000e+00, v13;
	v19 =	vpop (erf)  }
0x352: {  	v5 =	vadd.s32 $0xFFFFFF81, v5;
	v8 =	vsub.f32 v17, v13;
	v17 =	vadd.f32 $1.000000000e+00, v19;
	v21 =	vpop (erf)  }
0x353: {  	v13 =	vadd.s32 $0xFFFFFF81, v20;
	v20 =	vmul.f32 v7, v16;
	v25 =	vmul.f32 v22, v6;
	v18 =	vpop (erf)  }
0x354: {  	v23 =	vmul.f32 v2, v10;
	v26 =	vadd.f32 $1.000000000e+00, v21;
	v7 =	vadd.f32 $1.000000000e+00, v18;
	v24 =	vpop (erf)  }
0x355: {  	v2 =	vcvt.s32.f32 v5;
	v12 =	vsub.f32 v18, v12;
	(erf) = vrcp.f32 v25  }
0x356: {  	v23 =	vadd.f32 $3.333333430e-01, v23;
	v18 =	vadd.f32 $-1.000000000e+00, v14;
	v5 =	vmul.f32 v7, v15;
	v6 =	vpop (erf)  }
.Ltmp3:
0x357: {  	v14 =	vmul.f32 v26, v17;
	v7 =	vmul.f32 v24, v11;
	v17 =	vadd.f32 $1.000000000e+00, v6;
	v22 =	vpop (erf);
	(pc) =	sbr.rel @p1 .LBB2_8-.Ltmp3, $4  }
0x358: {  	v11 =	vadd.f32 $1.000000000e+00, v22;
	(erf) = vrcp.f32 v5;
	v5 =	vmul.f32 v23, v10  }
0x359: {  	v6 =	vsub.f32 v6, v22;
	v10 =	vadd.f32 $3.333333430e-01, v20;
	(erf) = vrcp.f32 v14;
	v15 =	vpop (erf)  }
0x35a: {  	v11 =	vmul.f32 v17, v11;
	v14 =	vadd.f32 $1.000000000e+00, v5;
	v5 =	vmul.f32 v15, v18  }
0x35b: {  	s23 =	sadd.s32 $0x40, s23;
	v15 =	vsub.f32 v21, v19;
	v16 =	vmul.f32 v10, v16;
	v10 =	vmul.f32 v7, v7  }
0x35c: {  	_ =	sdelay $0x3  }
0x35d: {  	v17 =	vpop (erf)  }
0x35e: {  	v18 =	vpop (erf)  }
0x35f: {  	v12 =	vmul.f32 v18, v12;
	_ =	sdelay $0x1  }
0x360: {  	v12 =	vmax.f32 v12, $9.999999910e-38  }
0x361: {  	v18 =	vand.u32 $0x7FFFFF, v12  }
0x362: {  	v18 =	vor.u32 $0x3F800000, v18  }
0x363: {  	v19 =	vadd.f32 $1.000000000e+00, v18;
	_ =	sdelay $0x1  }
0x364: {  	(erf) = vrcp.f32 v19  }
0x365: {  	(erf) = vrcp.f32 v11;
	_ =	sdelay $0x6  }
0x366: {  	v11 =	vpop (erf)  }
0x367: {  	v8 =	vmul.f32 v17, v8;
	v17 =	vpop (erf)  }
0x368: {  	v11 =	vmul.f32 v11, v15;
	v15 =	vpop (erf)  }
0x369: {  	v8 =	vmax.f32 v8, $9.999999910e-38;
	v15 =	vmul.f32 v15, v6  }
0x36a: {  	v19 =	vand.u32 $0x7FFFFF, v8;
	v6 =	vmax.f32 v11, $9.999999910e-38  }
0x36b: {  	v11 =	vor.u32 $0x3F800000, v19;
	v19 =	vand.u32 $0x7FFFFF, v6;
	v15 =	vmax.f32 v15, $9.999999910e-38  }
0x36c: {  	v20 =	vadd.f32 $1.000000000e+00, v11;
	v19 =	vor.u32 $0x3F800000, v19;
	v21 =	vand.u32 $0x7FFFFF, v15  }
0x36d: {  	v22 =	vadd.f32 $1.000000000e+00, v19;
	v21 =	vor.u32 $0x3F800000, v21  }
0x36e: {  	(erf) = vrcp.f32 v20;
	v58 =	vadd.f32 $1.000000000e+00, v21  }
0x36f: {  	(erf) = vrcp.f32 v22  }
0x370: {  	(erf) = vrcp.f32 v58;
	_ =	sdelay $0x3  }
0x371: {  	s19 =	rddreg [dreg:$0x11]  }
0x372: {  	[tilespmem:s9], [sflag:$0x2] =	stream.linear.gather [hbm4b:s19+s1], $0x1000, $0x38;
	[tilespmem:$0x1AAF0] =	vst v63  }
0x373: {  	s24 =	rddreg [dreg:$0x12]  }
0x374: {  	[tilespmem:s10], [sflag:$0x2] =	stream.linear.gather [hbm4b:s24+s1], $0x1000, $0x38;
	v59 =	vpop (erf);
	[tilespmem:$0x1AAF0] =	vst v63  }
0x375: {  	s25 =	rddreg [dreg:$0x13];
	v22 =	vpop (erf)  }
0x376: {  	[tilespmem:s11], [sflag:$0x2] =	stream.linear.gather [hbm4b:s25+s1], $0x1000, $0x38;
	v23 =	vpop (erf);
	[tilespmem:$0x1AAF0] =	vst v63  }
0x377: {  	_ =	swait.ge [sflag:s12], $0x1000  }
0x378: {  	[sflag:s12] =	ssyncset.done $0x0  }
0x379: {  	[sflag:s12] =	ssyncadd.s32 $0xFFFFF000  }
0x37a: {  	v25 =	vmul.f32 v5, v5;
	_ =	swait.ge [sflag:s13], $0x1000  }
0x37b: {  	v24 =	vmul.f32 $1.428571490e-01, v10;
	v16 =	vadd.f32 $1.000000000e+00, v16;
	[sflag:s13] =	ssyncset.done $0x0  }
0x37c: {  	v13 =	vcvt.s32.f32 v13;
	v26 =	vmul.f32 $1.428571490e-01, v25;
	[sflag:s13] =	ssyncadd.s32 $0xFFFFF000  }
0x37d: {  	v9 =	vcvt.s32.f32 v9;
	v24 =	vadd.f32 $2.000000030e-01, v24;
	v3 =	vmul.f32 v16, v3;
	_ =	swait.ge [sflag:s13], $0x1000  }
0x37e: {  	v1 =	vshrl.u32 v1, $0x17;
	v4 =	vmul.f32 v14, v4;
	v16 =	vadd.f32 $2.000000030e-01, v26;
	[sflag:s13] =	ssyncset.done $0x0  }
0x37f: {  	v13 =	vmul.f32 $6.931471820e-01, v13;
	v14 =	vmul.f32 v24, v10;
	v3 =	vadd.f32 v3, v3;
	[sflag:s13] =	ssyncadd.s32 $0xFFFFF000  }
0x380: {  	s28 =	sadd.s32 s21, s30;
	v1 =	vadd.s32 $0xFFFFFF81, v1;
	v4 =	vadd.f32 v4, v4;
	v16 =	vmul.f32 v16, v25;
	_ =	swait.ge [sflag:s13], $0x1000  }
0x381: {  	s22 =	simm.s32 $0x12B10;
	s23 =	sadd.s32 $0x3040, s28;
	v9 =	vmul.f32 $6.931471820e-01, v9;
	v14 =	vadd.f32 $3.333333430e-01, v14;
	v3 =	vadd.f32 v3, v13;
	[sflag:s13] =	ssyncset.done $0x0  }
0x382: {  	v2 =	vmul.f32 $6.931471820e-01, v2;
	v1 =	vcvt.s32.f32 v1;
	p2 =	slt.u32 s23, $0xF4240;
	v13 =	vadd.f32 $3.333333430e-01, v16;
	[sflag:s13] =	ssyncadd.s32 $0xFFFFF000  }
0x383: {  	v4 =	vadd.f32 v4, v9;
	v10 =	vmul.f32 v14, v10;
	v3 =	vpsel !p2, $0x0, v3;
	[tilespmem:s14], [sflag:$0x4] =	stream.indirect.gather [spmem:s29], $0x1, s10, s7, $0xb8;
	[tilespmem:$0x1AAF0] =	vst v63  }
0x384: {  	v12 =	vshrl.u32 v12, $0x17;
	v13 =	vmul.f32 v13, v25;
	v11 =	vadd.f32 $-1.000000000e+00, v11;
	v60 =	vld [tilespmem:s22+$0xFFFFFFF0]  }
0x385: {  	s20 =	simm.s32 $0x16B10;
	v12 =	vadd.s32 $0xFFFFFF81, v12;
	v10 =	vadd.f32 $1.000000000e+00, v10;
	v16 =	vadd.f32 $-1.000000000e+00, v18;
	v18 =	vld [tilespmem:s22+$0xFFFFFFE0]  }
0x386: {  	s21 =	sadd.s32 $0x3050, s28;
	v0 =	vadd.f32 v3, v0;
	v12 =	vcvt.s32.f32 v12;
	v11 =	vmul.f32 v59, v11;
	v9 =	vld [tilespmem:s20+$0xFFFFFFF0]  }
0x387: {  	p1 =	slt.u32 s21, $0xF4240;
	v3 =	vadd.f32 $1.000000000e+00, v13;
	v7 =	vmul.f32 v10, v7;
	v10 =	vmul.f32 v17, v16;
	v16 =	vld [tilespmem:s20+$0xFFFFFFE0]  }
0x388: {  	v1 =	vmul.f32 $6.931471820e-01, v1;
	v4 =	vpsel !p1, $0x0, v4;
	v13 =	vmul.f32 v11, v11;
	v14 =	vld [tilespmem:s22+$0x0]  }
0x389: {  	v8 =	vshrl.u32 v8, $0x17;
	v12 =	vmul.f32 $6.931471820e-01, v12;
	v3 =	vmul.f32 v3, v5;
	v61 =	vld [tilespmem:s20+$0x0]  }
0x38a: {  	v28 =	vmul.f32 $1.428571490e-01, v13;
	v62 =	vld [tilespmem:s20+$0x10];
	v17 =	vmul.u32 $0x6, v60;
	v31 =	vmul.u32 $0x6, v18  }
0x38b: {  	s31 =	simm.s32 $0x18B10;
	v8 =	vadd.s32 $0xFFFFFF81, v8;
	v7 =	vadd.f32 v7, v7;
	v3 =	vadd.f32 v3, v3;
	v27 =	vld [tilespmem:s22+$0x10]  }
0x38c: {  	v28 =	vadd.f32 $2.000000030e-01, v28;
	v29 =	vld [tilespmem:s31+$0x0];
	v9 =	vadd.s32 v9, v17;
	v16 =	vadd.s32 v16, v31  }
0x38d: {  	v1 =	vadd.f32 v7, v1;
	v63 =	vmul.f32 v10, v10;
	v36 =	vld [tilespmem:s31+$0xFFFFFFF0];
	v31 =	vadd.s32 $0xFFFFFFFF, v16  }
0x38e: {  	v7 =	vmul.f32 v28, v13;
	v5 =	vld [tilespmem:s31+$0xFFFFFFE0];
	v17 =	vmul.u32 $0x6, v14;
	v30 =	vadd.s32 $0xFFFFFFFF, v9  }
0x38f: {  	s23 =	sadd.s32 $0x3060, s28;
	v4 =	vadd.f32 v4, v0;
	v8 =	vcvt.s32.f32 v8;
	v0 =	vmul.f32 $1.428571490e-01, v63;
	v24 =	vld.idx.msk [tilespmem:v60+s1+$0x0], $0xffff  }
0x390: {  	p6 =	slt.u32 s23, $0xF4240;
	v2 =	vadd.f32 v3, v2;
	v7 =	vadd.f32 $3.333333430e-01, v7;
	v18 =	vld.idx.msk [tilespmem:v18+s1+$0x0], $0xffff;
	v17 =	vadd.s32 v61, v17  }
0x391: {  	s19 =	sadd.s32 $0x3070, s28;
	v1 =	vpsel !p6, $0x0, v1;
	v0 =	vadd.f32 $2.000000030e-01, v0;
	v37 =	vadd.s32 $0xFFFFFFFF, v17;
	v9 =	vld.idx.msk [tilespmem:v9+s2+$0x0], $0xffff  }
0x392: {  	p2 =	slt.u32 s19, $0xF4240;
	v1 =	vadd.f32 v1, v4;
	v19 =	vadd.f32 $-1.000000000e+00, v19;
	v3 =	vmul.f32 v7, v13;
	v7 =	vld.idx.msk [tilespmem:v31+s2+$0x0], $0xffff  }
0x393: {  	v2 =	vpsel !p2, $0x0, v2;
	v21 =	vadd.f32 $-1.000000000e+00, v21;
	v0 =	vmul.f32 v0, v63;
	v30 =	vld.idx.msk [tilespmem:v30+s2+$0x0], $0xffff  }
0x394: {  	v8 =	vmul.f32 $6.931471820e-01, v8;
	v1 =	vadd.f32 v2, v1;
	v19 =	vmul.f32 v22, v19;
	v16 =	vld.idx.msk [tilespmem:v16+s2+$0x0], $0xffff  }
0x395: {  	v15 =	vshrl.u32 v15, $0x17;
	v38 =	vadd.f32 $3.333333430e-01, v0;
	v0 =	vmul.f32 v23, v21;
	v17 =	vld.idx.msk [tilespmem:v17+s2+$0x0], $0xffff  }
0x396: {  	v6 =	vshrl.u32 v6, $0x17;
	v15 =	vadd.s32 $0xFFFFFF81, v15;
	v41 =	vmul.f32 v19, v19;
	v40 =	vld.idx.msk [tilespmem:v37+s2+$0x0], $0xffff  }
0x397: {  	v42 =	vmul.f32 v0, v0;
	v32 =	vmul.u32 $0x6, v27;
	v14 =	vld.idx.msk [tilespmem:v14+s1+$0x0], $0xffff;
	v7 =	vsub.f32 v5, v7  }
0x398: {  	v43 =	vmul.f32 $1.428571490e-01, v41;
	v9 =	vsub.f32 v36, v9;
	v20 =	vsub.f32 v36, v30  }
0x399: {  	v39 =	vadd.s32 v62, v32;
	v5 =	vsub.f32 v5, v16;
	v7 =	vmul.f32 v7, v18  }
0x39a: {  	v9 =	vmul.f32 v9, v24;
	v17 =	vsub.f32 v29, v17;
	v20 =	vmul.f32 v20, v24  }
0x39b: {  	v22 =	vsub.f32 v29, v40;
	v5 =	vmul.f32 v5, v18;
	v7 =	vmax.f32 v7, $-3.000000000e+01  }
0x39c: {  	v17 =	vmul.f32 v17, v14;
	v20 =	vmax.f32 v20, $-3.000000000e+01;
	v7 =	vsub.f32 $0.0e+00, v7  }
0x39d: {  	v9 =	vmax.f32 v9, $-3.000000000e+01;
	v14 =	vmul.f32 v22, v14;
	v20 =	vsub.f32 $0.0e+00, v20  }
0x39e: {  	v16 =	vadd.s32 $0xFFFFFFFF, v39;
	v9 =	vsub.f32 $0.0e+00, v9;
	v7 =	vmul.f32 $1.442695020e+00, v7  }
0x39f: {  	v5 =	vmax.f32 v5, $-3.000000000e+01;
	v14 =	vmax.f32 v14, $-3.000000000e+01;
	v18 =	vmul.f32 $1.442695020e+00, v20  }
0x3a0: {  	v17 =	vmax.f32 v17, $-3.000000000e+01;
	v14 =	vsub.f32 $0.0e+00, v14;
	(erf) = vpow2.f32 v7;
	v7 =	vld [tilespmem:s31+$0x10]  }
0x3a1: {  	v17 =	vsub.f32 $0.0e+00, v17;
	v9 =	vmul.f32 $1.442695020e+00, v9;
	(erf) = vpow2.f32 v18;
	v18 =	vld.idx.msk [tilespmem:v39+s2+$0x0], $0xffff  }
0x3a2: {  	v13 =	vmul.f32 v38, v63;
	v5 =	vsub.f32 $0.0e+00, v5;
	v14 =	vmul.f32 $1.442695020e+00, v14  }
0x3a3: {  	v16 =	vld.idx.msk [tilespmem:v16+s2+$0x0], $0xffff;
	v17 =	vmul.f32 $1.442695020e+00, v17;
	(erf) = vpow2.f32 v9;
	v9 =	vadd.f32 $2.000000030e-01, v43  }
0x3a4: {  	v3 =	vadd.f32 $1.000000000e+00, v3;
	v5 =	vmul.f32 $1.442695020e+00, v5;
	(erf) = vpow2.f32 v14;
	v14 =	vld.idx.msk [tilespmem:v27+s1+$0x0], $0xffff  }
0x3a5: {  	v13 =	vadd.f32 $1.000000000e+00, v13;
	(erf) = vpow2.f32 v17;
	v9 =	vmul.f32 v9, v41  }
0x3a6: {  	v3 =	vmul.f32 v3, v11;
	(erf) = vpow2.f32 v5;
	v11 =	vsub.f32 v7, v18  }
0x3a7: {  	v5 =	vadd.s32 $0xFFFFFF81, v6;
	v6 =	vmul.f32 $1.428571490e-01, v42;
	v9 =	vadd.f32 $3.333333430e-01, v9  }
0x3a8: {  	v10 =	vmul.f32 v13, v10;
	v3 =	vadd.f32 v3, v3;
	v7 =	vsub.f32 v7, v16  }
0x3a9: {  	v6 =	vadd.f32 $2.000000030e-01, v6;
	v4 =	vmul.f32 v9, v41;
	v9 =	vmul.f32 v11, v14  }
0x3aa: {  	v10 =	vadd.f32 v10, v10;
	v3 =	vadd.f32 v3, v8;
	v7 =	vmul.f32 v7, v14;
	v11 =	vpop (erf)  }
0x3ab: {  	v5 =	vcvt.s32.f32 v5;
	v6 =	vmul.f32 v6, v42;
	v9 =	vmax.f32 v9, $-3.000000000e+01;
	v13 =	vpop (erf)  }
0x3ac: {  	v4 =	vadd.f32 $1.000000000e+00, v4;
	v7 =	vmax.f32 v7, $-3.000000000e+01;
	v9 =	vsub.f32 $0.0e+00, v9;
	v14 =	vpop (erf)  }
0x3ad: {  	v5 =	vmul.f32 $6.931471820e-01, v5;
	v7 =	vsub.f32 $0.0e+00, v7;
	v45 =	vadd.f32 $1.000000000e+00, v11;
	v16 =	vpop (erf)  }
0x3ae: {  	v6 =	vadd.f32 $3.333333430e-01, v6;
	v4 =	vmul.f32 v4, v19;
	v19 =	vadd.f32 $1.000000000e+00, v13;
	v17 =	vpop (erf)  }
0x3af: {  	v9 =	vmul.f32 $1.442695020e+00, v9;
	v18 =	vadd.f32 $1.000000000e+00, v14;
	v7 =	vmul.f32 $1.442695020e+00, v7;
	v44 =	vpop (erf)  }
0x3b0: {  	s18 =	sadd.s32 s18, s30;
	v2 =	vmul.f32 v6, v42;
	v6 =	vadd.f32 v10, v12;
	v46 =	vadd.f32 $1.000000000e+00, v44  }
0x3b1: {  	s25 =	sadd.s32 $0x3040, s18;
	v4 =	vadd.f32 v4, v4;
	(erf) = vpow2.f32 v9;
	v9 =	vmul.f32 v18, v19  }
0x3b2: {  	p3 =	slt.u32 s25, $0xF4240;
	s19 =	simm.s32 $0x16B50;
	v2 =	vadd.f32 $1.000000000e+00, v2;
	(erf) = vpow2.f32 v7;
	v7 =	vmul.f32 v46, v45  }
0x3b3: {  	s24 =	simm.s32 $0x12B50;
	v12 =	vld [tilespmem:s19+$0xFFFFFFF0];
	v6 =	vpsel !p3, $0x0, v6;
	v10 =	vadd.f32 $1.000000000e+00, v17;
	(erf) = vrcp.f32 v9  }
0x3b4: {  	s28 =	sadd.s32 $0x3050, s18;
	v9 =	vadd.f32 $1.000000000e+00, v16;
	v0 =	vmul.f32 v2, v0;
	v2 =	vld [tilespmem:s24+$0x0];
	(erf) = vrcp.f32 v7  }
0x3b5: {  	p4 =	slt.u32 s28, $0xF4240;
	v15 =	vcvt.s32.f32 v15;
	v1 =	vadd.f32 v6, v1;
	v7 =	vld [tilespmem:s24+$0xFFFFFFF0]  }
0x3b6: {  	v3 =	vpsel !p4, $0x0, v3;
	s31 =	sadd.s32 $0x3060, s18;
	v4 =	vadd.f32 v4, v5;
	v5 =	vmul.f32 v10, v9;
	v9 =	vld [tilespmem:s24+$0xFFFFFFE0]  }
0x3b7: {  	s20 =	simm.s32 $0x18B50;
	p5 =	slt.u32 s31, $0xF4240;
	v1 =	vadd.f32 v3, v1;
	v3 =	vld [tilespmem:s19+$0x0]  }
0x3b8: {  	v49 =	vld [tilespmem:s20+$0xFFFFFFF0];
	v4 =	vpsel !p5, $0x0, v4  }
0x3b9: {  	v8 =	vld [tilespmem:s19+$0xFFFFFFE0];
	v6 =	vmul.f32 $6.931471820e-01, v15;
	v0 =	vadd.f32 v0, v0  }
0x3ba: {  	v18 =	vld [tilespmem:s20+$0x0];
	v11 =	vsub.f32 v44, v11;
	v47 =	vmul.u32 $0x6, v2;
	v15 =	vpop (erf);
	v10 =	vmul.u32 $0x6, v7  }
0x3bb: {  	s18 =	sadd.s32 $0x3070, s18;
	v1 =	vadd.f32 v4, v1;
	(erf) = vrcp.f32 v5;
	v5 =	vld [tilespmem:s19+$0x10];
	v0 =	vadd.f32 v0, v6;
	v4 =	vpop (erf)  }
0x3bc: {  	p6 =	slt.u32 s18, $0xF4240;
	v6 =	vld [tilespmem:s24+$0x10];
	v50 =	vmul.u32 $0x6, v9;
	v3 =	vadd.s32 v3, v47;
	v10 =	vadd.s32 v12, v10;
	v12 =	vpop (erf)  }
0x3bd: {  	v0 =	vpsel !p6, $0x0, v0;
	v2 =	vld.idx.msk [tilespmem:v2+s1+$0x0], $0xffff;
	v48 =	vpop (erf)  }
0x3be: {  	v0 =	vadd.f32 v0, v1;
	v8 =	vadd.s32 v8, v50;
	v9 =	vld.idx.msk [tilespmem:v9+s1+$0x0], $0xffff;
	v1 =	vmul.f32 v48, v11  }
0x3bf: {  	v7 =	vld.idx.msk [tilespmem:v7+s1+$0x0], $0xffff;
	v11 =	vsub.f32 v14, v13;
	v14 =	vadd.s32 $0xFFFFFFFF, v3  }
0x3c0: {  	v13 =	vld [tilespmem:s20+$0xFFFFFFE0];
	v21 =	vmax.f32 v1, $9.999999910e-38;
	v1 =	vadd.s32 $0xFFFFFFFF, v8  }
0x3c1: {  	v51 =	vadd.f32 $1.000000000e+00, v15;
	v52 =	vadd.f32 $1.000000000e+00, v4;
	v19 =	vadd.s32 $0xFFFFFFFF, v10;
	v3 =	vld.idx.msk [tilespmem:v3+s2+$0x0], $0xffff  }
0x3c2: {  	v15 =	vsub.f32 v15, v4;
	v4 =	vsub.f32 v17, v16;
	v17 =	vmul.u32 $0x6, v6;
	v10 =	vld.idx.msk [tilespmem:v10+s2+$0x0], $0xffff  }
0x3c3: {  	v11 =	vmul.f32 v12, v11;
	v8 =	vld.idx.msk [tilespmem:v8+s2+$0x0], $0xffff;
	v12 =	vand.u32 $0x7FFFFF, v21  }
0x3c4: {  	v20 =	vmul.f32 v51, v52;
	v5 =	vadd.s32 v5, v17;
	v12 =	vor.u32 $0x3F800000, v12;
	v14 =	vld.idx.msk [tilespmem:v14+s2+$0x0], $0xffff  }
0x3c5: {  	v54 =	vadd.s32 $0xFFFFFFFF, v5;
	v16 =	vpop (erf);
	v11 =	vmax.f32 v11, $9.999999910e-38;
	v53 =	vadd.f32 $1.000000000e+00, v12;
	v17 =	vld.idx.msk [tilespmem:v1+s2+$0x0], $0xffff  }
0x3c6: {  	v4 =	vmul.f32 v16, v4;
	v19 =	vld.idx.msk [tilespmem:v19+s2+$0x0], $0xffff;
	v16 =	vand.u32 $0x7FFFFF, v11;
	v12 =	vadd.f32 $-1.000000000e+00, v12  }
0x3c7: {  	v3 =	vsub.f32 v18, v3;
	v16 =	vor.u32 $0x3F800000, v16;
	(erf) = vrcp.f32 v53  }
0x3c8: {  	v1 =	vmax.f32 v4, $9.999999910e-38;
	v4 =	vadd.f32 $1.000000000e+00, v16;
	v10 =	vsub.f32 v49, v10  }
0x3c9: {  	v3 =	vmul.f32 v3, v2;
	v8 =	vsub.f32 v13, v8;
	(erf) = vrcp.f32 v20  }
0x3ca: {  	(erf) = vrcp.f32 v4;
	v14 =	vsub.f32 v18, v14;
	v17 =	vsub.f32 v13, v17  }
0x3cb: {  	v4 =	vsub.f32 v49, v19;
	v10 =	vmul.f32 v10, v7;
	v8 =	vmul.f32 v8, v9  }
0x3cc: {  	v5 =	vld.idx.msk [tilespmem:v5+s2+$0x0], $0xffff;
	v3 =	vmax.f32 v3, $-3.000000000e+01;
	v2 =	vmul.f32 v14, v2;
	v14 =	vmul.f32 v17, v9  }
0x3cd: {  	v16 =	vadd.f32 $-1.000000000e+00, v16;
	v18 =	vld [tilespmem:s20+$0x10];
	v3 =	vsub.f32 $0.0e+00, v3;
	v4 =	vmul.f32 v4, v7  }
0x3ce: {  	v7 =	vmax.f32 v10, $-3.000000000e+01;
	v10 =	vld.idx.msk [tilespmem:v54+s2+$0x0], $0xffff;
	v8 =	vmax.f32 v8, $-3.000000000e+01;
	v14 =	vmax.f32 v14, $-3.000000000e+01  }
0x3cf: {  	v6 =	vld.idx.msk [tilespmem:v6+s1+$0x0], $0xffff;
	v7 =	vsub.f32 $0.0e+00, v7;
	v4 =	vmax.f32 v4, $-3.000000000e+01;
	v14 =	vsub.f32 $0.0e+00, v14  }
0x3d0: {  	v19 =	vmul.f32 $1.442695020e+00, v3;
	v2 =	vmax.f32 v2, $-3.000000000e+01;
	v4 =	vsub.f32 $0.0e+00, v4  }
0x3d1: {  	v7 =	vmul.f32 $1.442695020e+00, v7;
	v2 =	vsub.f32 $0.0e+00, v2;
	v17 =	vpop (erf);
	v14 =	vmul.f32 $1.442695020e+00, v14  }
0x3d2: {  	v5 =	vsub.f32 v18, v5;
	v13 =	vmul.f32 $1.442695020e+00, v4;
	v3 =	vmul.f32 v17, v12  }
0x3d3: {  	v10 =	vsub.f32 v18, v10;
	v2 =	vmul.f32 $1.442695020e+00, v2;
	(erf) = vpow2.f32 v14  }
0x3d4: {  	v8 =	vsub.f32 $0.0e+00, v8;
	v12 =	vpop (erf);
	v5 =	vmul.f32 v5, v6;
	(erf) = vpow2.f32 v13  }
0x3d5: {  	v55 =	vand.u32 $0x7FFFFF, v1;
	v4 =	vpop (erf);
	v6 =	vmul.f32 v10, v6;
	(erf) = vpow2.f32 v7  }
0x3d6: {  	v56 =	vor.u32 $0x3F800000, v55;
	v8 =	vmul.f32 $1.442695020e+00, v8;
	v5 =	vmax.f32 v5, $-3.000000000e+01  }
0x3d7: {  	(erf) = vpow2.f32 v2;
	v2 =	vmax.f32 v6, $-3.000000000e+01;
	v6 =	vmul.f32 v12, v15  }
0x3d8: {  	v4 =	vmul.f32 v4, v16;
	v10 =	vmul.f32 v3, v3;
	v5 =	vsub.f32 $0.0e+00, v5  }
0x3d9: {  	v7 =	vadd.f32 $1.000000000e+00, v56;
	(erf) = vpow2.f32 v19;
	v6 =	vmax.f32 v6, $9.999999910e-38  }
0x3da: {  	v2 =	vsub.f32 $0.0e+00, v2;
	(erf) = vpow2.f32 v8;
	v8 =	vand.u32 $0x7FFFFF, v6  }
0x3db: {  	v9 =	vshrl.u32 v11, $0x17;
	v11 =	vmul.f32 v4, v4;
	v5 =	vmul.f32 $1.442695020e+00, v5  }
0x3dc: {  	v9 =	vadd.s32 $0xFFFFFF81, v9;
	(erf) = vrcp.f32 v7;
	v2 =	vmul.f32 $1.442695020e+00, v2;
	v12 =	vpop (erf)  }
0x3dd: {  	v7 =	vmul.f32 $1.428571490e-01, v11;
	(erf) = vpow2.f32 v5;
	v14 =	vor.u32 $0x3F800000, v8;
	v8 =	vpop (erf)  }
0x3de: {  	v5 =	vmul.f32 $1.428571490e-01, v10;
	(erf) = vpow2.f32 v2;
	v2 =	vadd.f32 $1.000000000e+00, v14;
	v13 =	vpop (erf)  }
0x3df: {  	v16 =	vadd.f32 $-1.000000000e+00, v56;
	v6 =	vshrl.u32 v6, $0x17;
	v17 =	vadd.f32 $1.000000000e+00, v13  }
0x3e0: {  	v7 =	vadd.f32 $2.000000030e-01, v7;
	v5 =	vadd.f32 $2.000000030e-01, v5;
	(erf) = vrcp.f32 v2  }
0x3e1: {  	v19 =	vshrl.u32 v21, $0x17;
	v6 =	vadd.s32 $0xFFFFFF81, v6;
	v2 =	vadd.f32 $1.000000000e+00, v8;
	v18 =	vpop (erf)  }
0x3e2: {  	v15 =	vadd.f32 $1.000000000e+00, v12;
	v7 =	vmul.f32 v7, v11;
	v5 =	vmul.f32 v5, v10;
	v58 =	vpop (erf)  }
0x3e3: {  	v8 =	vsub.f32 v13, v8;
	v57 =	vadd.f32 $1.000000000e+00, v18;
	v2 =	vmul.f32 v17, v2;
	v17 =	vpop (erf)  }
0x3e4: {  	v13 =	vadd.s32 $0xFFFFFF81, v19;
	v63 =	vadd.f32 $3.333333430e-01, v5;
	v19 =	vadd.f32 $1.000000000e+00, v17  }
0x3e5: {  	v59 =	vadd.f32 $1.000000000e+00, v58;
	(erf) = vrcp.f32 v2;
	v2 =	vcvt.s32.f32 v6;
	v60 =	vpop (erf)  }
0x3e6: {  	v12 =	vsub.f32 v17, v12;
	v17 =	vadd.f32 $3.333333430e-01, v7;
	v6 =	vmul.f32 v19, v15;
	v15 =	vpop (erf)  }
0x3e7: {  	v7 =	vmul.f32 v60, v16;
	v19 =	vadd.f32 $-1.000000000e+00, v14;
	v14 =	vmul.f32 v59, v57;
	v62 =	vpop (erf)  }
0x3e8: {  	v61 =	vadd.f32 $1.000000000e+00, v15;
	v16 =	vadd.f32 $1.000000000e+00, v62;
	(erf) = vrcp.f32 v6  }
0x3e9: {  	v17 =	vmul.f32 v17, v11;
	v6 =	vsub.f32 v15, v62;
	v5 =	vpop (erf);
	(erf) = vrcp.f32 v14  }
0x3ea: {  	s21 =	simm.s32 $0xFFFFFFC0;
	v15 =	vsub.f32 v58, v18;
	v5 =	vmul.f32 v5, v19;
	v11 =	vmul.f32 v61, v16  }
0x3eb: {  	s23 =	simm.s32 $0x12B90;
	s22 =	simm.s32 $0x40;
	s18 =	simm.s32 $0x0;
	v14 =	vadd.f32 $1.000000000e+00, v17;
	v16 =	vmul.f32 v63, v10;
	v10 =	vmul.f32 v7, v7  }
.LBB2_10:
0x3ec: {  	s20 =	sadd.s32 $0x40, s20  }
0x3ed: {  	v17 =	vld [tilespmem:s23+$0xFFFFFFF0];
	s19 =	sadd.s32 $0x40, s19;
	v13 =	vcvt.s32.f32 v13;
	v1 =	vshrl.u32 v1, $0x17;
	v18 =	vmul.f32 v5, v5;
	s24 =	smov.u32 s22;
	s22 =	sadd.s32 $0x40, s22  }
0x3ee: {  	v9 =	vcvt.s32.f32 v9;
	v19 =	vld [tilespmem:s19+$0xFFFFFFE0];
	p1 =	slt.u32 s22, $0xFC0;
	v16 =	vadd.f32 $1.000000000e+00, v16;
	v20 =	vmul.f32 $1.428571490e-01, v10  }
0x3ef: {  	v4 =	vmul.f32 v14, v4;
	v1 =	vadd.s32 $0xFFFFFF81, v1;
	v21 =	vld [tilespmem:s19+$0x0];
	v22 =	vpop (erf);
	v14 =	vmul.f32 $1.428571490e-01, v18  }
0x3f0: {  	v13 =	vmul.f32 $6.931471820e-01, v13;
	v23 =	vld [tilespmem:s19+$0x10];
	v16 =	vmul.f32 v16, v3;
	v20 =	vadd.f32 $2.000000030e-01, v20  }
0x3f1: {  	v1 =	vcvt.s32.f32 v1;
	v8 =	vmul.f32 v22, v8;
	v3 =	vld [tilespmem:s23+$0x10]  }
0x3f2: {  	v26 =	vmul.f32 $6.931471820e-01, v9;
	v22 =	vld [tilespmem:s19+$0xFFFFFFF0];
	v24 =	vmul.u32 $0x6, v17;
	v25 =	vpop (erf);
	v20 =	vmul.f32 v20, v10  }
0x3f3: {  	v28 =	vmul.f32 $6.931471820e-01, v1;
	v1 =	vadd.f32 $2.000000030e-01, v14;
	v27 =	vld [tilespmem:s23+$0x0];
	v12 =	vmul.f32 v25, v12;
	v25 =	vpop (erf)  }
0x3f4: {  	v9 =	vmax.f32 v8, $9.999999910e-38;
	v16 =	vadd.f32 v16, v16;
	v14 =	vld [tilespmem:s23+$0xFFFFFFE0];
	v15 =	vmul.f32 v25, v15  }
0x3f5: {  	v4 =	vadd.f32 v4, v4;
	v25 =	vld [tilespmem:s20+$0x0];
	v8 =	vmax.f32 v12, $9.999999910e-38;
	v12 =	vand.u32 $0x7FFFFF, v9  }
0x3f6: {  	v20 =	vadd.f32 $3.333333430e-01, v20;
	v29 =	vld [tilespmem:s20+$0xFFFFFFF0];
	v30 =	vmul.u32 $0x6, v3;
	v31 =	vand.u32 $0x7FFFFF, v8  }
0x3f7: {  	v13 =	vadd.f32 v16, v13;
	v22 =	vadd.s32 v22, v24;
	v24 =	vld [tilespmem:s20+$0x10];
	v31 =	vor.u32 $0x3F800000, v31  }
0x3f8: {  	v33 =	vmul.f32 v1, v18;
	v16 =	vld.idx.msk [tilespmem:v17+s1+$0x0], $0xffff;
	v17 =	vadd.s32 $0xFFFFFFFF, v22;
	v32 =	vmul.u32 $0x6, v27  }
0x3f9: {  	s25 =	sadd.s32 s21, s30;
	s21 =	smov.u32 s18;
	s18 =	smov.u32 s24;
	v10 =	vmul.f32 v20, v10;
	v23 =	vadd.s32 v23, v30;
	v1 =	vmul.u32 $0x6, v14  }
0x3fa: {  	s28 =	sadd.s32 $0x4040, s25;
	s24 =	sadd.s32 $0x4050, s25;
	s31 =	sadd.s32 $0x4060, s25;
	v4 =	vadd.f32 v4, v26;
	v20 =	vadd.s32 v21, v32;
	v21 =	vadd.s32 $0xFFFFFFFF, v23  }
0x3fb: {  	p2 =	slt.u32 s24, $0xF4240;
	s24 =	sadd.s32 $0x4070, s25;
	v10 =	vadd.f32 $1.000000000e+00, v10;
	v19 =	vadd.s32 v19, v1;
	v26 =	vld [tilespmem:s20+$0xFFFFFFE0];
	v30 =	vadd.s32 $0xFFFFFFFF, v20  }
0x3fc: {  	p3 =	slt.u32 s28, $0xF4240;
	v4 =	vpsel !p2, $0x0, v4;
	v34 =	vadd.f32 $1.000000000e+00, v31;
	v32 =	vadd.s32 $0xFFFFFFFF, v19;
	v22 =	vld.idx.msk [tilespmem:v22+s2+$0x0], $0xffff  }
0x3fd: {  	v13 =	vpsel !p3, $0x0, v13;
	v1 =	vmax.f32 v15, $9.999999910e-38;
	v15 =	vadd.f32 $3.333333430e-01, v33;
	v17 =	vld.idx.msk [tilespmem:v17+s2+$0x0], $0xffff  }
0x3fe: {  	v12 =	vor.u32 $0x3F800000, v12;
	v7 =	vmul.f32 v10, v7;
	v27 =	vld.idx.msk [tilespmem:v27+s1+$0x0], $0xffff;
	(erf) = vrcp.f32 v34  }
0x3ff: {  	v33 =	vand.u32 $0x7FFFFF, v1;
	v15 =	vmul.f32 v15, v18;
	v10 =	vld.idx.msk [tilespmem:v20+s2+$0x0], $0xffff;
	v20 =	vadd.f32 $1.000000000e+00, v12  }
0x400: {  	v0 =	vadd.f32 v13, v0;
	v7 =	vadd.f32 v7, v7;
	v18 =	vld.idx.msk [tilespmem:v30+s2+$0x0], $0xffff;
	v30 =	vor.u32 $0x3F800000, v33  }
0x401: {  	v2 =	vmul.f32 $6.931471820e-01, v2;
	v31 =	vadd.f32 $-1.000000000e+00, v31;
	v15 =	vadd.f32 $1.000000000e+00, v15;
	v13 =	vld.idx.msk [tilespmem:v32+s2+$0x0], $0xffff  }
0x402: {  	v0 =	vadd.f32 v4, v0;
	v22 =	vsub.f32 v29, v22;
	v19 =	vld.idx.msk [tilespmem:v19+s2+$0x0], $0xffff;
	(erf) = vrcp.f32 v11  }
0x403: {  	v7 =	vadd.f32 v7, v28;
	v11 =	vsub.f32 v29, v17;
	v4 =	vld.idx.msk [tilespmem:v14+s1+$0x0], $0xffff;
	(erf) = vrcp.f32 v20  }
0x404: {  	p2 =	slt.u32 s31, $0xF4240;
	v12 =	vadd.f32 $-1.000000000e+00, v12;
	v5 =	vmul.f32 v15, v5;
	v14 =	vmul.f32 v22, v16  }
0x405: {  	v7 =	vpsel !p2, $0x0, v7;
	v11 =	vmul.f32 v11, v16;
	v10 =	vsub.f32 v25, v10  }
0x406: {  	v5 =	vadd.f32 v5, v5;
	v14 =	vmax.f32 v14, $-3.000000000e+01;
	v15 =	vsub.f32 v25, v18  }
0x407: {  	v0 =	vadd.f32 v7, v0;
	v13 =	vsub.f32 v26, v13;
	v10 =	vmul.f32 v10, v27;
	v16 =	vpop (erf)  }
0x408: {  	p2 =	slt.u32 s24, $0xF4240;
	v2 =	vadd.f32 v5, v2;
	v7 =	vmax.f32 v11, $-3.000000000e+01;
	v11 =	vmul.f32 v15, v27;
	v15 =	vld.idx.msk [tilespmem:v21+s2+$0x0], $0xffff  }
0x409: {  	v7 =	vsub.f32 $0.0e+00, v7;
	v5 =	vmul.f32 v13, v4;
	v10 =	vmax.f32 v10, $-3.000000000e+01;
	v13 =	vld.idx.msk [tilespmem:v23+s2+$0x0], $0xffff  }
0x40a: {  	v2 =	vpsel !p2, $0x0, v2;
	v11 =	vmax.f32 v11, $-3.000000000e+01;
	v20 =	vsub.f32 $0.0e+00, v10  }
0x40b: {  	v0 =	vadd.f32 v2, v0;
	v5 =	vmax.f32 v5, $-3.000000000e+01;
	v11 =	vsub.f32 $0.0e+00, v11;
	v17 =	vld.idx.msk [tilespmem:v3+s1+$0x0], $0xffff;
	v18 =	vpop (erf)  }
0x40c: {  	v2 =	vsub.f32 $0.0e+00, v5;
	v5 =	vmul.f32 $1.442695020e+00, v20;
	v3 =	vmul.f32 v16, v31;
	v10 =	vpop (erf)  }
0x40d: {  	v7 =	vmul.f32 $1.442695020e+00, v7;
	v16 =	vsub.f32 v26, v19;
	v11 =	vmul.f32 $1.442695020e+00, v11  }
0x40e: {  	v14 =	vsub.f32 $0.0e+00, v14;
	v2 =	vmul.f32 $1.442695020e+00, v2;
	v15 =	vsub.f32 v24, v15  }
0x40f: {  	v16 =	vmul.f32 v16, v4;
	v4 =	vmul.f32 v10, v12;
	v13 =	vsub.f32 v24, v13  }
0x410: {  	v10 =	vmul.f32 $1.442695020e+00, v14;
	(erf) = vpow2.f32 v2;
	v2 =	vshrl.u32 v9, $0x17  }
0x411: {  	v9 =	vmax.f32 v16, $-3.000000000e+01;
	v12 =	vmul.f32 v13, v17;
	(erf) = vpow2.f32 v7  }
0x412: {  	v7 =	vsub.f32 $0.0e+00, v9;
	v9 =	vadd.f32 $1.000000000e+00, v30;
	(erf) = vpow2.f32 v10  }
0x413: {  	v16 =	vmul.f32 v3, v3;
	v10 =	vmul.f32 v15, v17;
	v12 =	vmax.f32 v12, $-3.000000000e+01  }
0x414: {  	v7 =	vmul.f32 $1.442695020e+00, v7;
	v12 =	vsub.f32 $0.0e+00, v12;
	(erf) = vpow2.f32 v11  }
0x415: {  	v10 =	vmax.f32 v10, $-3.000000000e+01;
	(erf) = vpow2.f32 v5;
	v5 =	vmul.f32 v18, v6  }
0x416: {  	v6 =	vsub.f32 $0.0e+00, v10;
	v10 =	vmul.f32 v4, v4;
	(erf) = vpow2.f32 v7  }
0x417: {  	v7 =	vmul.f32 $1.442695020e+00, v12;
	v5 =	vmax.f32 v5, $9.999999910e-38;
	(erf) = vrcp.f32 v9  }
0x418: {  	v6 =	vmul.f32 $1.442695020e+00, v6;
	v11 =	vmul.f32 $1.428571490e-01, v10;
	v9 =	vand.u32 $0x7FFFFF, v5  }
0x419: {  	v12 =	vpop (erf);
	(erf) = vpow2.f32 v7;
	v7 =	vmul.f32 $1.428571490e-01, v16;
	v14 =	vor.u32 $0x3F800000, v9  }
0x41a: {  	v15 =	vadd.f32 $1.000000000e+00, v12;
	v13 =	vpop (erf);
	(erf) = vpow2.f32 v6;
	v6 =	vadd.f32 $1.000000000e+00, v14  }
0x41b: {  	v9 =	vadd.s32 $0xFFFFFF81, v2;
	v2 =	vadd.f32 $2.000000030e-01, v11;
	v11 =	vadd.f32 $-1.000000000e+00, v30;
	v17 =	vpop (erf)  }
0x41c: {  	v7 =	vadd.f32 $2.000000030e-01, v7;
	v22 =	vadd.f32 $1.000000000e+00, v17;
	(erf) = vrcp.f32 v6  }
0x41d: {  	v20 =	vshrl.u32 v8, $0x17;
	v5 =	vshrl.u32 v5, $0x17;
	v6 =	vadd.f32 $1.000000000e+00, v13;
	v19 =	vpop (erf)  }
0x41e: {  	v5 =	vadd.s32 $0xFFFFFF81, v5;
	v8 =	vsub.f32 v17, v13;
	v17 =	vadd.f32 $1.000000000e+00, v19;
	v21 =	vpop (erf)  }
0x41f: {  	v13 =	vadd.s32 $0xFFFFFF81, v20;
	v20 =	vmul.f32 v7, v16;
	v25 =	vmul.f32 v22, v6;
	v18 =	vpop (erf)  }
0x420: {  	v23 =	vmul.f32 v2, v10;
	v26 =	vadd.f32 $1.000000000e+00, v21;
	v7 =	vadd.f32 $1.000000000e+00, v18;
	v24 =	vpop (erf)  }
0x421: {  	v2 =	vcvt.s32.f32 v5;
	v12 =	vsub.f32 v18, v12;
	(erf) = vrcp.f32 v25  }
0x422: {  	v23 =	vadd.f32 $3.333333430e-01, v23;
	v18 =	vadd.f32 $-1.000000000e+00, v14;
	v5 =	vmul.f32 v7, v15;
	v6 =	vpop (erf)  }
.Ltmp4:
0x423: {  	v14 =	vmul.f32 v26, v17;
	v7 =	vmul.f32 v24, v11;
	v17 =	vadd.f32 $1.000000000e+00, v6;
	v22 =	vpop (erf);
	(pc) =	sbr.rel @p1 .LBB2_10-.Ltmp4, $4  }
0x424: {  	v11 =	vadd.f32 $1.000000000e+00, v22;
	(erf) = vrcp.f32 v5;
	v5 =	vmul.f32 v23, v10  }
0x425: {  	v6 =	vsub.f32 v6, v22;
	v10 =	vadd.f32 $3.333333430e-01, v20;
	(erf) = vrcp.f32 v14;
	v15 =	vpop (erf)  }
0x426: {  	v11 =	vmul.f32 v17, v11;
	v14 =	vadd.f32 $1.000000000e+00, v5;
	v5 =	vmul.f32 v15, v18  }
0x427: {  	s23 =	sadd.s32 $0x40, s23;
	v15 =	vsub.f32 v21, v19;
	v16 =	vmul.f32 v10, v16;
	v10 =	vmul.f32 v7, v7  }
0x428: {  	_ =	sdelay $0x3  }
0x429: {  	v17 =	vpop (erf)  }
0x42a: {  	v18 =	vpop (erf)  }
0x42b: {  	v12 =	vmul.f32 v18, v12;
	_ =	sdelay $0x1  }
0x42c: {  	v12 =	vmax.f32 v12, $9.999999910e-38  }
0x42d: {  	v18 =	vand.u32 $0x7FFFFF, v12  }
0x42e: {  	v18 =	vor.u32 $0x3F800000, v18  }
0x42f: {  	v19 =	vadd.f32 $1.000000000e+00, v18;
	_ =	sdelay $0x1  }
0x430: {  	(erf) = vrcp.f32 v19  }
0x431: {  	(erf) = vrcp.f32 v11;
	_ =	sdelay $0x6  }
0x432: {  	v11 =	vpop (erf)  }
0x433: {  	v8 =	vmul.f32 v17, v8;
	v17 =	vpop (erf)  }
0x434: {  	v11 =	vmul.f32 v11, v15;
	v15 =	vpop (erf)  }
0x435: {  	v8 =	vmax.f32 v8, $9.999999910e-38;
	v15 =	vmul.f32 v15, v6  }
0x436: {  	v19 =	vand.u32 $0x7FFFFF, v8;
	v6 =	vmax.f32 v11, $9.999999910e-38  }
0x437: {  	v11 =	vor.u32 $0x3F800000, v19;
	v19 =	vand.u32 $0x7FFFFF, v6;
	v15 =	vmax.f32 v15, $9.999999910e-38  }
0x438: {  	v20 =	vadd.f32 $1.000000000e+00, v11;
	v19 =	vor.u32 $0x3F800000, v19;
	v21 =	vand.u32 $0x7FFFFF, v15  }
0x439: {  	v22 =	vadd.f32 $1.000000000e+00, v19;
	v21 =	vor.u32 $0x3F800000, v21  }
0x43a: {  	(erf) = vrcp.f32 v20;
	v58 =	vadd.f32 $1.000000000e+00, v21  }
0x43b: {  	(erf) = vrcp.f32 v22  }
0x43c: {  	(erf) = vrcp.f32 v58;
	_ =	sdelay $0x3  }
0x43d: {  	s19 =	rddreg [dreg:$0x16]  }
0x43e: {  	[tilespmem:s3], [sflag:$0x1] =	stream.linear.gather [hbm4b:s19+s1], $0x1000, $0x38;
	[tilespmem:$0x1AAF0] =	vst v63  }
0x43f: {  	s24 =	rddreg [dreg:$0x17]  }
0x440: {  	[tilespmem:s4], [sflag:$0x1] =	stream.linear.gather [hbm4b:s24+s1], $0x1000, $0x38;
	v59 =	vpop (erf);
	[tilespmem:$0x1AAF0] =	vst v63  }
0x441: {  	s25 =	rddreg [dreg:$0x18];
	v22 =	vpop (erf)  }
0x442: {  	[tilespmem:s5], [sflag:$0x1] =	stream.linear.gather [hbm4b:s25+s1], $0x1000, $0x38;
	v23 =	vpop (erf);
	[tilespmem:$0x1AAF0] =	vst v63  }
0x443: {  	_ =	swait.ge [sflag:s15], $0x1000  }
0x444: {  	[sflag:s15] =	ssyncset.done $0x0  }
0x445: {  	[sflag:s15] =	ssyncadd.s32 $0xFFFFF000  }
0x446: {  	v25 =	vmul.f32 v5, v5;
	_ =	swait.ge [sflag:s6], $0x1000  }
0x447: {  	v24 =	vmul.f32 $1.428571490e-01, v10;
	v16 =	vadd.f32 $1.000000000e+00, v16;
	[sflag:s6] =	ssyncset.done $0x0  }
0x448: {  	v13 =	vcvt.s32.f32 v13;
	v26 =	vmul.f32 $1.428571490e-01, v25;
	[sflag:s6] =	ssyncadd.s32 $0xFFFFF000  }
0x449: {  	v9 =	vcvt.s32.f32 v9;
	v24 =	vadd.f32 $2.000000030e-01, v24;
	v3 =	vmul.f32 v16, v3;
	_ =	swait.ge [sflag:s6], $0x1000  }
0x44a: {  	v1 =	vshrl.u32 v1, $0x17;
	v4 =	vmul.f32 v14, v4;
	v16 =	vadd.f32 $2.000000030e-01, v26;
	[sflag:s6] =	ssyncset.done $0x0  }
0x44b: {  	v13 =	vmul.f32 $6.931471820e-01, v13;
	v14 =	vmul.f32 v24, v10;
	v3 =	vadd.f32 v3, v3;
	[sflag:s6] =	ssyncadd.s32 $0xFFFFF000  }
0x44c: {  	s28 =	sadd.s32 s21, s30;
	v1 =	vadd.s32 $0xFFFFFF81, v1;
	v4 =	vadd.f32 v4, v4;
	v16 =	vmul.f32 v16, v25;
	_ =	swait.ge [sflag:s6], $0x1000  }
0x44d: {  	s22 =	simm.s32 $0x13B10;
	s23 =	sadd.s32 $0x4040, s28;
	v9 =	vmul.f32 $6.931471820e-01, v9;
	v14 =	vadd.f32 $3.333333430e-01, v14;
	v3 =	vadd.f32 v3, v13;
	[sflag:s6] =	ssyncset.done $0x0  }
0x44e: {  	v2 =	vmul.f32 $6.931471820e-01, v2;
	v1 =	vcvt.s32.f32 v1;
	p2 =	slt.u32 s23, $0xF4240;
	v13 =	vadd.f32 $3.333333430e-01, v16;
	[sflag:s6] =	ssyncadd.s32 $0xFFFFF000  }
0x44f: {  	v4 =	vadd.f32 v4, v9;
	v10 =	vmul.f32 v14, v10;
	v3 =	vpsel !p2, $0x0, v3;
	[tilespmem:s8], [sflag:$0x3] =	stream.indirect.gather [spmem:s29], $0x1, s4, s7, $0xb8;
	[tilespmem:$0x1AAF0] =	vst v63  }
0x450: {  	v12 =	vshrl.u32 v12, $0x17;
	v13 =	vmul.f32 v13, v25;
	v11 =	vadd.f32 $-1.000000000e+00, v11;
	v60 =	vld [tilespmem:s22+$0xFFFFFFF0]  }
0x451: {  	s20 =	simm.s32 $0x17B10;
	v12 =	vadd.s32 $0xFFFFFF81, v12;
	v10 =	vadd.f32 $1.000000000e+00, v10;
	v16 =	vadd.f32 $-1.000000000e+00, v18;
	v18 =	vld [tilespmem:s22+$0xFFFFFFE0]  }
0x452: {  	s21 =	sadd.s32 $0x4050, s28;
	v0 =	vadd.f32 v3, v0;
	v12 =	vcvt.s32.f32 v12;
	v11 =	vmul.f32 v59, v11;
	v9 =	vld [tilespmem:s20+$0xFFFFFFF0]  }
0x453: {  	p1 =	slt.u32 s21, $0xF4240;
	v3 =	vadd.f32 $1.000000000e+00, v13;
	v7 =	vmul.f32 v10, v7;
	v10 =	vmul.f32 v17, v16;
	v16 =	vld [tilespmem:s20+$0xFFFFFFE0]  }
0x454: {  	v1 =	vmul.f32 $6.931471820e-01, v1;
	v4 =	vpsel !p1, $0x0, v4;
	v13 =	vmul.f32 v11, v11;
	v14 =	vld [tilespmem:s22+$0x0]  }
0x455: {  	v8 =	vshrl.u32 v8, $0x17;
	v12 =	vmul.f32 $6.931471820e-01, v12;
	v3 =	vmul.f32 v3, v5;
	v61 =	vld [tilespmem:s20+$0x0]  }
0x456: {  	v28 =	vmul.f32 $1.428571490e-01, v13;
	v62 =	vld [tilespmem:s20+$0x10];
	v17 =	vmul.u32 $0x6, v60;
	v31 =	vmul.u32 $0x6, v18  }
0x457: {  	s31 =	simm.s32 $0x19B10;
	v8 =	vadd.s32 $0xFFFFFF81, v8;
	v7 =	vadd.f32 v7, v7;
	v3 =	vadd.f32 v3, v3;
	v27 =	vld [tilespmem:s22+$0x10]  }
0x458: {  	v28 =	vadd.f32 $2.000000030e-01, v28;
	v29 =	vld [tilespmem:s31+$0x0];
	v9 =	vadd.s32 v9, v17;
	v16 =	vadd.s32 v16, v31  }
0x459: {  	v1 =	vadd.f32 v7, v1;
	v63 =	vmul.f32 v10, v10;
	v36 =	vld [tilespmem:s31+$0xFFFFFFF0];
	v31 =	vadd.s32 $0xFFFFFFFF, v16  }
0x45a: {  	v7 =	vmul.f32 v28, v13;
	v5 =	vld [tilespmem:s31+$0xFFFFFFE0];
	v17 =	vmul.u32 $0x6, v14;
	v30 =	vadd.s32 $0xFFFFFFFF, v9  }
0x45b: {  	s23 =	sadd.s32 $0x4060, s28;
	v4 =	vadd.f32 v4, v0;
	v8 =	vcvt.s32.f32 v8;
	v0 =	vmul.f32 $1.428571490e-01, v63;
	v24 =	vld.idx.msk [tilespmem:v60+s1+$0x0], $0xffff  }
0x45c: {  	p6 =	slt.u32 s23, $0xF4240;
	v2 =	vadd.f32 v3, v2;
	v7 =	vadd.f32 $3.333333430e-01, v7;
	v18 =	vld.idx.msk [tilespmem:v18+s1+$0x0], $0xffff;
	v17 =	vadd.s32 v61, v17  }
0x45d: {  	s19 =	sadd.s32 $0x4070, s28;
	v1 =	vpsel !p6, $0x0, v1;
	v0 =	vadd.f32 $2.000000030e-01, v0;
	v37 =	vadd.s32 $0xFFFFFFFF, v17;
	v9 =	vld.idx.msk [tilespmem:v9+s2+$0x0], $0xffff  }
0x45e: {  	p2 =	slt.u32 s19, $0xF4240;
	v1 =	vadd.f32 v1, v4;
	v19 =	vadd.f32 $-1.000000000e+00, v19;
	v3 =	vmul.f32 v7, v13;
	v7 =	vld.idx.msk [tilespmem:v31+s2+$0x0], $0xffff  }
0x45f: {  	v2 =	vpsel !p2, $0x0, v2;
	v21 =	vadd.f32 $-1.000000000e+00, v21;
	v0 =	vmul.f32 v0, v63;
	v30 =	vld.idx.msk [tilespmem:v30+s2+$0x0], $0xffff  }
0x460: {  	v8 =	vmul.f32 $6.931471820e-01, v8;
	v1 =	vadd.f32 v2, v1;
	v19 =	vmul.f32 v22, v19;
	v16 =	vld.idx.msk [tilespmem:v16+s2+$0x0], $0xffff  }
0x461: {  	v15 =	vshrl.u32 v15, $0x17;
	v38 =	vadd.f32 $3.333333430e-01, v0;
	v0 =	vmul.f32 v23, v21;
	v17 =	vld.idx.msk [tilespmem:v17+s2+$0x0], $0xffff  }
0x462: {  	v6 =	vshrl.u32 v6, $0x17;
	v15 =	vadd.s32 $0xFFFFFF81, v15;
	v41 =	vmul.f32 v19, v19;
	v40 =	vld.idx.msk [tilespmem:v37+s2+$0x0], $0xffff  }
0x463: {  	v42 =	vmul.f32 v0, v0;
	v32 =	vmul.u32 $0x6, v27;
	v14 =	vld.idx.msk [tilespmem:v14+s1+$0x0], $0xffff;
	v7 =	vsub.f32 v5, v7  }
0x464: {  	v43 =	vmul.f32 $1.428571490e-01, v41;
	v9 =	vsub.f32 v36, v9;
	v20 =	vsub.f32 v36, v30  }
0x465: {  	v39 =	vadd.s32 v62, v32;
	v5 =	vsub.f32 v5, v16;
	v7 =	vmul.f32 v7, v18  }
0x466: {  	v9 =	vmul.f32 v9, v24;
	v17 =	vsub.f32 v29, v17;
	v20 =	vmul.f32 v20, v24  }
0x467: {  	v22 =	vsub.f32 v29, v40;
	v5 =	vmul.f32 v5, v18;
	v7 =	vmax.f32 v7, $-3.000000000e+01  }
0x468: {  	v17 =	vmul.f32 v17, v14;
	v20 =	vmax.f32 v20, $-3.000000000e+01;
	v7 =	vsub.f32 $0.0e+00, v7  }
0x469: {  	v9 =	vmax.f32 v9, $-3.000000000e+01;
	v14 =	vmul.f32 v22, v14;
	v20 =	vsub.f32 $0.0e+00, v20  }
0x46a: {  	v16 =	vadd.s32 $0xFFFFFFFF, v39;
	v9 =	vsub.f32 $0.0e+00, v9;
	v7 =	vmul.f32 $1.442695020e+00, v7  }
0x46b: {  	v5 =	vmax.f32 v5, $-3.000000000e+01;
	v14 =	vmax.f32 v14, $-3.000000000e+01;
	v18 =	vmul.f32 $1.442695020e+00, v20  }
0x46c: {  	v17 =	vmax.f32 v17, $-3.000000000e+01;
	v14 =	vsub.f32 $0.0e+00, v14;
	(erf) = vpow2.f32 v7;
	v7 =	vld [tilespmem:s31+$0x10]  }
0x46d: {  	v17 =	vsub.f32 $0.0e+00, v17;
	v9 =	vmul.f32 $1.442695020e+00, v9;
	(erf) = vpow2.f32 v18;
	v18 =	vld.idx.msk [tilespmem:v39+s2+$0x0], $0xffff  }
0x46e: {  	v13 =	vmul.f32 v38, v63;
	v5 =	vsub.f32 $0.0e+00, v5;
	v14 =	vmul.f32 $1.442695020e+00, v14  }
0x46f: {  	v16 =	vld.idx.msk [tilespmem:v16+s2+$0x0], $0xffff;
	v17 =	vmul.f32 $1.442695020e+00, v17;
	(erf) = vpow2.f32 v9;
	v9 =	vadd.f32 $2.000000030e-01, v43  }
0x470: {  	v3 =	vadd.f32 $1.000000000e+00, v3;
	v5 =	vmul.f32 $1.442695020e+00, v5;
	(erf) = vpow2.f32 v14;
	v14 =	vld.idx.msk [tilespmem:v27+s1+$0x0], $0xffff  }
0x471: {  	v13 =	vadd.f32 $1.000000000e+00, v13;
	(erf) = vpow2.f32 v17;
	v9 =	vmul.f32 v9, v41  }
0x472: {  	v3 =	vmul.f32 v3, v11;
	(erf) = vpow2.f32 v5;
	v11 =	vsub.f32 v7, v18  }
0x473: {  	v5 =	vadd.s32 $0xFFFFFF81, v6;
	v6 =	vmul.f32 $1.428571490e-01, v42;
	v9 =	vadd.f32 $3.333333430e-01, v9  }
0x474: {  	v10 =	vmul.f32 v13, v10;
	v3 =	vadd.f32 v3, v3;
	v7 =	vsub.f32 v7, v16  }
0x475: {  	v6 =	vadd.f32 $2.000000030e-01, v6;
	v4 =	vmul.f32 v9, v41;
	v9 =	vmul.f32 v11, v14  }
0x476: {  	v10 =	vadd.f32 v10, v10;
	v3 =	vadd.f32 v3, v8;
	v7 =	vmul.f32 v7, v14;
	v11 =	vpop (erf)  }
0x477: {  	v5 =	vcvt.s32.f32 v5;
	v6 =	vmul.f32 v6, v42;
	v9 =	vmax.f32 v9, $-3.000000000e+01;
	v13 =	vpop (erf)  }
0x478: {  	v4 =	vadd.f32 $1.000000000e+00, v4;
	v7 =	vmax.f32 v7, $-3.000000000e+01;
	v9 =	vsub.f32 $0.0e+00, v9;
	v14 =	vpop (erf)  }
0x479: {  	v5 =	vmul.f32 $6.931471820e-01, v5;
	v7 =	vsub.f32 $0.0e+00, v7;
	v45 =	vadd.f32 $1.000000000e+00, v11;
	v16 =	vpop (erf)  }
0x47a: {  	v6 =	vadd.f32 $3.333333430e-01, v6;
	v4 =	vmul.f32 v4, v19;
	v19 =	vadd.f32 $1.000000000e+00, v13;
	v17 =	vpop (erf)  }
0x47b: {  	v9 =	vmul.f32 $1.442695020e+00, v9;
	v18 =	vadd.f32 $1.000000000e+00, v14;
	v7 =	vmul.f32 $1.442695020e+00, v7;
	v44 =	vpop (erf)  }
0x47c: {  	s18 =	sadd.s32 s18, s30;
	v2 =	vmul.f32 v6, v42;
	v6 =	vadd.f32 v10, v12;
	v46 =	vadd.f32 $1.000000000e+00, v44  }
0x47d: {  	s25 =	sadd.s32 $0x4040, s18;
	v4 =	vadd.f32 v4, v4;
	(erf) = vpow2.f32 v9;
	v9 =	vmul.f32 v18, v19  }
0x47e: {  	p3 =	slt.u32 s25, $0xF4240;
	s19 =	simm.s32 $0x17B50;
	v2 =	vadd.f32 $1.000000000e+00, v2;
	(erf) = vpow2.f32 v7;
	v7 =	vmul.f32 v46, v45  }
0x47f: {  	s24 =	simm.s32 $0x13B50;
	v12 =	vld [tilespmem:s19+$0xFFFFFFF0];
	v6 =	vpsel !p3, $0x0, v6;
	v10 =	vadd.f32 $1.000000000e+00, v17;
	(erf) = vrcp.f32 v9  }
0x480: {  	s28 =	sadd.s32 $0x4050, s18;
	v9 =	vadd.f32 $1.000000000e+00, v16;
	v0 =	vmul.f32 v2, v0;
	v2 =	vld [tilespmem:s24+$0x0];
	(erf) = vrcp.f32 v7  }
0x481: {  	p4 =	slt.u32 s28, $0xF4240;
	v15 =	vcvt.s32.f32 v15;
	v1 =	vadd.f32 v6, v1;
	v7 =	vld [tilespmem:s24+$0xFFFFFFF0]  }
0x482: {  	v3 =	vpsel !p4, $0x0, v3;
	s31 =	sadd.s32 $0x4060, s18;
	v4 =	vadd.f32 v4, v5;
	v5 =	vmul.f32 v10, v9;
	v9 =	vld [tilespmem:s24+$0xFFFFFFE0]  }
0x483: {  	s20 =	simm.s32 $0x19B50;
	p5 =	slt.u32 s31, $0xF4240;
	v1 =	vadd.f32 v3, v1;
	v3 =	vld [tilespmem:s19+$0x0]  }
0x484: {  	v49 =	vld [tilespmem:s20+$0xFFFFFFF0];
	v4 =	vpsel !p5, $0x0, v4  }
0x485: {  	v8 =	vld [tilespmem:s19+$0xFFFFFFE0];
	v6 =	vmul.f32 $6.931471820e-01, v15;
	v0 =	vadd.f32 v0, v0  }
0x486: {  	v18 =	vld [tilespmem:s20+$0x0];
	v11 =	vsub.f32 v44, v11;
	v47 =	vmul.u32 $0x6, v2;
	v15 =	vpop (erf);
	v10 =	vmul.u32 $0x6, v7  }
0x487: {  	s18 =	sadd.s32 $0x4070, s18;
	v1 =	vadd.f32 v4, v1;
	(erf) = vrcp.f32 v5;
	v5 =	vld [tilespmem:s19+$0x10];
	v0 =	vadd.f32 v0, v6;
	v4 =	vpop (erf)  }
0x488: {  	p6 =	slt.u32 s18, $0xF4240;
	v6 =	vld [tilespmem:s24+$0x10];
	v50 =	vmul.u32 $0x6, v9;
	v3 =	vadd.s32 v3, v47;
	v10 =	vadd.s32 v12, v10;
	v12 =	vpop (erf)  }
0x489: {  	v0 =	vpsel !p6, $0x0, v0;
	v2 =	vld.idx.msk [tilespmem:v2+s1+$0x0], $0xffff;
	v48 =	vpop (erf)  }
0x48a: {  	v0 =	vadd.f32 v0, v1;
	v8 =	vadd.s32 v8, v50;
	v9 =	vld.idx.msk [tilespmem:v9+s1+$0x0], $0xffff;
	v1 =	vmul.f32 v48, v11  }
0x48b: {  	v7 =	vld.idx.msk [tilespmem:v7+s1+$0x0], $0xffff;
	v11 =	vsub.f32 v14, v13;
	v14 =	vadd.s32 $0xFFFFFFFF, v3  }
0x48c: {  	v13 =	vld [tilespmem:s20+$0xFFFFFFE0];
	v21 =	vmax.f32 v1, $9.999999910e-38;
	v1 =	vadd.s32 $0xFFFFFFFF, v8  }
0x48d: {  	v51 =	vadd.f32 $1.000000000e+00, v15;
	v52 =	vadd.f32 $1.000000000e+00, v4;
	v19 =	vadd.s32 $0xFFFFFFFF, v10;
	v3 =	vld.idx.msk [tilespmem:v3+s2+$0x0], $0xffff  }
0x48e: {  	v15 =	vsub.f32 v15, v4;
	v4 =	vsub.f32 v17, v16;
	v17 =	vmul.u32 $0x6, v6;
	v10 =	vld.idx.msk [tilespmem:v10+s2+$0x0], $0xffff  }
0x48f: {  	v11 =	vmul.f32 v12, v11;
	v8 =	vld.idx.msk [tilespmem:v8+s2+$0x0], $0xffff;
	v12 =	vand.u32 $0x7FFFFF, v21  }
0x490: {  	v20 =	vmul.f32 v51, v52;
	v5 =	vadd.s32 v5, v17;
	v12 =	vor.u32 $0x3F800000, v12;
	v14 =	vld.idx.msk [tilespmem:v14+s2+$0x0], $0xffff  }
0x491: {  	v54 =	vadd.s32 $0xFFFFFFFF, v5;
	v16 =	vpop (erf);
	v11 =	vmax.f32 v11, $9.999999910e-38;
	v53 =	vadd.f32 $1.000000000e+00, v12;
	v17 =	vld.idx.msk [tilespmem:v1+s2+$0x0], $0xffff  }
0x492: {  	v4 =	vmul.f32 v16, v4;
	v19 =	vld.idx.msk [tilespmem:v19+s2+$0x0], $0xffff;
	v16 =	vand.u32 $0x7FFFFF, v11;
	v12 =	vadd.f32 $-1.000000000e+00, v12  }
0x493: {  	v3 =	vsub.f32 v18, v3;
	v16 =	vor.u32 $0x3F800000, v16;
	(erf) = vrcp.f32 v53  }
0x494: {  	v1 =	vmax.f32 v4, $9.999999910e-38;
	v4 =	vadd.f32 $1.000000000e+00, v16;
	v10 =	vsub.f32 v49, v10  }
0x495: {  	v3 =	vmul.f32 v3, v2;
	v8 =	vsub.f32 v13, v8;
	(erf) = vrcp.f32 v20  }
0x496: {  	(erf) = vrcp.f32 v4;
	v14 =	vsub.f32 v18, v14;
	v17 =	vsub.f32 v13, v17  }
0x497: {  	v4 =	vsub.f32 v49, v19;
	v10 =	vmul.f32 v10, v7;
	v8 =	vmul.f32 v8, v9  }
0x498: {  	v5 =	vld.idx.msk [tilespmem:v5+s2+$0x0], $0xffff;
	v3 =	vmax.f32 v3, $-3.000000000e+01;
	v2 =	vmul.f32 v14, v2;
	v14 =	vmul.f32 v17, v9  }
0x499: {  	v16 =	vadd.f32 $-1.000000000e+00, v16;
	v18 =	vld [tilespmem:s20+$0x10];
	v3 =	vsub.f32 $0.0e+00, v3;
	v4 =	vmul.f32 v4, v7  }
0x49a: {  	v7 =	vmax.f32 v10, $-3.000000000e+01;
	v10 =	vld.idx.msk [tilespmem:v54+s2+$0x0], $0xffff;
	v8 =	vmax.f32 v8, $-3.000000000e+01;
	v14 =	vmax.f32 v14, $-3.000000000e+01  }
0x49b: {  	v6 =	vld.idx.msk [tilespmem:v6+s1+$0x0], $0xffff;
	v7 =	vsub.f32 $0.0e+00, v7;
	v4 =	vmax.f32 v4, $-3.000000000e+01;
	v14 =	vsub.f32 $0.0e+00, v14  }
0x49c: {  	v19 =	vmul.f32 $1.442695020e+00, v3;
	v2 =	vmax.f32 v2, $-3.000000000e+01;
	v4 =	vsub.f32 $0.0e+00, v4  }
0x49d: {  	v7 =	vmul.f32 $1.442695020e+00, v7;
	v2 =	vsub.f32 $0.0e+00, v2;
	v17 =	vpop (erf);
	v14 =	vmul.f32 $1.442695020e+00, v14  }
0x49e: {  	v5 =	vsub.f32 v18, v5;
	v13 =	vmul.f32 $1.442695020e+00, v4;
	v3 =	vmul.f32 v17, v12  }
0x49f: {  	v10 =	vsub.f32 v18, v10;
	v2 =	vmul.f32 $1.442695020e+00, v2;
	(erf) = vpow2.f32 v14  }
0x4a0: {  	v8 =	vsub.f32 $0.0e+00, v8;
	v12 =	vpop (erf);
	v5 =	vmul.f32 v5, v6;
	(erf) = vpow2.f32 v13  }
0x4a1: {  	v55 =	vand.u32 $0x7FFFFF, v1;
	v4 =	vpop (erf);
	v6 =	vmul.f32 v10, v6;
	(erf) = vpow2.f32 v7  }
0x4a2: {  	v56 =	vor.u32 $0x3F800000, v55;
	v8 =	vmul.f32 $1.442695020e+00, v8;
	v5 =	vmax.f32 v5, $-3.000000000e+01  }
0x4a3: {  	(erf) = vpow2.f32 v2;
	v2 =	vmax.f32 v6, $-3.000000000e+01;
	v6 =	vmul.f32 v12, v15  }
0x4a4: {  	v4 =	vmul.f32 v4, v16;
	v10 =	vmul.f32 v3, v3;
	v5 =	vsub.f32 $0.0e+00, v5  }
0x4a5: {  	v7 =	vadd.f32 $1.000000000e+00, v56;
	(erf) = vpow2.f32 v19;
	v6 =	vmax.f32 v6, $9.999999910e-38  }
0x4a6: {  	v2 =	vsub.f32 $0.0e+00, v2;
	(erf) = vpow2.f32 v8;
	v8 =	vand.u32 $0x7FFFFF, v6  }
0x4a7: {  	v9 =	vshrl.u32 v11, $0x17;
	v11 =	vmul.f32 v4, v4;
	v5 =	vmul.f32 $1.442695020e+00, v5  }
0x4a8: {  	v9 =	vadd.s32 $0xFFFFFF81, v9;
	(erf) = vrcp.f32 v7;
	v2 =	vmul.f32 $1.442695020e+00, v2;
	v12 =	vpop (erf)  }
0x4a9: {  	v7 =	vmul.f32 $1.428571490e-01, v11;
	(erf) = vpow2.f32 v5;
	v14 =	vor.u32 $0x3F800000, v8;
	v8 =	vpop (erf)  }
0x4aa: {  	v5 =	vmul.f32 $1.428571490e-01, v10;
	(erf) = vpow2.f32 v2;
	v2 =	vadd.f32 $1.000000000e+00, v14;
	v13 =	vpop (erf)  }
0x4ab: {  	v16 =	vadd.f32 $-1.000000000e+00, v56;
	v6 =	vshrl.u32 v6, $0x17;
	v17 =	vadd.f32 $1.000000000e+00, v13  }
0x4ac: {  	v7 =	vadd.f32 $2.000000030e-01, v7;
	v5 =	vadd.f32 $2.000000030e-01, v5;
	(erf) = vrcp.f32 v2  }
0x4ad: {  	v19 =	vshrl.u32 v21, $0x17;
	v6 =	vadd.s32 $0xFFFFFF81, v6;
	v2 =	vadd.f32 $1.000000000e+00, v8;
	v18 =	vpop (erf)  }
0x4ae: {  	v15 =	vadd.f32 $1.000000000e+00, v12;
	v7 =	vmul.f32 v7, v11;
	v5 =	vmul.f32 v5, v10;
	v58 =	vpop (erf)  }
0x4af: {  	v8 =	vsub.f32 v13, v8;
	v57 =	vadd.f32 $1.000000000e+00, v18;
	v2 =	vmul.f32 v17, v2;
	v17 =	vpop (erf)  }
0x4b0: {  	v13 =	vadd.s32 $0xFFFFFF81, v19;
	v63 =	vadd.f32 $3.333333430e-01, v5;
	v19 =	vadd.f32 $1.000000000e+00, v17  }
0x4b1: {  	v59 =	vadd.f32 $1.000000000e+00, v58;
	(erf) = vrcp.f32 v2;
	v2 =	vcvt.s32.f32 v6;
	v60 =	vpop (erf)  }
0x4b2: {  	v12 =	vsub.f32 v17, v12;
	v17 =	vadd.f32 $3.333333430e-01, v7;
	v6 =	vmul.f32 v19, v15;
	v15 =	vpop (erf)  }
0x4b3: {  	v7 =	vmul.f32 v60, v16;
	v19 =	vadd.f32 $-1.000000000e+00, v14;
	v14 =	vmul.f32 v59, v57;
	v62 =	vpop (erf)  }
0x4b4: {  	v61 =	vadd.f32 $1.000000000e+00, v15;
	v16 =	vadd.f32 $1.000000000e+00, v62;
	(erf) = vrcp.f32 v6  }
0x4b5: {  	v17 =	vmul.f32 v17, v11;
	v6 =	vsub.f32 v15, v62;
	v5 =	vpop (erf);
	(erf) = vrcp.f32 v14  }
0x4b6: {  	s21 =	simm.s32 $0xFFFFFFC0;
	v15 =	vsub.f32 v58, v18;
	v5 =	vmul.f32 v5, v19;
	v11 =	vmul.f32 v61, v16  }
0x4b7: {  	s23 =	simm.s32 $0x13B90;
	s22 =	simm.s32 $0x40;
	s18 =	simm.s32 $0x0;
	v14 =	vadd.f32 $1.000000000e+00, v17;
	v16 =	vmul.f32 v63, v10;
	v10 =	vmul.f32 v7, v7  }
.LBB2_12:
0x4b8: {  	s20 =	sadd.s32 $0x40, s20  }
0x4b9: {  	v17 =	vld [tilespmem:s23+$0xFFFFFFF0];
	s19 =	sadd.s32 $0x40, s19;
	v13 =	vcvt.s32.f32 v13;
	v1 =	vshrl.u32 v1, $0x17;
	v18 =	vmul.f32 v5, v5;
	s24 =	smov.u32 s22;
	s22 =	sadd.s32 $0x40, s22  }
0x4ba: {  	v9 =	vcvt.s32.f32 v9;
	v19 =	vld [tilespmem:s19+$0xFFFFFFE0];
	p1 =	slt.u32 s22, $0xFC0;
	v16 =	vadd.f32 $1.000000000e+00, v16;
	v20 =	vmul.f32 $1.428571490e-01, v10  }
0x4bb: {  	v4 =	vmul.f32 v14, v4;
	v1 =	vadd.s32 $0xFFFFFF81, v1;
	v21 =	vld [tilespmem:s19+$0x0];
	v22 =	vpop (erf);
	v14 =	vmul.f32 $1.428571490e-01, v18  }
0x4bc: {  	v13 =	vmul.f32 $6.931471820e-01, v13;
	v23 =	vld [tilespmem:s19+$0x10];
	v16 =	vmul.f32 v16, v3;
	v20 =	vadd.f32 $2.000000030e-01, v20  }
0x4bd: {  	v1 =	vcvt.s32.f32 v1;
	v8 =	vmul.f32 v22, v8;
	v3 =	vld [tilespmem:s23+$0x10]  }
0x4be: {  	v26 =	vmul.f32 $6.931471820e-01, v9;
	v22 =	vld [tilespmem:s19+$0xFFFFFFF0];
	v24 =	vmul.u32 $0x6, v17;
	v25 =	vpop (erf);
	v20 =	vmul.f32 v20, v10  }
0x4bf: {  	v28 =	vmul.f32 $6.931471820e-01, v1;
	v1 =	vadd.f32 $2.000000030e-01, v14;
	v27 =	vld [tilespmem:s23+$0x0];
	v12 =	vmul.f32 v25, v12;
	v25 =	vpop (erf)  }
0x4c0: {  	v9 =	vmax.f32 v8, $9.999999910e-38;
	v16 =	vadd.f32 v16, v16;
	v14 =	vld [tilespmem:s23+$0xFFFFFFE0];
	v15 =	vmul.f32 v25, v15  }
0x4c1: {  	v4 =	vadd.f32 v4, v4;
	v25 =	vld [tilespmem:s20+$0x0];
	v8 =	vmax.f32 v12, $9.999999910e-38;
	v12 =	vand.u32 $0x7FFFFF, v9  }
0x4c2: {  	v20 =	vadd.f32 $3.333333430e-01, v20;
	v29 =	vld [tilespmem:s20+$0xFFFFFFF0];
	v30 =	vmul.u32 $0x6, v3;
	v31 =	vand.u32 $0x7FFFFF, v8  }
0x4c3: {  	v13 =	vadd.f32 v16, v13;
	v22 =	vadd.s32 v22, v24;
	v24 =	vld [tilespmem:s20+$0x10];
	v31 =	vor.u32 $0x3F800000, v31  }
0x4c4: {  	v33 =	vmul.f32 v1, v18;
	v16 =	vld.idx.msk [tilespmem:v17+s1+$0x0], $0xffff;
	v17 =	vadd.s32 $0xFFFFFFFF, v22;
	v32 =	vmul.u32 $0x6, v27  }
0x4c5: {  	s25 =	sadd.s32 s21, s30;
	s21 =	smov.u32 s18;
	s18 =	smov.u32 s24;
	v10 =	vmul.f32 v20, v10;
	v23 =	vadd.s32 v23, v30;
	v1 =	vmul.u32 $0x6, v14  }
0x4c6: {  	s28 =	sadd.s32 $0x5040, s25;
	s24 =	sadd.s32 $0x5050, s25;
	s31 =	sadd.s32 $0x5060, s25;
	v4 =	vadd.f32 v4, v26;
	v20 =	vadd.s32 v21, v32;
	v21 =	vadd.s32 $0xFFFFFFFF, v23  }
0x4c7: {  	p2 =	slt.u32 s24, $0xF4240;
	s24 =	sadd.s32 $0x5070, s25;
	v10 =	vadd.f32 $1.000000000e+00, v10;
	v19 =	vadd.s32 v19, v1;
	v26 =	vld [tilespmem:s20+$0xFFFFFFE0];
	v30 =	vadd.s32 $0xFFFFFFFF, v20  }
0x4c8: {  	p3 =	slt.u32 s28, $0xF4240;
	v4 =	vpsel !p2, $0x0, v4;
	v34 =	vadd.f32 $1.000000000e+00, v31;
	v32 =	vadd.s32 $0xFFFFFFFF, v19;
	v22 =	vld.idx.msk [tilespmem:v22+s2+$0x0], $0xffff  }
0x4c9: {  	v13 =	vpsel !p3, $0x0, v13;
	v1 =	vmax.f32 v15, $9.999999910e-38;
	v15 =	vadd.f32 $3.333333430e-01, v33;
	v17 =	vld.idx.msk [tilespmem:v17+s2+$0x0], $0xffff  }
0x4ca: {  	v12 =	vor.u32 $0x3F800000, v12;
	v7 =	vmul.f32 v10, v7;
	v27 =	vld.idx.msk [tilespmem:v27+s1+$0x0], $0xffff;
	(erf) = vrcp.f32 v34  }
0x4cb: {  	v33 =	vand.u32 $0x7FFFFF, v1;
	v15 =	vmul.f32 v15, v18;
	v10 =	vld.idx.msk [tilespmem:v20+s2+$0x0], $0xffff;
	v20 =	vadd.f32 $1.000000000e+00, v12  }
0x4cc: {  	v0 =	vadd.f32 v13, v0;
	v7 =	vadd.f32 v7, v7;
	v18 =	vld.idx.msk [tilespmem:v30+s2+$0x0], $0xffff;
	v30 =	vor.u32 $0x3F800000, v33  }
0x4cd: {  	v2 =	vmul.f32 $6.931471820e-01, v2;
	v31 =	vadd.f32 $-1.000000000e+00, v31;
	v15 =	vadd.f32 $1.000000000e+00, v15;
	v13 =	vld.idx.msk [tilespmem:v32+s2+$0x0], $0xffff  }
0x4ce: {  	v0 =	vadd.f32 v4, v0;
	v22 =	vsub.f32 v29, v22;
	v19 =	vld.idx.msk [tilespmem:v19+s2+$0x0], $0xffff;
	(erf) = vrcp.f32 v11  }
0x4cf: {  	v7 =	vadd.f32 v7, v28;
	v11 =	vsub.f32 v29, v17;
	v4 =	vld.idx.msk [tilespmem:v14+s1+$0x0], $0xffff;
	(erf) = vrcp.f32 v20  }
0x4d0: {  	p2 =	slt.u32 s31, $0xF4240;
	v12 =	vadd.f32 $-1.000000000e+00, v12;
	v5 =	vmul.f32 v15, v5;
	v14 =	vmul.f32 v22, v16  }
0x4d1: {  	v7 =	vpsel !p2, $0x0, v7;
	v11 =	vmul.f32 v11, v16;
	v10 =	vsub.f32 v25, v10  }
0x4d2: {  	v5 =	vadd.f32 v5, v5;
	v14 =	vmax.f32 v14, $-3.000000000e+01;
	v15 =	vsub.f32 v25, v18  }
0x4d3: {  	v0 =	vadd.f32 v7, v0;
	v13 =	vsub.f32 v26, v13;
	v10 =	vmul.f32 v10, v27;
	v16 =	vpop (erf)  }
0x4d4: {  	p2 =	slt.u32 s24, $0xF4240;
	v2 =	vadd.f32 v5, v2;
	v7 =	vmax.f32 v11, $-3.000000000e+01;
	v11 =	vmul.f32 v15, v27;
	v15 =	vld.idx.msk [tilespmem:v21+s2+$0x0], $0xffff  }
0x4d5: {  	v7 =	vsub.f32 $0.0e+00, v7;
	v5 =	vmul.f32 v13, v4;
	v10 =	vmax.f32 v10, $-3.000000000e+01;
	v13 =	vld.idx.msk [tilespmem:v23+s2+$0x0], $0xffff  }
0x4d6: {  	v2 =	vpsel !p2, $0x0, v2;
	v11 =	vmax.f32 v11, $-3.000000000e+01;
	v20 =	vsub.f32 $0.0e+00, v10  }
0x4d7: {  	v0 =	vadd.f32 v2, v0;
	v5 =	vmax.f32 v5, $-3.000000000e+01;
	v11 =	vsub.f32 $0.0e+00, v11;
	v17 =	vld.idx.msk [tilespmem:v3+s1+$0x0], $0xffff;
	v18 =	vpop (erf)  }
0x4d8: {  	v2 =	vsub.f32 $0.0e+00, v5;
	v5 =	vmul.f32 $1.442695020e+00, v20;
	v3 =	vmul.f32 v16, v31;
	v10 =	vpop (erf)  }
0x4d9: {  	v7 =	vmul.f32 $1.442695020e+00, v7;
	v16 =	vsub.f32 v26, v19;
	v11 =	vmul.f32 $1.442695020e+00, v11  }
0x4da: {  	v14 =	vsub.f32 $0.0e+00, v14;
	v2 =	vmul.f32 $1.442695020e+00, v2;
	v15 =	vsub.f32 v24, v15  }
0x4db: {  	v16 =	vmul.f32 v16, v4;
	v4 =	vmul.f32 v10, v12;
	v13 =	vsub.f32 v24, v13  }
0x4dc: {  	v10 =	vmul.f32 $1.442695020e+00, v14;
	(erf) = vpow2.f32 v2;
	v2 =	vshrl.u32 v9, $0x17  }
0x4dd: {  	v9 =	vmax.f32 v16, $-3.000000000e+01;
	v12 =	vmul.f32 v13, v17;
	(erf) = vpow2.f32 v7  }
0x4de: {  	v7 =	vsub.f32 $0.0e+00, v9;
	v9 =	vadd.f32 $1.000000000e+00, v30;
	(erf) = vpow2.f32 v10  }
0x4df: {  	v16 =	vmul.f32 v3, v3;
	v10 =	vmul.f32 v15, v17;
	v12 =	vmax.f32 v12, $-3.000000000e+01  }
0x4e0: {  	v7 =	vmul.f32 $1.442695020e+00, v7;
	v12 =	vsub.f32 $0.0e+00, v12;
	(erf) = vpow2.f32 v11  }
0x4e1: {  	v10 =	vmax.f32 v10, $-3.000000000e+01;
	(erf) = vpow2.f32 v5;
	v5 =	vmul.f32 v18, v6  }
0x4e2: {  	v6 =	vsub.f32 $0.0e+00, v10;
	v10 =	vmul.f32 v4, v4;
	(erf) = vpow2.f32 v7  }
0x4e3: {  	v7 =	vmul.f32 $1.442695020e+00, v12;
	v5 =	vmax.f32 v5, $9.999999910e-38;
	(erf) = vrcp.f32 v9  }
0x4e4: {  	v6 =	vmul.f32 $1.442695020e+00, v6;
	v11 =	vmul.f32 $1.428571490e-01, v10;
	v9 =	vand.u32 $0x7FFFFF, v5  }
0x4e5: {  	v12 =	vpop (erf);
	(erf) = vpow2.f32 v7;
	v7 =	vmul.f32 $1.428571490e-01, v16;
	v14 =	vor.u32 $0x3F800000, v9  }
0x4e6: {  	v15 =	vadd.f32 $1.000000000e+00, v12;
	v13 =	vpop (erf);
	(erf) = vpow2.f32 v6;
	v6 =	vadd.f32 $1.000000000e+00, v14  }
0x4e7: {  	v9 =	vadd.s32 $0xFFFFFF81, v2;
	v2 =	vadd.f32 $2.000000030e-01, v11;
	v11 =	vadd.f32 $-1.000000000e+00, v30;
	v17 =	vpop (erf)  }
0x4e8: {  	v7 =	vadd.f32 $2.000000030e-01, v7;
	v22 =	vadd.f32 $1.000000000e+00, v17;
	(erf) = vrcp.f32 v6  }
0x4e9: {  	v20 =	vshrl.u32 v8, $0x17;
	v5 =	vshrl.u32 v5, $0x17;
	v6 =	vadd.f32 $1.000000000e+00, v13;
	v19 =	vpop (erf)  }
0x4ea: {  	v5 =	vadd.s32 $0xFFFFFF81, v5;
	v8 =	vsub.f32 v17, v13;
	v17 =	vadd.f32 $1.000000000e+00, v19;
	v21 =	vpop (erf)  }
0x4eb: {  	v13 =	vadd.s32 $0xFFFFFF81, v20;
	v20 =	vmul.f32 v7, v16;
	v25 =	vmul.f32 v22, v6;
	v18 =	vpop (erf)  }
0x4ec: {  	v23 =	vmul.f32 v2, v10;
	v26 =	vadd.f32 $1.000000000e+00, v21;
	v7 =	vadd.f32 $1.000000000e+00, v18;
	v24 =	vpop (erf)  }
0x4ed: {  	v2 =	vcvt.s32.f32 v5;
	v12 =	vsub.f32 v18, v12;
	(erf) = vrcp.f32 v25  }
0x4ee: {  	v23 =	vadd.f32 $3.333333430e-01, v23;
	v18 =	vadd.f32 $-1.000000000e+00, v14;
	v5 =	vmul.f32 v7, v15;
	v6 =	vpop (erf)  }
.Ltmp5:
0x4ef: {  	v14 =	vmul.f32 v26, v17;
	v7 =	vmul.f32 v24, v11;
	v17 =	vadd.f32 $1.000000000e+00, v6;
	v22 =	vpop (erf);
	(pc) =	sbr.rel @p1 .LBB2_12-.Ltmp5, $4  }
0x4f0: {  	v11 =	vadd.f32 $1.000000000e+00, v22;
	(erf) = vrcp.f32 v5;
	v5 =	vmul.f32 v23, v10  }
0x4f1: {  	v6 =	vsub.f32 v6, v22;
	v10 =	vadd.f32 $3.333333430e-01, v20;
	(erf) = vrcp.f32 v14;
	v15 =	vpop (erf)  }
0x4f2: {  	v11 =	vmul.f32 v17, v11;
	v14 =	vadd.f32 $1.000000000e+00, v5;
	v5 =	vmul.f32 v15, v18  }
0x4f3: {  	s23 =	sadd.s32 $0x40, s23;
	v15 =	vsub.f32 v21, v19;
	v16 =	vmul.f32 v10, v16;
	v10 =	vmul.f32 v7, v7  }
0x4f4: {  	_ =	sdelay $0x3  }
0x4f5: {  	v17 =	vpop (erf)  }
0x4f6: {  	v18 =	vpop (erf)  }
0x4f7: {  	v12 =	vmul.f32 v18, v12;
	_ =	sdelay $0x1  }
0x4f8: {  	v12 =	vmax.f32 v12, $9.999999910e-38  }
0x4f9: {  	v18 =	vand.u32 $0x7FFFFF, v12  }
0x4fa: {  	v18 =	vor.u32 $0x3F800000, v18  }
0x4fb: {  	v19 =	vadd.f32 $1.000000000e+00, v18;
	_ =	sdelay $0x1  }
0x4fc: {  	(erf) = vrcp.f32 v19  }
0x4fd: {  	(erf) = vrcp.f32 v11;
	_ =	sdelay $0x6  }
0x4fe: {  	v11 =	vpop (erf)  }
0x4ff: {  	v8 =	vmul.f32 v17, v8;
	v17 =	vpop (erf)  }
0x500: {  	v11 =	vmul.f32 v11, v15;
	v15 =	vpop (erf)  }
0x501: {  	v8 =	vmax.f32 v8, $9.999999910e-38;
	v15 =	vmul.f32 v15, v6  }
0x502: {  	v19 =	vand.u32 $0x7FFFFF, v8;
	v6 =	vmax.f32 v11, $9.999999910e-38  }
0x503: {  	v11 =	vor.u32 $0x3F800000, v19;
	v19 =	vand.u32 $0x7FFFFF, v6;
	v15 =	vmax.f32 v15, $9.999999910e-38  }
0x504: {  	v20 =	vadd.f32 $1.000000000e+00, v11;
	v19 =	vor.u32 $0x3F800000, v19;
	v21 =	vand.u32 $0x7FFFFF, v15  }
0x505: {  	v22 =	vadd.f32 $1.000000000e+00, v19;
	v21 =	vor.u32 $0x3F800000, v21  }
0x506: {  	(erf) = vrcp.f32 v20;
	v58 =	vadd.f32 $1.000000000e+00, v21  }
0x507: {  	(erf) = vrcp.f32 v22  }
0x508: {  	(erf) = vrcp.f32 v58;
	_ =	sdelay $0x3  }
0x509: {  	s19 =	rddreg [dreg:$0x19]  }
0x50a: {  	[tilespmem:s9], [sflag:$0x2] =	stream.linear.gather [hbm4b:s19+s1], $0x1000, $0x38;
	[tilespmem:$0x1AAF0] =	vst v63  }
0x50b: {  	s24 =	rddreg [dreg:$0x1a]  }
0x50c: {  	[tilespmem:s10], [sflag:$0x2] =	stream.linear.gather [hbm4b:s24+s1], $0x1000, $0x38;
	v59 =	vpop (erf);
	[tilespmem:$0x1AAF0] =	vst v63  }
0x50d: {  	s25 =	rddreg [dreg:$0x1b];
	v22 =	vpop (erf)  }
0x50e: {  	[tilespmem:s11], [sflag:$0x2] =	stream.linear.gather [hbm4b:s25+s1], $0x1000, $0x38;
	v23 =	vpop (erf);
	[tilespmem:$0x1AAF0] =	vst v63  }
0x50f: {  	_ =	swait.ge [sflag:s12], $0x1000  }
0x510: {  	[sflag:s12] =	ssyncset.done $0x0  }
0x511: {  	[sflag:s12] =	ssyncadd.s32 $0xFFFFF000  }
0x512: {  	v25 =	vmul.f32 v5, v5;
	_ =	swait.ge [sflag:s13], $0x1000  }
0x513: {  	v24 =	vmul.f32 $1.428571490e-01, v10;
	v16 =	vadd.f32 $1.000000000e+00, v16;
	[sflag:s13] =	ssyncset.done $0x0  }
0x514: {  	v13 =	vcvt.s32.f32 v13;
	v26 =	vmul.f32 $1.428571490e-01, v25;
	[sflag:s13] =	ssyncadd.s32 $0xFFFFF000  }
0x515: {  	v9 =	vcvt.s32.f32 v9;
	v24 =	vadd.f32 $2.000000030e-01, v24;
	v3 =	vmul.f32 v16, v3;
	_ =	swait.ge [sflag:s13], $0x1000  }
0x516: {  	v1 =	vshrl.u32 v1, $0x17;
	v4 =	vmul.f32 v14, v4;
	v16 =	vadd.f32 $2.000000030e-01, v26;
	[sflag:s13] =	ssyncset.done $0x0  }
0x517: {  	v13 =	vmul.f32 $6.931471820e-01, v13;
	v14 =	vmul.f32 v24, v10;
	v3 =	vadd.f32 v3, v3;
	[sflag:s13] =	ssyncadd.s32 $0xFFFFF000  }
0x518: {  	s28 =	sadd.s32 s21, s30;
	v1 =	vadd.s32 $0xFFFFFF81, v1;
	v4 =	vadd.f32 v4, v4;
	v16 =	vmul.f32 v16, v25;
	_ =	swait.ge [sflag:s13], $0x1000  }
0x519: {  	s22 =	simm.s32 $0x12B10;
	s23 =	sadd.s32 $0x5040, s28;
	v9 =	vmul.f32 $6.931471820e-01, v9;
	v14 =	vadd.f32 $3.333333430e-01, v14;
	v3 =	vadd.f32 v3, v13;
	[sflag:s13] =	ssyncset.done $0x0  }
0x51a: {  	v2 =	vmul.f32 $6.931471820e-01, v2;
	v1 =	vcvt.s32.f32 v1;
	p2 =	slt.u32 s23, $0xF4240;
	v13 =	vadd.f32 $3.333333430e-01, v16;
	[sflag:s13] =	ssyncadd.s32 $0xFFFFF000  }
0x51b: {  	v4 =	vadd.f32 v4, v9;
	v10 =	vmul.f32 v14, v10;
	v3 =	vpsel !p2, $0x0, v3;
	[tilespmem:s14], [sflag:$0x4] =	stream.indirect.gather [spmem:s29], $0x1, s10, s7, $0xb8;
	[tilespmem:$0x1AAF0] =	vst v63  }
0x51c: {  	v12 =	vshrl.u32 v12, $0x17;
	v13 =	vmul.f32 v13, v25;
	v11 =	vadd.f32 $-1.000000000e+00, v11;
	v60 =	vld [tilespmem:s22+$0xFFFFFFF0]  }
0x51d: {  	s20 =	simm.s32 $0x16B10;
	v12 =	vadd.s32 $0xFFFFFF81, v12;
	v10 =	vadd.f32 $1.000000000e+00, v10;
	v16 =	vadd.f32 $-1.000000000e+00, v18;
	v18 =	vld [tilespmem:s22+$0xFFFFFFE0]  }
0x51e: {  	s21 =	sadd.s32 $0x5050, s28;
	v0 =	vadd.f32 v3, v0;
	v12 =	vcvt.s32.f32 v12;
	v11 =	vmul.f32 v59, v11;
	v9 =	vld [tilespmem:s20+$0xFFFFFFF0]  }
0x51f: {  	p1 =	slt.u32 s21, $0xF4240;
	v3 =	vadd.f32 $1.000000000e+00, v13;
	v7 =	vmul.f32 v10, v7;
	v10 =	vmul.f32 v17, v16;
	v16 =	vld [tilespmem:s20+$0xFFFFFFE0]  }
0x520: {  	v1 =	vmul.f32 $6.931471820e-01, v1;
	v4 =	vpsel !p1, $0x0, v4;
	v13 =	vmul.f32 v11, v11;
	v14 =	vld [tilespmem:s22+$0x0]  }
0x521: {  	v8 =	vshrl.u32 v8, $0x17;
	v12 =	vmul.f32 $6.931471820e-01, v12;
	v3 =	vmul.f32 v3, v5;
	v61 =	vld [tilespmem:s20+$0x0]  }
0x522: {  	v28 =	vmul.f32 $1.428571490e-01, v13;
	v62 =	vld [tilespmem:s20+$0x10];
	v17 =	vmul.u32 $0x6, v60;
	v31 =	vmul.u32 $0x6, v18  }
0x523: {  	s31 =	simm.s32 $0x18B10;
	v8 =	vadd.s32 $0xFFFFFF81, v8;
	v7 =	vadd.f32 v7, v7;
	v3 =	vadd.f32 v3, v3;
	v27 =	vld [tilespmem:s22+$0x10]  }
0x524: {  	v28 =	vadd.f32 $2.000000030e-01, v28;
	v29 =	vld [tilespmem:s31+$0x0];
	v9 =	vadd.s32 v9, v17;
	v16 =	vadd.s32 v16, v31  }
0x525: {  	v1 =	vadd.f32 v7, v1;
	v63 =	vmul.f32 v10, v10;
	v36 =	vld [tilespmem:s31+$0xFFFFFFF0];
	v31 =	vadd.s32 $0xFFFFFFFF, v16  }
0x526: {  	v7 =	vmul.f32 v28, v13;
	v5 =	vld [tilespmem:s31+$0xFFFFFFE0];
	v17 =	vmul.u32 $0x6, v14;
	v30 =	vadd.s32 $0xFFFFFFFF, v9  }
0x527: {  	s23 =	sadd.s32 $0x5060, s28;
	v4 =	vadd.f32 v4, v0;
	v8 =	vcvt.s32.f32 v8;
	v0 =	vmul.f32 $1.428571490e-01, v63;
	v24 =	vld.idx.msk [tilespmem:v60+s1+$0x0], $0xffff  }
0x528: {  	p6 =	slt.u32 s23, $0xF4240;
	v2 =	vadd.f32 v3, v2;
	v7 =	vadd.f32 $3.333333430e-01, v7;
	v18 =	vld.idx.msk [tilespmem:v18+s1+$0x0], $0xffff;
	v17 =	vadd.s32 v61, v17  }
0x529: {  	s19 =	sadd.s32 $0x5070, s28;
	v1 =	vpsel !p6, $0x0, v1;
	v0 =	vadd.f32 $2.000000030e-01, v0;
	v37 =	vadd.s32 $0xFFFFFFFF, v17;
	v9 =	vld.idx.msk [tilespmem:v9+s2+$0x0], $0xffff  }
0x52a: {  	p2 =	slt.u32 s19, $0xF4240;
	v1 =	vadd.f32 v1, v4;
	v19 =	vadd.f32 $-1.000000000e+00, v19;
	v3 =	vmul.f32 v7, v13;
	v7 =	vld.idx.msk [tilespmem:v31+s2+$0x0], $0xffff  }
0x52b: {  	v2 =	vpsel !p2, $0x0, v2;
	v21 =	vadd.f32 $-1.000000000e+00, v21;
	v0 =	vmul.f32 v0, v63;
	v30 =	vld.idx.msk [tilespmem:v30+s2+$0x0], $0xffff  }
0x52c: {  	v8 =	vmul.f32 $6.931471820e-01, v8;
	v1 =	vadd.f32 v2, v1;
	v19 =	vmul.f32 v22, v19;
	v16 =	vld.idx.msk [tilespmem:v16+s2+$0x0], $0xffff  }
0x52d: {  	v15 =	vshrl.u32 v15, $0x17;
	v38 =	vadd.f32 $3.333333430e-01, v0;
	v0 =	vmul.f32 v23, v21;
	v17 =	vld.idx.msk [tilespmem:v17+s2+$0x0], $0xffff  }
0x52e: {  	v6 =	vshrl.u32 v6, $0x17;
	v15 =	vadd.s32 $0xFFFFFF81, v15;
	v41 =	vmul.f32 v19, v19;
	v40 =	vld.idx.msk [tilespmem:v37+s2+$0x0], $0xffff  }
0x52f: {  	v42 =	vmul.f32 v0, v0;
	v32 =	vmul.u32 $0x6, v27;
	v14 =	vld.idx.msk [tilespmem:v14+s1+$0x0], $0xffff;
	v7 =	vsub.f32 v5, v7  }
0x530: {  	v43 =	vmul.f32 $1.428571490e-01, v41;
	v9 =	vsub.f32 v36, v9;
	v20 =	vsub.f32 v36, v30  }
0x531: {  	v39 =	vadd.s32 v62, v32;
	v5 =	vsub.f32 v5, v16;
	v7 =	vmul.f32 v7, v18  }
0x532: {  	v9 =	vmul.f32 v9, v24;
	v17 =	vsub.f32 v29, v17;
	v20 =	vmul.f32 v20, v24  }
0x533: {  	v22 =	vsub.f32 v29, v40;
	v5 =	vmul.f32 v5, v18;
	v7 =	vmax.f32 v7, $-3.000000000e+01  }
0x534: {  	v17 =	vmul.f32 v17, v14;
	v20 =	vmax.f32 v20, $-3.000000000e+01;
	v7 =	vsub.f32 $0.0e+00, v7  }
0x535: {  	v9 =	vmax.f32 v9, $-3.000000000e+01;
	v14 =	vmul.f32 v22, v14;
	v20 =	vsub.f32 $0.0e+00, v20  }
0x536: {  	v16 =	vadd.s32 $0xFFFFFFFF, v39;
	v9 =	vsub.f32 $0.0e+00, v9;
	v7 =	vmul.f32 $1.442695020e+00, v7  }
0x537: {  	v5 =	vmax.f32 v5, $-3.000000000e+01;
	v14 =	vmax.f32 v14, $-3.000000000e+01;
	v18 =	vmul.f32 $1.442695020e+00, v20  }
0x538: {  	v17 =	vmax.f32 v17, $-3.000000000e+01;
	v14 =	vsub.f32 $0.0e+00, v14;
	(erf) = vpow2.f32 v7;
	v7 =	vld [tilespmem:s31+$0x10]  }
0x539: {  	v17 =	vsub.f32 $0.0e+00, v17;
	v9 =	vmul.f32 $1.442695020e+00, v9;
	(erf) = vpow2.f32 v18;
	v18 =	vld.idx.msk [tilespmem:v39+s2+$0x0], $0xffff  }
0x53a: {  	v13 =	vmul.f32 v38, v63;
	v5 =	vsub.f32 $0.0e+00, v5;
	v14 =	vmul.f32 $1.442695020e+00, v14  }
0x53b: {  	v16 =	vld.idx.msk [tilespmem:v16+s2+$0x0], $0xffff;
	v17 =	vmul.f32 $1.442695020e+00, v17;
	(erf) = vpow2.f32 v9;
	v9 =	vadd.f32 $2.000000030e-01, v43  }
0x53c: {  	v3 =	vadd.f32 $1.000000000e+00, v3;
	v5 =	vmul.f32 $1.442695020e+00, v5;
	(erf) = vpow2.f32 v14;
	v14 =	vld.idx.msk [tilespmem:v27+s1+$0x0], $0xffff  }
0x53d: {  	v13 =	vadd.f32 $1.000000000e+00, v13;
	(erf) = vpow2.f32 v17;
	v9 =	vmul.f32 v9, v41  }
0x53e: {  	v3 =	vmul.f32 v3, v11;
	(erf) = vpow2.f32 v5;
	v11 =	vsub.f32 v7, v18  }
0x53f: {  	v5 =	vadd.s32 $0xFFFFFF81, v6;
	v6 =	vmul.f32 $1.428571490e-01, v42;
	v9 =	vadd.f32 $3.333333430e-01, v9  }
0x540: {  	v10 =	vmul.f32 v13, v10;
	v3 =	vadd.f32 v3, v3;
	v7 =	vsub.f32 v7, v16  }
0x541: {  	v6 =	vadd.f32 $2.000000030e-01, v6;
	v4 =	vmul.f32 v9, v41;
	v9 =	vmul.f32 v11, v14  }
0x542: {  	v10 =	vadd.f32 v10, v10;
	v3 =	vadd.f32 v3, v8;
	v7 =	vmul.f32 v7, v14;
	v11 =	vpop (erf)  }
0x543: {  	v5 =	vcvt.s32.f32 v5;
	v6 =	vmul.f32 v6, v42;
	v9 =	vmax.f32 v9, $-3.000000000e+01;
	v13 =	vpop (erf)  }
0x544: {  	v4 =	vadd.f32 $1.000000000e+00, v4;
	v7 =	vmax.f32 v7, $-3.000000000e+01;
	v9 =	vsub.f32 $0.0e+00, v9;
	v14 =	vpop (erf)  }
0x545: {  	v5 =	vmul.f32 $6.931471820e-01, v5;
	v7 =	vsub.f32 $0.0e+00, v7;
	v45 =	vadd.f32 $1.000000000e+00, v11;
	v16 =	vpop (erf)  }
0x546: {  	v6 =	vadd.f32 $3.333333430e-01, v6;
	v4 =	vmul.f32 v4, v19;
	v19 =	vadd.f32 $1.000000000e+00, v13;
	v17 =	vpop (erf)  }
0x547: {  	v9 =	vmul.f32 $1.442695020e+00, v9;
	v18 =	vadd.f32 $1.000000000e+00, v14;
	v7 =	vmul.f32 $1.442695020e+00, v7;
	v44 =	vpop (erf)  }
0x548: {  	s18 =	sadd.s32 s18, s30;
	v2 =	vmul.f32 v6, v42;
	v6 =	vadd.f32 v10, v12;
	v46 =	vadd.f32 $1.000000000e+00, v44  }
0x549: {  	s25 =	sadd.s32 $0x5040, s18;
	v4 =	vadd.f32 v4, v4;
	(erf) = vpow2.f32 v9;
	v9 =	vmul.f32 v18, v19  }
0x54a: {  	p3 =	slt.u32 s25, $0xF4240;
	s19 =	simm.s32 $0x16B50;
	v2 =	vadd.f32 $1.000000000e+00, v2;
	(erf) = vpow2.f32 v7;
	v7 =	vmul.f32 v46, v45  }
0x54b: {  	s24 =	simm.s32 $0x12B50;
	v12 =	vld [tilespmem:s19+$0xFFFFFFF0];
	v6 =	vpsel !p3, $0x0, v6;
	v10 =	vadd.f32 $1.000000000e+00, v17;
	(erf) = vrcp.f32 v9  }
0x54c: {  	s28 =	sadd.s32 $0x5050, s18;
	v9 =	vadd.f32 $1.000000000e+00, v16;
	v0 =	vmul.f32 v2, v0;
	v2 =	vld [tilespmem:s24+$0x0];
	(erf) = vrcp.f32 v7  }
0x54d: {  	p4 =	slt.u32 s28, $0xF4240;
	v15 =	vcvt.s32.f32 v15;
	v1 =	vadd.f32 v6, v1;
	v7 =	vld [tilespmem:s24+$0xFFFFFFF0]  }
0x54e: {  	v3 =	vpsel !p4, $0x0, v3;
	s31 =	sadd.s32 $0x5060, s18;
	v4 =	vadd.f32 v4, v5;
	v5 =	vmul.f32 v10, v9;
	v9 =	vld [tilespmem:s24+$0xFFFFFFE0]  }
0x54f: {  	s20 =	simm.s32 $0x18B50;
	p5 =	slt.u32 s31, $0xF4240;
	v6 =	vmul.f32 $6.931471820e-01, v15;
	v1 =	vadd.f32 v3, v1;
	v3 =	vld [tilespmem:s19+$0x0];
	v0 =	vadd.f32 v0, v0  }
0x550: {  	v49 =	vld [tilespmem:s20+$0xFFFFFFF0];
	v4 =	vpsel !p5, $0x0, v4  }
0x551: {  	v8 =	vld [tilespmem:s19+$0xFFFFFFE0];
	s18 =	sadd.s32 $0x5070, s18;
	v0 =	vadd.f32 v0, v6  }
0x552: {  	p6 =	slt.u32 s18, $0xF4240;
	v18 =	vld [tilespmem:s20+$0x0];
	v11 =	vsub.f32 v44, v11;
	v47 =	vmul.u32 $0x6, v2;
	v15 =	vpop (erf);
	v10 =	vmul.u32 $0x6, v7  }
0x553: {  	v1 =	vadd.f32 v4, v1;
	(erf) = vrcp.f32 v5;
	v5 =	vld [tilespmem:s19+$0x10];
	v0 =	vpsel !p6, $0x0, v0;
	v4 =	vpop (erf)  }
0x554: {  	v6 =	vld [tilespmem:s24+$0x10];
	v50 =	vmul.u32 $0x6, v9;
	v3 =	vadd.s32 v3, v47;
	v10 =	vadd.s32 v12, v10;
	v12 =	vpop (erf)  }
0x555: {  	v0 =	vadd.f32 v0, v1;
	v2 =	vld.idx.msk [tilespmem:v2+s1+$0x0], $0xffff;
	v48 =	vpop (erf)  }
0x556: {  	v51 =	vadd.f32 $1.000000000e+00, v15;
	v8 =	vadd.s32 v8, v50;
	v9 =	vld.idx.msk [tilespmem:v9+s1+$0x0], $0xffff;
	v1 =	vmul.f32 v48, v11  }
0x557: {  	v52 =	vadd.f32 $1.000000000e+00, v4;
	v7 =	vld.idx.msk [tilespmem:v7+s1+$0x0], $0xffff;
	v11 =	vsub.f32 v14, v13;
	v14 =	vadd.s32 $0xFFFFFFFF, v3  }
0x558: {  	v15 =	vsub.f32 v15, v4;
	v13 =	vld [tilespmem:s20+$0xFFFFFFE0];
	v21 =	vmax.f32 v1, $9.999999910e-38;
	v1 =	vadd.s32 $0xFFFFFFFF, v8  }
0x559: {  	v4 =	vsub.f32 v17, v16;
	v17 =	vmul.u32 $0x6, v6;
	v19 =	vadd.s32 $0xFFFFFFFF, v10;
	v3 =	vld.idx.msk [tilespmem:v3+s2+$0x0], $0xffff  }
0x55a: {  	v10 =	vld.idx.msk [tilespmem:v10+s2+$0x0], $0xffff  }
0x55b: {  	v5 =	vadd.s32 v5, v17;
	v11 =	vmul.f32 v12, v11;
	v8 =	vld.idx.msk [tilespmem:v8+s2+$0x0], $0xffff;
	v12 =	vand.u32 $0x7FFFFF, v21  }
0x55c: {  	v20 =	vmul.f32 v51, v52;
	v54 =	vadd.s32 $0xFFFFFFFF, v5;
	v16 =	vpop (erf);
	v12 =	vor.u32 $0x3F800000, v12;
	v14 =	vld.idx.msk [tilespmem:v14+s2+$0x0], $0xffff  }
0x55d: {  	v4 =	vmul.f32 v16, v4;
	v11 =	vmax.f32 v11, $9.999999910e-38;
	v53 =	vadd.f32 $1.000000000e+00, v12;
	v17 =	vld.idx.msk [tilespmem:v1+s2+$0x0], $0xffff  }
0x55e: {  	v19 =	vld.idx.msk [tilespmem:v19+s2+$0x0], $0xffff;
	v16 =	vand.u32 $0x7FFFFF, v11;
	v12 =	vadd.f32 $-1.000000000e+00, v12;
	v3 =	vsub.f32 v18, v3  }
0x55f: {  	v16 =	vor.u32 $0x3F800000, v16;
	(erf) = vrcp.f32 v53;
	v1 =	vmax.f32 v4, $9.999999910e-38  }
0x560: {  	v4 =	vadd.f32 $1.000000000e+00, v16;
	v10 =	vsub.f32 v49, v10;
	v3 =	vmul.f32 v3, v2  }
0x561: {  	v16 =	vadd.f32 $-1.000000000e+00, v16;
	v8 =	vsub.f32 v13, v8;
	(erf) = vrcp.f32 v20  }
0x562: {  	(erf) = vrcp.f32 v4;
	v14 =	vsub.f32 v18, v14;
	v17 =	vsub.f32 v13, v17  }
0x563: {  	v4 =	vsub.f32 v49, v19;
	v10 =	vmul.f32 v10, v7;
	v8 =	vmul.f32 v8, v9  }
0x564: {  	v5 =	vld.idx.msk [tilespmem:v5+s2+$0x0], $0xffff;
	v3 =	vmax.f32 v3, $-3.000000000e+01;
	v2 =	vmul.f32 v14, v2;
	v14 =	vmul.f32 v17, v9  }
0x565: {  	v55 =	vand.u32 $0x7FFFFF, v1;
	v18 =	vld [tilespmem:s20+$0x10];
	v3 =	vsub.f32 $0.0e+00, v3;
	v4 =	vmul.f32 v4, v7  }
0x566: {  	v7 =	vmax.f32 v10, $-3.000000000e+01;
	v10 =	vld.idx.msk [tilespmem:v54+s2+$0x0], $0xffff;
	v8 =	vmax.f32 v8, $-3.000000000e+01;
	v14 =	vmax.f32 v14, $-3.000000000e+01  }
0x567: {  	v6 =	vld.idx.msk [tilespmem:v6+s1+$0x0], $0xffff;
	v7 =	vsub.f32 $0.0e+00, v7;
	v4 =	vmax.f32 v4, $-3.000000000e+01;
	v14 =	vsub.f32 $0.0e+00, v14  }
0x568: {  	v19 =	vmul.f32 $1.442695020e+00, v3;
	v2 =	vmax.f32 v2, $-3.000000000e+01;
	v4 =	vsub.f32 $0.0e+00, v4  }
0x569: {  	v7 =	vmul.f32 $1.442695020e+00, v7;
	v2 =	vsub.f32 $0.0e+00, v2;
	v17 =	vpop (erf);
	v14 =	vmul.f32 $1.442695020e+00, v14  }
0x56a: {  	v5 =	vsub.f32 v18, v5;
	v13 =	vmul.f32 $1.442695020e+00, v4;
	v3 =	vmul.f32 v17, v12  }
0x56b: {  	v10 =	vsub.f32 v18, v10;
	v2 =	vmul.f32 $1.442695020e+00, v2;
	(erf) = vpow2.f32 v14  }
0x56c: {  	v8 =	vsub.f32 $0.0e+00, v8;
	v12 =	vpop (erf);
	v5 =	vmul.f32 v5, v6;
	(erf) = vpow2.f32 v13  }
0x56d: {  	v56 =	vor.u32 $0x3F800000, v55;
	v4 =	vpop (erf);
	v6 =	vmul.f32 v10, v6;
	(erf) = vpow2.f32 v7  }
0x56e: {  	v9 =	vshrl.u32 v11, $0x17;
	v8 =	vmul.f32 $1.442695020e+00, v8;
	v5 =	vmax.f32 v5, $-3.000000000e+01  }
0x56f: {  	(erf) = vpow2.f32 v2;
	v2 =	vmax.f32 v6, $-3.000000000e+01;
	v6 =	vmul.f32 v12, v15  }
0x570: {  	v4 =	vmul.f32 v4, v16;
	v11 =	vmul.f32 v3, v3;
	v5 =	vsub.f32 $0.0e+00, v5  }
0x571: {  	v7 =	vadd.f32 $1.000000000e+00, v56;
	(erf) = vpow2.f32 v19;
	v6 =	vmax.f32 v6, $9.999999910e-38  }
0x572: {  	v2 =	vsub.f32 $0.0e+00, v2;
	(erf) = vpow2.f32 v8;
	v8 =	vand.u32 $0x7FFFFF, v6  }
0x573: {  	v10 =	vmul.f32 v4, v4;
	v5 =	vmul.f32 $1.442695020e+00, v5  }
0x574: {  	v9 =	vadd.s32 $0xFFFFFF81, v9;
	(erf) = vrcp.f32 v7;
	v2 =	vmul.f32 $1.442695020e+00, v2;
	v12 =	vpop (erf)  }
0x575: {  	v7 =	vmul.f32 $1.428571490e-01, v10;
	(erf) = vpow2.f32 v5;
	v14 =	vor.u32 $0x3F800000, v8;
	v8 =	vpop (erf)  }
0x576: {  	v5 =	vmul.f32 $1.428571490e-01, v11;
	(erf) = vpow2.f32 v2;
	v2 =	vadd.f32 $1.000000000e+00, v14;
	v13 =	vpop (erf)  }
0x577: {  	v16 =	vadd.f32 $-1.000000000e+00, v56;
	v6 =	vshrl.u32 v6, $0x17;
	v17 =	vadd.f32 $1.000000000e+00, v13  }
0x578: {  	v7 =	vadd.f32 $2.000000030e-01, v7;
	v5 =	vadd.f32 $2.000000030e-01, v5;
	(erf) = vrcp.f32 v2  }
0x579: {  	v19 =	vshrl.u32 v21, $0x17;
	v6 =	vadd.s32 $0xFFFFFF81, v6;
	v2 =	vadd.f32 $1.000000000e+00, v8;
	v18 =	vpop (erf)  }
0x57a: {  	v15 =	vadd.f32 $1.000000000e+00, v12;
	v7 =	vmul.f32 v7, v10;
	v5 =	vmul.f32 v5, v11;
	v58 =	vpop (erf)  }
0x57b: {  	v8 =	vsub.f32 v13, v8;
	v57 =	vadd.f32 $1.000000000e+00, v18;
	v2 =	vmul.f32 v17, v2;
	v17 =	vpop (erf)  }
0x57c: {  	v13 =	vadd.s32 $0xFFFFFF81, v19;
	v63 =	vadd.f32 $3.333333430e-01, v5;
	v19 =	vadd.f32 $1.000000000e+00, v17  }
0x57d: {  	v59 =	vadd.f32 $1.000000000e+00, v58;
	(erf) = vrcp.f32 v2;
	v2 =	vcvt.s32.f32 v6;
	v60 =	vpop (erf)  }
0x57e: {  	v12 =	vsub.f32 v17, v12;
	v17 =	vadd.f32 $3.333333430e-01, v7;
	v6 =	vmul.f32 v19, v15;
	v15 =	vpop (erf)  }
0x57f: {  	v7 =	vmul.f32 v60, v16;
	v19 =	vadd.f32 $-1.000000000e+00, v14;
	v14 =	vmul.f32 v59, v57;
	v62 =	vpop (erf)  }
0x580: {  	v61 =	vadd.f32 $1.000000000e+00, v15;
	v16 =	vadd.f32 $1.000000000e+00, v62;
	(erf) = vrcp.f32 v6  }
0x581: {  	v17 =	vmul.f32 v17, v10;
	v6 =	vsub.f32 v15, v62;
	v5 =	vpop (erf);
	(erf) = vrcp.f32 v14  }
0x582: {  	s21 =	simm.s32 $0xFFFFFFC0;
	v15 =	vsub.f32 v58, v18;
	v5 =	vmul.f32 v5, v19;
	v10 =	vmul.f32 v61, v16  }
0x583: {  	s23 =	simm.s32 $0x12B90;
	s22 =	simm.s32 $0x40;
	s18 =	simm.s32 $0x0;
	v14 =	vadd.f32 $1.000000000e+00, v17;
	v16 =	vmul.f32 v63, v11;
	v11 =	vmul.f32 v7, v7  }
.LBB2_14:
0x584: {  	s20 =	sadd.s32 $0x40, s20  }
0x585: {  	v17 =	vld [tilespmem:s23+$0xFFFFFFF0];
	s19 =	sadd.s32 $0x40, s19;
	v13 =	vcvt.s32.f32 v13;
	v1 =	vshrl.u32 v1, $0x17;
	v18 =	vmul.f32 v5, v5;
	s24 =	smov.u32 s22;
	s22 =	sadd.s32 $0x40, s22  }
0x586: {  	v9 =	vcvt.s32.f32 v9;
	v19 =	vld [tilespmem:s19+$0xFFFFFFE0];
	p1 =	slt.u32 s22, $0xFC0;
	v16 =	vadd.f32 $1.000000000e+00, v16;
	v20 =	vmul.f32 $1.428571490e-01, v11  }
0x587: {  	v4 =	vmul.f32 v14, v4;
	v1 =	vadd.s32 $0xFFFFFF81, v1;
	v21 =	vld [tilespmem:s19+$0x0];
	v22 =	vpop (erf);
	v14 =	vmul.f32 $1.428571490e-01, v18  }
0x588: {  	v13 =	vmul.f32 $6.931471820e-01, v13;
	v23 =	vld [tilespmem:s19+$0x10];
	v16 =	vmul.f32 v16, v3;
	v20 =	vadd.f32 $2.000000030e-01, v20  }
0x589: {  	v1 =	vcvt.s32.f32 v1;
	v8 =	vmul.f32 v22, v8;
	v3 =	vld [tilespmem:s23+$0x10]  }
0x58a: {  	v26 =	vmul.f32 $6.931471820e-01, v9;
	v22 =	vld [tilespmem:s19+$0xFFFFFFF0];
	v24 =	vmul.u32 $0x6, v17;
	v25 =	vpop (erf);
	v20 =	vmul.f32 v20, v11  }
0x58b: {  	v28 =	vmul.f32 $6.931471820e-01, v1;
	v1 =	vadd.f32 $2.000000030e-01, v14;
	v27 =	vld [tilespmem:s23+$0x0];
	v12 =	vmul.f32 v25, v12;
	v25 =	vpop (erf)  }
0x58c: {  	v9 =	vmax.f32 v8, $9.999999910e-38;
	v16 =	vadd.f32 v16, v16;
	v14 =	vld [tilespmem:s23+$0xFFFFFFE0];
	v15 =	vmul.f32 v25, v15  }
0x58d: {  	v4 =	vadd.f32 v4, v4;
	v25 =	vld [tilespmem:s20+$0x0];
	v8 =	vmax.f32 v12, $9.999999910e-38;
	v12 =	vand.u32 $0x7FFFFF, v9  }
0x58e: {  	v20 =	vadd.f32 $3.333333430e-01, v20;
	v29 =	vld [tilespmem:s20+$0xFFFFFFF0];
	v30 =	vmul.u32 $0x6, v3;
	v31 =	vand.u32 $0x7FFFFF, v8  }
0x58f: {  	v13 =	vadd.f32 v16, v13;
	v22 =	vadd.s32 v22, v24;
	v24 =	vld [tilespmem:s20+$0x10];
	v31 =	vor.u32 $0x3F800000, v31  }
0x590: {  	v33 =	vmul.f32 v1, v18;
	v16 =	vld.idx.msk [tilespmem:v17+s1+$0x0], $0xffff;
	v17 =	vadd.s32 $0xFFFFFFFF, v22;
	v32 =	vmul.u32 $0x6, v27  }
0x591: {  	s25 =	sadd.s32 s21, s30;
	s21 =	smov.u32 s18;
	s18 =	smov.u32 s24;
	v11 =	vmul.f32 v20, v11;
	v23 =	vadd.s32 v23, v30;
	v1 =	vmul.u32 $0x6, v14  }
0x592: {  	s28 =	sadd.s32 $0x6040, s25;
	s24 =	sadd.s32 $0x6050, s25;
	s31 =	sadd.s32 $0x6060, s25;
	v4 =	vadd.f32 v4, v26;
	v20 =	vadd.s32 v21, v32;
	v21 =	vadd.s32 $0xFFFFFFFF, v23  }
0x593: {  	p2 =	slt.u32 s24, $0xF4240;
	s24 =	sadd.s32 $0x6070, s25;
	v11 =	vadd.f32 $1.000000000e+00, v11;
	v19 =	vadd.s32 v19, v1;
	v26 =	vld [tilespmem:s20+$0xFFFFFFE0];
	v30 =	vadd.s32 $0xFFFFFFFF, v20  }
0x594: {  	p3 =	slt.u32 s28, $0xF4240;
	v4 =	vpsel !p2, $0x0, v4;
	v34 =	vadd.f32 $1.000000000e+00, v31;
	v32 =	vadd.s32 $0xFFFFFFFF, v19;
	v22 =	vld.idx.msk [tilespmem:v22+s2+$0x0], $0xffff  }
0x595: {  	v13 =	vpsel !p3, $0x0, v13;
	v1 =	vmax.f32 v15, $9.999999910e-38;
	v15 =	vadd.f32 $3.333333430e-01, v33;
	v17 =	vld.idx.msk [tilespmem:v17+s2+$0x0], $0xffff  }
0x596: {  	v12 =	vor.u32 $0x3F800000, v12;
	v7 =	vmul.f32 v11, v7;
	v27 =	vld.idx.msk [tilespmem:v27+s1+$0x0], $0xffff;
	(erf) = vrcp.f32 v34  }
0x597: {  	v33 =	vand.u32 $0x7FFFFF, v1;
	v15 =	vmul.f32 v15, v18;
	v11 =	vld.idx.msk [tilespmem:v20+s2+$0x0], $0xffff;
	v20 =	vadd.f32 $1.000000000e+00, v12  }
0x598: {  	v0 =	vadd.f32 v13, v0;
	v7 =	vadd.f32 v7, v7;
	v18 =	vld.idx.msk [tilespmem:v30+s2+$0x0], $0xffff;
	v30 =	vor.u32 $0x3F800000, v33  }
0x599: {  	v2 =	vmul.f32 $6.931471820e-01, v2;
	v31 =	vadd.f32 $-1.000000000e+00, v31;
	v15 =	vadd.f32 $1.000000000e+00, v15;
	v13 =	vld.idx.msk [tilespmem:v32+s2+$0x0], $0xffff  }
0x59a: {  	v0 =	vadd.f32 v4, v0;
	v22 =	vsub.f32 v29, v22;
	v19 =	vld.idx.msk [tilespmem:v19+s2+$0x0], $0xffff;
	(erf) = vrcp.f32 v10  }
0x59b: {  	v7 =	vadd.f32 v7, v28;
	v10 =	vsub.f32 v29, v17;
	v4 =	vld.idx.msk [tilespmem:v14+s1+$0x0], $0xffff;
	(erf) = vrcp.f32 v20  }
0x59c: {  	p2 =	slt.u32 s31, $0xF4240;
	v12 =	vadd.f32 $-1.000000000e+00, v12;
	v5 =	vmul.f32 v15, v5;
	v14 =	vmul.f32 v22, v16  }
0x59d: {  	v7 =	vpsel !p2, $0x0, v7;
	v10 =	vmul.f32 v10, v16;
	v11 =	vsub.f32 v25, v11  }
0x59e: {  	v5 =	vadd.f32 v5, v5;
	v14 =	vmax.f32 v14, $-3.000000000e+01;
	v15 =	vsub.f32 v25, v18  }
0x59f: {  	v0 =	vadd.f32 v7, v0;
	v13 =	vsub.f32 v26, v13;
	v11 =	vmul.f32 v11, v27;
	v16 =	vpop (erf)  }
0x5a0: {  	p2 =	slt.u32 s24, $0xF4240;
	v2 =	vadd.f32 v5, v2;
	v7 =	vmax.f32 v10, $-3.000000000e+01;
	v10 =	vmul.f32 v15, v27;
	v15 =	vld.idx.msk [tilespmem:v21+s2+$0x0], $0xffff  }
0x5a1: {  	v7 =	vsub.f32 $0.0e+00, v7;
	v5 =	vmul.f32 v13, v4;
	v11 =	vmax.f32 v11, $-3.000000000e+01;
	v13 =	vld.idx.msk [tilespmem:v23+s2+$0x0], $0xffff  }
0x5a2: {  	v2 =	vpsel !p2, $0x0, v2;
	v10 =	vmax.f32 v10, $-3.000000000e+01;
	v20 =	vsub.f32 $0.0e+00, v11  }
0x5a3: {  	v0 =	vadd.f32 v2, v0;
	v5 =	vmax.f32 v5, $-3.000000000e+01;
	v10 =	vsub.f32 $0.0e+00, v10;
	v17 =	vld.idx.msk [tilespmem:v3+s1+$0x0], $0xffff;
	v18 =	vpop (erf)  }
0x5a4: {  	v2 =	vsub.f32 $0.0e+00, v5;
	v5 =	vmul.f32 $1.442695020e+00, v20;
	v3 =	vmul.f32 v16, v31;
	v11 =	vpop (erf)  }
0x5a5: {  	v7 =	vmul.f32 $1.442695020e+00, v7;
	v16 =	vsub.f32 v26, v19;
	v10 =	vmul.f32 $1.442695020e+00, v10  }
0x5a6: {  	v14 =	vsub.f32 $0.0e+00, v14;
	v2 =	vmul.f32 $1.442695020e+00, v2;
	v15 =	vsub.f32 v24, v15  }
0x5a7: {  	v16 =	vmul.f32 v16, v4;
	v4 =	vmul.f32 v11, v12;
	v13 =	vsub.f32 v24, v13  }
0x5a8: {  	v11 =	vmul.f32 $1.442695020e+00, v14;
	(erf) = vpow2.f32 v2;
	v2 =	vshrl.u32 v9, $0x17  }
0x5a9: {  	v9 =	vmax.f32 v16, $-3.000000000e+01;
	v12 =	vmul.f32 v13, v17;
	(erf) = vpow2.f32 v7  }
0x5aa: {  	v7 =	vsub.f32 $0.0e+00, v9;
	v9 =	vadd.f32 $1.000000000e+00, v30;
	(erf) = vpow2.f32 v11  }
0x5ab: {  	v16 =	vmul.f32 v3, v3;
	v11 =	vmul.f32 v15, v17;
	v12 =	vmax.f32 v12, $-3.000000000e+01  }
0x5ac: {  	v7 =	vmul.f32 $1.442695020e+00, v7;
	v12 =	vsub.f32 $0.0e+00, v12;
	(erf) = vpow2.f32 v10  }
0x5ad: {  	v10 =	vmax.f32 v11, $-3.000000000e+01;
	(erf) = vpow2.f32 v5;
	v5 =	vmul.f32 v18, v6  }
0x5ae: {  	v6 =	vsub.f32 $0.0e+00, v10;
	v10 =	vmul.f32 v4, v4;
	(erf) = vpow2.f32 v7  }
0x5af: {  	v7 =	vmul.f32 $1.442695020e+00, v12;
	v5 =	vmax.f32 v5, $9.999999910e-38;
	(erf) = vrcp.f32 v9  }
0x5b0: {  	v6 =	vmul.f32 $1.442695020e+00, v6;
	v11 =	vmul.f32 $1.428571490e-01, v10;
	v9 =	vand.u32 $0x7FFFFF, v5  }
0x5b1: {  	v12 =	vpop (erf);
	(erf) = vpow2.f32 v7;
	v7 =	vmul.f32 $1.428571490e-01, v16;
	v14 =	vor.u32 $0x3F800000, v9  }
0x5b2: {  	v15 =	vadd.f32 $1.000000000e+00, v12;
	v13 =	vpop (erf);
	(erf) = vpow2.f32 v6;
	v6 =	vadd.f32 $1.000000000e+00, v14  }
0x5b3: {  	v9 =	vadd.s32 $0xFFFFFF81, v2;
	v2 =	vadd.f32 $2.000000030e-01, v11;
	v11 =	vadd.f32 $-1.000000000e+00, v30;
	v17 =	vpop (erf)  }
0x5b4: {  	v7 =	vadd.f32 $2.000000030e-01, v7;
	v22 =	vadd.f32 $1.000000000e+00, v17;
	(erf) = vrcp.f32 v6  }
0x5b5: {  	v20 =	vshrl.u32 v8, $0x17;
	v5 =	vshrl.u32 v5, $0x17;
	v6 =	vadd.f32 $1.000000000e+00, v13;
	v19 =	vpop (erf)  }
0x5b6: {  	v5 =	vadd.s32 $0xFFFFFF81, v5;
	v8 =	vsub.f32 v17, v13;
	v17 =	vadd.f32 $1.000000000e+00, v19;
	v21 =	vpop (erf)  }
0x5b7: {  	v13 =	vadd.s32 $0xFFFFFF81, v20;
	v20 =	vmul.f32 v7, v16;
	v25 =	vmul.f32 v22, v6;
	v18 =	vpop (erf)  }
0x5b8: {  	v23 =	vmul.f32 v2, v10;
	v26 =	vadd.f32 $1.000000000e+00, v21;
	v7 =	vadd.f32 $1.000000000e+00, v18;
	v24 =	vpop (erf)  }
0x5b9: {  	v2 =	vcvt.s32.f32 v5;
	v12 =	vsub.f32 v18, v12;
	(erf) = vrcp.f32 v25  }
0x5ba: {  	v23 =	vadd.f32 $3.333333430e-01, v23;
	v18 =	vadd.f32 $-1.000000000e+00, v14;
	v5 =	vmul.f32 v7, v15;
	v6 =	vpop (erf)  }
.Ltmp6:
0x5bb: {  	v14 =	vmul.f32 v26, v17;
	v7 =	vmul.f32 v24, v11;
	v17 =	vadd.f32 $1.000000000e+00, v6;
	v22 =	vpop (erf);
	(pc) =	sbr.rel @p1 .LBB2_14-.Ltmp6, $4  }
0x5bc: {  	v11 =	vadd.f32 $1.000000000e+00, v22;
	(erf) = vrcp.f32 v5;
	v5 =	vmul.f32 v23, v10  }
0x5bd: {  	v20 =	vadd.f32 $3.333333430e-01, v20;
	v6 =	vsub.f32 v6, v22;
	(erf) = vrcp.f32 v14;
	v15 =	vpop (erf)  }
0x5be: {  	v10 =	vmul.f32 v17, v11;
	v14 =	vadd.f32 $1.000000000e+00, v5;
	v5 =	vmul.f32 v15, v18  }
0x5bf: {  	s23 =	sadd.s32 $0x40, s23;
	v16 =	vmul.f32 v20, v16;
	v15 =	vsub.f32 v21, v19;
	v11 =	vmul.f32 v7, v7  }
0x5c0: {  	_ =	sdelay $0x3  }
0x5c1: {  	v17 =	vpop (erf)  }
0x5c2: {  	v18 =	vpop (erf)  }
0x5c3: {  	v12 =	vmul.f32 v18, v12;
	_ =	sdelay $0x1  }
0x5c4: {  	v12 =	vmax.f32 v12, $9.999999910e-38  }
0x5c5: {  	v18 =	vand.u32 $0x7FFFFF, v12  }
0x5c6: {  	v18 =	vor.u32 $0x3F800000, v18  }
0x5c7: {  	v19 =	vadd.f32 $1.000000000e+00, v18;
	_ =	sdelay $0x1  }
0x5c8: {  	(erf) = vrcp.f32 v19  }
0x5c9: {  	(erf) = vrcp.f32 v10;
	_ =	sdelay $0x6  }
0x5ca: {  	v10 =	vpop (erf)  }
0x5cb: {  	v8 =	vmul.f32 v17, v8;
	v17 =	vpop (erf)  }
0x5cc: {  	v10 =	vmul.f32 v10, v15;
	v15 =	vpop (erf)  }
0x5cd: {  	v8 =	vmax.f32 v8, $9.999999910e-38;
	v15 =	vmul.f32 v15, v6  }
0x5ce: {  	v19 =	vand.u32 $0x7FFFFF, v8;
	v6 =	vmax.f32 v10, $9.999999910e-38  }
0x5cf: {  	v10 =	vor.u32 $0x3F800000, v19;
	v19 =	vand.u32 $0x7FFFFF, v6;
	v15 =	vmax.f32 v15, $9.999999910e-38  }
0x5d0: {  	v20 =	vadd.f32 $1.000000000e+00, v10;
	v19 =	vor.u32 $0x3F800000, v19;
	v21 =	vand.u32 $0x7FFFFF, v15  }
0x5d1: {  	v22 =	vadd.f32 $1.000000000e+00, v19;
	v21 =	vor.u32 $0x3F800000, v21  }
0x5d2: {  	(erf) = vrcp.f32 v20;
	v58 =	vadd.f32 $1.000000000e+00, v21  }
0x5d3: {  	(erf) = vrcp.f32 v22  }
0x5d4: {  	(erf) = vrcp.f32 v58;
	_ =	sdelay $0x4  }
0x5d5: {  	v60 =	vmul.f32 v5, v5;
	v59 =	vmul.f32 $1.428571490e-01, v11;
	v16 =	vadd.f32 $1.000000000e+00, v16  }
0x5d6: {  	v13 =	vcvt.s32.f32 v13;
	v9 =	vcvt.s32.f32 v9;
	v1 =	vshrl.u32 v1, $0x17  }
0x5d7: {  	v4 =	vmul.f32 v14, v4;
	v3 =	vmul.f32 v16, v3;
	v20 =	vadd.f32 $2.000000030e-01, v59;
	v23 =	vpop (erf)  }
0x5d8: {  	v1 =	vadd.s32 $0xFFFFFF81, v1;
	v25 =	vmul.f32 $1.428571490e-01, v60;
	v13 =	vmul.f32 $6.931471820e-01, v13;
	v24 =	vpop (erf)  }
0x5d9: {  	v9 =	vmul.f32 $6.931471820e-01, v9;
	v3 =	vadd.f32 v3, v3;
	v14 =	vmul.f32 v20, v11;
	v16 =	vpop (erf)  }
0x5da: {  	s19 =	sadd.s32 s21, s30;
	v4 =	vadd.f32 v4, v4;
	v1 =	vcvt.s32.f32 v1;
	v61 =	vadd.f32 $2.000000030e-01, v25;
	_ =	swait.ge [sflag:s15], $0x1000  }
0x5db: {  	v2 =	vmul.f32 $6.931471820e-01, v2;
	s23 =	sadd.s32 $0x6040, s19;
	v3 =	vadd.f32 v3, v13;
	v14 =	vadd.f32 $3.333333430e-01, v14;
	[sflag:s15] =	ssyncset.done $0x0  }
0x5dc: {  	s22 =	simm.s32 $0x13B10;
	p2 =	slt.u32 s23, $0xF4240;
	v4 =	vadd.f32 v4, v9;
	v1 =	vmul.f32 $6.931471820e-01, v1;
	v20 =	vmul.f32 v61, v60;
	[sflag:s15] =	ssyncadd.s32 $0xFFFFF000  }
0x5dd: {  	s20 =	simm.s32 $0x17B10;
	v3 =	vpsel !p2, $0x0, v3;
	v12 =	vshrl.u32 v12, $0x17;
	v11 =	vmul.f32 v14, v11;
	v62 =	vld [tilespmem:s22+$0xFFFFFFF0]  }
0x5de: {  	v12 =	vadd.s32 $0xFFFFFF81, v12;
	v10 =	vadd.f32 $-1.000000000e+00, v10;
	v13 =	vadd.f32 $3.333333430e-01, v20;
	v9 =	vld [tilespmem:s20+$0xFFFFFFF0]  }
0x5df: {  	s21 =	sadd.s32 $0x6050, s19;
	v18 =	vadd.f32 $-1.000000000e+00, v18;
	v12 =	vcvt.s32.f32 v12;
	v11 =	vadd.f32 $1.000000000e+00, v11;
	v63 =	vld [tilespmem:s22+$0xFFFFFFE0]  }
0x5e0: {  	p1 =	slt.u32 s21, $0xF4240;
	v0 =	vadd.f32 v3, v0;
	v13 =	vmul.f32 v13, v60;
	v10 =	vmul.f32 v23, v10;
	v14 =	vld [tilespmem:s22+$0x0]  }
0x5e1: {  	v4 =	vpsel !p1, $0x0, v4;
	v7 =	vmul.f32 v11, v7;
	v11 =	vmul.f32 v17, v18;
	v17 =	vld [tilespmem:s20+$0xFFFFFFE0]  }
0x5e2: {  	v4 =	vadd.f32 v4, v0;
	v3 =	vadd.f32 $1.000000000e+00, v13;
	v13 =	vmul.f32 v10, v10;
	v35 =	vld [tilespmem:s20+$0x0]  }
0x5e3: {  	v8 =	vshrl.u32 v8, $0x17;
	v12 =	vmul.f32 $6.931471820e-01, v12;
	v36 =	vld [tilespmem:s20+$0x10];
	v18 =	vmul.u32 $0x6, v62  }
0x5e4: {  	s28 =	simm.s32 $0x19B10;
	v8 =	vadd.s32 $0xFFFFFF81, v8;
	v28 =	vmul.f32 $1.428571490e-01, v13;
	v27 =	vld [tilespmem:s22+$0x10];
	v31 =	vmul.u32 $0x6, v63  }
0x5e5: {  	v3 =	vmul.f32 v3, v5;
	v26 =	vmul.f32 v11, v11;
	v29 =	vld [tilespmem:s28+$0x0];
	v9 =	vadd.s32 v9, v18  }
0x5e6: {  	v7 =	vadd.f32 v7, v7;
	v28 =	vadd.f32 $2.000000030e-01, v28;
	v37 =	vld [tilespmem:s28+$0xFFFFFFF0];
	v17 =	vadd.s32 v17, v31  }
0x5e7: {  	v0 =	vmul.f32 $1.428571490e-01, v26;
	v5 =	vld [tilespmem:s28+$0xFFFFFFE0];
	v18 =	vmul.u32 $0x6, v14;
	v31 =	vadd.s32 $0xFFFFFFFF, v17  }
0x5e8: {  	v1 =	vadd.f32 v7, v1;
	v7 =	vmul.f32 v28, v13;
	v30 =	vadd.s32 $0xFFFFFFFF, v9;
	v25 =	vld.idx.msk [tilespmem:v62+s1+$0x0], $0xffff  }
0x5e9: {  	v19 =	vadd.f32 $-1.000000000e+00, v19;
	v3 =	vadd.f32 v3, v3;
	v20 =	vld.idx.msk [tilespmem:v63+s1+$0x0], $0xffff;
	v18 =	vadd.s32 v35, v18  }
0x5ea: {  	v0 =	vadd.f32 $2.000000030e-01, v0;
	v7 =	vadd.f32 $3.333333430e-01, v7;
	v38 =	vadd.s32 $0xFFFFFFFF, v18;
	v9 =	vld.idx.msk [tilespmem:v9+s2+$0x0], $0xffff  }
0x5eb: {  	v8 =	vcvt.s32.f32 v8;
	v21 =	vadd.f32 $-1.000000000e+00, v21;
	v19 =	vmul.f32 v24, v19;
	v17 =	vld.idx.msk [tilespmem:v17+s2+$0x0], $0xffff  }
0x5ec: {  	s31 =	sadd.s32 $0x6060, s19;
	v2 =	vadd.f32 v3, v2;
	v0 =	vmul.f32 v0, v26;
	v3 =	vmul.f32 v7, v13;
	v7 =	vld.idx.msk [tilespmem:v31+s2+$0x0], $0xffff  }
0x5ed: {  	s19 =	sadd.s32 $0x6070, s19;
	p6 =	slt.u32 s31, $0xF4240;
	v8 =	vmul.f32 $6.931471820e-01, v8;
	v15 =	vshrl.u32 v15, $0x17;
	v41 =	vmul.f32 v19, v19;
	v30 =	vld.idx.msk [tilespmem:v30+s2+$0x0], $0xffff  }
0x5ee: {  	p2 =	slt.u32 s19, $0xF4240;
	v1 =	vpsel !p6, $0x0, v1;
	v39 =	vadd.f32 $3.333333430e-01, v0;
	v0 =	vmul.f32 v16, v21;
	v18 =	vld.idx.msk [tilespmem:v18+s2+$0x0], $0xffff  }
0x5ef: {  	v43 =	vmul.f32 $1.428571490e-01, v41;
	v2 =	vpsel !p2, $0x0, v2;
	v32 =	vmul.u32 $0x6, v27;
	v40 =	vld.idx.msk [tilespmem:v38+s2+$0x0], $0xffff  }
0x5f0: {  	v13 =	vmul.f32 v39, v26;
	v42 =	vmul.f32 v0, v0;
	v3 =	vadd.f32 $1.000000000e+00, v3;
	v14 =	vld.idx.msk [tilespmem:v14+s1+$0x0], $0xffff  }
0x5f1: {  	v16 =	vadd.s32 v36, v32;
	v9 =	vsub.f32 v37, v9;
	v7 =	vsub.f32 v5, v7  }
0x5f2: {  	v3 =	vmul.f32 v3, v10;
	v22 =	vsub.f32 v37, v30;
	v5 =	vsub.f32 v5, v17  }
0x5f3: {  	v9 =	vmul.f32 v9, v25;
	v18 =	vsub.f32 v29, v18;
	v7 =	vmul.f32 v7, v20  }
0x5f4: {  	v22 =	vmul.f32 v22, v25;
	v21 =	vsub.f32 v29, v40;
	v5 =	vmul.f32 v5, v20  }
0x5f5: {  	v18 =	vmul.f32 v18, v14;
	v9 =	vmax.f32 v9, $-3.000000000e+01;
	v7 =	vmax.f32 v7, $-3.000000000e+01  }
0x5f6: {  	v14 =	vmul.f32 v21, v14;
	v22 =	vmax.f32 v22, $-3.000000000e+01;
	v7 =	vsub.f32 $0.0e+00, v7  }
0x5f7: {  	v17 =	vadd.s32 $0xFFFFFFFF, v16;
	v9 =	vsub.f32 $0.0e+00, v9;
	v22 =	vsub.f32 $0.0e+00, v22  }
0x5f8: {  	v5 =	vmax.f32 v5, $-3.000000000e+01;
	v14 =	vmax.f32 v14, $-3.000000000e+01;
	v7 =	vmul.f32 $1.442695020e+00, v7  }
0x5f9: {  	v16 =	vld.idx.msk [tilespmem:v16+s2+$0x0], $0xffff;
	v18 =	vmax.f32 v18, $-3.000000000e+01;
	v14 =	vsub.f32 $0.0e+00, v14;
	v44 =	vmul.f32 $1.442695020e+00, v22  }
0x5fa: {  	v18 =	vsub.f32 $0.0e+00, v18;
	v9 =	vmul.f32 $1.442695020e+00, v9;
	(erf) = vpow2.f32 v7;
	v7 =	vld [tilespmem:s28+$0x10]  }
0x5fb: {  	v5 =	vsub.f32 $0.0e+00, v5;
	v14 =	vmul.f32 $1.442695020e+00, v14;
	(erf) = vpow2.f32 v44  }
0x5fc: {  	v13 =	vadd.f32 $1.000000000e+00, v13;
	v18 =	vmul.f32 $1.442695020e+00, v18;
	(erf) = vpow2.f32 v9  }
0x5fd: {  	v17 =	vld.idx.msk [tilespmem:v17+s2+$0x0], $0xffff;
	v5 =	vmul.f32 $1.442695020e+00, v5;
	v9 =	vadd.f32 $2.000000030e-01, v43;
	(erf) = vpow2.f32 v14  }
0x5fe: {  	v1 =	vadd.f32 v1, v4;
	v10 =	vmul.f32 v13, v11;
	v14 =	vld.idx.msk [tilespmem:v27+s1+$0x0], $0xffff;
	(erf) = vpow2.f32 v18  }
0x5ff: {  	v9 =	vmul.f32 v9, v41;
	(erf) = vpow2.f32 v5;
	v11 =	vsub.f32 v7, v16  }
0x600: {  	v6 =	vshrl.u32 v6, $0x17;
	v15 =	vadd.s32 $0xFFFFFF81, v15;
	v1 =	vadd.f32 v2, v1  }
0x601: {  	v5 =	vadd.s32 $0xFFFFFF81, v6;
	v6 =	vmul.f32 $1.428571490e-01, v42;
	v9 =	vadd.f32 $3.333333430e-01, v9  }
0x602: {  	v15 =	vcvt.s32.f32 v15;
	v10 =	vadd.f32 v10, v10;
	v7 =	vsub.f32 v7, v17  }
0x603: {  	v6 =	vadd.f32 $2.000000030e-01, v6;
	v4 =	vmul.f32 v9, v41;
	v9 =	vmul.f32 v11, v14;
	v11 =	vpop (erf)  }
0x604: {  	v3 =	vadd.f32 v3, v3;
	v5 =	vcvt.s32.f32 v5;
	v7 =	vmul.f32 v7, v14;
	v13 =	vpop (erf)  }
0x605: {  	v6 =	vmul.f32 v6, v42;
	v4 =	vadd.f32 $1.000000000e+00, v4;
	v9 =	vmax.f32 v9, $-3.000000000e+01;
	v14 =	vpop (erf)  }
0x606: {  	v7 =	vmax.f32 v7, $-3.000000000e+01;
	v46 =	vadd.f32 $1.000000000e+00, v11;
	v9 =	vsub.f32 $0.0e+00, v9;
	v16 =	vpop (erf)  }
0x607: {  	v7 =	vsub.f32 $0.0e+00, v7;
	v6 =	vadd.f32 $3.333333430e-01, v6;
	v4 =	vmul.f32 v4, v19;
	v17 =	vpop (erf)  }
0x608: {  	v18 =	vadd.f32 $1.000000000e+00, v14;
	v19 =	vadd.f32 $1.000000000e+00, v13;
	v9 =	vmul.f32 $1.442695020e+00, v9;
	v45 =	vpop (erf)  }
0x609: {  	v7 =	vmul.f32 $1.442695020e+00, v7;
	v2 =	vmul.f32 v6, v42;
	v47 =	vadd.f32 $1.000000000e+00, v45  }
0x60a: {  	s20 =	sadd.s32 s18, s30;
	v3 =	vadd.f32 v3, v8;
	(erf) = vpow2.f32 v9;
	v9 =	vmul.f32 v18, v19  }
0x60b: {  	s24 =	sadd.s32 $0x6040, s20;
	v6 =	vadd.f32 v10, v12;
	(erf) = vpow2.f32 v7;
	v7 =	vmul.f32 v47, v46  }
0x60c: {  	s18 =	simm.s32 $0x17B50;
	s25 =	sadd.s32 $0x6050, s20;
	p3 =	slt.u32 s24, $0xF4240;
	v5 =	vmul.f32 $6.931471820e-01, v5;
	v4 =	vadd.f32 v4, v4;
	(erf) = vrcp.f32 v9  }
0x60d: {  	s23 =	simm.s32 $0x13B50;
	p4 =	slt.u32 s25, $0xF4240;
	v12 =	vld [tilespmem:s18+$0xFFFFFFF0];
	v2 =	vadd.f32 $1.000000000e+00, v2;
	v6 =	vpsel !p3, $0x0, v6;
	(erf) = vrcp.f32 v7  }
0x60e: {  	v3 =	vpsel !p4, $0x0, v3;
	v10 =	vadd.f32 $1.000000000e+00, v17;
	v1 =	vadd.f32 v6, v1;
	v7 =	vld [tilespmem:s23+$0xFFFFFFF0]  }
0x60f: {  	s28 =	sadd.s32 $0x6060, s20;
	v4 =	vadd.f32 v4, v5;
	v9 =	vadd.f32 $1.000000000e+00, v16;
	v0 =	vmul.f32 v2, v0;
	v2 =	vld [tilespmem:s23+$0x0]  }
0x610: {  	p5 =	slt.u32 s28, $0xF4240;
	v1 =	vadd.f32 v3, v1;
	v3 =	vld [tilespmem:s18+$0x0]  }
0x611: {  	v4 =	vpsel !p5, $0x0, v4;
	v5 =	vmul.f32 v10, v9;
	v9 =	vld [tilespmem:s23+$0xFFFFFFE0]  }
0x612: {  	v6 =	vmul.f32 $6.931471820e-01, v15;
	v0 =	vadd.f32 v0, v0  }
0x613: {  	s19 =	simm.s32 $0x19B50;
	v8 =	vld [tilespmem:s18+$0xFFFFFFE0];
	v1 =	vadd.f32 v4, v1;
	v10 =	vmul.u32 $0x6, v7;
	v15 =	vpop (erf)  }
0x614: {  	v50 =	vld [tilespmem:s19+$0xFFFFFFF0];
	s31 =	sadd.s32 $0x6070, s20;
	(erf) = vrcp.f32 v5;
	v0 =	vadd.f32 v0, v6;
	v48 =	vmul.u32 $0x6, v2;
	v4 =	vpop (erf)  }
0x615: {  	p6 =	slt.u32 s31, $0xF4240;
	v11 =	vsub.f32 v45, v11;
	v6 =	vld [tilespmem:s23+$0x10];
	v10 =	vadd.s32 v12, v10;
	v12 =	vpop (erf)  }
0x616: {  	v18 =	vld [tilespmem:s19+$0x0];
	v0 =	vpsel !p6, $0x0, v0;
	v51 =	vmul.u32 $0x6, v9;
	v3 =	vadd.s32 v3, v48;
	v49 =	vpop (erf)  }
0x617: {  	v5 =	vld [tilespmem:s18+$0x10];
	v0 =	vadd.f32 v0, v1;
	v52 =	vadd.f32 $1.000000000e+00, v15;
	v1 =	vmul.f32 v49, v11  }
0x618: {  	v2 =	vld.idx.msk [tilespmem:v2+s1+$0x0], $0xffff;
	v8 =	vadd.s32 v8, v51;
	v53 =	vadd.f32 $1.000000000e+00, v4;
	v4 =	vsub.f32 v15, v4  }
0x619: {  	v15 =	vsub.f32 v17, v16;
	v7 =	vld.idx.msk [tilespmem:v7+s1+$0x0], $0xffff;
	v21 =	vmax.f32 v1, $9.999999910e-38;
	v1 =	vadd.s32 $0xFFFFFFFF, v8  }
0x61a: {  	v17 =	vmul.u32 $0x6, v6;
	v19 =	vadd.s32 $0xFFFFFFFF, v10;
	v11 =	vsub.f32 v14, v13;
	v13 =	vld [tilespmem:s19+$0xFFFFFFE0]  }
0x61b: {  	v14 =	vadd.s32 $0xFFFFFFFF, v3;
	v3 =	vld.idx.msk [tilespmem:v3+s2+$0x0], $0xffff  }
0x61c: {  	v5 =	vadd.s32 v5, v17;
	v10 =	vld.idx.msk [tilespmem:v10+s2+$0x0], $0xffff;
	v11 =	vmul.f32 v12, v11  }
0x61d: {  	v20 =	vmul.f32 v52, v53;
	v55 =	vadd.s32 $0xFFFFFFFF, v5;
	v16 =	vpop (erf);
	v8 =	vld.idx.msk [tilespmem:v8+s2+$0x0], $0xffff;
	v12 =	vand.u32 $0x7FFFFF, v21  }
0x61e: {  	v15 =	vmul.f32 v16, v15;
	v12 =	vor.u32 $0x3F800000, v12;
	v11 =	vmax.f32 v11, $9.999999910e-38;
	v17 =	vld.idx.msk [tilespmem:v1+s2+$0x0], $0xffff  }
0x61f: {  	v19 =	vld.idx.msk [tilespmem:v19+s2+$0x0], $0xffff;
	v54 =	vadd.f32 $1.000000000e+00, v12;
	v16 =	vand.u32 $0x7FFFFF, v11;
	v12 =	vadd.f32 $-1.000000000e+00, v12  }
0x620: {  	v9 =	vld.idx.msk [tilespmem:v9+s1+$0x0], $0xffff;
	v3 =	vsub.f32 v18, v3;
	v11 =	vshrl.u32 v11, $0x17;
	v16 =	vor.u32 $0x3F800000, v16  }
0x621: {  	v14 =	vld.idx.msk [tilespmem:v14+s2+$0x0], $0xffff;
	(erf) = vrcp.f32 v54;
	v1 =	vmax.f32 v15, $9.999999910e-38;
	v15 =	vadd.f32 $1.000000000e+00, v16  }
0x622: {  	v10 =	vsub.f32 v50, v10;
	v3 =	vmul.f32 v3, v2;
	v16 =	vadd.f32 $-1.000000000e+00, v16  }
0x623: {  	v8 =	vsub.f32 v13, v8;
	(erf) = vrcp.f32 v20;
	v17 =	vsub.f32 v13, v17  }
0x624: {  	v56 =	vand.u32 $0x7FFFFF, v1;
	v19 =	vsub.f32 v50, v19;
	(erf) = vrcp.f32 v15  }
0x625: {  	v15 =	vor.u32 $0x3F800000, v56;
	v10 =	vmul.f32 v10, v7;
	v17 =	vmul.f32 v17, v9  }
0x626: {  	v5 =	vld.idx.msk [tilespmem:v5+s2+$0x0], $0xffff;
	v3 =	vmax.f32 v3, $-3.000000000e+01;
	v14 =	vsub.f32 v18, v14;
	v7 =	vmul.f32 v19, v7  }
0x627: {  	v18 =	vld [tilespmem:s19+$0x10];
	v3 =	vsub.f32 $0.0e+00, v3;
	v10 =	vmax.f32 v10, $-3.000000000e+01;
	v17 =	vmax.f32 v17, $-3.000000000e+01  }
0x628: {  	v6 =	vld.idx.msk [tilespmem:v6+s1+$0x0], $0xffff;
	v2 =	vmul.f32 v14, v2;
	v7 =	vmax.f32 v7, $-3.000000000e+01;
	v17 =	vsub.f32 $0.0e+00, v17  }
0x629: {  	v8 =	vmul.f32 v8, v9;
	v14 =	vld.idx.msk [tilespmem:v55+s2+$0x0], $0xffff;
	v10 =	vsub.f32 $0.0e+00, v10;
	v7 =	vsub.f32 $0.0e+00, v7  }
0x62a: {  	v57 =	vmul.f32 $1.442695020e+00, v3;
	v2 =	vmax.f32 v2, $-3.000000000e+01;
	v17 =	vmul.f32 $1.442695020e+00, v17  }
0x62b: {  	v10 =	vmul.f32 $1.442695020e+00, v10;
	v2 =	vsub.f32 $0.0e+00, v2;
	v7 =	vmul.f32 $1.442695020e+00, v7;
	v19 =	vpop (erf)  }
0x62c: {  	v9 =	vsub.f32 v18, v5;
	v3 =	vmul.f32 v19, v12;
	(erf) = vpow2.f32 v17  }
0x62d: {  	v8 =	vmax.f32 v8, $-3.000000000e+01;
	v12 =	vpop (erf);
	v2 =	vmul.f32 $1.442695020e+00, v2;
	(erf) = vpow2.f32 v7  }
0x62e: {  	v14 =	vsub.f32 v18, v14;
	v9 =	vmul.f32 v9, v6;
	v13 =	vpop (erf);
	(erf) = vpow2.f32 v10  }
0x62f: {  	v4 =	vmul.f32 v12, v4;
	v5 =	vmul.f32 v13, v16;
	v7 =	vsub.f32 $0.0e+00, v8  }
0x630: {  	v6 =	vmul.f32 v14, v6;
	v9 =	vmax.f32 v9, $-3.000000000e+01;
	v16 =	vmul.f32 v3, v3  }
0x631: {  	v9 =	vsub.f32 $0.0e+00, v9;
	v7 =	vmul.f32 $1.442695020e+00, v7;
	(erf) = vpow2.f32 v2  }
0x632: {  	v8 =	vadd.f32 $1.000000000e+00, v15;
	v2 =	vmax.f32 v6, $-3.000000000e+01;
	(erf) = vpow2.f32 v57  }
0x633: {  	v6 =	vmul.f32 v5, v5;
	v2 =	vsub.f32 $0.0e+00, v2;
	(erf) = vpow2.f32 v7  }
0x634: {  	v4 =	vmax.f32 v4, $9.999999910e-38;
	v7 =	vmul.f32 $1.442695020e+00, v9;
	(erf) = vrcp.f32 v8  }
0x635: {  	v9 =	vand.u32 $0x7FFFFF, v4;
	v2 =	vmul.f32 $1.442695020e+00, v2;
	v8 =	vmul.f32 $1.428571490e-01, v6;
	v12 =	vpop (erf)  }
0x636: {  	v10 =	vadd.s32 $0xFFFFFF81, v11;
	v9 =	vor.u32 $0x3F800000, v9;
	(erf) = vpow2.f32 v7;
	v13 =	vpop (erf)  }
0x637: {  	v7 =	vmul.f32 $1.428571490e-01, v16;
	v11 =	vadd.f32 $2.000000030e-01, v8;
	(erf) = vpow2.f32 v2;
	v17 =	vpop (erf)  }
0x638: {  	v58 =	vshrl.u32 v21, $0x17;
	v2 =	vadd.f32 $1.000000000e+00, v9;
	v18 =	vadd.f32 $1.000000000e+00, v17  }
0x639: {  	v4 =	vshrl.u32 v4, $0x17;
	v7 =	vadd.f32 $2.000000030e-01, v7;
	v11 =	vmul.f32 v11, v6  }
0x63a: {  	v4 =	vadd.s32 $0xFFFFFF81, v4;
	(erf) = vrcp.f32 v2;
	v2 =	vadd.f32 $1.000000000e+00, v13;
	v19 =	vpop (erf)  }
0x63b: {  	v14 =	vadd.f32 $1.000000000e+00, v12;
	v60 =	vmul.f32 v7, v16;
	v11 =	vadd.f32 $3.333333430e-01, v11;
	v59 =	vpop (erf)  }
0x63c: {  	v15 =	vadd.f32 $-1.000000000e+00, v15;
	v4 =	vcvt.s32.f32 v4;
	v2 =	vmul.f32 v18, v2;
	v18 =	vpop (erf)  }
0x63d: {  	v6 =	vmul.f32 v11, v6;
	v11 =	vadd.f32 $3.333333430e-01, v60;
	v7 =	vadd.f32 $1.000000000e+00, v18  }
0x63e: {  	v8 =	vsub.f32 v17, v13;
	v17 =	vadd.f32 $1.000000000e+00, v19;
	(erf) = vrcp.f32 v2;
	v62 =	vpop (erf)  }
0x63f: {  	v61 =	vadd.f32 $1.000000000e+00, v59;
	v16 =	vmul.f32 v11, v16;
	v2 =	vmul.f32 v7, v14;
	v14 =	vpop (erf)  }
0x640: {  	v12 =	vsub.f32 v18, v12;
	v18 =	vadd.f32 $-1.000000000e+00, v9;
	v7 =	vmul.f32 v62, v15;
	v63 =	vpop (erf)  }
0x641: {  	v9 =	vmul.f32 v61, v17;
	v17 =	vadd.f32 $1.000000000e+00, v14;
	v15 =	vadd.f32 $1.000000000e+00, v63  }
0x642: {  	v13 =	vadd.s32 $0xFFFFFF81, v58;
	(erf) = vrcp.f32 v2;
	v11 =	vmul.f32 v7, v7  }
0x643: {  	s21 =	simm.s32 $0xFFFFFFC0;
	v2 =	vsub.f32 v14, v63;
	v14 =	vpop (erf);
	(erf) = vrcp.f32 v9;
	v9 =	vmul.f32 v17, v15  }
0x644: {  	s22 =	simm.s32 $0x40;
	s20 =	simm.s32 $0x0;
	s23 =	simm.s32 $0x13B90;
	v15 =	vadd.f32 $1.000000000e+00, v6;
	v6 =	vmul.f32 v14, v18;
	v14 =	vsub.f32 v59, v19  }
.LBB2_16:
0x645: {  	s19 =	sadd.s32 $0x40, s19  }
0x646: {  	v17 =	vld [tilespmem:s23+$0xFFFFFFF0];
	s18 =	sadd.s32 $0x40, s18;
	v13 =	vcvt.s32.f32 v13;
	v1 =	vshrl.u32 v1, $0x17;
	v18 =	vmul.f32 v6, v6;
	s24 =	smov.u32 s22;
	s22 =	sadd.s32 $0x40, s22  }
0x647: {  	v10 =	vcvt.s32.f32 v10;
	v19 =	vld [tilespmem:s18+$0xFFFFFFE0];
	p1 =	slt.u32 s22, $0xFC0;
	v16 =	vadd.f32 $1.000000000e+00, v16;
	v20 =	vmul.f32 $1.428571490e-01, v11  }
0x648: {  	v5 =	vmul.f32 v15, v5;
	v1 =	vadd.s32 $0xFFFFFF81, v1;
	v21 =	vld [tilespmem:s18+$0x0];
	v22 =	vpop (erf);
	v15 =	vmul.f32 $1.428571490e-01, v18  }
0x649: {  	v13 =	vmul.f32 $6.931471820e-01, v13;
	v23 =	vld [tilespmem:s18+$0x10];
	v16 =	vmul.f32 v16, v3;
	v20 =	vadd.f32 $2.000000030e-01, v20  }
0x64a: {  	v1 =	vcvt.s32.f32 v1;
	v8 =	vmul.f32 v22, v8;
	v3 =	vld [tilespmem:s23+$0x10]  }
0x64b: {  	v26 =	vmul.f32 $6.931471820e-01, v10;
	v22 =	vld [tilespmem:s18+$0xFFFFFFF0];
	v24 =	vmul.u32 $0x6, v17;
	v25 =	vpop (erf);
	v20 =	vmul.f32 v20, v11  }
0x64c: {  	v28 =	vmul.f32 $6.931471820e-01, v1;
	v1 =	vadd.f32 $2.000000030e-01, v15;
	v27 =	vld [tilespmem:s23+$0x0];
	v12 =	vmul.f32 v25, v12;
	v25 =	vpop (erf)  }
0x64d: {  	v10 =	vmax.f32 v8, $9.999999910e-38;
	v16 =	vadd.f32 v16, v16;
	v15 =	vld [tilespmem:s23+$0xFFFFFFE0];
	v14 =	vmul.f32 v25, v14  }
0x64e: {  	v5 =	vadd.f32 v5, v5;
	v25 =	vld [tilespmem:s19+$0x0];
	v8 =	vmax.f32 v12, $9.999999910e-38;
	v12 =	vand.u32 $0x7FFFFF, v10  }
0x64f: {  	v20 =	vadd.f32 $3.333333430e-01, v20;
	v29 =	vld [tilespmem:s19+$0xFFFFFFF0];
	v30 =	vmul.u32 $0x6, v3;
	v31 =	vand.u32 $0x7FFFFF, v8  }
0x650: {  	v13 =	vadd.f32 v16, v13;
	v22 =	vadd.s32 v22, v24;
	v24 =	vld [tilespmem:s19+$0x10];
	v31 =	vor.u32 $0x3F800000, v31  }
0x651: {  	v33 =	vmul.f32 v1, v18;
	v16 =	vld.idx.msk [tilespmem:v17+s1+$0x0], $0xffff;
	v17 =	vadd.s32 $0xFFFFFFFF, v22;
	v32 =	vmul.u32 $0x6, v27  }
0x652: {  	s25 =	sadd.s32 s21, s30;
	s21 =	smov.u32 s20;
	s20 =	smov.u32 s24;
	v11 =	vmul.f32 v20, v11;
	v23 =	vadd.s32 v23, v30;
	v1 =	vmul.u32 $0x6, v15  }
0x653: {  	s28 =	sadd.s32 $0x7040, s25;
	s24 =	sadd.s32 $0x7050, s25;
	s31 =	sadd.s32 $0x7060, s25;
	v5 =	vadd.f32 v5, v26;
	v20 =	vadd.s32 v21, v32;
	v21 =	vadd.s32 $0xFFFFFFFF, v23  }
0x654: {  	p2 =	slt.u32 s24, $0xF4240;
	s24 =	sadd.s32 $0x7070, s25;
	v11 =	vadd.f32 $1.000000000e+00, v11;
	v19 =	vadd.s32 v19, v1;
	v26 =	vld [tilespmem:s19+$0xFFFFFFE0];
	v30 =	vadd.s32 $0xFFFFFFFF, v20  }
0x655: {  	p3 =	slt.u32 s28, $0xF4240;
	v5 =	vpsel !p2, $0x0, v5;
	v34 =	vadd.f32 $1.000000000e+00, v31;
	v32 =	vadd.s32 $0xFFFFFFFF, v19;
	v22 =	vld.idx.msk [tilespmem:v22+s2+$0x0], $0xffff  }
0x656: {  	v13 =	vpsel !p3, $0x0, v13;
	v1 =	vmax.f32 v14, $9.999999910e-38;
	v14 =	vadd.f32 $3.333333430e-01, v33;
	v17 =	vld.idx.msk [tilespmem:v17+s2+$0x0], $0xffff  }
0x657: {  	v12 =	vor.u32 $0x3F800000, v12;
	v7 =	vmul.f32 v11, v7;
	v27 =	vld.idx.msk [tilespmem:v27+s1+$0x0], $0xffff;
	(erf) = vrcp.f32 v34  }
0x658: {  	v33 =	vand.u32 $0x7FFFFF, v1;
	v14 =	vmul.f32 v14, v18;
	v11 =	vld.idx.msk [tilespmem:v20+s2+$0x0], $0xffff;
	v20 =	vadd.f32 $1.000000000e+00, v12  }
0x659: {  	v0 =	vadd.f32 v13, v0;
	v7 =	vadd.f32 v7, v7;
	v18 =	vld.idx.msk [tilespmem:v30+s2+$0x0], $0xffff;
	v30 =	vor.u32 $0x3F800000, v33  }
0x65a: {  	v4 =	vmul.f32 $6.931471820e-01, v4;
	v31 =	vadd.f32 $-1.000000000e+00, v31;
	v14 =	vadd.f32 $1.000000000e+00, v14;
	v13 =	vld.idx.msk [tilespmem:v32+s2+$0x0], $0xffff  }
0x65b: {  	v0 =	vadd.f32 v5, v0;
	v22 =	vsub.f32 v29, v22;
	v19 =	vld.idx.msk [tilespmem:v19+s2+$0x0], $0xffff;
	(erf) = vrcp.f32 v9  }
0x65c: {  	v7 =	vadd.f32 v7, v28;
	v9 =	vsub.f32 v29, v17;
	v5 =	vld.idx.msk [tilespmem:v15+s1+$0x0], $0xffff;
	(erf) = vrcp.f32 v20  }
0x65d: {  	p2 =	slt.u32 s31, $0xF4240;
	v12 =	vadd.f32 $-1.000000000e+00, v12;
	v6 =	vmul.f32 v14, v6;
	v15 =	vmul.f32 v22, v16  }
0x65e: {  	v7 =	vpsel !p2, $0x0, v7;
	v9 =	vmul.f32 v9, v16;
	v11 =	vsub.f32 v25, v11  }
0x65f: {  	v6 =	vadd.f32 v6, v6;
	v14 =	vmax.f32 v15, $-3.000000000e+01;
	v15 =	vsub.f32 v25, v18  }
0x660: {  	v0 =	vadd.f32 v7, v0;
	v13 =	vsub.f32 v26, v13;
	v11 =	vmul.f32 v11, v27;
	v16 =	vpop (erf)  }
0x661: {  	p2 =	slt.u32 s24, $0xF4240;
	v4 =	vadd.f32 v6, v4;
	v7 =	vmax.f32 v9, $-3.000000000e+01;
	v9 =	vmul.f32 v15, v27;
	v15 =	vld.idx.msk [tilespmem:v21+s2+$0x0], $0xffff  }
0x662: {  	v7 =	vsub.f32 $0.0e+00, v7;
	v6 =	vmul.f32 v13, v5;
	v11 =	vmax.f32 v11, $-3.000000000e+01;
	v13 =	vld.idx.msk [tilespmem:v23+s2+$0x0], $0xffff  }
0x663: {  	v4 =	vpsel !p2, $0x0, v4;
	v9 =	vmax.f32 v9, $-3.000000000e+01;
	v20 =	vsub.f32 $0.0e+00, v11  }
0x664: {  	v0 =	vadd.f32 v4, v0;
	v6 =	vmax.f32 v6, $-3.000000000e+01;
	v9 =	vsub.f32 $0.0e+00, v9;
	v17 =	vld.idx.msk [tilespmem:v3+s1+$0x0], $0xffff;
	v18 =	vpop (erf)  }
0x665: {  	v4 =	vsub.f32 $0.0e+00, v6;
	v6 =	vmul.f32 $1.442695020e+00, v20;
	v3 =	vmul.f32 v16, v31;
	v11 =	vpop (erf)  }
0x666: {  	v7 =	vmul.f32 $1.442695020e+00, v7;
	v16 =	vsub.f32 v26, v19;
	v9 =	vmul.f32 $1.442695020e+00, v9  }
0x667: {  	v14 =	vsub.f32 $0.0e+00, v14;
	v4 =	vmul.f32 $1.442695020e+00, v4;
	v15 =	vsub.f32 v24, v15  }
0x668: {  	v16 =	vmul.f32 v16, v5;
	v5 =	vmul.f32 v11, v12;
	v13 =	vsub.f32 v24, v13  }
0x669: {  	v11 =	vmul.f32 $1.442695020e+00, v14;
	(erf) = vpow2.f32 v4;
	v4 =	vshrl.u32 v10, $0x17  }
0x66a: {  	v10 =	vmax.f32 v16, $-3.000000000e+01;
	v12 =	vmul.f32 v13, v17;
	(erf) = vpow2.f32 v7  }
0x66b: {  	v7 =	vsub.f32 $0.0e+00, v10;
	v10 =	vadd.f32 $1.000000000e+00, v30;
	(erf) = vpow2.f32 v11  }
0x66c: {  	v16 =	vmul.f32 v3, v3;
	v11 =	vmul.f32 v15, v17;
	v12 =	vmax.f32 v12, $-3.000000000e+01  }
0x66d: {  	v7 =	vmul.f32 $1.442695020e+00, v7;
	v12 =	vsub.f32 $0.0e+00, v12;
	(erf) = vpow2.f32 v9  }
0x66e: {  	v2 =	vmul.f32 v18, v2;
	v9 =	vmax.f32 v11, $-3.000000000e+01;
	(erf) = vpow2.f32 v6  }
0x66f: {  	v6 =	vsub.f32 $0.0e+00, v9;
	v9 =	vmul.f32 v5, v5;
	(erf) = vpow2.f32 v7  }
0x670: {  	v2 =	vmax.f32 v2, $9.999999910e-38;
	v7 =	vmul.f32 $1.442695020e+00, v12;
	(erf) = vrcp.f32 v10  }
0x671: {  	v6 =	vmul.f32 $1.442695020e+00, v6;
	v11 =	vmul.f32 $1.428571490e-01, v9;
	v10 =	vand.u32 $0x7FFFFF, v2  }
0x672: {  	v14 =	vor.u32 $0x3F800000, v10;
	v12 =	vpop (erf);
	(erf) = vpow2.f32 v7;
	v7 =	vmul.f32 $1.428571490e-01, v16  }
0x673: {  	v15 =	vadd.f32 $1.000000000e+00, v12;
	v13 =	vpop (erf);
	(erf) = vpow2.f32 v6;
	v6 =	vadd.f32 $1.000000000e+00, v14  }
0x674: {  	v10 =	vadd.s32 $0xFFFFFF81, v4;
	v4 =	vadd.f32 $2.000000030e-01, v11;
	v11 =	vadd.f32 $-1.000000000e+00, v30;
	v17 =	vpop (erf)  }
0x675: {  	v7 =	vadd.f32 $2.000000030e-01, v7;
	v22 =	vadd.f32 $1.000000000e+00, v17;
	(erf) = vrcp.f32 v6  }
0x676: {  	v20 =	vshrl.u32 v8, $0x17;
	v2 =	vshrl.u32 v2, $0x17;
	v6 =	vadd.f32 $1.000000000e+00, v13;
	v19 =	vpop (erf)  }
0x677: {  	v2 =	vadd.s32 $0xFFFFFF81, v2;
	v8 =	vsub.f32 v17, v13;
	v17 =	vadd.f32 $1.000000000e+00, v19;
	v21 =	vpop (erf)  }
0x678: {  	v13 =	vadd.s32 $0xFFFFFF81, v20;
	v20 =	vmul.f32 v7, v16;
	v25 =	vmul.f32 v22, v6;
	v18 =	vpop (erf)  }
0x679: {  	v23 =	vmul.f32 v4, v9;
	v26 =	vadd.f32 $1.000000000e+00, v21;
	v7 =	vadd.f32 $1.000000000e+00, v18;
	v24 =	vpop (erf)  }
0x67a: {  	v4 =	vcvt.s32.f32 v2;
	v12 =	vsub.f32 v18, v12;
	(erf) = vrcp.f32 v25  }
0x67b: {  	v14 =	vadd.f32 $-1.000000000e+00, v14;
	v2 =	vmul.f32 v7, v15;
	v6 =	vpop (erf);
	v15 =	vadd.f32 $3.333333430e-01, v23  }
.Ltmp7:
0x67c: {  	v17 =	vmul.f32 v26, v17;
	v7 =	vmul.f32 v24, v11;
	v18 =	vadd.f32 $1.000000000e+00, v6;
	v22 =	vpop (erf);
	(pc) =	sbr.rel @p1 .LBB2_16-.Ltmp7, $4  }
0x67d: {  	v11 =	vadd.f32 $1.000000000e+00, v22;
	(erf) = vrcp.f32 v2;
	v15 =	vmul.f32 v15, v9  }
0x67e: {  	v2 =	vsub.f32 v6, v22;
	(erf) = vrcp.f32 v17;
	v17 =	vadd.f32 $3.333333430e-01, v20;
	v6 =	vpop (erf)  }
0x67f: {  	v9 =	vmul.f32 v18, v11;
	v15 =	vadd.f32 $1.000000000e+00, v15;
	v6 =	vmul.f32 v6, v14  }
0x680: {  	s23 =	sadd.s32 $0x40, s23;
	v14 =	vsub.f32 v21, v19;
	v11 =	vmul.f32 v7, v7;
	v16 =	vmul.f32 v17, v16  }
0x681: {  	_ =	sdelay $0x3  }
0x682: {  	v17 =	vpop (erf)  }
0x683: {  	v18 =	vpop (erf)  }
0x684: {  	v12 =	vmul.f32 v18, v12;
	_ =	sdelay $0x1  }
0x685: {  	v12 =	vmax.f32 v12, $9.999999910e-38  }
0x686: {  	v61 =	vand.u32 $0x7FFFFF, v12  }
0x687: {  	v18 =	vor.u32 $0x3F800000, v61  }
0x688: {  	v19 =	vadd.f32 $1.000000000e+00, v18;
	_ =	sdelay $0x1  }
0x689: {  	(erf) = vrcp.f32 v19  }
0x68a: {  	(erf) = vrcp.f32 v9;
	_ =	sdelay $0x1  }
0x68b: {  	v62 =	vcvt.s32.f32 v13  }
0x68c: {  	v63 =	vmul.f32 v6, v6;
	v10 =	vcvt.s32.f32 v10  }
0x68d: {  	v5 =	vmul.f32 v15, v5;
	v4 =	vmul.f32 $6.931471820e-01, v4  }
0x68e: {  	v1 =	vshrl.u32 v1, $0x17;
	v23 =	vmul.f32 $1.428571490e-01, v11;
	v8 =	vmul.f32 v17, v8  }
0x68f: {  	v16 =	vadd.f32 $1.000000000e+00, v16;
	v1 =	vadd.s32 $0xFFFFFF81, v1;
	v25 =	vmul.f32 $1.428571490e-01, v63  }
0x690: {  	v10 =	vmul.f32 $6.931471820e-01, v10;
	v17 =	vadd.f32 $2.000000030e-01, v23;
	v8 =	vmax.f32 v8, $9.999999910e-38;
	v20 =	vpop (erf)  }
0x691: {  	v5 =	vadd.f32 v5, v5;
	v24 =	vand.u32 $0x7FFFFF, v8;
	v14 =	vmul.f32 v20, v14;
	v27 =	vpop (erf)  }
0x692: {  	v1 =	vcvt.s32.f32 v1;
	v17 =	vmul.f32 v17, v11;
	v15 =	vor.u32 $0x3F800000, v24;
	v21 =	vpop (erf)  }
0x693: {  	v26 =	vadd.f32 $1.000000000e+00, v15;
	v14 =	vmax.f32 v14, $9.999999910e-38;
	v2 =	vmul.f32 v21, v2  }
0x694: {  	v3 =	vmul.f32 v16, v3;
	v28 =	vadd.f32 $3.333333430e-01, v17;
	v29 =	vand.u32 $0x7FFFFF, v14  }
0x695: {  	v17 =	vor.u32 $0x3F800000, v29;
	(erf) = vrcp.f32 v26;
	v2 =	vmax.f32 v2, $9.999999910e-38  }
0x696: {  	s18 =	sadd.s32 s21, s30;
	v5 =	vadd.f32 v5, v10;
	v31 =	vadd.f32 $1.000000000e+00, v17;
	v32 =	vand.u32 $0x7FFFFF, v2  }
0x697: {  	s31 =	sadd.s32 $0x7050, s18;
	v1 =	vmul.f32 $6.931471820e-01, v1;
	v3 =	vadd.f32 v3, v3;
	v21 =	vor.u32 $0x3F800000, v32  }
0x698: {  	p6 =	slt.u32 s31, $0xF4240;
	v8 =	vshrl.u32 v8, $0x17;
	(erf) = vrcp.f32 v31;
	v33 =	vadd.f32 $1.000000000e+00, v21  }
0x699: {  	v5 =	vpsel !p6, $0x0, v5;
	v53 =	vadd.s32 $0xFFFFFF81, v8;
	v30 =	vmul.f32 v28, v11  }
0x69a: {  	v37 =	vadd.f32 $-1.000000000e+00, v15;
	v12 =	vshrl.u32 v12, $0x17;
	(erf) = vrcp.f32 v33  }
0x69b: {  	v12 =	vadd.s32 $0xFFFFFF81, v12;
	v34 =	vadd.f32 $1.000000000e+00, v30;
	v36 =	vadd.f32 $-1.000000000e+00, v18  }
0x69c: {  	v58 =	vshrl.u32 v14, $0x17;
	v12 =	vcvt.s32.f32 v12;
	v19 =	vadd.f32 $2.000000030e-01, v25  }
0x69d: {  	v61 =	vadd.s32 $0xFFFFFF81, v58;
	v7 =	vmul.f32 v34, v7;
	v40 =	vmul.f32 v27, v36  }
0x69e: {  	v44 =	vadd.f32 $-1.000000000e+00, v17;
	v9 =	vmul.f32 $6.931471820e-01, v62;
	v19 =	vmul.f32 v19, v63;
	v39 =	vpop (erf)  }
0x69f: {  	v7 =	vadd.f32 v7, v7;
	v10 =	vmul.f32 v39, v37;
	v42 =	vmul.f32 v40, v40  }
0x6a0: {  	s19 =	sadd.s32 $0x7040, s18;
	v62 =	vmul.f32 $6.931471820e-01, v12;
	v3 =	vadd.f32 v3, v9;
	v19 =	vadd.f32 $3.333333430e-01, v19  }
0x6a1: {  	p1 =	slt.u32 s19, $0xF4240;
	v1 =	vadd.f32 v7, v1;
	v43 =	vmul.f32 v10, v10;
	v46 =	vmul.f32 $1.428571490e-01, v42;
	v47 =	vpop (erf)  }
0x6a2: {  	v3 =	vpsel !p1, $0x0, v3;
	v48 =	vadd.f32 $-1.000000000e+00, v21;
	v11 =	vmul.f32 v47, v44  }
0x6a3: {  	v35 =	vmul.f32 v19, v63;
	v45 =	vmul.f32 $1.428571490e-01, v43;
	v13 =	vadd.f32 $2.000000030e-01, v46;
	v49 =	vpop (erf)  }
0x6a4: {  	s21 =	sadd.s32 $0x7060, s18;
	v0 =	vadd.f32 v3, v0;
	v51 =	vmul.f32 v11, v11;
	v50 =	vmul.f32 v49, v48  }
0x6a5: {  	p2 =	slt.u32 s21, $0xF4240;
	v38 =	vadd.f32 $1.000000000e+00, v35;
	v7 =	vadd.f32 $2.000000030e-01, v45;
	v13 =	vmul.f32 v13, v42  }
0x6a6: {  	v1 =	vpsel !p2, $0x0, v1;
	v52 =	vmul.f32 $1.428571490e-01, v51;
	v15 =	vmul.f32 v50, v50  }
0x6a7: {  	v41 =	vmul.f32 v38, v6;
	v7 =	vmul.f32 v7, v43;
	v54 =	vadd.f32 $3.333333430e-01, v13  }
0x6a8: {  	v0 =	vadd.f32 v5, v0;
	v16 =	vadd.f32 $2.000000030e-01, v52;
	v55 =	vmul.f32 $1.428571490e-01, v15  }
0x6a9: {  	v6 =	vadd.f32 v41, v41;
	v7 =	vadd.f32 $3.333333430e-01, v7;
	v5 =	vmul.f32 v54, v42  }
0x6aa: {  	v0 =	vadd.f32 v1, v0;
	v56 =	vmul.f32 v16, v51;
	v57 =	vadd.f32 $2.000000030e-01, v55  }
0x6ab: {  	s18 =	sadd.s32 $0x7070, s18;
	v4 =	vadd.f32 v6, v4;
	v7 =	vmul.f32 v7, v43;
	v5 =	vadd.f32 $1.000000000e+00, v5  }
0x6ac: {  	p3 =	slt.u32 s18, $0xF4240;
	v2 =	vshrl.u32 v2, $0x17;
	v8 =	vadd.f32 $3.333333430e-01, v56;
	v9 =	vmul.f32 v57, v15  }
0x6ad: {  	v4 =	vpsel !p3, $0x0, v4;
	v7 =	vadd.f32 $1.000000000e+00, v7;
	v3 =	vmul.f32 v5, v40  }
0x6ae: {  	v0 =	vadd.f32 v4, v0;
	v59 =	vmul.f32 v8, v51;
	v60 =	vadd.f32 $3.333333430e-01, v9  }
0x6af: {  	v4 =	vcvt.s32.f32 v53;
	v7 =	vmul.f32 v7, v10;
	v3 =	vadd.f32 v3, v3  }
0x6b0: {  	s22 =	sadd.s32 s20, s30;
	v2 =	vadd.s32 $0xFFFFFF81, v2;
	v5 =	vadd.f32 $1.000000000e+00, v59;
	v6 =	vmul.f32 v60, v15  }
0x6b1: {  	s23 =	sadd.s32 $0x7040, s22;
	v4 =	vmul.f32 $6.931471820e-01, v4;
	v7 =	vadd.f32 v7, v7;
	v3 =	vadd.f32 v3, v62  }
0x6b2: {  	p4 =	slt.u32 s23, $0xF4240;
	v8 =	vcvt.s32.f32 v61;
	v5 =	vmul.f32 v5, v11;
	v6 =	vadd.f32 $1.000000000e+00, v6  }
0x6b3: {  	v2 =	vcvt.s32.f32 v2;
	v4 =	vadd.f32 v7, v4;
	v3 =	vpsel !p4, $0x0, v3  }
0x6b4: {  	s20 =	sadd.s32 $0x7050, s22;
	v8 =	vmul.f32 $6.931471820e-01, v8;
	v5 =	vadd.f32 v5, v5;
	v1 =	vmul.f32 v6, v50  }
0x6b5: {  	p2 =	slt.u32 s20, $0xF4240;
	v2 =	vmul.f32 $6.931471820e-01, v2;
	v0 =	vadd.f32 v3, v0  }
0x6b6: {  	s24 =	sadd.s32 $0x7060, s22;
	v4 =	vpsel !p2, $0x0, v4;
	v63 =	vadd.f32 v5, v8;
	v1 =	vadd.f32 v1, v1  }
0x6b7: {  	p5 =	slt.u32 s24, $0xF4240;
	v0 =	vadd.f32 v4, v0  }
0x6b8: {  	s18 =	sadd.s32 $0x7070, s22;
	v3 =	vpsel !p5, $0x0, v63;
	v1 =	vadd.f32 v1, v2  }
0x6b9: {  	p6 =	slt.u32 s18, $0xF4240;
	v0 =	vadd.f32 v3, v0  }
0x6ba: {  	v1 =	vpsel !p6, $0x0, v1  }
0x6bb: {  	v0 =	vadd.f32 v1, v0;
	_ =	sdelay $0x1  }
0x6bc: {  	s25 =	rddreg [dreg:$0x1c];
	s28 =	simm.s32 $0x12A70;
	[tilespmem:$0x12A70] =	vst v0  }
0x6bd: {  	[hbm4b:s25+s1] =	stream.linear.scatter [tilespmem:s28], [sflag:$0x5], $0x80, $0x38;
	[tilespmem:$0x1AAF0] =	vst v63  }
0x6be: {  	_ =	swait.ge [sflag:s16], $0x80  }
0x6bf: {  	s17 =	sadd.s32 $0x1, s17;
	s31 =	rddreg [dreg:$0x1d]  }
0x6c0: {  	p1 =	sne.s32 s17, s31  }
.Ltmp8:
0x6c1: {  	_ = 	snop;
	(pc) =	sbr.rel @p1 .LBB2_1-.Ltmp8, $3  }
0x6c2: {  	_ =	sdelay $0x1  }
0x6c3: {  	[sflag:s16] =	ssyncset.done $0x0  }
0x6c4: {  	[sflag:s16] =	ssyncadd.s32 $0xFFFFFF80  }
0x6c5: {  	_ =	sfence.sel $0x180000  }
0x6c6: {  	[bflag:$0x0] =	sbarrier.arrive $0xFFFF  }
0x6c7: {  	_ =	strace $0x90000047  }
0x6c8: {  	[bflag:$0x2] =	sbarrier.arrive $0xFFFF  }
0x6c9: {  	s0 =	rddreg [dreg:$0x3]  }
0x6ca: {  	s0 =	sadd.s32 @!p0 $0x100000, s0  }
0x6cb: {  	[sflag:s0] =	ssyncadd.tile.s32 @!p0 $0x1;
	_ =	shalt  }
.Lfunc_end2:
_tile_overlayer_lowered:
.L_overlay_start_2:
0x6cc: {  	(tag) =	ssettag $0x2  }
0x6cd: {  	s0 =	rddreg [dreg:$0x0];
	s2 =	stileid.u32  }
0x6ce: {  	s1 =	rddreg [dreg:$0x1];
	p0 =	sne.s32 s2, $0x0  }
0x6cf: {  	s3 =	rddreg [dreg:$0x2];
	[bflag:$0x3] =	sbarrier.arrive $0xFFFF;
	s2 =	simm.s32 @!p0 $0x1C06  }
0x6d0: {  	[timem:s3], [sflag:s2] =	dma.local @!p0 [hbm:s0], s1  }
0x6d1: {  	s0 =	simm.s32 @!p0 $0x6  }
0x6d2: {  	_ =	swait.ge @!p0 [sflag:s0], s1  }
0x6d3: {  	s1 =	ssub.s32 @!p0 $0x0, s1;
	[sflag:s0] =	ssyncset.done @!p0 $0x0  }
0x6d4: {  	[sflag:s0] =	ssyncadd.s32 @!p0 s1  }
0x6d5: {  	[bflag:$0x3] =	sbarrier.arrive $0xFFFF  }
0x6d6: {  	_ =	shalt  }

</sc_bundles>
